<compile_context>
chip_gen: v7x
topology: tpu7x:2x2x1
jax: 0.10.2.dev20260603
libtpu: 0.0.44.dev20260713+nightly
codegen_flags: <defaults>
</compile_context>

<pallas_src>
import functools

import jax
import jax.numpy as jnp
from jax import lax
from jax.experimental import pallas as pl
from jax.experimental.pallas import tpu as pltpu
from jax.experimental.pallas import tpu_sc as plsc

N = 10000
NPAD = 10240
E = 320000
EB = 80
ERT = 128
ECH = 64
EROWS = 4096
K = 10
ALPHA = 0.1
HID = 128
NC = 2
NS = 16
ROWS_PER_TILE = NPAD // NS


@functools.lru_cache(maxsize=None)
def _mesh():
  return plsc.VectorSubcoreMesh(
      core_axis_name="c", subcore_axis_name="s", num_cores=NC,
      num_subcores=NS)


def _deg_body(dst_hbm, degp_out, deg_sh, degl, ones80, dstb, dsem):
  c = lax.axis_index("c")
  s = lax.axis_index("s")
  g = s * NC + c

  @pl.loop(0, ROWS_PER_TILE // 16)
  def _(i):
    degl[pl.ds(i * 16, 16)] = jnp.zeros((16,), jnp.float32)

  @pl.loop(0, EB // 16)
  def _(i):
    ones80[pl.ds(i * 16, 16)] = jnp.ones((16,), jnp.float32)

  pltpu.sync_copy(degl, deg_sh.at[pl.ds(s * ROWS_PER_TILE, ROWS_PER_TILE)])
  pltpu.sync_copy(dst_hbm.at[pl.ds(g * ERT, ERT)], dstb)
  plsc.subcore_barrier()

  @pl.loop(0, ERT // 8)
  def _(i):
    for j in range(8):
      pltpu.async_copy(ones80, deg_sh.at[dstb.at[i * 8 + j]], dsem, add=True)
    for j in range(8):
      pltpu.make_async_copy(ones80, deg_sh.at[dstb.at[i * 8 + j]],
                            dsem).wait()

  plsc.subcore_barrier()
  pltpu.sync_copy(deg_sh.at[pl.ds(s * ROWS_PER_TILE, ROWS_PER_TILE)],
                  degp_out.at[c].at[pl.ds(s * ROWS_PER_TILE, ROWS_PER_TILE)])


@functools.lru_cache(maxsize=None)
def _deg_call():
  return pl.kernel(
      _deg_body,
      out_type=jax.ShapeDtypeStruct((NC, NPAD), jnp.float32),
      mesh=_mesh(),
      compiler_params=pltpu.CompilerParams(needs_layout_passes=False),
      scratch_types=[
          pltpu.VMEM_SHARED((NPAD,), jnp.float32),
          pltpu.VMEM((ROWS_PER_TILE,), jnp.float32),
          pltpu.VMEM((EB,), jnp.float32),
          pltpu.VMEM((ERT, EB), jnp.int32),
          pltpu.SemaphoreType.DMA,
      ],
  )


def _step_body(y_hbm, src_hbm, dst_hbm, zeros_hbm, part_out,
               srcb, dstb, m0, m1, acc, gs0, gs1, ss0, ss1):
  c = lax.axis_index("c")
  s = lax.axis_index("s")
  g = s * NC + c

  pltpu.sync_copy(zeros_hbm.at[pl.ds(s * ROWS_PER_TILE, ROWS_PER_TILE)],
                  acc.at[pl.ds(s * ROWS_PER_TILE, ROWS_PER_TILE)])
  row0 = g * ERT
  plsc.subcore_barrier()

  bufs = ((m0, gs0, ss0), (m1, gs1, ss1))

  @pl.loop(0, ERT // ECH)
  def _(ch):
    pltpu.sync_copy(src_hbm.at[pl.ds(row0 + ch * ECH, ECH)], srcb)
    pltpu.sync_copy(dst_hbm.at[pl.ds(row0 + ch * ECH, ECH)], dstb)
    pltpu.async_copy(y_hbm.at[srcb.at[0]], m0, gs0)
    for b in range(ECH):
      mb, gs, ss = bufs[b % 2]
      nb, gn, sn = bufs[(b + 1) % 2]
      if b + 1 < ECH:
        if b >= 1:
          pltpu.make_async_copy(nb, acc.at[dstb.at[b - 1]], sn).wait()
        pltpu.async_copy(y_hbm.at[srcb.at[b + 1]], nb, gn)
      pltpu.make_async_copy(y_hbm.at[srcb.at[b]], mb, gs).wait()
      pltpu.async_copy(mb, acc.at[dstb.at[b]], ss, add=True)
    pltpu.make_async_copy(m0, acc.at[dstb.at[ECH - 2]], ss0).wait()
    pltpu.make_async_copy(m1, acc.at[dstb.at[ECH - 1]], ss1).wait()

  plsc.subcore_barrier()
  pltpu.sync_copy(acc.at[pl.ds(s * ROWS_PER_TILE, ROWS_PER_TILE)],
                  part_out.at[c].at[pl.ds(s * ROWS_PER_TILE, ROWS_PER_TILE)])


@functools.lru_cache(maxsize=None)
def _step_call():
  return pl.kernel(
      _step_body,
      out_type=jax.ShapeDtypeStruct((NC, NPAD, HID), jnp.float32),
      mesh=_mesh(),
      compiler_params=pltpu.CompilerParams(needs_layout_passes=False),
      scratch_types=[
          pltpu.VMEM((ECH, EB), jnp.int32),
          pltpu.VMEM((ECH, EB), jnp.int32),
          pltpu.VMEM((EB, HID), jnp.float32),
          pltpu.VMEM((EB, HID), jnp.float32),
          pltpu.VMEM_SHARED((NPAD, HID), jnp.float32),
          pltpu.SemaphoreType.DMA,
          pltpu.SemaphoreType.DMA,
          pltpu.SemaphoreType.DMA,
          pltpu.SemaphoreType.DMA,
      ],
  )



_BLK = 1024


def _lin1_body(x_ref, w_ref, b_ref, pd0_ref, pd1_ref,
               z0_ref, y0_ref, dinv_ref):
  i = pl.program_id(0)
  rows = lax.broadcasted_iota(jnp.int32, (_BLK, 1), 0) + i * _BLK
  real = rows < N
  deg = pd0_ref[...] + pd1_ref[...] + 1.0
  dinv = jnp.where(real, lax.rsqrt(deg), 0.0)
  h = jnp.dot(x_ref[...], w_ref[...],
              preferred_element_type=jnp.float32) + b_ref[...]
  h = jnp.where(real, h, 0.0)
  z0_ref[...] = h
  y0_ref[...] = dinv * h
  dinv_ref[...] = dinv


def _lin1(x_pad, W1, b1, pd0, pd1):
  return pl.pallas_call(
      _lin1_body,
      grid=(NPAD // _BLK,),
      in_specs=[pl.BlockSpec((_BLK, HID), lambda i: (i, 0)),
                pl.BlockSpec((HID, HID), lambda i: (0, 0)),
                pl.BlockSpec((1, HID), lambda i: (0, 0)),
                pl.BlockSpec((_BLK, 1), lambda i: (i, 0)),
                pl.BlockSpec((_BLK, 1), lambda i: (i, 0))],
      out_specs=[pl.BlockSpec((_BLK, HID), lambda i: (i, 0)),
                 pl.BlockSpec((_BLK, HID), lambda i: (i, 0)),
                 pl.BlockSpec((_BLK, 1), lambda i: (i, 0))],
      out_shape=[jax.ShapeDtypeStruct((NPAD, HID), jnp.float32),
                 jax.ShapeDtypeStruct((NPAD, HID), jnp.float32),
                 jax.ShapeDtypeStruct((NPAD, 1), jnp.float32)],
  )(x_pad, W1, b1, pd0, pd1)


def _comb_body(p0_ref, p1_ref, dv_ref, z_ref, h_ref, z1_ref, y1_ref):
  dv = dv_ref[...]
  z1 = ((1.0 - ALPHA) * (dv * (p0_ref[...] + p1_ref[...])
                         + dv * dv * z_ref[...])
        + ALPHA * h_ref[...])
  z1_ref[...] = z1
  y1_ref[...] = dv * z1


def _combine(p0, p1, dinvc, z, h):
  return pl.pallas_call(
      _comb_body,
      grid=(NPAD // _BLK,),
      in_specs=[pl.BlockSpec((_BLK, HID), lambda i: (i, 0)),
                pl.BlockSpec((_BLK, HID), lambda i: (i, 0)),
                pl.BlockSpec((_BLK, 1), lambda i: (i, 0)),
                pl.BlockSpec((_BLK, HID), lambda i: (i, 0)),
                pl.BlockSpec((_BLK, HID), lambda i: (i, 0))],
      out_specs=[pl.BlockSpec((_BLK, HID), lambda i: (i, 0)),
                 pl.BlockSpec((_BLK, HID), lambda i: (i, 0))],
      out_shape=[jax.ShapeDtypeStruct((NPAD, HID), jnp.float32),
                 jax.ShapeDtypeStruct((NPAD, HID), jnp.float32)],
  )(p0, p1, dinvc, z, h)


def _stats_body(z_ref, ms_ref):
  z = z_ref[...]
  mu = jnp.sum(z, axis=0, keepdims=True) / N
  var = jnp.sum(z * z, axis=0, keepdims=True) / N - mu * mu
  rstd = lax.rsqrt(var + 1e-5)
  ms_ref[...] = jnp.concatenate([mu, rstd], axis=0)


def _stats(z):
  return pl.pallas_call(
      _stats_body,
      out_shape=jax.ShapeDtypeStruct((2, HID), jnp.float32),
  )(z)


def _final_body(z_ref, ms_ref, g_ref, be_ref, w2_ref, b2_ref,
                logp_ref, logits_ref):
  zn = ((z_ref[...] - ms_ref[0:1, :]) * ms_ref[1:2, :] * g_ref[...]
        + be_ref[...])
  lg = jnp.dot(zn, w2_ref[...],
               preferred_element_type=jnp.float32) + b2_ref[...]
  m = jnp.max(lg, axis=1, keepdims=True)
  lse = jnp.log(jnp.sum(jnp.exp(lg - m), axis=1, keepdims=True)) + m
  logits_ref[...] = lg
  logp_ref[...] = lg - lse


def _final(z, ms, gamma, beta, W2, b2):
  odim = W2.shape[1]
  return pl.pallas_call(
      _final_body,
      grid=(NPAD // _BLK,),
      in_specs=[pl.BlockSpec((_BLK, HID), lambda i: (i, 0)),
                pl.BlockSpec((2, HID), lambda i: (0, 0)),
                pl.BlockSpec((1, HID), lambda i: (0, 0)),
                pl.BlockSpec((1, HID), lambda i: (0, 0)),
                pl.BlockSpec((HID, odim), lambda i: (0, 0)),
                pl.BlockSpec((1, odim), lambda i: (0, 0))],
      out_specs=[pl.BlockSpec((_BLK, odim), lambda i: (i, 0)),
                 pl.BlockSpec((_BLK, odim), lambda i: (i, 0))],
      out_shape=[jax.ShapeDtypeStruct((NPAD, odim), jnp.float32),
                 jax.ShapeDtypeStruct((NPAD, odim), jnp.float32)],
  )(z, ms, gamma, beta, W2, b2)


def kernel(x, edge_index, W1, b1, gamma, beta, W2, b2):
  x_pad = jnp.pad(x, ((0, NPAD - N), (0, 0)))
  ntiles = NC * NS
  real_rows = E // EB // ntiles
  pad_rows = ERT - real_rows

  def pad_edges(v):
    v3 = v.reshape(ntiles, real_rows, EB)
    fill = jnp.full((ntiles, pad_rows, EB), N, jnp.int32)
    return jnp.concatenate([v3, fill], axis=1).reshape(EROWS, EB)

  src2 = pad_edges(edge_index[0])
  dst2 = pad_edges(edge_index[1])
  zeros = jnp.zeros((NPAD, HID), jnp.float32)

  degp = _deg_call()(dst2)
  z0, y0, dinvc = _lin1(x_pad, W1, b1.reshape(1, HID),
                        degp[0].reshape(NPAD, 1), degp[1].reshape(NPAD, 1))

  def one_step(_, carry):
    z, y = carry
    parts = _step_call()(y, src2, dst2, zeros)
    return _combine(parts[0], parts[1], dinvc, z, z0)

  z, _ = lax.fori_loop(0, K, one_step, (z0, y0))

  ms = _stats(z)
  logp, logits = _final(z, ms, gamma.reshape(1, HID), beta.reshape(1, HID),
                        W2, b2.reshape(1, W2.shape[1]))
  return (logp[:N], logits[:N])

# --- scband reference (transcript-rebuilt; emitter-appended) ---
"""Pipeline reference for scband-appnpstack-62371515072805 (READ-ONLY COPY).

The authoritative reference and input builder live on the scoring server;
editing this copy changes nothing except your own understanding.
"""

import jax, jax.numpy as jnp
import numpy as np

N = 10000
E = 320000
IN_DIM = 128
HID = 128
OUT_DIM = 64
K = 10
ALPHA = 0.1


def setup_inputs(seed: int = 0) -> dict:
    key = jax.random.key(seed)
    ks = jax.random.split(key, 8)
    x = jax.random.normal(ks[0], (N, IN_DIM), dtype=jnp.float32)
    edge_index = jax.random.randint(ks[1], (2, E), 0, N, dtype=jnp.int32)
    W1 = jax.random.normal(ks[2], (IN_DIM, HID), dtype=jnp.float32) / np.sqrt(IN_DIM)
    b1 = jnp.zeros((HID,), dtype=jnp.float32)
    gamma = jnp.ones((HID,), dtype=jnp.float32)
    beta = jnp.zeros((HID,), dtype=jnp.float32)
    W2 = jax.random.normal(ks[3], (HID, OUT_DIM), dtype=jnp.float32) / np.sqrt(HID)
    b2 = jnp.zeros((OUT_DIM,), dtype=jnp.float32)
    return {"x": x, "edge_index": edge_index, "W1": W1, "b1": b1,
            "gamma": gamma, "beta": beta, "W2": W2, "b2": b2}


def reference(x, edge_index, W1, b1, gamma, beta, W2, b2):
    n = x.shape[0]
    # lin1
    h = x @ W1 + b1
    # gcn_norm with self-loops (PyG APPNP default)
    src = edge_index[0]
    dst = edge_index[1]
    loop = jnp.arange(n, dtype=src.dtype)
    src = jnp.concatenate([src, loop])
    dst = jnp.concatenate([dst, loop])
    deg = jax.ops.segment_sum(jnp.ones(src.shape[0], dtype=h.dtype), dst, num_segments=n)
    dinv = jnp.where(deg > 0, jax.lax.rsqrt(deg), 0.0)
    norm = (dinv[src] * dinv[dst])[:, None]
    # APPNP propagation: z_{k+1} = (1-alpha) * A_hat z_k + alpha * h
    z = h
    for _ in range(K):
        msg = norm * jnp.take(z, src, axis=0)
        agg = jax.ops.segment_sum(msg, dst, num_segments=n)
        z = (1.0 - ALPHA) * agg + ALPHA * h
    # BatchNorm1d (batch statistics, eps=1e-5)
    mu = jnp.mean(z, axis=0)
    var = jnp.mean((z - mu) ** 2, axis=0)
    zn = (z - mu) * jax.lax.rsqrt(var + 1e-5) * gamma + beta
    # dropout is identity in eval mode
    logits = zn @ W2 + b2
    logp = jax.nn.log_softmax(logits, axis=1)
    return (logp, logits)

if __name__ == "__main__":
    import jax
    _d = setup_inputs()
    print(jax.jit(kernel)(*tuple(_d.values())))

</pallas_src>

<mosaic_0001>
#map = affine_map<(d0, d1) -> (0, 0)>
module attributes {stable_mosaic.version = 14 : i64} {
  func.func @_deg_body(%arg0: i32, %arg1: i32, %arg2: memref<4096x80xi32, #tpu.memory_space<hbm>>, %arg3: memref<2x10240xf32, #tpu.memory_space<hbm>>, %arg4: memref<10240xf32, #tpu.memory_space<vmem_shared>>, %arg5: memref<640xf32, #tpu.memory_space<vmem>>, %arg6: memref<80xf32, #tpu.memory_space<vmem>>, %arg7: memref<128x80xi32, #tpu.memory_space<vmem>>, %arg8: memref<!tpu.dma_semaphore, #tpu.memory_space<semaphore_mem>>) attributes {dimension_semantics = [#tpu.dimension_semantics<core_parallel>, #tpu.dimension_semantics<subcore_parallel>], iteration_bounds = array<i64: 2, 16>, scalar_prefetch = 0 : i64, scratch_operands = 5 : i64, tpu.core_type = #tpu.core_type<sc_vector_subcore>, window_params = [{transform_indices = #map}, {transform_indices = #map}]} {
    %mul3A = arith.constant 2 : i32
    %mul3A_0 = arith.muli %arg1, %mul3A : i32
    %add3A = arith.addi %mul3A_0, %arg0 : i32
    %scan3A = arith.constant 0 : i32
    %scan3A_1 = arith.constant 40 : i32
    %scan3A_2 = arith.addi %scan3A, %scan3A_1 : i32
    %scan3A_3 = arith.constant 1 : i32
    scf.for %scan3A_24 = %scan3A to %scan3A_2 step %scan3A_3  : i32 {
      %mul3A_25 = arith.constant 1 : i32
      %mul3A_26 = arith.muli %scan3A_24, %mul3A_25 : i32
      %add3A_27 = arith.constant 0 : i32
      %add3A_28 = arith.addi %add3A_27, %mul3A_26 : i32
      %broadcast_in_dim3A = arith.constant 0.000000e+00 : f32
      %broadcast_in_dim3A_29 = vector.broadcast %broadcast_in_dim3A : f32 to vector<16xf32>
      %mul3A_30 = arith.constant 16 : i32
      %mul3A_31 = arith.muli %add3A_28, %mul3A_30 : i32
      %swap3A = arith.index_cast %mul3A_31 : i32 to index
      %swap3A_32 = tpu.vector_load %arg5[%swap3A] {strides = array<i32>} : memref<640xf32, #tpu.memory_space<vmem>>, vector<16xf32>,
      tpu.vector_store %arg5[%swap3A], %broadcast_in_dim3A_29 {strides = array<i32>} : memref<640xf32, #tpu.memory_space<vmem>>, vector<16xf32>,
    }
    %scan3A_4 = arith.constant 40 : i32
    %scan3A_5 = arith.constant 0 : i32
    %scan3A_6 = arith.constant 5 : i32
    %scan3A_7 = arith.addi %scan3A_5, %scan3A_6 : i32
    %scan3A_8 = arith.constant 1 : i32
    scf.for %scan3A_24 = %scan3A_5 to %scan3A_7 step %scan3A_8  : i32 {
      %mul3A_25 = arith.constant 1 : i32
      %mul3A_26 = arith.muli %scan3A_24, %mul3A_25 : i32
      %add3A_27 = arith.constant 0 : i32
      %add3A_28 = arith.addi %add3A_27, %mul3A_26 : i32
      %broadcast_in_dim3A = arith.constant 1.000000e+00 : f32
      %broadcast_in_dim3A_29 = vector.broadcast %broadcast_in_dim3A : f32 to vector<16xf32>
      %mul3A_30 = arith.constant 16 : i32
      %mul3A_31 = arith.muli %add3A_28, %mul3A_30 : i32
      %swap3A = arith.index_cast %mul3A_31 : i32 to index
      %swap3A_32 = tpu.vector_load %arg6[%swap3A] {strides = array<i32>} : memref<80xf32, #tpu.memory_space<vmem>>, vector<16xf32>,
      tpu.vector_store %arg6[%swap3A], %broadcast_in_dim3A_29 {strides = array<i32>} : memref<80xf32, #tpu.memory_space<vmem>>, vector<16xf32>,
    }
    %scan3A_9 = arith.constant 5 : i32
    %mul3A_10 = arith.constant 640 : i32
    %mul3A_11 = arith.muli %arg1, %mul3A_10 : i32
    "tpu.region"() ({
      %run_scoped3A = tpu.sem_alloc : memref<!tpu.dma_semaphore, #tpu.memory_space<semaphore_mem>>
      %dma_start3A = tpu.memref_slice %arg4[%mul3A_11] : memref<10240xf32, #tpu.memory_space<vmem_shared>> -> memref<640xf32, #tpu.memory_space<vmem_shared>>
      %dma_start3A_24 = tpu.memref_slice %arg4[%mul3A_11] : memref<10240xf32, #tpu.memory_space<vmem_shared>> -> memref<640xf32, #tpu.memory_space<vmem_shared>>
      tpu.enqueue_dma source(%arg5 : memref<640xf32, #tpu.memory_space<vmem>>) target(%dma_start3A_24 : memref<640xf32, #tpu.memory_space<vmem_shared>>) target_semaphore(%run_scoped3A : memref<!tpu.dma_semaphore, #tpu.memory_space<semaphore_mem>>)
      %dma_wait3A = tpu.memref_slice %arg4[%mul3A_11] : memref<10240xf32, #tpu.memory_space<vmem_shared>> -> memref<640xf32, #tpu.memory_space<vmem_shared>>
      %dma_wait3A_25 = tpu.memref_slice %arg4[%mul3A_11] : memref<10240xf32, #tpu.memory_space<vmem_shared>> -> memref<640xf32, #tpu.memory_space<vmem_shared>>
      tpu.wait_dma2 semaphore(%run_scoped3A : memref<!tpu.dma_semaphore, #tpu.memory_space<semaphore_mem>>) src(%arg5 : memref<640xf32, #tpu.memory_space<vmem>>) dst(%dma_wait3A_25 : memref<640xf32, #tpu.memory_space<vmem_shared>>)
      tpu.yield
    }) : () -> ()
    %mul3A_12 = arith.constant 128 : i32
    %mul3A_13 = arith.muli %add3A, %mul3A_12 : i32
    "tpu.region"() ({
      %run_scoped3A = tpu.sem_alloc : memref<!tpu.dma_semaphore, #tpu.memory_space<semaphore_mem>>
      %dma_start3A = arith.constant 0 : i32
      %dma_start3A_24 = tpu.memref_slice %arg2[%mul3A_13, %dma_start3A] : memref<4096x80xi32, #tpu.memory_space<hbm>> -> memref<128x80xi32, #tpu.memory_space<hbm>>
      %dma_start3A_25 = arith.constant 0 : i32
      %dma_start3A_26 = tpu.memref_slice %arg2[%mul3A_13, %dma_start3A_25] : memref<4096x80xi32, #tpu.memory_space<hbm>> -> memref<128x80xi32, #tpu.memory_space<hbm>>
      tpu.enqueue_dma source(%dma_start3A_26 : memref<128x80xi32, #tpu.memory_space<hbm>>) target(%arg7 : memref<128x80xi32, #tpu.memory_space<vmem>>) target_semaphore(%run_scoped3A : memref<!tpu.dma_semaphore, #tpu.memory_space<semaphore_mem>>)
      %dma_wait3A = arith.constant 0 : i32
      %dma_wait3A_27 = tpu.memref_slice %arg2[%mul3A_13, %dma_wait3A] : memref<4096x80xi32, #tpu.memory_space<hbm>> -> memref<128x80xi32, #tpu.memory_space<hbm>>
      %dma_wait3A_28 = arith.constant 0 : i32
      %dma_wait3A_29 = tpu.memref_slice %arg2[%mul3A_13, %dma_wait3A_28] : memref<4096x80xi32, #tpu.memory_space<hbm>> -> memref<128x80xi32, #tpu.memory_space<hbm>>
      tpu.wait_dma2 semaphore(%run_scoped3A : memref<!tpu.dma_semaphore, #tpu.memory_space<semaphore_mem>>) src(%dma_wait3A_29 : memref<128x80xi32, #tpu.memory_space<hbm>>) dst(%arg7 : memref<128x80xi32, #tpu.memory_space<vmem>>)
      tpu.yield
    }) : () -> ()
    %barrier3A = arith.constant 0 : index
    tpu.barrier barrier_id(%barrier3A)
    %scan3A_14 = arith.constant 0 : i32
    %scan3A_15 = arith.constant 16 : i32
    %scan3A_16 = arith.addi %scan3A_14, %scan3A_15 : i32
    %scan3A_17 = arith.constant 1 : i32
    scf.for %scan3A_24 = %scan3A_14 to %scan3A_16 step %scan3A_17  : i32 {
      %mul3A_25 = arith.constant 1 : i32
      %mul3A_26 = arith.muli %scan3A_24, %mul3A_25 : i32
      %add3A_27 = arith.constant 0 : i32
      %add3A_28 = arith.addi %add3A_27, %mul3A_26 : i32
      %mul3A_29 = arith.constant 8 : i32
      %mul3A_30 = arith.muli %add3A_28, %mul3A_29 : i32
      %add3A_31 = arith.constant 0 : i32
      %add3A_32 = arith.addi %mul3A_30, %add3A_31 : i32
      %dma_start3A = arith.constant 0 : i32
      %dma_start3A_33 = tpu.memref_slice %arg7[%add3A_32, %dma_start3A] : memref<128x80xi32, #tpu.memory_space<vmem>> -> memref<1x80xi32, #tpu.memory_space<vmem>>
      %dma_start3A_34 = tpu.memref_squeeze %dma_start3A_33 : memref<1x80xi32, #tpu.memory_space<vmem>> -> memref<80xi32, #tpu.memory_space<vmem>>
      %dma_start3A_35 = arith.constant 0 : i32
      %dma_start3A_36 = tpu.memref_slice %arg4[%dma_start3A_35] : memref<10240xf32, #tpu.memory_space<vmem_shared>> -> memref<10240xf32, #tpu.memory_space<vmem_shared>>
      tpu.enqueue_indirect_dma source(%arg6 : memref<80xf32, #tpu.memory_space<vmem>>) target(%dma_start3A_36 : memref<10240xf32, #tpu.memory_space<vmem_shared>>) offsets(%dma_start3A_34 : memref<80xi32, #tpu.memory_space<vmem>>) semaphore(%arg8 : memref<!tpu.dma_semaphore, #tpu.memory_space<semaphore_mem>>) {add = true}
      %mul3A_37 = arith.constant 8 : i32
      %mul3A_38 = arith.muli %add3A_28, %mul3A_37 : i32
      %add3A_39 = arith.constant 1 : i32
      %add3A_40 = arith.addi %mul3A_38, %add3A_39 : i32
      %dma_start3A_41 = arith.constant 0 : i32
      %dma_start3A_42 = tpu.memref_slice %arg7[%add3A_40, %dma_start3A_41] : memref<128x80xi32, #tpu.memory_space<vmem>> -> memref<1x80xi32, #tpu.memory_space<vmem>>
      %dma_start3A_43 = tpu.memref_squeeze %dma_start3A_42 : memref<1x80xi32, #tpu.memory_space<vmem>> -> memref<80xi32, #tpu.memory_space<vmem>>
      %dma_start3A_44 = arith.constant 0 : i32
      %dma_start3A_45 = tpu.memref_slice %arg4[%dma_start3A_44] : memref<10240xf32, #tpu.memory_space<vmem_shared>> -> memref<10240xf32, #tpu.memory_space<vmem_shared>>
      tpu.enqueue_indirect_dma source(%arg6 : memref<80xf32, #tpu.memory_space<vmem>>) target(%dma_start3A_45 : memref<10240xf32, #tpu.memory_space<vmem_shared>>) offsets(%dma_start3A_43 : memref<80xi32, #tpu.memory_space<vmem>>) semaphore(%arg8 : memref<!tpu.dma_semaphore, #tpu.memory_space<semaphore_mem>>) {add = true}
      %mul3A_46 = arith.constant 8 : i32
      %mul3A_47 = arith.muli %add3A_28, %mul3A_46 : i32
      %add3A_48 = arith.constant 2 : i32
      %add3A_49 = arith.addi %mul3A_47, %add3A_48 : i32
      %dma_start3A_50 = arith.constant 0 : i32
      %dma_start3A_51 = tpu.memref_slice %arg7[%add3A_49, %dma_start3A_50] : memref<128x80xi32, #tpu.memory_space<vmem>> -> memref<1x80xi32, #tpu.memory_space<vmem>>
      %dma_start3A_52 = tpu.memref_squeeze %dma_start3A_51 : memref<1x80xi32, #tpu.memory_space<vmem>> -> memref<80xi32, #tpu.memory_space<vmem>>
      %dma_start3A_53 = arith.constant 0 : i32
      %dma_start3A_54 = tpu.memref_slice %arg4[%dma_start3A_53] : memref<10240xf32, #tpu.memory_space<vmem_shared>> -> memref<10240xf32, #tpu.memory_space<vmem_shared>>
      tpu.enqueue_indirect_dma source(%arg6 : memref<80xf32, #tpu.memory_space<vmem>>) target(%dma_start3A_54 : memref<10240xf32, #tpu.memory_space<vmem_shared>>) offsets(%dma_start3A_52 : memref<80xi32, #tpu.memory_space<vmem>>) semaphore(%arg8 : memref<!tpu.dma_semaphore, #tpu.memory_space<semaphore_mem>>) {add = true}
      %mul3A_55 = arith.constant 8 : i32
      %mul3A_56 = arith.muli %add3A_28, %mul3A_55 : i32
      %add3A_57 = arith.constant 3 : i32
      %add3A_58 = arith.addi %mul3A_56, %add3A_57 : i32
      %dma_start3A_59 = arith.constant 0 : i32
      %dma_start3A_60 = tpu.memref_slice %arg7[%add3A_58, %dma_start3A_59] : memref<128x80xi32, #tpu.memory_space<vmem>> -> memref<1x80xi32, #tpu.memory_space<vmem>>
      %dma_start3A_61 = tpu.memref_squeeze %dma_start3A_60 : memref<1x80xi32, #tpu.memory_space<vmem>> -> memref<80xi32, #tpu.memory_space<vmem>>
      %dma_start3A_62 = arith.constant 0 : i32
      %dma_start3A_63 = tpu.memref_slice %arg4[%dma_start3A_62] : memref<10240xf32, #tpu.memory_space<vmem_shared>> -> memref<10240xf32, #tpu.memory_space<vmem_shared>>
      tpu.enqueue_indirect_dma source(%arg6 : memref<80xf32, #tpu.memory_space<vmem>>) target(%dma_start3A_63 : memref<10240xf32, #tpu.memory_space<vmem_shared>>) offsets(%dma_start3A_61 : memref<80xi32, #tpu.memory_space<vmem>>) semaphore(%arg8 : memref<!tpu.dma_semaphore, #tpu.memory_space<semaphore_mem>>) {add = true}
      %mul3A_64 = arith.constant 8 : i32
      %mul3A_65 = arith.muli %add3A_28, %mul3A_64 : i32
      %add3A_66 = arith.constant 4 : i32
      %add3A_67 = arith.addi %mul3A_65, %add3A_66 : i32
      %dma_start3A_68 = arith.constant 0 : i32
      %dma_start3A_69 = tpu.memref_slice %arg7[%add3A_67, %dma_start3A_68] : memref<128x80xi32, #tpu.memory_space<vmem>> -> memref<1x80xi32, #tpu.memory_space<vmem>>
      %dma_start3A_70 = tpu.memref_squeeze %dma_start3A_69 : memref<1x80xi32, #tpu.memory_space<vmem>> -> memref<80xi32, #tpu.memory_space<vmem>>
      %dma_start3A_71 = arith.constant 0 : i32
      %dma_start3A_72 = tpu.memref_slice %arg4[%dma_start3A_71] : memref<10240xf32, #tpu.memory_space<vmem_shared>> -> memref<10240xf32, #tpu.memory_space<vmem_shared>>
      tpu.enqueue_indirect_dma source(%arg6 : memref<80xf32, #tpu.memory_space<vmem>>) target(%dma_start3A_72 : memref<10240xf32, #tpu.memory_space<vmem_shared>>) offsets(%dma_start3A_70 : memref<80xi32, #tpu.memory_space<vmem>>) semaphore(%arg8 : memref<!tpu.dma_semaphore, #tpu.memory_space<semaphore_mem>>) {add = true}
      %mul3A_73 = arith.constant 8 : i32
      %mul3A_74 = arith.muli %add3A_28, %mul3A_73 : i32
      %add3A_75 = arith.constant 5 : i32
      %add3A_76 = arith.addi %mul3A_74, %add3A_75 : i32
      %dma_start3A_77 = arith.constant 0 : i32
      %dma_start3A_78 = tpu.memref_slice %arg7[%add3A_76, %dma_start3A_77] : memref<128x80xi32, #tpu.memory_space<vmem>> -> memref<1x80xi32, #tpu.memory_space<vmem>>
      %dma_start3A_79 = tpu.memref_squeeze %dma_start3A_78 : memref<1x80xi32, #tpu.memory_space<vmem>> -> memref<80xi32, #tpu.memory_space<vmem>>
      %dma_start3A_80 = arith.constant 0 : i32
      %dma_start3A_81 = tpu.memref_slice %arg4[%dma_start3A_80] : memref<10240xf32, #tpu.memory_space<vmem_shared>> -> memref<10240xf32, #tpu.memory_space<vmem_shared>>
      tpu.enqueue_indirect_dma source(%arg6 : memref<80xf32, #tpu.memory_space<vmem>>) target(%dma_start3A_81 : memref<10240xf32, #tpu.memory_space<vmem_shared>>) offsets(%dma_start3A_79 : memref<80xi32, #tpu.memory_space<vmem>>) semaphore(%arg8 : memref<!tpu.dma_semaphore, #tpu.memory_space<semaphore_mem>>) {add = true}
      %mul3A_82 = arith.constant 8 : i32
      %mul3A_83 = arith.muli %add3A_28, %mul3A_82 : i32
      %add3A_84 = arith.constant 6 : i32
      %add3A_85 = arith.addi %mul3A_83, %add3A_84 : i32
      %dma_start3A_86 = arith.constant 0 : i32
      %dma_start3A_87 = tpu.memref_slice %arg7[%add3A_85, %dma_start3A_86] : memref<128x80xi32, #tpu.memory_space<vmem>> -> memref<1x80xi32, #tpu.memory_space<vmem>>
      %dma_start3A_88 = tpu.memref_squeeze %dma_start3A_87 : memref<1x80xi32, #tpu.memory_space<vmem>> -> memref<80xi32, #tpu.memory_space<vmem>>
      %dma_start3A_89 = arith.constant 0 : i32
      %dma_start3A_90 = tpu.memref_slice %arg4[%dma_start3A_89] : memref<10240xf32, #tpu.memory_space<vmem_shared>> -> memref<10240xf32, #tpu.memory_space<vmem_shared>>
      tpu.enqueue_indirect_dma source(%arg6 : memref<80xf32, #tpu.memory_space<vmem>>) target(%dma_start3A_90 : memref<10240xf32, #tpu.memory_space<vmem_shared>>) offsets(%dma_start3A_88 : memref<80xi32, #tpu.memory_space<vmem>>) semaphore(%arg8 : memref<!tpu.dma_semaphore, #tpu.memory_space<semaphore_mem>>) {add = true}
      %mul3A_91 = arith.constant 8 : i32
      %mul3A_92 = arith.muli %add3A_28, %mul3A_91 : i32
      %add3A_93 = arith.constant 7 : i32
      %add3A_94 = arith.addi %mul3A_92, %add3A_93 : i32
      %dma_start3A_95 = arith.constant 0 : i32
      %dma_start3A_96 = tpu.memref_slice %arg7[%add3A_94, %dma_start3A_95] : memref<128x80xi32, #tpu.memory_space<vmem>> -> memref<1x80xi32, #tpu.memory_space<vmem>>
      %dma_start3A_97 = tpu.memref_squeeze %dma_start3A_96 : memref<1x80xi32, #tpu.memory_space<vmem>> -> memref<80xi32, #tpu.memory_space<vmem>>
      %dma_start3A_98 = arith.constant 0 : i32
      %dma_start3A_99 = tpu.memref_slice %arg4[%dma_start3A_98] : memref<10240xf32, #tpu.memory_space<vmem_shared>> -> memref<10240xf32, #tpu.memory_space<vmem_shared>>
      tpu.enqueue_indirect_dma source(%arg6 : memref<80xf32, #tpu.memory_space<vmem>>) target(%dma_start3A_99 : memref<10240xf32, #tpu.memory_space<vmem_shared>>) offsets(%dma_start3A_97 : memref<80xi32, #tpu.memory_space<vmem>>) semaphore(%arg8 : memref<!tpu.dma_semaphore, #tpu.memory_space<semaphore_mem>>) {add = true}
      %mul3A_100 = arith.constant 8 : i32
      %mul3A_101 = arith.muli %add3A_28, %mul3A_100 : i32
      %add3A_102 = arith.constant 0 : i32
      %add3A_103 = arith.addi %mul3A_101, %add3A_102 : i32
      %dma_wait3A = arith.constant 0 : i32
      %dma_wait3A_104 = tpu.memref_slice %arg7[%add3A_103, %dma_wait3A] : memref<128x80xi32, #tpu.memory_space<vmem>> -> memref<1x80xi32, #tpu.memory_space<vmem>>
      %dma_wait3A_105 = tpu.memref_squeeze %dma_wait3A_104 : memref<1x80xi32, #tpu.memory_space<vmem>> -> memref<80xi32, #tpu.memory_space<vmem>>
      %dma_wait3A_106 = arith.constant 0 : i32
      %dma_wait3A_107 = tpu.memref_slice %arg4[%dma_wait3A_106] : memref<10240xf32, #tpu.memory_space<vmem_shared>> -> memref<10240xf32, #tpu.memory_space<vmem_shared>>
      tpu.wait_indirect_dma semaphore(%arg8 : memref<!tpu.dma_semaphore, #tpu.memory_space<semaphore_mem>>) src(%arg6 : memref<80xf32, #tpu.memory_space<vmem>>) dst(%dma_wait3A_107 : memref<10240xf32, #tpu.memory_space<vmem_shared>>)
      %mul3A_108 = arith.constant 8 : i32
      %mul3A_109 = arith.muli %add3A_28, %mul3A_108 : i32
      %add3A_110 = arith.constant 1 : i32
      %add3A_111 = arith.addi %mul3A_109, %add3A_110 : i32
      %dma_wait3A_112 = arith.constant 0 : i32
      %dma_wait3A_113 = tpu.memref_slice %arg7[%add3A_111, %dma_wait3A_112] : memref<128x80xi32, #tpu.memory_space<vmem>> -> memref<1x80xi32, #tpu.memory_space<vmem>>
      %dma_wait3A_114 = tpu.memref_squeeze %dma_wait3A_113 : memref<1x80xi32, #tpu.memory_space<vmem>> -> memref<80xi32, #tpu.memory_space<vmem>>
      %dma_wait3A_115 = arith.constant 0 : i32
      %dma_wait3A_116 = tpu.memref_slice %arg4[%dma_wait3A_115] : memref<10240xf32, #tpu.memory_space<vmem_shared>> -> memref<10240xf32, #tpu.memory_space<vmem_shared>>
      tpu.wait_indirect_dma semaphore(%arg8 : memref<!tpu.dma_semaphore, #tpu.memory_space<semaphore_mem>>) src(%arg6 : memref<80xf32, #tpu.memory_space<vmem>>) dst(%dma_wait3A_116 : memref<10240xf32, #tpu.memory_space<vmem_shared>>)
      %mul3A_117 = arith.constant 8 : i32
      %mul3A_118 = arith.muli %add3A_28, %mul3A_117 : i32
      %add3A_119 = arith.constant 2 : i32
      %add3A_120 = arith.addi %mul3A_118, %add3A_119 : i32
      %dma_wait3A_121 = arith.constant 0 : i32
      %dma_wait3A_122 = tpu.memref_slice %arg7[%add3A_120, %dma_wait3A_121] : memref<128x80xi32, #tpu.memory_space<vmem>> -> memref<1x80xi32, #tpu.memory_space<vmem>>
      %dma_wait3A_123 = tpu.memref_squeeze %dma_wait3A_122 : memref<1x80xi32, #tpu.memory_space<vmem>> -> memref<80xi32, #tpu.memory_space<vmem>>
      %dma_wait3A_124 = arith.constant 0 : i32
      %dma_wait3A_125 = tpu.memref_slice %arg4[%dma_wait3A_124] : memref<10240xf32, #tpu.memory_space<vmem_shared>> -> memref<10240xf32, #tpu.memory_space<vmem_shared>>
      tpu.wait_indirect_dma semaphore(%arg8 : memref<!tpu.dma_semaphore, #tpu.memory_space<semaphore_mem>>) src(%arg6 : memref<80xf32, #tpu.memory_space<vmem>>) dst(%dma_wait3A_125 : memref<10240xf32, #tpu.memory_space<vmem_shared>>)
      %mul3A_126 = arith.constant 8 : i32
      %mul3A_127 = arith.muli %add3A_28, %mul3A_126 : i32
      %add3A_128 = arith.constant 3 : i32
      %add3A_129 = arith.addi %mul3A_127, %add3A_128 : i32
      %dma_wait3A_130 = arith.constant 0 : i32
      %dma_wait3A_131 = tpu.memref_slice %arg7[%add3A_129, %dma_wait3A_130] : memref<128x80xi32, #tpu.memory_space<vmem>> -> memref<1x80xi32, #tpu.memory_space<vmem>>
      %dma_wait3A_132 = tpu.memref_squeeze %dma_wait3A_131 : memref<1x80xi32, #tpu.memory_space<vmem>> -> memref<80xi32, #tpu.memory_space<vmem>>
      %dma_wait3A_133 = arith.constant 0 : i32
      %dma_wait3A_134 = tpu.memref_slice %arg4[%dma_wait3A_133] : memref<10240xf32, #tpu.memory_space<vmem_shared>> -> memref<10240xf32, #tpu.memory_space<vmem_shared>>
      tpu.wait_indirect_dma semaphore(%arg8 : memref<!tpu.dma_semaphore, #tpu.memory_space<semaphore_mem>>) src(%arg6 : memref<80xf32, #tpu.memory_space<vmem>>) dst(%dma_wait3A_134 : memref<10240xf32, #tpu.memory_space<vmem_shared>>)
      %mul3A_135 = arith.constant 8 : i32
      %mul3A_136 = arith.muli %add3A_28, %mul3A_135 : i32
      %add3A_137 = arith.constant 4 : i32
      %add3A_138 = arith.addi %mul3A_136, %add3A_137 : i32
      %dma_wait3A_139 = arith.constant 0 : i32
      %dma_wait3A_140 = tpu.memref_slice %arg7[%add3A_138, %dma_wait3A_139] : memref<128x80xi32, #tpu.memory_space<vmem>> -> memref<1x80xi32, #tpu.memory_space<vmem>>
      %dma_wait3A_141 = tpu.memref_squeeze %dma_wait3A_140 : memref<1x80xi32, #tpu.memory_space<vmem>> -> memref<80xi32, #tpu.memory_space<vmem>>
      %dma_wait3A_142 = arith.constant 0 : i32
      %dma_wait3A_143 = tpu.memref_slice %arg4[%dma_wait3A_142] : memref<10240xf32, #tpu.memory_space<vmem_shared>> -> memref<10240xf32, #tpu.memory_space<vmem_shared>>
      tpu.wait_indirect_dma semaphore(%arg8 : memref<!tpu.dma_semaphore, #tpu.memory_space<semaphore_mem>>) src(%arg6 : memref<80xf32, #tpu.memory_space<vmem>>) dst(%dma_wait3A_143 : memref<10240xf32, #tpu.memory_space<vmem_shared>>)
      %mul3A_144 = arith.constant 8 : i32
      %mul3A_145 = arith.muli %add3A_28, %mul3A_144 : i32
      %add3A_146 = arith.constant 5 : i32
      %add3A_147 = arith.addi %mul3A_145, %add3A_146 : i32
      %dma_wait3A_148 = arith.constant 0 : i32
      %dma_wait3A_149 = tpu.memref_slice %arg7[%add3A_147, %dma_wait3A_148] : memref<128x80xi32, #tpu.memory_space<vmem>> -> memref<1x80xi32, #tpu.memory_space<vmem>>
      %dma_wait3A_150 = tpu.memref_squeeze %dma_wait3A_149 : memref<1x80xi32, #tpu.memory_space<vmem>> -> memref<80xi32, #tpu.memory_space<vmem>>
      %dma_wait3A_151 = arith.constant 0 : i32
      %dma_wait3A_152 = tpu.memref_slice %arg4[%dma_wait3A_151] : memref<10240xf32, #tpu.memory_space<vmem_shared>> -> memref<10240xf32, #tpu.memory_space<vmem_shared>>
      tpu.wait_indirect_dma semaphore(%arg8 : memref<!tpu.dma_semaphore, #tpu.memory_space<semaphore_mem>>) src(%arg6 : memref<80xf32, #tpu.memory_space<vmem>>) dst(%dma_wait3A_152 : memref<10240xf32, #tpu.memory_space<vmem_shared>>)
      %mul3A_153 = arith.constant 8 : i32
      %mul3A_154 = arith.muli %add3A_28, %mul3A_153 : i32
      %add3A_155 = arith.constant 6 : i32
      %add3A_156 = arith.addi %mul3A_154, %add3A_155 : i32
      %dma_wait3A_157 = arith.constant 0 : i32
      %dma_wait3A_158 = tpu.memref_slice %arg7[%add3A_156, %dma_wait3A_157] : memref<128x80xi32, #tpu.memory_space<vmem>> -> memref<1x80xi32, #tpu.memory_space<vmem>>
      %dma_wait3A_159 = tpu.memref_squeeze %dma_wait3A_158 : memref<1x80xi32, #tpu.memory_space<vmem>> -> memref<80xi32, #tpu.memory_space<vmem>>
      %dma_wait3A_160 = arith.constant 0 : i32
      %dma_wait3A_161 = tpu.memref_slice %arg4[%dma_wait3A_160] : memref<10240xf32, #tpu.memory_space<vmem_shared>> -> memref<10240xf32, #tpu.memory_space<vmem_shared>>
      tpu.wait_indirect_dma semaphore(%arg8 : memref<!tpu.dma_semaphore, #tpu.memory_space<semaphore_mem>>) src(%arg6 : memref<80xf32, #tpu.memory_space<vmem>>) dst(%dma_wait3A_161 : memref<10240xf32, #tpu.memory_space<vmem_shared>>)
      %mul3A_162 = arith.constant 8 : i32
      %mul3A_163 = arith.muli %add3A_28, %mul3A_162 : i32
      %add3A_164 = arith.constant 7 : i32
      %add3A_165 = arith.addi %mul3A_163, %add3A_164 : i32
      %dma_wait3A_166 = arith.constant 0 : i32
      %dma_wait3A_167 = tpu.memref_slice %arg7[%add3A_165, %dma_wait3A_166] : memref<128x80xi32, #tpu.memory_space<vmem>> -> memref<1x80xi32, #tpu.memory_space<vmem>>
      %dma_wait3A_168 = tpu.memref_squeeze %dma_wait3A_167 : memref<1x80xi32, #tpu.memory_space<vmem>> -> memref<80xi32, #tpu.memory_space<vmem>>
      %dma_wait3A_169 = arith.constant 0 : i32
      %dma_wait3A_170 = tpu.memref_slice %arg4[%dma_wait3A_169] : memref<10240xf32, #tpu.memory_space<vmem_shared>> -> memref<10240xf32, #tpu.memory_space<vmem_shared>>
      tpu.wait_indirect_dma semaphore(%arg8 : memref<!tpu.dma_semaphore, #tpu.memory_space<semaphore_mem>>) src(%arg6 : memref<80xf32, #tpu.memory_space<vmem>>) dst(%dma_wait3A_170 : memref<10240xf32, #tpu.memory_space<vmem_shared>>)
    }
    %scan3A_18 = arith.constant 16 : i32
    %barrier3A_19 = arith.constant 0 : index
    tpu.barrier barrier_id(%barrier3A_19)
    %mul3A_20 = arith.constant 640 : i32
    %mul3A_21 = arith.muli %arg1, %mul3A_20 : i32
    %mul3A_22 = arith.constant 640 : i32
    %mul3A_23 = arith.muli %arg1, %mul3A_22 : i32
    "tpu.region"() ({
      %run_scoped3A = tpu.sem_alloc : memref<!tpu.dma_semaphore, #tpu.memory_space<semaphore_mem>>
      %dma_start3A = arith.constant 0 : i32
      %dma_start3A_24 = tpu.memref_slice %arg3[%arg0, %dma_start3A] : memref<2x10240xf32, #tpu.memory_space<hbm>> -> memref<1x10240xf32, #tpu.memory_space<hbm>>
      %dma_start3A_25 = tpu.memref_squeeze %dma_start3A_24 : memref<1x10240xf32, #tpu.memory_space<hbm>> -> memref<10240xf32, #tpu.memory_space<hbm>>
      %dma_start3A_26 = tpu.memref_slice %dma_start3A_25[%mul3A_23] : memref<10240xf32, #tpu.memory_space<hbm>> -> memref<640xf32, #tpu.memory_space<hbm>>
      %dma_start3A_27 = tpu.memref_slice %arg4[%mul3A_21] : memref<10240xf32, #tpu.memory_space<vmem_shared>> -> memref<640xf32, #tpu.memory_space<vmem_shared>>
      tpu.enqueue_dma source(%dma_start3A_27 : memref<640xf32, #tpu.memory_space<vmem_shared>>) target(%dma_start3A_26 : memref<640xf32, #tpu.memory_space<hbm>>) target_semaphore(%run_scoped3A : memref<!tpu.dma_semaphore, #tpu.memory_space<semaphore_mem>>)
      %dma_wait3A = arith.constant 0 : i32
      %dma_wait3A_28 = tpu.memref_slice %arg3[%arg0, %dma_wait3A] : memref<2x10240xf32, #tpu.memory_space<hbm>> -> memref<1x10240xf32, #tpu.memory_space<hbm>>
      %dma_wait3A_29 = tpu.memref_squeeze %dma_wait3A_28 : memref<1x10240xf32, #tpu.memory_space<hbm>> -> memref<10240xf32, #tpu.memory_space<hbm>>
      %dma_wait3A_30 = tpu.memref_slice %dma_wait3A_29[%mul3A_23] : memref<10240xf32, #tpu.memory_space<hbm>> -> memref<640xf32, #tpu.memory_space<hbm>>
      %dma_wait3A_31 = tpu.memref_slice %arg4[%mul3A_21] : memref<10240xf32, #tpu.memory_space<vmem_shared>> -> memref<640xf32, #tpu.memory_space<vmem_shared>>
      tpu.wait_dma2 semaphore(%run_scoped3A : memref<!tpu.dma_semaphore, #tpu.memory_space<semaphore_mem>>) src(%dma_wait3A_31 : memref<640xf32, #tpu.memory_space<vmem_shared>>) dst(%dma_wait3A_30 : memref<640xf32, #tpu.memory_space<hbm>>)
      tpu.yield
    }) : () -> ()
    return
  }
}

#map = affine_map<(d0, d1) -> (0, 0)>
#map1 = affine_map<(d0, d1) -> (0, 0, 0)>
module attributes {stable_mosaic.version = 14 : i64} {
  func.func @_step_body(%arg0: i32, %arg1: i32, %arg2: memref<10240x128xf32, #tpu.memory_space<hbm>>, %arg3: memref<4096x80xi32, #tpu.memory_space<hbm>>, %arg4: memref<4096x80xi32, #tpu.memory_space<hbm>>, %arg5: memref<10240x128xf32, #tpu.memory_space<hbm>>, %arg6: memref<2x10240x128xf32, #tpu.memory_space<hbm>>, %arg7: memref<64x80xi32, #tpu.memory_space<vmem>>, %arg8: memref<64x80xi32, #tpu.memory_space<vmem>>, %arg9: memref<80x128xf32, #tpu.memory_space<vmem>>, %arg10: memref<80x128xf32, #tpu.memory_space<vmem>>, %arg11: memref<10240x128xf32, #tpu.memory_space<vmem_shared>>, %arg12: memref<!tpu.dma_semaphore, #tpu.memory_space<semaphore_mem>>, %arg13: memref<!tpu.dma_semaphore, #tpu.memory_space<semaphore_mem>>, %arg14: memref<!tpu.dma_semaphore, #tpu.memory_space<semaphore_mem>>, %arg15: memref<!tpu.dma_semaphore, #tpu.memory_space<semaphore_mem>>) attributes {dimension_semantics = [#tpu.dimension_semantics<core_parallel>, #tpu.dimension_semantics<subcore_parallel>], iteration_bounds = array<i64: 2, 16>, scalar_prefetch = 0 : i64, scratch_operands = 9 : i64, tpu.core_type = #tpu.core_type<sc_vector_subcore>, window_params = [{transform_indices = #map}, {transform_indices = #map}, {transform_indices = #map}, {transform_indices = #map}, {transform_indices = #map1}]} {
    %mul3A = arith.constant 2 : i32
    %mul3A_0 = arith.muli %arg1, %mul3A : i32
    %add3A = arith.addi %mul3A_0, %arg0 : i32
    %mul3A_1 = arith.constant 640 : i32
    %mul3A_2 = arith.muli %arg1, %mul3A_1 : i32
    %mul3A_3 = arith.constant 640 : i32
    %mul3A_4 = arith.muli %arg1, %mul3A_3 : i32
    "tpu.region"() ({
      %run_scoped3A = tpu.sem_alloc : memref<!tpu.dma_semaphore, #tpu.memory_space<semaphore_mem>>
      %dma_start3A = arith.constant 0 : i32
      %dma_start3A_16 = tpu.memref_slice %arg11[%mul3A_4, %dma_start3A] : memref<10240x128xf32, #tpu.memory_space<vmem_shared>> -> memref<640x128xf32, #tpu.memory_space<vmem_shared>>
      %dma_start3A_17 = arith.constant 0 : i32
      %dma_start3A_18 = tpu.memref_slice %arg5[%mul3A_2, %dma_start3A_17] : memref<10240x128xf32, #tpu.memory_space<hbm>> -> memref<640x128xf32, #tpu.memory_space<hbm>>
      tpu.enqueue_dma source(%dma_start3A_18 : memref<640x128xf32, #tpu.memory_space<hbm>>) target(%dma_start3A_16 : memref<640x128xf32, #tpu.memory_space<vmem_shared>>) target_semaphore(%run_scoped3A : memref<!tpu.dma_semaphore, #tpu.memory_space<semaphore_mem>>)
      %dma_wait3A = arith.constant 0 : i32
      %dma_wait3A_19 = tpu.memref_slice %arg11[%mul3A_4, %dma_wait3A] : memref<10240x128xf32, #tpu.memory_space<vmem_shared>> -> memref<640x128xf32, #tpu.memory_space<vmem_shared>>
      %dma_wait3A_20 = arith.constant 0 : i32
      %dma_wait3A_21 = tpu.memref_slice %arg5[%mul3A_2, %dma_wait3A_20] : memref<10240x128xf32, #tpu.memory_space<hbm>> -> memref<640x128xf32, #tpu.memory_space<hbm>>
      tpu.wait_dma2 semaphore(%run_scoped3A : memref<!tpu.dma_semaphore, #tpu.memory_space<semaphore_mem>>) src(%dma_wait3A_21 : memref<640x128xf32, #tpu.memory_space<hbm>>) dst(%dma_wait3A_19 : memref<640x128xf32, #tpu.memory_space<vmem_shared>>)
      tpu.yield
    }) : () -> ()
    %mul3A_5 = arith.constant 128 : i32
    %mul3A_6 = arith.muli %add3A, %mul3A_5 : i32
    %barrier3A = arith.constant 0 : index
    tpu.barrier barrier_id(%barrier3A)
    %scan3A = arith.constant 0 : i32
    %scan3A_7 = arith.constant 2 : i32
    %scan3A_8 = arith.addi %scan3A, %scan3A_7 : i32
    %scan3A_9 = arith.constant 1 : i32
    scf.for %scan3A_16 = %scan3A to %scan3A_8 step %scan3A_9  : i32 {
      %mul3A_17 = arith.constant 1 : i32
      %mul3A_18 = arith.muli %scan3A_16, %mul3A_17 : i32
      %add3A_19 = arith.constant 0 : i32
      %add3A_20 = arith.addi %add3A_19, %mul3A_18 : i32
      %mul3A_21 = arith.constant 64 : i32
      %mul3A_22 = arith.muli %add3A_20, %mul3A_21 : i32
      %add3A_23 = arith.addi %mul3A_6, %mul3A_22 : i32
      "tpu.region"() ({
        %run_scoped3A = tpu.sem_alloc : memref<!tpu.dma_semaphore, #tpu.memory_space<semaphore_mem>>
        %dma_start3A_1817 = arith.constant 0 : i32
        %dma_start3A_1818 = tpu.memref_slice %arg3[%add3A_23, %dma_start3A_1817] : memref<4096x80xi32, #tpu.memory_space<hbm>> -> memref<64x80xi32, #tpu.memory_space<hbm>>
        %dma_start3A_1819 = arith.constant 0 : i32
        %dma_start3A_1820 = tpu.memref_slice %arg3[%add3A_23, %dma_start3A_1819] : memref<4096x80xi32, #tpu.memory_space<hbm>> -> memref<64x80xi32, #tpu.memory_space<hbm>>
        tpu.enqueue_dma source(%dma_start3A_1820 : memref<64x80xi32, #tpu.memory_space<hbm>>) target(%arg7 : memref<64x80xi32, #tpu.memory_space<vmem>>) target_semaphore(%run_scoped3A : memref<!tpu.dma_semaphore, #tpu.memory_space<semaphore_mem>>)
        %dma_wait3A_1821 = arith.constant 0 : i32
        %dma_wait3A_1822 = tpu.memref_slice %arg3[%add3A_23, %dma_wait3A_1821] : memref<4096x80xi32, #tpu.memory_space<hbm>> -> memref<64x80xi32, #tpu.memory_space<hbm>>
        %dma_wait3A_1823 = arith.constant 0 : i32
        %dma_wait3A_1824 = tpu.memref_slice %arg3[%add3A_23, %dma_wait3A_1823] : memref<4096x80xi32, #tpu.memory_space<hbm>> -> memref<64x80xi32, #tpu.memory_space<hbm>>
        tpu.wait_dma2 semaphore(%run_scoped3A : memref<!tpu.dma_semaphore, #tpu.memory_space<semaphore_mem>>) src(%dma_wait3A_1824 : memref<64x80xi32, #tpu.memory_space<hbm>>) dst(%arg7 : memref<64x80xi32, #tpu.memory_space<vmem>>)
        tpu.yield
      }) : () -> ()
      %mul3A_24 = arith.constant 64 : i32
      %mul3A_25 = arith.muli %add3A_20, %mul3A_24 : i32
      %add3A_26 = arith.addi %mul3A_6, %mul3A_25 : i32
      "tpu.region"() ({
        %run_scoped3A = tpu.sem_alloc : memref<!tpu.dma_semaphore, #tpu.memory_space<semaphore_mem>>
        %dma_start3A_1817 = arith.constant 0 : i32
        %dma_start3A_1818 = tpu.memref_slice %arg4[%add3A_26, %dma_start3A_1817] : memref<4096x80xi32, #tpu.memory_space<hbm>> -> memref<64x80xi32, #tpu.memory_space<hbm>>
        %dma_start3A_1819 = arith.constant 0 : i32
        %dma_start3A_1820 = tpu.memref_slice %arg4[%add3A_26, %dma_start3A_1819] : memref<4096x80xi32, #tpu.memory_space<hbm>> -> memref<64x80xi32, #tpu.memory_space<hbm>>
        tpu.enqueue_dma source(%dma_start3A_1820 : memref<64x80xi32, #tpu.memory_space<hbm>>) target(%arg8 : memref<64x80xi32, #tpu.memory_space<vmem>>) target_semaphore(%run_scoped3A : memref<!tpu.dma_semaphore, #tpu.memory_space<semaphore_mem>>)
        %dma_wait3A_1821 = arith.constant 0 : i32
        %dma_wait3A_1822 = tpu.memref_slice %arg4[%add3A_26, %dma_wait3A_1821] : memref<4096x80xi32, #tpu.memory_space<hbm>> -> memref<64x80xi32, #tpu.memory_space<hbm>>
        %dma_wait3A_1823 = arith.constant 0 : i32
        %dma_wait3A_1824 = tpu.memref_slice %arg4[%add3A_26, %dma_wait3A_1823] : memref<4096x80xi32, #tpu.memory_space<hbm>> -> memref<64x80xi32, #tpu.memory_space<hbm>>
        tpu.wait_dma2 semaphore(%run_scoped3A : memref<!tpu.dma_semaphore, #tpu.memory_space<semaphore_mem>>) src(%dma_wait3A_1824 : memref<64x80xi32, #tpu.memory_space<hbm>>) dst(%arg8 : memref<64x80xi32, #tpu.memory_space<vmem>>)
        tpu.yield
      }) : () -> ()
      %dma_start3A = arith.constant 0 : i32
      %dma_start3A_27 = arith.constant 0 : i32
      %dma_start3A_28 = tpu.memref_slice %arg7[%dma_start3A, %dma_start3A_27] : memref<64x80xi32, #tpu.memory_space<vmem>> -> memref<1x80xi32, #tpu.memory_space<vmem>>
      %dma_start3A_29 = tpu.memref_squeeze %dma_start3A_28 : memref<1x80xi32, #tpu.memory_space<vmem>> -> memref<80xi32, #tpu.memory_space<vmem>>
      %dma_start3A_30 = arith.constant 0 : i32
      %dma_start3A_31 = arith.constant 0 : i32
      %dma_start3A_32 = tpu.memref_slice %arg2[%dma_start3A_30, %dma_start3A_31] : memref<10240x128xf32, #tpu.memory_space<hbm>> -> memref<10240x128xf32, #tpu.memory_space<hbm>>
      tpu.enqueue_indirect_dma source(%dma_start3A_32 : memref<10240x128xf32, #tpu.memory_space<hbm>>) target(%arg9 : memref<80x128xf32, #tpu.memory_space<vmem>>) offsets(%dma_start3A_29 : memref<80xi32, #tpu.memory_space<vmem>>) semaphore(%arg12 : memref<!tpu.dma_semaphore, #tpu.memory_space<semaphore_mem>>)
      %dma_start3A_33 = arith.constant 1 : i32
      %dma_start3A_34 = arith.constant 0 : i32
      %dma_start3A_35 = tpu.memref_slice %arg7[%dma_start3A_33, %dma_start3A_34] : memref<64x80xi32, #tpu.memory_space<vmem>> -> memref<1x80xi32, #tpu.memory_space<vmem>>
      %dma_start3A_36 = tpu.memref_squeeze %dma_start3A_35 : memref<1x80xi32, #tpu.memory_space<vmem>> -> memref<80xi32, #tpu.memory_space<vmem>>
      %dma_start3A_37 = arith.constant 0 : i32
      %dma_start3A_38 = arith.constant 0 : i32
      %dma_start3A_39 = tpu.memref_slice %arg2[%dma_start3A_37, %dma_start3A_38] : memref<10240x128xf32, #tpu.memory_space<hbm>> -> memref<10240x128xf32, #tpu.memory_space<hbm>>
      tpu.enqueue_indirect_dma source(%dma_start3A_39 : memref<10240x128xf32, #tpu.memory_space<hbm>>) target(%arg10 : memref<80x128xf32, #tpu.memory_space<vmem>>) offsets(%dma_start3A_36 : memref<80xi32, #tpu.memory_space<vmem>>) semaphore(%arg13 : memref<!tpu.dma_semaphore, #tpu.memory_space<semaphore_mem>>)
      %dma_wait3A = arith.constant 0 : i32
      %dma_wait3A_40 = arith.constant 0 : i32
      %dma_wait3A_41 = tpu.memref_slice %arg7[%dma_wait3A, %dma_wait3A_40] : memref<64x80xi32, #tpu.memory_space<vmem>> -> memref<1x80xi32, #tpu.memory_space<vmem>>
      %dma_wait3A_42 = tpu.memref_squeeze %dma_wait3A_41 : memref<1x80xi32, #tpu.memory_space<vmem>> -> memref<80xi32, #tpu.memory_space<vmem>>
      %dma_wait3A_43 = arith.constant 0 : i32
      %dma_wait3A_44 = arith.constant 0 : i32
      %dma_wait3A_45 = tpu.memref_slice %arg2[%dma_wait3A_43, %dma_wait3A_44] : memref<10240x128xf32, #tpu.memory_space<hbm>> -> memref<10240x128xf32, #tpu.memory_space<hbm>>
      tpu.wait_indirect_dma semaphore(%arg12 : memref<!tpu.dma_semaphore, #tpu.memory_space<semaphore_mem>>) src(%dma_wait3A_45 : memref<10240x128xf32, #tpu.memory_space<hbm>>) dst(%arg9 : memref<80x128xf32, #tpu.memory_space<vmem>>)
      %dma_start3A_46 = arith.constant 0 : i32
      %dma_start3A_47 = arith.constant 0 : i32
      %dma_start3A_48 = tpu.memref_slice %arg8[%dma_start3A_46, %dma_start3A_47] : memref<64x80xi32, #tpu.memory_space<vmem>> -> memref<1x80xi32, #tpu.memory_space<vmem>>
      %dma_start3A_49 = tpu.memref_squeeze %dma_start3A_48 : memref<1x80xi32, #tpu.memory_space<vmem>> -> memref<80xi32, #tpu.memory_space<vmem>>
      %dma_start3A_50 = arith.constant 0 : i32
      %dma_start3A_51 = arith.constant 0 : i32
      %dma_start3A_52 = tpu.memref_slice %arg11[%dma_start3A_50, %dma_start3A_51] : memref<10240x128xf32, #tpu.memory_space<vmem_shared>> -> memref<10240x128xf32, #tpu.memory_space<vmem_shared>>
      tpu.enqueue_indirect_dma source(%arg9 : memref<80x128xf32, #tpu.memory_space<vmem>>) target(%dma_start3A_52 : memref<10240x128xf32, #tpu.memory_space<vmem_shared>>) offsets(%dma_start3A_49 : memref<80xi32, #tpu.memory_space<vmem>>) semaphore(%arg14 : memref<!tpu.dma_semaphore, #tpu.memory_space<semaphore_mem>>) {add = true}
      %dma_wait3A_53 = arith.constant 0 : i32
      %dma_wait3A_54 = arith.constant 0 : i32
      %dma_wait3A_55 = tpu.memref_slice %arg8[%dma_wait3A_53, %dma_wait3A_54] : memref<64x80xi32, #tpu.memory_space<vmem>> -> memref<1x80xi32, #tpu.memory_space<vmem>>
      %dma_wait3A_56 = tpu.memref_squeeze %dma_wait3A_55 : memref<1x80xi32, #tpu.memory_space<vmem>> -> memref<80xi32, #tpu.memory_space<vmem>>
      %dma_wait3A_57 = arith.constant 0 : i32
      %dma_wait3A_58 = arith.constant 0 : i32
      %dma_wait3A_59 = tpu.memref_slice %arg11[%dma_wait3A_57, %dma_wait3A_58] : memref<10240x128xf32, #tpu.memory_space<vmem_shared>> -> memref<10240x128xf32, #tpu.memory_space<vmem_shared>>
      tpu.wait_indirect_dma semaphore(%arg14 : memref<!tpu.dma_semaphore, #tpu.memory_space<semaphore_mem>>) src(%arg9 : memref<80x128xf32, #tpu.memory_space<vmem>>) dst(%dma_wait3A_59 : memref<10240x128xf32, #tpu.memory_space<vmem_shared>>)
      %dma_start3A_60 = arith.constant 2 : i32
      %dma_start3A_61 = arith.constant 0 : i32
      %dma_start3A_62 = tpu.memref_slice %arg7[%dma_start3A_60, %dma_start3A_61] : memref<64x80xi32, #tpu.memory_space<vmem>> -> memref<1x80xi32, #tpu.memory_space<vmem>>
      %dma_start3A_63 = tpu.memref_squeeze %dma_start3A_62 : memref<1x80xi32, #tpu.memory_space<vmem>> -> memref<80xi32, #tpu.memory_space<vmem>>
      %dma_start3A_64 = arith.constant 0 : i32
      %dma_start3A_65 = arith.constant 0 : i32
      %dma_start3A_66 = tpu.memref_slice %arg2[%dma_start3A_64, %dma_start3A_65] : memref<10240x128xf32, #tpu.memory_space<hbm>> -> memref<10240x128xf32, #tpu.memory_space<hbm>>
      tpu.enqueue_indirect_dma source(%dma_start3A_66 : memref<10240x128xf32, #tpu.memory_space<hbm>>) target(%arg9 : memref<80x128xf32, #tpu.memory_space<vmem>>) offsets(%dma_start3A_63 : memref<80xi32, #tpu.memory_space<vmem>>) semaphore(%arg12 : memref<!tpu.dma_semaphore, #tpu.memory_space<semaphore_mem>>)
      %dma_wait3A_67 = arith.constant 1 : i32
      %dma_wait3A_68 = arith.constant 0 : i32
      %dma_wait3A_69 = tpu.memref_slice %arg7[%dma_wait3A_67, %dma_wait3A_68] : memref<64x80xi32, #tpu.memory_space<vmem>> -> memref<1x80xi32, #tpu.memory_space<vmem>>
      %dma_wait3A_70 = tpu.memref_squeeze %dma_wait3A_69 : memref<1x80xi32, #tpu.memory_space<vmem>> -> memref<80xi32, #tpu.memory_space<vmem>>
      %dma_wait3A_71 = arith.constant 0 : i32
      %dma_wait3A_72 = arith.constant 0 : i32
      %dma_wait3A_73 = tpu.memref_slice %arg2[%dma_wait3A_71, %dma_wait3A_72] : memref<10240x128xf32, #tpu.memory_space<hbm>> -> memref<10240x128xf32, #tpu.memory_space<hbm>>
      tpu.wait_indirect_dma semaphore(%arg13 : memref<!tpu.dma_semaphore, #tpu.memory_space<semaphore_mem>>) src(%dma_wait3A_73 : memref<10240x128xf32, #tpu.memory_space<hbm>>) dst(%arg10 : memref<80x128xf32, #tpu.memory_space<vmem>>)
      %dma_start3A_74 = arith.constant 1 : i32
      %dma_start3A_75 = arith.constant 0 : i32
      %dma_start3A_76 = tpu.memref_slice %arg8[%dma_start3A_74, %dma_start3A_75] : memref<64x80xi32, #tpu.memory_space<vmem>> -> memref<1x80xi32, #tpu.memory_space<vmem>>
      %dma_start3A_77 = tpu.memref_squeeze %dma_start3A_76 : memref<1x80xi32, #tpu.memory_space<vmem>> -> memref<80xi32, #tpu.memory_space<vmem>>
      %dma_start3A_78 = arith.constant 0 : i32
      %dma_start3A_79 = arith.constant 0 : i32
      %dma_start3A_80 = tpu.memref_slice %arg11[%dma_start3A_78, %dma_start3A_79] : memref<10240x128xf32, #tpu.memory_space<vmem_shared>> -> memref<10240x128xf32, #tpu.memory_space<vmem_shared>>
      tpu.enqueue_indirect_dma source(%arg10 : memref<80x128xf32, #tpu.memory_space<vmem>>) target(%dma_start3A_80 : memref<10240x128xf32, #tpu.memory_space<vmem_shared>>) offsets(%dma_start3A_77 : memref<80xi32, #tpu.memory_space<vmem>>) semaphore(%arg15 : memref<!tpu.dma_semaphore, #tpu.memory_space<semaphore_mem>>) {add = true}
      %dma_wait3A_81 = arith.constant 1 : i32
      %dma_wait3A_82 = arith.constant 0 : i32
      %dma_wait3A_83 = tpu.memref_slice %arg8[%dma_wait3A_81, %dma_wait3A_82] : memref<64x80xi32, #tpu.memory_space<vmem>> -> memref<1x80xi32, #tpu.memory_space<vmem>>
      %dma_wait3A_84 = tpu.memref_squeeze %dma_wait3A_83 : memref<1x80xi32, #tpu.memory_space<vmem>> -> memref<80xi32, #tpu.memory_space<vmem>>
      %dma_wait3A_85 = arith.constant 0 : i32
      %dma_wait3A_86 = arith.constant 0 : i32
      %dma_wait3A_87 = tpu.memref_slice %arg11[%dma_wait3A_85, %dma_wait3A_86] : memref<10240x128xf32, #tpu.memory_space<vmem_shared>> -> memref<10240x128xf32, #tpu.memory_space<vmem_shared>>
      tpu.wait_indirect_dma semaphore(%arg15 : memref<!tpu.dma_semaphore, #tpu.memory_space<semaphore_mem>>) src(%arg10 : memref<80x128xf32, #tpu.memory_space<vmem>>) dst(%dma_wait3A_87 : memref<10240x128xf32, #tpu.memory_space<vmem_shared>>)
      %dma_start3A_88 = arith.constant 3 : i32
      %dma_start3A_89 = arith.constant 0 : i32
      %dma_start3A_90 = tpu.memref_slice %arg7[%dma_start3A_88, %dma_start3A_89] : memref<64x80xi32, #tpu.memory_space<vmem>> -> memref<1x80xi32, #tpu.memory_space<vmem>>
      %dma_start3A_91 = tpu.memref_squeeze %dma_start3A_90 : memref<1x80xi32, #tpu.memory_space<vmem>> -> memref<80xi32, #tpu.memory_space<vmem>>
      %dma_start3A_92 = arith.constant 0 : i32
      %dma_start3A_93 = arith.constant 0 : i32
      %dma_start3A_94 = tpu.memref_slice %arg2[%dma_start3A_92, %dma_start3A_93] : memref<10240x128xf32, #tpu.memory_space<hbm>> -> memref<10240x128xf32, #tpu.memory_space<hbm>>
      tpu.enqueue_indirect_dma source(%dma_start3A_94 : memref<10240x128xf32, #tpu.memory_space<hbm>>) target(%arg10 : memref<80x128xf32, #tpu.memory_space<vmem>>) offsets(%dma_start3A_91 : memref<80xi32, #tpu.memory_space<vmem>>) semaphore(%arg13 : memref<!tpu.dma_semaphore, #tpu.memory_space<semaphore_mem>>)
      %dma_wait3A_95 = arith.constant 2 : i32
      %dma_wait3A_96 = arith.constant 0 : i32
      %dma_wait3A_97 = tpu.memref_slice %arg7[%dma_wait3A_95, %dma_wait3A_96] : memref<64x80xi32, #tpu.memory_space<vmem>> -> memref<1x80xi32, #tpu.memory_space<vmem>>
      %dma_wait3A_98 = tpu.memref_squeeze %dma_wait3A_97 : memref<1x80xi32, #tpu.memory_space<vmem>> -> memref<80xi32, #tpu.memory_space<vmem>>
      %dma_wait3A_99 = arith.constant 0 : i32
      %dma_wait3A_100 = arith.constant 0 : i32
      %dma_wait3A_101 = tpu.memref_slice %arg2[%dma_wait3A_99, %dma_wait3A_100] : memref<10240x128xf32, #tpu.memory_space<hbm>> -> memref<10240x128xf32, #tpu.memory_space<hbm>>
      tpu.wait_indirect_dma semaphore(%arg12 : memref<!tpu.dma_semaphore, #tpu.memory_space<semaphore_mem>>) src(%dma_wait3A_101 : memref<10240x128xf32, #tpu.memory_space<hbm>>) dst(%arg9 : memref<80x128xf32, #tpu.memory_space<vmem>>)
      %dma_start3A_102 = arith.constant 2 : i32
      %dma_start3A_103 = arith.constant 0 : i32
      %dma_start3A_104 = tpu.memref_slice %arg8[%dma_start3A_102, %dma_start3A_103] : memref<64x80xi32, #tpu.memory_space<vmem>> -> memref<1x80xi32, #tpu.memory_space<vmem>>
      %dma_start3A_105 = tpu.memref_squeeze %dma_start3A_104 : memref<1x80xi32, #tpu.memory_space<vmem>> -> memref<80xi32, #tpu.memory_space<vmem>>
      %dma_start3A_106 = arith.constant 0 : i32
      %dma_start3A_107 = arith.constant 0 : i32
      %dma_start3A_108 = tpu.memref_slice %arg11[%dma_start3A_106, %dma_start3A_107] : memref<10240x128xf32, #tpu.memory_space<vmem_shared>> -> memref<10240x128xf32, #tpu.memory_space<vmem_shared>>
      tpu.enqueue_indirect_dma source(%arg9 : memref<80x128xf32, #tpu.memory_space<vmem>>) target(%dma_start3A_108 : memref<10240x128xf32, #tpu.memory_space<vmem_shared>>) offsets(%dma_start3A_105 : memref<80xi32, #tpu.memory_space<vmem>>) semaphore(%arg14 : memref<!tpu.dma_semaphore, #tpu.memory_space<semaphore_mem>>) {add = true}
      %dma_wait3A_109 = arith.constant 2 : i32
      %dma_wait3A_110 = arith.constant 0 : i32
      %dma_wait3A_111 = tpu.memref_slice %arg8[%dma_wait3A_109, %dma_wait3A_110] : memref<64x80xi32, #tpu.memory_space<vmem>> -> memref<1x80xi32, #tpu.memory_space<vmem>>
      %dma_wait3A_112 = tpu.memref_squeeze %dma_wait3A_111 : memref<1x80xi32, #tpu.memory_space<vmem>> -> memref<80xi32, #tpu.memory_space<vmem>>
      %dma_wait3A_113 = arith.constant 0 : i32
      %dma_wait3A_114 = arith.constant 0 : i32
      %dma_wait3A_115 = tpu.memref_slice %arg11[%dma_wait3A_113, %dma_wait3A_114] : memref<10240x128xf32, #tpu.memory_space<vmem_shared>> -> memref<10240x128xf32, #tpu.memory_space<vmem_shared>>
      tpu.wait_indirect_dma semaphore(%arg14 : memref<!tpu.dma_semaphore, #tpu.memory_space<semaphore_mem>>) src(%arg9 : memref<80x128xf32, #tpu.memory_space<vmem>>) dst(%dma_wait3A_115 : memref<10240x128xf32, #tpu.memory_space<vmem_shared>>)
      %dma_start3A_116 = arith.constant 4 : i32
      %dma_start3A_117 = arith.constant 0 : i32
      %dma_start3A_118 = tpu.memref_slice %arg7[%dma_start3A_116, %dma_start3A_117] : memref<64x80xi32, #tpu.memory_space<vmem>> -> memref<1x80xi32, #tpu.memory_space<vmem>>
      %dma_start3A_119 = tpu.memref_squeeze %dma_start3A_118 : memref<1x80xi32, #tpu.memory_space<vmem>> -> memref<80xi32, #tpu.memory_space<vmem>>
      %dma_start3A_120 = arith.constant 0 : i32
      %dma_start3A_121 = arith.constant 0 : i32
      %dma_start3A_122 = tpu.memref_slice %arg2[%dma_start3A_120, %dma_start3A_121] : memref<10240x128xf32, #tpu.memory_space<hbm>> -> memref<10240x128xf32, #tpu.memory_space<hbm>>
      tpu.enqueue_indirect_dma source(%dma_start3A_122 : memref<10240x128xf32, #tpu.memory_space<hbm>>) target(%arg9 : memref<80x128xf32, #tpu.memory_space<vmem>>) offsets(%dma_start3A_119 : memref<80xi32, #tpu.memory_space<vmem>>) semaphore(%arg12 : memref<!tpu.dma_semaphore, #tpu.memory_space<semaphore_mem>>)
      %dma_wait3A_123 = arith.constant 3 : i32
      %dma_wait3A_124 = arith.constant 0 : i32
      %dma_wait3A_125 = tpu.memref_slice %arg7[%dma_wait3A_123, %dma_wait3A_124] : memref<64x80xi32, #tpu.memory_space<vmem>> -> memref<1x80xi32, #tpu.memory_space<vmem>>
      %dma_wait3A_126 = tpu.memref_squeeze %dma_wait3A_125 : memref<1x80xi32, #tpu.memory_space<vmem>> -> memref<80xi32, #tpu.memory_space<vmem>>
      %dma_wait3A_127 = arith.constant 0 : i32
      %dma_wait3A_128 = arith.constant 0 : i32
      %dma_wait3A_129 = tpu.memref_slice %arg2[%dma_wait3A_127, %dma_wait3A_128] : memref<10240x128xf32, #tpu.memory_space<hbm>> -> memref<10240x128xf32, #tpu.memory_space<hbm>>
      tpu.wait_indirect_dma semaphore(%arg13 : memref<!tpu.dma_semaphore, #tpu.memory_space<semaphore_mem>>) src(%dma_wait3A_129 : memref<10240x128xf32, #tpu.memory_space<hbm>>) dst(%arg10 : memref<80x128xf32, #tpu.memory_space<vmem>>)
      %dma_start3A_130 = arith.constant 3 : i32
      %dma_start3A_131 = arith.constant 0 : i32
      %dma_start3A_132 = tpu.memref_slice %arg8[%dma_start3A_130, %dma_start3A_131] : memref<64x80xi32, #tpu.memory_space<vmem>> -> memref<1x80xi32, #tpu.memory_space<vmem>>
      %dma_start3A_133 = tpu.memref_squeeze %dma_start3A_132 : memref<1x80xi32, #tpu.memory_space<vmem>> -> memref<80xi32, #tpu.memory_space<vmem>>
      %dma_start3A_134 = arith.constant 0 : i32
      %dma_start3A_135 = arith.constant 0 : i32
      %dma_start3A_136 = tpu.memref_slice %arg11[%dma_start3A_134, %dma_start3A_135] : memref<10240x128xf32, #tpu.memory_space<vmem_shared>> -> memref<10240x128xf32, #tpu.memory_space<vmem_shared>>
      tpu.enqueue_indirect_dma source(%arg10 : memref<80x128xf32, #tpu.memory_space<vmem>>) target(%dma_start3A_136 : memref<10240x128xf32, #tpu.memory_space<vmem_shared>>) offsets(%dma_start3A_133 : memref<80xi32, #tpu.memory_space<vmem>>) semaphore(%arg15 : memref<!tpu.dma_semaphore, #tpu.memory_space<semaphore_mem>>) {add = true}
      %dma_wait3A_137 = arith.constant 3 : i32
      %dma_wait3A_138 = arith.constant 0 : i32
      %dma_wait3A_139 = tpu.memref_slice %arg8[%dma_wait3A_137, %dma_wait3A_138] : memref<64x80xi32, #tpu.memory_space<vmem>> -> memref<1x80xi32, #tpu.memory_space<vmem>>
      %dma_wait3A_140 = tpu.memref_squeeze %dma_wait3A_139 : memref<1x80xi32, #tpu.memory_space<vmem>> -> memref<80xi32, #tpu.memory_space<vmem>>
      %dma_wait3A_141 = arith.constant 0 : i32
      %dma_wait3A_142 = arith.constant 0 : i32
      %dma_wait3A_143 = tpu.memref_slice %arg11[%dma_wait3A_141, %dma_wait3A_142] : memref<10240x128xf32, #tpu.memory_space<vmem_shared>> -> memref<10240x128xf32, #tpu.memory_space<vmem_shared>>
      tpu.wait_indirect_dma semaphore(%arg15 : memref<!tpu.dma_semaphore, #tpu.memory_space<semaphore_mem>>) src(%arg10 : memref<80x128xf32, #tpu.memory_space<vmem>>) dst(%dma_wait3A_143 : memref<10240x128xf32, #tpu.memory_space<vmem_shared>>)
      %dma_start3A_144 = arith.constant 5 : i32
      %dma_start3A_145 = arith.constant 0 : i32
      %dma_start3A_146 = tpu.memref_slice %arg7[%dma_start3A_144, %dma_start3A_145] : memref<64x80xi32, #tpu.memory_space<vmem>> -> memref<1x80xi32, #tpu.memory_space<vmem>>
      %dma_start3A_147 = tpu.memref_squeeze %dma_start3A_146 : memref<1x80xi32, #tpu.memory_space<vmem>> -> memref<80xi32, #tpu.memory_space<vmem>>
      %dma_start3A_148 = arith.constant 0 : i32
      %dma_start3A_149 = arith.constant 0 : i32
      %dma_start3A_150 = tpu.memref_slice %arg2[%dma_start3A_148, %dma_start3A_149] : memref<10240x128xf32, #tpu.memory_space<hbm>> -> memref<10240x128xf32, #tpu.memory_space<hbm>>
      tpu.enqueue_indirect_dma source(%dma_start3A_150 : memref<10240x128xf32, #tpu.memory_space<hbm>>) target(%arg10 : memref<80x128xf32, #tpu.memory_space<vmem>>) offsets(%dma_start3A_147 : memref<80xi32, #tpu.memory_space<vmem>>) semaphore(%arg13 : memref<!tpu.dma_semaphore, #tpu.memory_space<semaphore_mem>>)
      %dma_wait3A_151 = arith.constant 4 : i32
      %dma_wait3A_152 = arith.constant 0 : i32
      %dma_wait3A_153 = tpu.memref_slice %arg7[%dma_wait3A_151, %dma_wait3A_152] : memref<64x80xi32, #tpu.memory_space<vmem>> -> memref<1x80xi32, #tpu.memory_space<vmem>>
      %dma_wait3A_154 = tpu.memref_squeeze %dma_wait3A_153 : memref<1x80xi32, #tpu.memory_space<vmem>> -> memref<80xi32, #tpu.memory_space<vmem>>
      %dma_wait3A_155 = arith.constant 0 : i32
      %dma_wait3A_156 = arith.constant 0 : i32
      %dma_wait3A_157 = tpu.memref_slice %arg2[%dma_wait3A_155, %dma_wait3A_156] : memref<10240x128xf32, #tpu.memory_space<hbm>> -> memref<10240x128xf32, #tpu.memory_space<hbm>>
      tpu.wait_indirect_dma semaphore(%arg12 : memref<!tpu.dma_semaphore, #tpu.memory_space<semaphore_mem>>) src(%dma_wait3A_157 : memref<10240x128xf32, #tpu.memory_space<hbm>>) dst(%arg9 : memref<80x128xf32, #tpu.memory_space<vmem>>)
      %dma_start3A_158 = arith.constant 4 : i32
      %dma_start3A_159 = arith.constant 0 : i32
      %dma_start3A_160 = tpu.memref_slice %arg8[%dma_start3A_158, %dma_start3A_159] : memref<64x80xi32, #tpu.memory_space<vmem>> -> memref<1x80xi32, #tpu.memory_space<vmem>>
      %dma_start3A_161 = tpu.memref_squeeze %dma_start3A_160 : memref<1x80xi32, #tpu.memory_space<vmem>> -> memref<80xi32, #tpu.memory_space<vmem>>
      %dma_start3A_162 = arith.constant 0 : i32
      %dma_start3A_163 = arith.constant 0 : i32
      %dma_start3A_164 = tpu.memref_slice %arg11[%dma_start3A_162, %dma_start3A_163] : memref<10240x128xf32, #tpu.memory_space<vmem_shared>> -> memref<10240x128xf32, #tpu.memory_space<vmem_shared>>
      tpu.enqueue_indirect_dma source(%arg9 : memref<80x128xf32, #tpu.memory_space<vmem>>) target(%dma_start3A_164 : memref<10240x128xf32, #tpu.memory_space<vmem_shared>>) offsets(%dma_start3A_161 : memref<80xi32, #tpu.memory_space<vmem>>) semaphore(%arg14 : memref<!tpu.dma_semaphore, #tpu.memory_space<semaphore_mem>>) {add = true}
      %dma_wait3A_165 = arith.constant 4 : i32
      %dma_wait3A_166 = arith.constant 0 : i32
      %dma_wait3A_167 = tpu.memref_slice %arg8[%dma_wait3A_165, %dma_wait3A_166] : memref<64x80xi32, #tpu.memory_space<vmem>> -> memref<1x80xi32, #tpu.memory_space<vmem>>
      %dma_wait3A_168 = tpu.memref_squeeze %dma_wait3A_167 : memref<1x80xi32, #tpu.memory_space<vmem>> -> memref<80xi32, #tpu.memory_space<vmem>>
      %dma_wait3A_169 = arith.constant 0 : i32
      %dma_wait3A_170 = arith.constant 0 : i32
      %dma_wait3A_171 = tpu.memref_slice %arg11[%dma_wait3A_169, %dma_wait3A_170] : memref<10240x128xf32, #tpu.memory_space<vmem_shared>> -> memref<10240x128xf32, #tpu.memory_space<vmem_shared>>
      tpu.wait_indirect_dma semaphore(%arg14 : memref<!tpu.dma_semaphore, #tpu.memory_space<semaphore_mem>>) src(%arg9 : memref<80x128xf32, #tpu.memory_space<vmem>>) dst(%dma_wait3A_171 : memref<10240x128xf32, #tpu.memory_space<vmem_shared>>)
      %dma_start3A_172 = arith.constant 6 : i32
      %dma_start3A_173 = arith.constant 0 : i32
      %dma_start3A_174 = tpu.memref_slice %arg7[%dma_start3A_172, %dma_start3A_173] : memref<64x80xi32, #tpu.memory_space<vmem>> -> memref<1x80xi32, #tpu.memory_space<vmem>>
      %dma_start3A_175 = tpu.memref_squeeze %dma_start3A_174 : memref<1x80xi32, #tpu.memory_space<vmem>> -> memref<80xi32, #tpu.memory_space<vmem>>
      %dma_start3A_176 = arith.constant 0 : i32
      %dma_start3A_177 = arith.constant 0 : i32
      %dma_start3A_178 = tpu.memref_slice %arg2[%dma_start3A_176, %dma_start3A_177] : memref<10240x128xf32, #tpu.memory_space<hbm>> -> memref<10240x128xf32, #tpu.memory_space<hbm>>
      tpu.enqueue_indirect_dma source(%dma_start3A_178 : memref<10240x128xf32, #tpu.memory_space<hbm>>) target(%arg9 : memref<80x128xf32, #tpu.memory_space<vmem>>) offsets(%dma_start3A_175 : memref<80xi32, #tpu.memory_space<vmem>>) semaphore(%arg12 : memref<!tpu.dma_semaphore, #tpu.memory_space<semaphore_mem>>)
      %dma_wait3A_179 = arith.constant 5 : i32
      %dma_wait3A_180 = arith.constant 0 : i32
      %dma_wait3A_181 = tpu.memref_slice %arg7[%dma_wait3A_179, %dma_wait3A_180] : memref<64x80xi32, #tpu.memory_space<vmem>> -> memref<1x80xi32, #tpu.memory_space<vmem>>
      %dma_wait3A_182 = tpu.memref_squeeze %dma_wait3A_181 : memref<1x80xi32, #tpu.memory_space<vmem>> -> memref<80xi32, #tpu.memory_space<vmem>>
      %dma_wait3A_183 = arith.constant 0 : i32
      %dma_wait3A_184 = arith.constant 0 : i32
      %dma_wait3A_185 = tpu.memref_slice %arg2[%dma_wait3A_183, %dma_wait3A_184] : memref<10240x128xf32, #tpu.memory_space<hbm>> -> memref<10240x128xf32, #tpu.memory_space<hbm>>
      tpu.wait_indirect_dma semaphore(%arg13 : memref<!tpu.dma_semaphore, #tpu.memory_space<semaphore_mem>>) src(%dma_wait3A_185 : memref<10240x128xf32, #tpu.memory_space<hbm>>) dst(%arg10 : memref<80x128xf32, #tpu.memory_space<vmem>>)
      %dma_start3A_186 = arith.constant 5 : i32
      %dma_start3A_187 = arith.constant 0 : i32
      %dma_start3A_188 = tpu.memref_slice %arg8[%dma_start3A_186, %dma_start3A_187] : memref<64x80xi32, #tpu.memory_space<vmem>> -> memref<1x80xi32, #tpu.memory_space<vmem>>
      %dma_start3A_189 = tpu.memref_squeeze %dma_start3A_188 : memref<1x80xi32, #tpu.memory_space<vmem>> -> memref<80xi32, #tpu.memory_space<vmem>>
      %dma_start3A_190 = arith.constant 0 : i32
      %dma_start3A_191 = arith.constant 0 : i32
      %dma_start3A_192 = tpu.memref_slice %arg11[%dma_start3A_190, %dma_start3A_191] : memref<10240x128xf32, #tpu.memory_space<vmem_shared>> -> memref<10240x128xf32, #tpu.memory_space<vmem_shared>>
      tpu.enqueue_indirect_dma source(%arg10 : memref<80x128xf32, #tpu.memory_space<vmem>>) target(%dma_start3A_192 : memref<10240x128xf32, #tpu.memory_space<vmem_shared>>) offsets(%dma_start3A_189 : memref<80xi32, #tpu.memory_space<vmem>>) semaphore(%arg15 : memref<!tpu.dma_semaphore, #tpu.memory_space<semaphore_mem>>) {add = true}
      %dma_wait3A_193 = arith.constant 5 : i32
      %dma_wait3A_194 = arith.constant 0 : i32
      %dma_wait3A_195 = tpu.memref_slice %arg8[%dma_wait3A_193, %dma_wait3A_194] : memref<64x80xi32, #tpu.memory_space<vmem>> -> memref<1x80xi32, #tpu.memory_space<vmem>>
      %dma_wait3A_196 = tpu.memref_squeeze %dma_wait3A_195 : memref<1x80xi32, #tpu.memory_space<vmem>> -> memref<80xi32, #tpu.memory_space<vmem>>
      %dma_wait3A_197 = arith.constant 0 : i32
      %dma_wait3A_198 = arith.constant 0 : i32
      %dma_wait3A_199 = tpu.memref_slice %arg11[%dma_wait3A_197, %dma_wait3A_198] : memref<10240x128xf32, #tpu.memory_space<vmem_shared>> -> memref<10240x128xf32, #tpu.memory_space<vmem_shared>>
      tpu.wait_indirect_dma semaphore(%arg15 : memref<!tpu.dma_semaphore, #tpu.memory_space<semaphore_mem>>) src(%arg10 : memref<80x128xf32, #tpu.memory_space<vmem>>) dst(%dma_wait3A_199 : memref<10240x128xf32, #tpu.memory_space<vmem_shared>>)
      %dma_start3A_200 = arith.constant 7 : i32
      %dma_start3A_201 = arith.constant 0 : i32
      %dma_start3A_202 = tpu.memref_slice %arg7[%dma_start3A_200, %dma_start3A_201] : memref<64x80xi32, #tpu.memory_space<vmem>> -> memref<1x80xi32, #tpu.memory_space<vmem>>
      %dma_start3A_203 = tpu.memref_squeeze %dma_start3A_202 : memref<1x80xi32, #tpu.memory_space<vmem>> -> memref<80xi32, #tpu.memory_space<vmem>>
      %dma_start3A_204 = arith.constant 0 : i32
      %dma_start3A_205 = arith.constant 0 : i32
      %dma_start3A_206 = tpu.memref_slice %arg2[%dma_start3A_204, %dma_start3A_205] : memref<10240x128xf32, #tpu.memory_space<hbm>> -> memref<10240x128xf32, #tpu.memory_space<hbm>>
      tpu.enqueue_indirect_dma source(%dma_start3A_206 : memref<10240x128xf32, #tpu.memory_space<hbm>>) target(%arg10 : memref<80x128xf32, #tpu.memory_space<vmem>>) offsets(%dma_start3A_203 : memref<80xi32, #tpu.memory_space<vmem>>) semaphore(%arg13 : memref<!tpu.dma_semaphore, #tpu.memory_space<semaphore_mem>>)
      %dma_wait3A_207 = arith.constant 6 : i32
      %dma_wait3A_208 = arith.constant 0 : i32
      %dma_wait3A_209 = tpu.memref_slice %arg7[%dma_wait3A_207, %dma_wait3A_208] : memref<64x80xi32, #tpu.memory_space<vmem>> -> memref<1x80xi32, #tpu.memory_space<vmem>>
      %dma_wait3A_210 = tpu.memref_squeeze %dma_wait3A_209 : memref<1x80xi32, #tpu.memory_space<vmem>> -> memref<80xi32, #tpu.memory_space<vmem>>
      %dma_wait3A_211 = arith.constant 0 : i32
      %dma_wait3A_212 = arith.constant 0 : i32
      %dma_wait3A_213 = tpu.memref_slice %arg2[%dma_wait3A_211, %dma_wait3A_212] : memref<10240x128xf32, #tpu.memory_space<hbm>> -> memref<10240x128xf32, #tpu.memory_space<hbm>>
      tpu.wait_indirect_dma semaphore(%arg12 : memref<!tpu.dma_semaphore, #tpu.memory_space<semaphore_mem>>) src(%dma_wait3A_213 : memref<10240x128xf32, #tpu.memory_space<hbm>>) dst(%arg9 : memref<80x128xf32, #tpu.memory_space<vmem>>)
      %dma_start3A_214 = arith.constant 6 : i32
      %dma_start3A_215 = arith.constant 0 : i32
      %dma_start3A_216 = tpu.memref_slice %arg8[%dma_start3A_214, %dma_start3A_215] : memref<64x80xi32, #tpu.memory_space<vmem>> -> memref<1x80xi32, #tpu.memory_space<vmem>>
      %dma_start3A_217 = tpu.memref_squeeze %dma_start3A_216 : memref<1x80xi32, #tpu.memory_space<vmem>> -> memref<80xi32, #tpu.memory_space<vmem>>
      %dma_start3A_218 = arith.constant 0 : i32
      %dma_start3A_219 = arith.constant 0 : i32
      %dma_start3A_220 = tpu.memref_slice %arg11[%dma_start3A_218, %dma_start3A_219] : memref<10240x128xf32, #tpu.memory_space<vmem_shared>> -> memref<10240x128xf32, #tpu.memory_space<vmem_shared>>
      tpu.enqueue_indirect_dma source(%arg9 : memref<80x128xf32, #tpu.memory_space<vmem>>) target(%dma_start3A_220 : memref<10240x128xf32, #tpu.memory_space<vmem_shared>>) offsets(%dma_start3A_217 : memref<80xi32, #tpu.memory_space<vmem>>) semaphore(%arg14 : memref<!tpu.dma_semaphore, #tpu.memory_space<semaphore_mem>>) {add = true}
      %dma_wait3A_221 = arith.constant 6 : i32
      %dma_wait3A_222 = arith.constant 0 : i32
      %dma_wait3A_223 = tpu.memref_slice %arg8[%dma_wait3A_221, %dma_wait3A_222] : memref<64x80xi32, #tpu.memory_space<vmem>> -> memref<1x80xi32, #tpu.memory_space<vmem>>
      %dma_wait3A_224 = tpu.memref_squeeze %dma_wait3A_223 : memref<1x80xi32, #tpu.memory_space<vmem>> -> memref<80xi32, #tpu.memory_space<vmem>>
      %dma_wait3A_225 = arith.constant 0 : i32
      %dma_wait3A_226 = arith.constant 0 : i32
      %dma_wait3A_227 = tpu.memref_slice %arg11[%dma_wait3A_225, %dma_wait3A_226] : memref<10240x128xf32, #tpu.memory_space<vmem_shared>> -> memref<10240x128xf32, #tpu.memory_space<vmem_shared>>
      tpu.wait_indirect_dma semaphore(%arg14 : memref<!tpu.dma_semaphore, #tpu.memory_space<semaphore_mem>>) src(%arg9 : memref<80x128xf32, #tpu.memory_space<vmem>>) dst(%dma_wait3A_227 : memref<10240x128xf32, #tpu.memory_space<vmem_shared>>)
      %dma_start3A_228 = arith.constant 8 : i32
      %dma_start3A_229 = arith.constant 0 : i32
      %dma_start3A_230 = tpu.memref_slice %arg7[%dma_start3A_228, %dma_start3A_229] : memref<64x80xi32, #tpu.memory_space<vmem>> -> memref<1x80xi32, #tpu.memory_space<vmem>>
      %dma_start3A_231 = tpu.memref_squeeze %dma_start3A_230 : memref<1x80xi32, #tpu.memory_space<vmem>> -> memref<80xi32, #tpu.memory_space<vmem>>
      %dma_start3A_232 = arith.constant 0 : i32
      %dma_start3A_233 = arith.constant 0 : i32
      %dma_start3A_234 = tpu.memref_slice %arg2[%dma_start3A_232, %dma_start3A_233] : memref<10240x128xf32, #tpu.memory_space<hbm>> -> memref<10240x128xf32, #tpu.memory_space<hbm>>
      tpu.enqueue_indirect_dma source(%dma_start3A_234 : memref<10240x128xf32, #tpu.memory_space<hbm>>) target(%arg9 : memref<80x128xf32, #tpu.memory_space<vmem>>) offsets(%dma_start3A_231 : memref<80xi32, #tpu.memory_space<vmem>>) semaphore(%arg12 : memref<!tpu.dma_semaphore, #tpu.memory_space<semaphore_mem>>)
      %dma_wait3A_235 = arith.constant 7 : i32
      %dma_wait3A_236 = arith.constant 0 : i32
      %dma_wait3A_237 = tpu.memref_slice %arg7[%dma_wait3A_235, %dma_wait3A_236] : memref<64x80xi32, #tpu.memory_space<vmem>> -> memref<1x80xi32, #tpu.memory_space<vmem>>
      %dma_wait3A_238 = tpu.memref_squeeze %dma_wait3A_237 : memref<1x80xi32, #tpu.memory_space<vmem>> -> memref<80xi32, #tpu.memory_space<vmem>>
      %dma_wait3A_239 = arith.constant 0 : i32
      %dma_wait3A_240 = arith.constant 0 : i32
      %dma_wait3A_241 = tpu.memref_slice %arg2[%dma_wait3A_239, %dma_wait3A_240] : memref<10240x128xf32, #tpu.memory_space<hbm>> -> memref<10240x128xf32, #tpu.memory_space<hbm>>
      tpu.wait_indirect_dma semaphore(%arg13 : memref<!tpu.dma_semaphore, #tpu.memory_space<semaphore_mem>>) src(%dma_wait3A_241 : memref<10240x128xf32, #tpu.memory_space<hbm>>) dst(%arg10 : memref<80x128xf32, #tpu.memory_space<vmem>>)
      %dma_start3A_242 = arith.constant 7 : i32
      %dma_start3A_243 = arith.constant 0 : i32
      %dma_start3A_244 = tpu.memref_slice %arg8[%dma_start3A_242, %dma_start3A_243] : memref<64x80xi32, #tpu.memory_space<vmem>> -> memref<1x80xi32, #tpu.memory_space<vmem>>
      %dma_start3A_245 = tpu.memref_squeeze %dma_start3A_244 : memref<1x80xi32, #tpu.memory_space<vmem>> -> memref<80xi32, #tpu.memory_space<vmem>>
      %dma_start3A_246 = arith.constant 0 : i32
      %dma_start3A_247 = arith.constant 0 : i32
      %dma_start3A_248 = tpu.memref_slice %arg11[%dma_start3A_246, %dma_start3A_247] : memref<10240x128xf32, #tpu.memory_space<vmem_shared>> -> memref<10240x128xf32, #tpu.memory_space<vmem_shared>>
      tpu.enqueue_indirect_dma source(%arg10 : memref<80x128xf32, #tpu.memory_space<vmem>>) target(%dma_start3A_248 : memref<10240x128xf32, #tpu.memory_space<vmem_shared>>) offsets(%dma_start3A_245 : memref<80xi32, #tpu.memory_space<vmem>>) semaphore(%arg15 : memref<!tpu.dma_semaphore, #tpu.memory_space<semaphore_mem>>) {add = true}
      %dma_wait3A_249 = arith.constant 7 : i32
      %dma_wait3A_250 = arith.constant 0 : i32
      %dma_wait3A_251 = tpu.memref_slice %arg8[%dma_wait3A_249, %dma_wait3A_250] : memref<64x80xi32, #tpu.memory_space<vmem>> -> memref<1x80xi32, #tpu.memory_space<vmem>>
      %dma_wait3A_252 = tpu.memref_squeeze %dma_wait3A_251 : memref<1x80xi32, #tpu.memory_space<vmem>> -> memref<80xi32, #tpu.memory_space<vmem>>
      %dma_wait3A_253 = arith.constant 0 : i32
      %dma_wait3A_254 = arith.constant 0 : i32
      %dma_wait3A_255 = tpu.memref_slice %arg11[%dma_wait3A_253, %dma_wait3A_254] : memref<10240x128xf32, #tpu.memory_space<vmem_shared>> -> memref<10240x128xf32, #tpu.memory_space<vmem_shared>>
      tpu.wait_indirect_dma semaphore(%arg15 : memref<!tpu.dma_semaphore, #tpu.memory_space<semaphore_mem>>) src(%arg10 : memref<80x128xf32, #tpu.memory_space<vmem>>) dst(%dma_wait3A_255 : memref<10240x128xf32, #tpu.memory_space<vmem_shared>>)
      %dma_start3A_256 = arith.constant 9 : i32
      %dma_start3A_257 = arith.constant 0 : i32
      %dma_start3A_258 = tpu.memref_slice %arg7[%dma_start3A_256, %dma_start3A_257] : memref<64x80xi32, #tpu.memory_space<vmem>> -> memref<1x80xi32, #tpu.memory_space<vmem>>
      %dma_start3A_259 = tpu.memref_squeeze %dma_start3A_258 : memref<1x80xi32, #tpu.memory_space<vmem>> -> memref<80xi32, #tpu.memory_space<vmem>>
      %dma_start3A_260 = arith.constant 0 : i32
      %dma_start3A_261 = arith.constant 0 : i32
      %dma_start3A_262 = tpu.memref_slice %arg2[%dma_start3A_260, %dma_start3A_261] : memref<10240x128xf32, #tpu.memory_space<hbm>> -> memref<10240x128xf32, #tpu.memory_space<hbm>>
      tpu.enqueue_indirect_dma source(%dma_start3A_262 : memref<10240x128xf32, #tpu.memory_space<hbm>>) target(%arg10 : memref<80x128xf32, #tpu.memory_space<vmem>>) offsets(%dma_start3A_259 : memref<80xi32, #tpu.memory_space<vmem>>) semaphore(%arg13 : memref<!tpu.dma_semaphore, #tpu.memory_space<semaphore_mem>>)
      %dma_wait3A_263 = arith.constant 8 : i32
      %dma_wait3A_264 = arith.constant 0 : i32
      %dma_wait3A_265 = tpu.memref_slice %arg7[%dma_wait3A_263, %dma_wait3A_264] : memref<64x80xi32, #tpu.memory_space<vmem>> -> memref<1x80xi32, #tpu.memory_space<vmem>>
      %dma_wait3A_266 = tpu.memref_squeeze %dma_wait3A_265 : memref<1x80xi32, #tpu.memory_space<vmem>> -> memref<80xi32, #tpu.memory_space<vmem>>
      %dma_wait3A_267 = arith.constant 0 : i32
      %dma_wait3A_268 = arith.constant 0 : i32
      %dma_wait3A_269 = tpu.memref_slice %arg2[%dma_wait3A_267, %dma_wait3A_268] : memref<10240x128xf32, #tpu.memory_space<hbm>> -> memref<10240x128xf32, #tpu.memory_space<hbm>>
      tpu.wait_indirect_dma semaphore(%arg12 : memref<!tpu.dma_semaphore, #tpu.memory_space<semaphore_mem>>) src(%dma_wait3A_269 : memref<10240x128xf32, #tpu.memory_space<hbm>>) dst(%arg9 : memref<80x128xf32, #tpu.memory_space<vmem>>)
      %dma_start3A_270 = arith.constant 8 : i32
      %dma_start3A_271 = arith.constant 0 : i32
      %dma_start3A_272 = tpu.memref_slice %arg8[%dma_start3A_270, %dma_start3A_271] : memref<64x80xi32, #tpu.memory_space<vmem>> -> memref<1x80xi32, #tpu.memory_space<vmem>>
      %dma_start3A_273 = tpu.memref_squeeze %dma_start3A_272 : memref<1x80xi32, #tpu.memory_space<vmem>> -> memref<80xi32, #tpu.memory_space<vmem>>
      %dma_start3A_274 = arith.constant 0 : i32
      %dma_start3A_275 = arith.constant 0 : i32
      %dma_start3A_276 = tpu.memref_slice %arg11[%dma_start3A_274, %dma_start3A_275] : memref<10240x128xf32, #tpu.memory_space<vmem_shared>> -> memref<10240x128xf32, #tpu.memory_space<vmem_shared>>
      tpu.enqueue_indirect_dma source(%arg9 : memref<80x128xf32, #tpu.memory_space<vmem>>) target(%dma_start3A_276 : memref<10240x128xf32, #tpu.memory_space<vmem_shared>>) offsets(%dma_start3A_273 : memref<80xi32, #tpu.memory_space<vmem>>) semaphore(%arg14 : memref<!tpu.dma_semaphore, #tpu.memory_space<semaphore_mem>>) {add = true}
      %dma_wait3A_277 = arith.constant 8 : i32
      %dma_wait3A_278 = arith.constant 0 : i32
      %dma_wait3A_279 = tpu.memref_slice %arg8[%dma_wait3A_277, %dma_wait3A_278] : memref<64x80xi32, #tpu.memory_space<vmem>> -> memref<1x80xi32, #tpu.memory_space<vmem>>
      %dma_wait3A_280 = tpu.memref_squeeze %dma_wait3A_279 : memref<1x80xi32, #tpu.memory_space<vmem>> -> memref<80xi32, #tpu.memory_space<vmem>>
      %dma_wait3A_281 = arith.constant 0 : i32
      %dma_wait3A_282 = arith.constant 0 : i32
      %dma_wait3A_283 = tpu.memref_slice %arg11[%dma_wait3A_281, %dma_wait3A_282] : memref<10240x128xf32, #tpu.memory_space<vmem_shared>> -> memref<10240x128xf32, #tpu.memory_space<vmem_shared>>
      tpu.wait_indirect_dma semaphore(%arg14 : memref<!tpu.dma_semaphore, #tpu.memory_space<semaphore_mem>>) src(%arg9 : memref<80x128xf32, #tpu.memory_space<vmem>>) dst(%dma_wait3A_283 : memref<10240x128xf32, #tpu.memory_space<vmem_shared>>)
      %dma_start3A_284 = arith.constant 10 : i32
      %dma_start3A_285 = arith.constant 0 : i32
      %dma_start3A_286 = tpu.memref_slice %arg7[%dma_start3A_284, %dma_start3A_285] : memref<64x80xi32, #tpu.memory_space<vmem>> -> memref<1x80xi32, #tpu.memory_space<vmem>>
      %dma_start3A_287 = tpu.memref_squeeze %dma_start3A_286 : memref<1x80xi32, #tpu.memory_space<vmem>> -> memref<80xi32, #tpu.memory_space<vmem>>
      %dma_start3A_288 = arith.constant 0 : i32
      %dma_start3A_289 = arith.constant 0 : i32
      %dma_start3A_290 = tpu.memref_slice %arg2[%dma_start3A_288, %dma_start3A_289] : memref<10240x128xf32, #tpu.memory_space<hbm>> -> memref<10240x128xf32, #tpu.memory_space<hbm>>
      tpu.enqueue_indirect_dma source(%dma_start3A_290 : memref<10240x128xf32, #tpu.memory_space<hbm>>) target(%arg9 : memref<80x128xf32, #tpu.memory_space<vmem>>) offsets(%dma_start3A_287 : memref<80xi32, #tpu.memory_space<vmem>>) semaphore(%arg12 : memref<!tpu.dma_semaphore, #tpu.memory_space<semaphore_mem>>)
      %dma_wait3A_291 = arith.constant 9 : i32
      %dma_wait3A_292 = arith.constant 0 : i32
      %dma_wait3A_293 = tpu.memref_slice %arg7[%dma_wait3A_291, %dma_wait3A_292] : memref<64x80xi32, #tpu.memory_space<vmem>> -> memref<1x80xi32, #tpu.memory_space<vmem>>
      %dma_wait3A_294 = tpu.memref_squeeze %dma_wait3A_293 : memref<1x80xi32, #tpu.memory_space<vmem>> -> memref<80xi32, #tpu.memory_space<vmem>>
      %dma_wait3A_295 = arith.constant 0 : i32
      %dma_wait3A_296 = arith.constant 0 : i32
      %dma_wait3A_297 = tpu.memref_slice %arg2[%dma_wait3A_295, %dma_wait3A_296] : memref<10240x128xf32, #tpu.memory_space<hbm>> -> memref<10240x128xf32, #tpu.memory_space<hbm>>
      tpu.wait_indirect_dma semaphore(%arg13 : memref<!tpu.dma_semaphore, #tpu.memory_space<semaphore_mem>>) src(%dma_wait3A_297 : memref<10240x128xf32, #tpu.memory_space<hbm>>) dst(%arg10 : memref<80x128xf32, #tpu.memory_space<vmem>>)
      %dma_start3A_298 = arith.constant 9 : i32
      %dma_start3A_299 = arith.constant 0 : i32
      %dma_start3A_300 = tpu.memref_slice %arg8[%dma_start3A_298, %dma_start3A_299] : memref<64x80xi32, #tpu.memory_space<vmem>> -> memref<1x80xi32, #tpu.memory_space<vmem>>
      %dma_start3A_301 = tpu.memref_squeeze %dma_start3A_300 : memref<1x80xi32, #tpu.memory_space<vmem>> -> memref<80xi32, #tpu.memory_space<vmem>>
      %dma_start3A_302 = arith.constant 0 : i32
      %dma_start3A_303 = arith.constant 0 : i32
      %dma_start3A_304 = tpu.memref_slice %arg11[%dma_start3A_302, %dma_start3A_303] : memref<10240x128xf32, #tpu.memory_space<vmem_shared>> -> memref<10240x128xf32, #tpu.memory_space<vmem_shared>>
      tpu.enqueue_indirect_dma source(%arg10 : memref<80x128xf32, #tpu.memory_space<vmem>>) target(%dma_start3A_304 : memref<10240x128xf32, #tpu.memory_space<vmem_shared>>) offsets(%dma_start3A_301 : memref<80xi32, #tpu.memory_space<vmem>>) semaphore(%arg15 : memref<!tpu.dma_semaphore, #tpu.memory_space<semaphore_mem>>) {add = true}
      %dma_wait3A_305 = arith.constant 9 : i32
      %dma_wait3A_306 = arith.constant 0 : i32
      %dma_wait3A_307 = tpu.memref_slice %arg8[%dma_wait3A_305, %dma_wait3A_306] : memref<64x80xi32, #tpu.memory_space<vmem>> -> memref<1x80xi32, #tpu.memory_space<vmem>>
      %dma_wait3A_308 = tpu.memref_squeeze %dma_wait3A_307 : memref<1x80xi32, #tpu.memory_space<vmem>> -> memref<80xi32, #tpu.memory_space<vmem>>
      %dma_wait3A_309 = arith.constant 0 : i32
      %dma_wait3A_310 = arith.constant 0 : i32
      %dma_wait3A_311 = tpu.memref_slice %arg11[%dma_wait3A_309, %dma_wait3A_310] : memref<10240x128xf32, #tpu.memory_space<vmem_shared>> -> memref<10240x128xf32, #tpu.memory_space<vmem_shared>>
      tpu.wait_indirect_dma semaphore(%arg15 : memref<!tpu.dma_semaphore, #tpu.memory_space<semaphore_mem>>) src(%arg10 : memref<80x128xf32, #tpu.memory_space<vmem>>) dst(%dma_wait3A_311 : memref<10240x128xf32, #tpu.memory_space<vmem_shared>>)
      %dma_start3A_312 = arith.constant 11 : i32
      %dma_start3A_313 = arith.constant 0 : i32
      %dma_start3A_314 = tpu.memref_slice %arg7[%dma_start3A_312, %dma_start3A_313] : memref<64x80xi32, #tpu.memory_space<vmem>> -> memref<1x80xi32, #tpu.memory_space<vmem>>
      %dma_start3A_315 = tpu.memref_squeeze %dma_start3A_314 : memref<1x80xi32, #tpu.memory_space<vmem>> -> memref<80xi32, #tpu.memory_space<vmem>>
      %dma_start3A_316 = arith.constant 0 : i32
      %dma_start3A_317 = arith.constant 0 : i32
      %dma_start3A_318 = tpu.memref_slice %arg2[%dma_start3A_316, %dma_start3A_317] : memref<10240x128xf32, #tpu.memory_space<hbm>> -> memref<10240x128xf32, #tpu.memory_space<hbm>>
      tpu.enqueue_indirect_dma source(%dma_start3A_318 : memref<10240x128xf32, #tpu.memory_space<hbm>>) target(%arg10 : memref<80x128xf32, #tpu.memory_space<vmem>>) offsets(%dma_start3A_315 : memref<80xi32, #tpu.memory_space<vmem>>) semaphore(%arg13 : memref<!tpu.dma_semaphore, #tpu.memory_space<semaphore_mem>>)
      %dma_wait3A_319 = arith.constant 10 : i32
      %dma_wait3A_320 = arith.constant 0 : i32
      %dma_wait3A_321 = tpu.memref_slice %arg7[%dma_wait3A_319, %dma_wait3A_320] : memref<64x80xi32, #tpu.memory_space<vmem>> -> memref<1x80xi32, #tpu.memory_space<vmem>>
      %dma_wait3A_322 = tpu.memref_squeeze %dma_wait3A_321 : memref<1x80xi32, #tpu.memory_space<vmem>> -> memref<80xi32, #tpu.memory_space<vmem>>
      %dma_wait3A_323 = arith.constant 0 : i32
      %dma_wait3A_324 = arith.constant 0 : i32
      %dma_wait3A_325 = tpu.memref_slice %arg2[%dma_wait3A_323, %dma_wait3A_324] : memref<10240x128xf32, #tpu.memory_space<hbm>> -> memref<10240x128xf32, #tpu.memory_space<hbm>>
      tpu.wait_indirect_dma semaphore(%arg12 : memref<!tpu.dma_semaphore, #tpu.memory_space<semaphore_mem>>) src(%dma_wait3A_325 : memref<10240x128xf32, #tpu.memory_space<hbm>>) dst(%arg9 : memref<80x128xf32, #tpu.memory_space<vmem>>)
      %dma_start3A_326 = arith.constant 10 : i32
      %dma_start3A_327 = arith.constant 0 : i32
      %dma_start3A_328 = tpu.memref_slice %arg8[%dma_start3A_326, %dma_start3A_327] : memref<64x80xi32, #tpu.memory_space<vmem>> -> memref<1x80xi32, #tpu.memory_space<vmem>>
      %dma_start3A_329 = tpu.memref_squeeze %dma_start3A_328 : memref<1x80xi32, #tpu.memory_space<vmem>> -> memref<80xi32, #tpu.memory_space<vmem>>
      %dma_start3A_330 = arith.constant 0 : i32
      %dma_start3A_331 = arith.constant 0 : i32
      %dma_start3A_332 = tpu.memref_slice %arg11[%dma_start3A_330, %dma_start3A_331] : memref<10240x128xf32, #tpu.memory_space<vmem_shared>> -> memref<10240x128xf32, #tpu.memory_space<vmem_shared>>
      tpu.enqueue_indirect_dma source(%arg9 : memref<80x128xf32, #tpu.memory_space<vmem>>) target(%dma_start3A_332 : memref<10240x128xf32, #tpu.memory_space<vmem_shared>>) offsets(%dma_start3A_329 : memref<80xi32, #tpu.memory_space<vmem>>) semaphore(%arg14 : memref<!tpu.dma_semaphore, #tpu.memory_space<semaphore_mem>>) {add = true}
      %dma_wait3A_333 = arith.constant 10 : i32
      %dma_wait3A_334 = arith.constant 0 : i32
      %dma_wait3A_335 = tpu.memref_slice %arg8[%dma_wait3A_333, %dma_wait3A_334] : memref<64x80xi32, #tpu.memory_space<vmem>> -> memref<1x80xi32, #tpu.memory_space<vmem>>
      %dma_wait3A_336 = tpu.memref_squeeze %dma_wait3A_335 : memref<1x80xi32, #tpu.memory_space<vmem>> -> memref<80xi32, #tpu.memory_space<vmem>>
      %dma_wait3A_337 = arith.constant 0 : i32
      %dma_wait3A_338 = arith.constant 0 : i32
      %dma_wait3A_339 = tpu.memref_slice %arg11[%dma_wait3A_337, %dma_wait3A_338] : memref<10240x128xf32, #tpu.memory_space<vmem_shared>> -> memref<10240x128xf32, #tpu.memory_space<vmem_shared>>
      tpu.wait_indirect_dma semaphore(%arg14 : memref<!tpu.dma_semaphore, #tpu.memory_space<semaphore_mem>>) src(%arg9 : memref<80x128xf32, #tpu.memory_space<vmem>>) dst(%dma_wait3A_339 : memref<10240x128xf32, #tpu.memory_space<vmem_shared>>)
      %dma_start3A_340 = arith.constant 12 : i32
      %dma_start3A_341 = arith.constant 0 : i32
      %dma_start3A_342 = tpu.memref_slice %arg7[%dma_start3A_340, %dma_start3A_341] : memref<64x80xi32, #tpu.memory_space<vmem>> -> memref<1x80xi32, #tpu.memory_space<vmem>>
      %dma_start3A_343 = tpu.memref_squeeze %dma_start3A_342 : memref<1x80xi32, #tpu.memory_space<vmem>> -> memref<80xi32, #tpu.memory_space<vmem>>
      %dma_start3A_344 = arith.constant 0 : i32
      %dma_start3A_345 = arith.constant 0 : i32
      %dma_start3A_346 = tpu.memref_slice %arg2[%dma_start3A_344, %dma_start3A_345] : memref<10240x128xf32, #tpu.memory_space<hbm>> -> memref<10240x128xf32, #tpu.memory_space<hbm>>
      tpu.enqueue_indirect_dma source(%dma_start3A_346 : memref<10240x128xf32, #tpu.memory_space<hbm>>) target(%arg9 : memref<80x128xf32, #tpu.memory_space<vmem>>) offsets(%dma_start3A_343 : memref<80xi32, #tpu.memory_space<vmem>>) semaphore(%arg12 : memref<!tpu.dma_semaphore, #tpu.memory_space<semaphore_mem>>)
      %dma_wait3A_347 = arith.constant 11 : i32
      %dma_wait3A_348 = arith.constant 0 : i32
      %dma_wait3A_349 = tpu.memref_slice %arg7[%dma_wait3A_347, %dma_wait3A_348] : memref<64x80xi32, #tpu.memory_space<vmem>> -> memref<1x80xi32, #tpu.memory_space<vmem>>
      %dma_wait3A_350 = tpu.memref_squeeze %dma_wait3A_349 : memref<1x80xi32, #tpu.memory_space<vmem>> -> memref<80xi32, #tpu.memory_space<vmem>>
      %dma_wait3A_351 = arith.constant 0 : i32
      %dma_wait3A_352 = arith.constant 0 : i32
      %dma_wait3A_353 = tpu.memref_slice %arg2[%dma_wait3A_351, %dma_wait3A_352] : memref<10240x128xf32, #tpu.memory_space<hbm>> -> memref<10240x128xf32, #tpu.memory_space<hbm>>
      tpu.wait_indirect_dma semaphore(%arg13 : memref<!tpu.dma_semaphore, #tpu.memory_space<semaphore_mem>>) src(%dma_wait3A_353 : memref<10240x128xf32, #tpu.memory_space<hbm>>) dst(%arg10 : memref<80x128xf32, #tpu.memory_space<vmem>>)
      %dma_start3A_354 = arith.constant 11 : i32
      %dma_start3A_355 = arith.constant 0 : i32
      %dma_start3A_356 = tpu.memref_slice %arg8[%dma_start3A_354, %dma_start3A_355] : memref<64x80xi32, #tpu.memory_space<vmem>> -> memref<1x80xi32, #tpu.memory_space<vmem>>
      %dma_start3A_357 = tpu.memref_squeeze %dma_start3A_356 : memref<1x80xi32, #tpu.memory_space<vmem>> -> memref<80xi32, #tpu.memory_space<vmem>>
      %dma_start3A_358 = arith.constant 0 : i32
      %dma_start3A_359 = arith.constant 0 : i32
      %dma_start3A_360 = tpu.memref_slice %arg11[%dma_start3A_358, %dma_start3A_359] : memref<10240x128xf32, #tpu.memory_space<vmem_shared>> -> memref<10240x128xf32, #tpu.memory_space<vmem_shared>>
      tpu.enqueue_indirect_dma source(%arg10 : memref<80x128xf32, #tpu.memory_space<vmem>>) target(%dma_start3A_360 : memref<10240x128xf32, #tpu.memory_space<vmem_shared>>) offsets(%dma_start3A_357 : memref<80xi32, #tpu.memory_space<vmem>>) semaphore(%arg15 : memref<!tpu.dma_semaphore, #tpu.memory_space<semaphore_mem>>) {add = true}
      %dma_wait3A_361 = arith.constant 11 : i32
      %dma_wait3A_362 = arith.constant 0 : i32
      %dma_wait3A_363 = tpu.memref_slice %arg8[%dma_wait3A_361, %dma_wait3A_362] : memref<64x80xi32, #tpu.memory_space<vmem>> -> memref<1x80xi32, #tpu.memory_space<vmem>>
      %dma_wait3A_364 = tpu.memref_squeeze %dma_wait3A_363 : memref<1x80xi32, #tpu.memory_space<vmem>> -> memref<80xi32, #tpu.memory_space<vmem>>
      %dma_wait3A_365 = arith.constant 0 : i32
      %dma_wait3A_366 = arith.constant 0 : i32
      %dma_wait3A_367 = tpu.memref_slice %arg11[%dma_wait3A_365, %dma_wait3A_366] : memref<10240x128xf32, #tpu.memory_space<vmem_shared>> -> memref<10240x128xf32, #tpu.memory_space<vmem_shared>>
      tpu.wait_indirect_dma semaphore(%arg15 : memref<!tpu.dma_semaphore, #tpu.memory_space<semaphore_mem>>) src(%arg10 : memref<80x128xf32, #tpu.memory_space<vmem>>) dst(%dma_wait3A_367 : memref<10240x128xf32, #tpu.memory_space<vmem_shared>>)
      %dma_start3A_368 = arith.constant 13 : i32
      %dma_start3A_369 = arith.constant 0 : i32
      %dma_start3A_370 = tpu.memref_slice %arg7[%dma_start3A_368, %dma_start3A_369] : memref<64x80xi32, #tpu.memory_space<vmem>> -> memref<1x80xi32, #tpu.memory_space<vmem>>
      %dma_start3A_371 = tpu.memref_squeeze %dma_start3A_370 : memref<1x80xi32, #tpu.memory_space<vmem>> -> memref<80xi32, #tpu.memory_space<vmem>>
      %dma_start3A_372 = arith.constant 0 : i32
      %dma_start3A_373 = arith.constant 0 : i32
      %dma_start3A_374 = tpu.memref_slice %arg2[%dma_start3A_372, %dma_start3A_373] : memref<10240x128xf32, #tpu.memory_space<hbm>> -> memref<10240x128xf32, #tpu.memory_space<hbm>>
      tpu.enqueue_indirect_dma source(%dma_start3A_374 : memref<10240x128xf32, #tpu.memory_space<hbm>>) target(%arg10 : memref<80x128xf32, #tpu.memory_space<vmem>>) offsets(%dma_start3A_371 : memref<80xi32, #tpu.memory_space<vmem>>) semaphore(%arg13 : memref<!tpu.dma_semaphore, #tpu.memory_space<semaphore_mem>>)
      %dma_wait3A_375 = arith.constant 12 : i32
      %dma_wait3A_376 = arith.constant 0 : i32
      %dma_wait3A_377 = tpu.memref_slice %arg7[%dma_wait3A_375, %dma_wait3A_376] : memref<64x80xi32, #tpu.memory_space<vmem>> -> memref<1x80xi32, #tpu.memory_space<vmem>>
      %dma_wait3A_378 = tpu.memref_squeeze %dma_wait3A_377 : memref<1x80xi32, #tpu.memory_space<vmem>> -> memref<80xi32, #tpu.memory_space<vmem>>
      %dma_wait3A_379 = arith.constant 0 : i32
      %dma_wait3A_380 = arith.constant 0 : i32
      %dma_wait3A_381 = tpu.memref_slice %arg2[%dma_wait3A_379, %dma_wait3A_380] : memref<10240x128xf32, #tpu.memory_space<hbm>> -> memref<10240x128xf32, #tpu.memory_space<hbm>>
      tpu.wait_indirect_dma semaphore(%arg12 : memref<!tpu.dma_semaphore, #tpu.memory_space<semaphore_mem>>) src(%dma_wait3A_381 : memref<10240x128xf32, #tpu.memory_space<hbm>>) dst(%arg9 : memref<80x128xf32, #tpu.memory_space<vmem>>)
      %dma_start3A_382 = arith.constant 12 : i32
      %dma_start3A_383 = arith.constant 0 : i32
      %dma_start3A_384 = tpu.memref_slice %arg8[%dma_start3A_382, %dma_start3A_383] : memref<64x80xi32, #tpu.memory_space<vmem>> -> memref<1x80xi32, #tpu.memory_space<vmem>>
      %dma_start3A_385 = tpu.memref_squeeze %dma_start3A_384 : memref<1x80xi32, #tpu.memory_space<vmem>> -> memref<80xi32, #tpu.memory_space<vmem>>
      %dma_start3A_386 = arith.constant 0 : i32
      %dma_start3A_387 = arith.constant 0 : i32
      %dma_start3A_388 = tpu.memref_slice %arg11[%dma_start3A_386, %dma_start3A_387] : memref<10240x128xf32, #tpu.memory_space<vmem_shared>> -> memref<10240x128xf32, #tpu.memory_space<vmem_shared>>
      tpu.enqueue_indirect_dma source(%arg9 : memref<80x128xf32, #tpu.memory_space<vmem>>) target(%dma_start3A_388 : memref<10240x128xf32, #tpu.memory_space<vmem_shared>>) offsets(%dma_start3A_385 : memref<80xi32, #tpu.memory_space<vmem>>) semaphore(%arg14 : memref<!tpu.dma_semaphore, #tpu.memory_space<semaphore_mem>>) {add = true}
      %dma_wait3A_389 = arith.constant 12 : i32
      %dma_wait3A_390 = arith.constant 0 : i32
      %dma_wait3A_391 = tpu.memref_slice %arg8[%dma_wait3A_389, %dma_wait3A_390] : memref<64x80xi32, #tpu.memory_space<vmem>> -> memref<1x80xi32, #tpu.memory_space<vmem>>
      %dma_wait3A_392 = tpu.memref_squeeze %dma_wait3A_391 : memref<1x80xi32, #tpu.memory_space<vmem>> -> memref<80xi32, #tpu.memory_space<vmem>>
      %dma_wait3A_393 = arith.constant 0 : i32
      %dma_wait3A_394 = arith.constant 0 : i32
      %dma_wait3A_395 = tpu.memref_slice %arg11[%dma_wait3A_393, %dma_wait3A_394] : memref<10240x128xf32, #tpu.memory_space<vmem_shared>> -> memref<10240x128xf32, #tpu.memory_space<vmem_shared>>
      tpu.wait_indirect_dma semaphore(%arg14 : memref<!tpu.dma_semaphore, #tpu.memory_space<semaphore_mem>>) src(%arg9 : memref<80x128xf32, #tpu.memory_space<vmem>>) dst(%dma_wait3A_395 : memref<10240x128xf32, #tpu.memory_space<vmem_shared>>)
      %dma_start3A_396 = arith.constant 14 : i32
      %dma_start3A_397 = arith.constant 0 : i32
      %dma_start3A_398 = tpu.memref_slice %arg7[%dma_start3A_396, %dma_start3A_397] : memref<64x80xi32, #tpu.memory_space<vmem>> -> memref<1x80xi32, #tpu.memory_space<vmem>>
      %dma_start3A_399 = tpu.memref_squeeze %dma_start3A_398 : memref<1x80xi32, #tpu.memory_space<vmem>> -> memref<80xi32, #tpu.memory_space<vmem>>
      %dma_start3A_400 = arith.constant 0 : i32
      %dma_start3A_401 = arith.constant 0 : i32
      %dma_start3A_402 = tpu.memref_slice %arg2[%dma_start3A_400, %dma_start3A_401] : memref<10240x128xf32, #tpu.memory_space<hbm>> -> memref<10240x128xf32, #tpu.memory_space<hbm>>
      tpu.enqueue_indirect_dma source(%dma_start3A_402 : memref<10240x128xf32, #tpu.memory_space<hbm>>) target(%arg9 : memref<80x128xf32, #tpu.memory_space<vmem>>) offsets(%dma_start3A_399 : memref<80xi32, #tpu.memory_space<vmem>>) semaphore(%arg12 : memref<!tpu.dma_semaphore, #tpu.memory_space<semaphore_mem>>)
      %dma_wait3A_403 = arith.constant 13 : i32
      %dma_wait3A_404 = arith.constant 0 : i32
      %dma_wait3A_405 = tpu.memref_slice %arg7[%dma_wait3A_403, %dma_wait3A_404] : memref<64x80xi32, #tpu.memory_space<vmem>> -> memref<1x80xi32, #tpu.memory_space<vmem>>
      %dma_wait3A_406 = tpu.memref_squeeze %dma_wait3A_405 : memref<1x80xi32, #tpu.memory_space<vmem>> -> memref<80xi32, #tpu.memory_space<vmem>>
      %dma_wait3A_407 = arith.constant 0 : i32
      %dma_wait3A_408 = arith.constant 0 : i32
      %dma_wait3A_409 = tpu.memref_slice %arg2[%dma_wait3A_407, %dma_wait3A_408] : memref<10240x128xf32, #tpu.memory_space<hbm>> -> memref<10240x128xf32, #tpu.memory_space<hbm>>
      tpu.wait_indirect_dma semaphore(%arg13 : memref<!tpu.dma_semaphore, #tpu.memory_space<semaphore_mem>>) src(%dma_wait3A_409 : memref<10240x128xf32, #tpu.memory_space<hbm>>) dst(%arg10 : memref<80x128xf32, #tpu.memory_space<vmem>>)
      %dma_start3A_410 = arith.constant 13 : i32
      %dma_start3A_411 = arith.constant 0 : i32
      %dma_start3A_412 = tpu.memref_slice %arg8[%dma_start3A_410, %dma_start3A_411] : memref<64x80xi32, #tpu.memory_space<vmem>> -> memref<1x80xi32, #tpu.memory_space<vmem>>
      %dma_start3A_413 = tpu.memref_squeeze %dma_start3A_412 : memref<1x80xi32, #tpu.memory_space<vmem>> -> memref<80xi32, #tpu.memory_space<vmem>>
      %dma_start3A_414 = arith.constant 0 : i32
      %dma_start3A_415 = arith.constant 0 : i32
      %dma_start3A_416 = tpu.memref_slice %arg11[%dma_start3A_414, %dma_start3A_415] : memref<10240x128xf32, #tpu.memory_space<vmem_shared>> -> memref<10240x128xf32, #tpu.memory_space<vmem_shared>>
      tpu.enqueue_indirect_dma source(%arg10 : memref<80x128xf32, #tpu.memory_space<vmem>>) target(%dma_start3A_416 : memref<10240x128xf32, #tpu.memory_space<vmem_shared>>) offsets(%dma_start3A_413 : memref<80xi32, #tpu.memory_space<vmem>>) semaphore(%arg15 : memref<!tpu.dma_semaphore, #tpu.memory_space<semaphore_mem>>) {add = true}
      %dma_wait3A_417 = arith.constant 13 : i32
      %dma_wait3A_418 = arith.constant 0 : i32
      %dma_wait3A_419 = tpu.memref_slice %arg8[%dma_wait3A_417, %dma_wait3A_418] : memref<64x80xi32, #tpu.memory_space<vmem>> -> memref<1x80xi32, #tpu.memory_space<vmem>>
      %dma_wait3A_420 = tpu.memref_squeeze %dma_wait3A_419 : memref<1x80xi32, #tpu.memory_space<vmem>> -> memref<80xi32, #tpu.memory_space<vmem>>
      %dma_wait3A_421 = arith.constant 0 : i32
      %dma_wait3A_422 = arith.constant 0 : i32
      %dma_wait3A_423 = tpu.memref_slice %arg11[%dma_wait3A_421, %dma_wait3A_422] : memref<10240x128xf32, #tpu.memory_space<vmem_shared>> -> memref<10240x128xf32, #tpu.memory_space<vmem_shared>>
      tpu.wait_indirect_dma semaphore(%arg15 : memref<!tpu.dma_semaphore, #tpu.memory_space<semaphore_mem>>) src(%arg10 : memref<80x128xf32, #tpu.memory_space<vmem>>) dst(%dma_wait3A_423 : memref<10240x128xf32, #tpu.memory_space<vmem_shared>>)
      %dma_start3A_424 = arith.constant 15 : i32
      %dma_start3A_425 = arith.constant 0 : i32
      %dma_start3A_426 = tpu.memref_slice %arg7[%dma_start3A_424, %dma_start3A_425] : memref<64x80xi32, #tpu.memory_space<vmem>> -> memref<1x80xi32, #tpu.memory_space<vmem>>
      %dma_start3A_427 = tpu.memref_squeeze %dma_start3A_426 : memref<1x80xi32, #tpu.memory_space<vmem>> -> memref<80xi32, #tpu.memory_space<vmem>>
      %dma_start3A_428 = arith.constant 0 : i32
      %dma_start3A_429 = arith.constant 0 : i32
      %dma_start3A_430 = tpu.memref_slice %arg2[%dma_start3A_428, %dma_start3A_429] : memref<10240x128xf32, #tpu.memory_space<hbm>> -> memref<10240x128xf32, #tpu.memory_space<hbm>>
      tpu.enqueue_indirect_dma source(%dma_start3A_430 : memref<10240x128xf32, #tpu.memory_space<hbm>>) target(%arg10 : memref<80x128xf32, #tpu.memory_space<vmem>>) offsets(%dma_start3A_427 : memref<80xi32, #tpu.memory_space<vmem>>) semaphore(%arg13 : memref<!tpu.dma_semaphore, #tpu.memory_space<semaphore_mem>>)
      %dma_wait3A_431 = arith.constant 14 : i32
      %dma_wait3A_432 = arith.constant 0 : i32
      %dma_wait3A_433 = tpu.memref_slice %arg7[%dma_wait3A_431, %dma_wait3A_432] : memref<64x80xi32, #tpu.memory_space<vmem>> -> memref<1x80xi32, #tpu.memory_space<vmem>>
      %dma_wait3A_434 = tpu.memref_squeeze %dma_wait3A_433 : memref<1x80xi32, #tpu.memory_space<vmem>> -> memref<80xi32, #tpu.memory_space<vmem>>
      %dma_wait3A_435 = arith.constant 0 : i32
      %dma_wait3A_436 = arith.constant 0 : i32
      %dma_wait3A_437 = tpu.memref_slice %arg2[%dma_wait3A_435, %dma_wait3A_436] : memref<10240x128xf32, #tpu.memory_space<hbm>> -> memref<10240x128xf32, #tpu.memory_space<hbm>>
      tpu.wait_indirect_dma semaphore(%arg12 : memref<!tpu.dma_semaphore, #tpu.memory_space<semaphore_mem>>) src(%dma_wait3A_437 : memref<10240x128xf32, #tpu.memory_space<hbm>>) dst(%arg9 : memref<80x128xf32, #tpu.memory_space<vmem>>)
      %dma_start3A_438 = arith.constant 14 : i32
      %dma_start3A_439 = arith.constant 0 : i32
      %dma_start3A_440 = tpu.memref_slice %arg8[%dma_start3A_438, %dma_start3A_439] : memref<64x80xi32, #tpu.memory_space<vmem>> -> memref<1x80xi32, #tpu.memory_space<vmem>>
      %dma_start3A_441 = tpu.memref_squeeze %dma_start3A_440 : memref<1x80xi32, #tpu.memory_space<vmem>> -> memref<80xi32, #tpu.memory_space<vmem>>
      %dma_start3A_442 = arith.constant 0 : i32
      %dma_start3A_443 = arith.constant 0 : i32
      %dma_start3A_444 = tpu.memref_slice %arg11[%dma_start3A_442, %dma_start3A_443] : memref<10240x128xf32, #tpu.memory_space<vmem_shared>> -> memref<10240x128xf32, #tpu.memory_space<vmem_shared>>
      tpu.enqueue_indirect_dma source(%arg9 : memref<80x128xf32, #tpu.memory_space<vmem>>) target(%dma_start3A_444 : memref<10240x128xf32, #tpu.memory_space<vmem_shared>>) offsets(%dma_start3A_441 : memref<80xi32, #tpu.memory_space<vmem>>) semaphore(%arg14 : memref<!tpu.dma_semaphore, #tpu.memory_space<semaphore_mem>>) {add = true}
      %dma_wait3A_445 = arith.constant 14 : i32
      %dma_wait3A_446 = arith.constant 0 : i32
      %dma_wait3A_447 = tpu.memref_slice %arg8[%dma_wait3A_445, %dma_wait3A_446] : memref<64x80xi32, #tpu.memory_space<vmem>> -> memref<1x80xi32, #tpu.memory_space<vmem>>
      %dma_wait3A_448 = tpu.memref_squeeze %dma_wait3A_447 : memref<1x80xi32, #tpu.memory_space<vmem>> -> memref<80xi32, #tpu.memory_space<vmem>>
      %dma_wait3A_449 = arith.constant 0 : i32
      %dma_wait3A_450 = arith.constant 0 : i32
      %dma_wait3A_451 = tpu.memref_slice %arg11[%dma_wait3A_449, %dma_wait3A_450] : memref<10240x128xf32, #tpu.memory_space<vmem_shared>> -> memref<10240x128xf32, #tpu.memory_space<vmem_shared>>
      tpu.wait_indirect_dma semaphore(%arg14 : memref<!tpu.dma_semaphore, #tpu.memory_space<semaphore_mem>>) src(%arg9 : memref<80x128xf32, #tpu.memory_space<vmem>>) dst(%dma_wait3A_451 : memref<10240x128xf32, #tpu.memory_space<vmem_shared>>)
      %dma_start3A_452 = arith.constant 16 : i32
      %dma_start3A_453 = arith.constant 0 : i32
      %dma_start3A_454 = tpu.memref_slice %arg7[%dma_start3A_452, %dma_start3A_453] : memref<64x80xi32, #tpu.memory_space<vmem>> -> memref<1x80xi32, #tpu.memory_space<vmem>>
      %dma_start3A_455 = tpu.memref_squeeze %dma_start3A_454 : memref<1x80xi32, #tpu.memory_space<vmem>> -> memref<80xi32, #tpu.memory_space<vmem>>
      %dma_start3A_456 = arith.constant 0 : i32
      %dma_start3A_457 = arith.constant 0 : i32
      %dma_start3A_458 = tpu.memref_slice %arg2[%dma_start3A_456, %dma_start3A_457] : memref<10240x128xf32, #tpu.memory_space<hbm>> -> memref<10240x128xf32, #tpu.memory_space<hbm>>
      tpu.enqueue_indirect_dma source(%dma_start3A_458 : memref<10240x128xf32, #tpu.memory_space<hbm>>) target(%arg9 : memref<80x128xf32, #tpu.memory_space<vmem>>) offsets(%dma_start3A_455 : memref<80xi32, #tpu.memory_space<vmem>>) semaphore(%arg12 : memref<!tpu.dma_semaphore, #tpu.memory_space<semaphore_mem>>)
      %dma_wait3A_459 = arith.constant 15 : i32
      %dma_wait3A_460 = arith.constant 0 : i32
      %dma_wait3A_461 = tpu.memref_slice %arg7[%dma_wait3A_459, %dma_wait3A_460] : memref<64x80xi32, #tpu.memory_space<vmem>> -> memref<1x80xi32, #tpu.memory_space<vmem>>
      %dma_wait3A_462 = tpu.memref_squeeze %dma_wait3A_461 : memref<1x80xi32, #tpu.memory_space<vmem>> -> memref<80xi32, #tpu.memory_space<vmem>>
      %dma_wait3A_463 = arith.constant 0 : i32
      %dma_wait3A_464 = arith.constant 0 : i32
      %dma_wait3A_465 = tpu.memref_slice %arg2[%dma_wait3A_463, %dma_wait3A_464] : memref<10240x128xf32, #tpu.memory_space<hbm>> -> memref<10240x128xf32, #tpu.memory_space<hbm>>
      tpu.wait_indirect_dma semaphore(%arg13 : memref<!tpu.dma_semaphore, #tpu.memory_space<semaphore_mem>>) src(%dma_wait3A_465 : memref<10240x128xf32, #tpu.memory_space<hbm>>) dst(%arg10 : memref<80x128xf32, #tpu.memory_space<vmem>>)
      %dma_start3A_466 = arith.constant 15 : i32
      %dma_start3A_467 = arith.constant 0 : i32
      %dma_start3A_468 = tpu.memref_slice %arg8[%dma_start3A_466, %dma_start3A_467] : memref<64x80xi32, #tpu.memory_space<vmem>> -> memref<1x80xi32, #tpu.memory_space<vmem>>
      %dma_start3A_469 = tpu.memref_squeeze %dma_start3A_468 : memref<1x80xi32, #tpu.memory_space<vmem>> -> memref<80xi32, #tpu.memory_space<vmem>>
      %dma_start3A_470 = arith.constant 0 : i32
      %dma_start3A_471 = arith.constant 0 : i32
      %dma_start3A_472 = tpu.memref_slice %arg11[%dma_start3A_470, %dma_start3A_471] : memref<10240x128xf32, #tpu.memory_space<vmem_shared>> -> memref<10240x128xf32, #tpu.memory_space<vmem_shared>>
      tpu.enqueue_indirect_dma source(%arg10 : memref<80x128xf32, #tpu.memory_space<vmem>>) target(%dma_start3A_472 : memref<10240x128xf32, #tpu.memory_space<vmem_shared>>) offsets(%dma_start3A_469 : memref<80xi32, #tpu.memory_space<vmem>>) semaphore(%arg15 : memref<!tpu.dma_semaphore, #tpu.memory_space<semaphore_mem>>) {add = true}
      %dma_wait3A_473 = arith.constant 15 : i32
      %dma_wait3A_474 = arith.constant 0 : i32
      %dma_wait3A_475 = tpu.memref_slice %arg8[%dma_wait3A_473, %dma_wait3A_474] : memref<64x80xi32, #tpu.memory_space<vmem>> -> memref<1x80xi32, #tpu.memory_space<vmem>>
      %dma_wait3A_476 = tpu.memref_squeeze %dma_wait3A_475 : memref<1x80xi32, #tpu.memory_space<vmem>> -> memref<80xi32, #tpu.memory_space<vmem>>
      %dma_wait3A_477 = arith.constant 0 : i32
      %dma_wait3A_478 = arith.constant 0 : i32
      %dma_wait3A_479 = tpu.memref_slice %arg11[%dma_wait3A_477, %dma_wait3A_478] : memref<10240x128xf32, #tpu.memory_space<vmem_shared>> -> memref<10240x128xf32, #tpu.memory_space<vmem_shared>>
      tpu.wait_indirect_dma semaphore(%arg15 : memref<!tpu.dma_semaphore, #tpu.memory_space<semaphore_mem>>) src(%arg10 : memref<80x128xf32, #tpu.memory_space<vmem>>) dst(%dma_wait3A_479 : memref<10240x128xf32, #tpu.memory_space<vmem_shared>>)
      %dma_start3A_480 = arith.constant 17 : i32
      %dma_start3A_481 = arith.constant 0 : i32
      %dma_start3A_482 = tpu.memref_slice %arg7[%dma_start3A_480, %dma_start3A_481] : memref<64x80xi32, #tpu.memory_space<vmem>> -> memref<1x80xi32, #tpu.memory_space<vmem>>
      %dma_start3A_483 = tpu.memref_squeeze %dma_start3A_482 : memref<1x80xi32, #tpu.memory_space<vmem>> -> memref<80xi32, #tpu.memory_space<vmem>>
      %dma_start3A_484 = arith.constant 0 : i32
      %dma_start3A_485 = arith.constant 0 : i32
      %dma_start3A_486 = tpu.memref_slice %arg2[%dma_start3A_484, %dma_start3A_485] : memref<10240x128xf32, #tpu.memory_space<hbm>> -> memref<10240x128xf32, #tpu.memory_space<hbm>>
      tpu.enqueue_indirect_dma source(%dma_start3A_486 : memref<10240x128xf32, #tpu.memory_space<hbm>>) target(%arg10 : memref<80x128xf32, #tpu.memory_space<vmem>>) offsets(%dma_start3A_483 : memref<80xi32, #tpu.memory_space<vmem>>) semaphore(%arg13 : memref<!tpu.dma_semaphore, #tpu.memory_space<semaphore_mem>>)
      %dma_wait3A_487 = arith.constant 16 : i32
      %dma_wait3A_488 = arith.constant 0 : i32
      %dma_wait3A_489 = tpu.memref_slice %arg7[%dma_wait3A_487, %dma_wait3A_488] : memref<64x80xi32, #tpu.memory_space<vmem>> -> memref<1x80xi32, #tpu.memory_space<vmem>>
      %dma_wait3A_490 = tpu.memref_squeeze %dma_wait3A_489 : memref<1x80xi32, #tpu.memory_space<vmem>> -> memref<80xi32, #tpu.memory_space<vmem>>
      %dma_wait3A_491 = arith.constant 0 : i32
      %dma_wait3A_492 = arith.constant 0 : i32
      %dma_wait3A_493 = tpu.memref_slice %arg2[%dma_wait3A_491, %dma_wait3A_492] : memref<10240x128xf32, #tpu.memory_space<hbm>> -> memref<10240x128xf32, #tpu.memory_space<hbm>>
      tpu.wait_indirect_dma semaphore(%arg12 : memref<!tpu.dma_semaphore, #tpu.memory_space<semaphore_mem>>) src(%dma_wait3A_493 : memref<10240x128xf32, #tpu.memory_space<hbm>>) dst(%arg9 : memref<80x128xf32, #tpu.memory_space<vmem>>)
      %dma_start3A_494 = arith.constant 16 : i32
      %dma_start3A_495 = arith.constant 0 : i32
      %dma_start3A_496 = tpu.memref_slice %arg8[%dma_start3A_494, %dma_start3A_495] : memref<64x80xi32, #tpu.memory_space<vmem>> -> memref<1x80xi32, #tpu.memory_space<vmem>>
      %dma_start3A_497 = tpu.memref_squeeze %dma_start3A_496 : memref<1x80xi32, #tpu.memory_space<vmem>> -> memref<80xi32, #tpu.memory_space<vmem>>
      %dma_start3A_498 = arith.constant 0 : i32
      %dma_start3A_499 = arith.constant 0 : i32
      %dma_start3A_500 = tpu.memref_slice %arg11[%dma_start3A_498, %dma_start3A_499] : memref<10240x128xf32, #tpu.memory_space<vmem_shared>> -> memref<10240x128xf32, #tpu.memory_space<vmem_shared>>
      tpu.enqueue_indirect_dma source(%arg9 : memref<80x128xf32, #tpu.memory_space<vmem>>) target(%dma_start3A_500 : memref<10240x128xf32, #tpu.memory_space<vmem_shared>>) offsets(%dma_start3A_497 : memref<80xi32, #tpu.memory_space<vmem>>) semaphore(%arg14 : memref<!tpu.dma_semaphore, #tpu.memory_space<semaphore_mem>>) {add = true}
      %dma_wait3A_501 = arith.constant 16 : i32
      %dma_wait3A_502 = arith.constant 0 : i32
      %dma_wait3A_503 = tpu.memref_slice %arg8[%dma_wait3A_501, %dma_wait3A_502] : memref<64x80xi32, #tpu.memory_space<vmem>> -> memref<1x80xi32, #tpu.memory_space<vmem>>
      %dma_wait3A_504 = tpu.memref_squeeze %dma_wait3A_503 : memref<1x80xi32, #tpu.memory_space<vmem>> -> memref<80xi32, #tpu.memory_space<vmem>>
      %dma_wait3A_505 = arith.constant 0 : i32
      %dma_wait3A_506 = arith.constant 0 : i32
      %dma_wait3A_507 = tpu.memref_slice %arg11[%dma_wait3A_505, %dma_wait3A_506] : memref<10240x128xf32, #tpu.memory_space<vmem_shared>> -> memref<10240x128xf32, #tpu.memory_space<vmem_shared>>
      tpu.wait_indirect_dma semaphore(%arg14 : memref<!tpu.dma_semaphore, #tpu.memory_space<semaphore_mem>>) src(%arg9 : memref<80x128xf32, #tpu.memory_space<vmem>>) dst(%dma_wait3A_507 : memref<10240x128xf32, #tpu.memory_space<vmem_shared>>)
      %dma_start3A_508 = arith.constant 18 : i32
      %dma_start3A_509 = arith.constant 0 : i32
      %dma_start3A_510 = tpu.memref_slice %arg7[%dma_start3A_508, %dma_start3A_509] : memref<64x80xi32, #tpu.memory_space<vmem>> -> memref<1x80xi32, #tpu.memory_space<vmem>>
      %dma_start3A_511 = tpu.memref_squeeze %dma_start3A_510 : memref<1x80xi32, #tpu.memory_space<vmem>> -> memref<80xi32, #tpu.memory_space<vmem>>
      %dma_start3A_512 = arith.constant 0 : i32
      %dma_start3A_513 = arith.constant 0 : i32
      %dma_start3A_514 = tpu.memref_slice %arg2[%dma_start3A_512, %dma_start3A_513] : memref<10240x128xf32, #tpu.memory_space<hbm>> -> memref<10240x128xf32, #tpu.memory_space<hbm>>
      tpu.enqueue_indirect_dma source(%dma_start3A_514 : memref<10240x128xf32, #tpu.memory_space<hbm>>) target(%arg9 : memref<80x128xf32, #tpu.memory_space<vmem>>) offsets(%dma_start3A_511 : memref<80xi32, #tpu.memory_space<vmem>>) semaphore(%arg12 : memref<!tpu.dma_semaphore, #tpu.memory_space<semaphore_mem>>)
      %dma_wait3A_515 = arith.constant 17 : i32
      %dma_wait3A_516 = arith.constant 0 : i32
      %dma_wait3A_517 = tpu.memref_slice %arg7[%dma_wait3A_515, %dma_wait3A_516] : memref<64x80xi32, #tpu.memory_space<vmem>> -> memref<1x80xi32, #tpu.memory_space<vmem>>
      %dma_wait3A_518 = tpu.memref_squeeze %dma_wait3A_517 : memref<1x80xi32, #tpu.memory_space<vmem>> -> memref<80xi32, #tpu.memory_space<vmem>>
      %dma_wait3A_519 = arith.constant 0 : i32
      %dma_wait3A_520 = arith.constant 0 : i32
      %dma_wait3A_521 = tpu.memref_slice %arg2[%dma_wait3A_519, %dma_wait3A_520] : memref<10240x128xf32, #tpu.memory_space<hbm>> -> memref<10240x128xf32, #tpu.memory_space<hbm>>
      tpu.wait_indirect_dma semaphore(%arg13 : memref<!tpu.dma_semaphore, #tpu.memory_space<semaphore_mem>>) src(%dma_wait3A_521 : memref<10240x128xf32, #tpu.memory_space<hbm>>) dst(%arg10 : memref<80x128xf32, #tpu.memory_space<vmem>>)
      %dma_start3A_522 = arith.constant 17 : i32
      %dma_start3A_523 = arith.constant 0 : i32
      %dma_start3A_524 = tpu.memref_slice %arg8[%dma_start3A_522, %dma_start3A_523] : memref<64x80xi32, #tpu.memory_space<vmem>> -> memref<1x80xi32, #tpu.memory_space<vmem>>
      %dma_start3A_525 = tpu.memref_squeeze %dma_start3A_524 : memref<1x80xi32, #tpu.memory_space<vmem>> -> memref<80xi32, #tpu.memory_space<vmem>>
      %dma_start3A_526 = arith.constant 0 : i32
      %dma_start3A_527 = arith.constant 0 : i32
      %dma_start3A_528 = tpu.memref_slice %arg11[%dma_start3A_526, %dma_start3A_527] : memref<10240x128xf32, #tpu.memory_space<vmem_shared>> -> memref<10240x128xf32, #tpu.memory_space<vmem_shared>>
      tpu.enqueue_indirect_dma source(%arg10 : memref<80x128xf32, #tpu.memory_space<vmem>>) target(%dma_start3A_528 : memref<10240x128xf32, #tpu.memory_space<vmem_shared>>) offsets(%dma_start3A_525 : memref<80xi32, #tpu.memory_space<vmem>>) semaphore(%arg15 : memref<!tpu.dma_semaphore, #tpu.memory_space<semaphore_mem>>) {add = true}
      %dma_wait3A_529 = arith.constant 17 : i32
      %dma_wait3A_530 = arith.constant 0 : i32
      %dma_wait3A_531 = tpu.memref_slice %arg8[%dma_wait3A_529, %dma_wait3A_530] : memref<64x80xi32, #tpu.memory_space<vmem>> -> memref<1x80xi32, #tpu.memory_space<vmem>>
      %dma_wait3A_532 = tpu.memref_squeeze %dma_wait3A_531 : memref<1x80xi32, #tpu.memory_space<vmem>> -> memref<80xi32, #tpu.memory_space<vmem>>
      %dma_wait3A_533 = arith.constant 0 : i32
      %dma_wait3A_534 = arith.constant 0 : i32
      %dma_wait3A_535 = tpu.memref_slice %arg11[%dma_wait3A_533, %dma_wait3A_534] : memref<10240x128xf32, #tpu.memory_space<vmem_shared>> -> memref<10240x128xf32, #tpu.memory_space<vmem_shared>>
      tpu.wait_indirect_dma semaphore(%arg15 : memref<!tpu.dma_semaphore, #tpu.memory_space<semaphore_mem>>) src(%arg10 : memref<80x128xf32, #tpu.memory_space<vmem>>) dst(%dma_wait3A_535 : memref<10240x128xf32, #tpu.memory_space<vmem_shared>>)
      %dma_start3A_536 = arith.constant 19 : i32
      %dma_start3A_537 = arith.constant 0 : i32
      %dma_start3A_538 = tpu.memref_slice %arg7[%dma_start3A_536, %dma_start3A_537] : memref<64x80xi32, #tpu.memory_space<vmem>> -> memref<1x80xi32, #tpu.memory_space<vmem>>
      %dma_start3A_539 = tpu.memref_squeeze %dma_start3A_538 : memref<1x80xi32, #tpu.memory_space<vmem>> -> memref<80xi32, #tpu.memory_space<vmem>>
      %dma_start3A_540 = arith.constant 0 : i32
      %dma_start3A_541 = arith.constant 0 : i32
      %dma_start3A_542 = tpu.memref_slice %arg2[%dma_start3A_540, %dma_start3A_541] : memref<10240x128xf32, #tpu.memory_space<hbm>> -> memref<10240x128xf32, #tpu.memory_space<hbm>>
      tpu.enqueue_indirect_dma source(%dma_start3A_542 : memref<10240x128xf32, #tpu.memory_space<hbm>>) target(%arg10 : memref<80x128xf32, #tpu.memory_space<vmem>>) offsets(%dma_start3A_539 : memref<80xi32, #tpu.memory_space<vmem>>) semaphore(%arg13 : memref<!tpu.dma_semaphore, #tpu.memory_space<semaphore_mem>>)
      %dma_wait3A_543 = arith.constant 18 : i32
      %dma_wait3A_544 = arith.constant 0 : i32
      %dma_wait3A_545 = tpu.memref_slice %arg7[%dma_wait3A_543, %dma_wait3A_544] : memref<64x80xi32, #tpu.memory_space<vmem>> -> memref<1x80xi32, #tpu.memory_space<vmem>>
      %dma_wait3A_546 = tpu.memref_squeeze %dma_wait3A_545 : memref<1x80xi32, #tpu.memory_space<vmem>> -> memref<80xi32, #tpu.memory_space<vmem>>
      %dma_wait3A_547 = arith.constant 0 : i32
      %dma_wait3A_548 = arith.constant 0 : i32
      %dma_wait3A_549 = tpu.memref_slice %arg2[%dma_wait3A_547, %dma_wait3A_548] : memref<10240x128xf32, #tpu.memory_space<hbm>> -> memref<10240x128xf32, #tpu.memory_space<hbm>>
      tpu.wait_indirect_dma semaphore(%arg12 : memref<!tpu.dma_semaphore, #tpu.memory_space<semaphore_mem>>) src(%dma_wait3A_549 : memref<10240x128xf32, #tpu.memory_space<hbm>>) dst(%arg9 : memref<80x128xf32, #tpu.memory_space<vmem>>)
      %dma_start3A_550 = arith.constant 18 : i32
      %dma_start3A_551 = arith.constant 0 : i32
      %dma_start3A_552 = tpu.memref_slice %arg8[%dma_start3A_550, %dma_start3A_551] : memref<64x80xi32, #tpu.memory_space<vmem>> -> memref<1x80xi32, #tpu.memory_space<vmem>>
      %dma_start3A_553 = tpu.memref_squeeze %dma_start3A_552 : memref<1x80xi32, #tpu.memory_space<vmem>> -> memref<80xi32, #tpu.memory_space<vmem>>
      %dma_start3A_554 = arith.constant 0 : i32
      %dma_start3A_555 = arith.constant 0 : i32
      %dma_start3A_556 = tpu.memref_slice %arg11[%dma_start3A_554, %dma_start3A_555] : memref<10240x128xf32, #tpu.memory_space<vmem_shared>> -> memref<10240x128xf32, #tpu.memory_space<vmem_shared>>
      tpu.enqueue_indirect_dma source(%arg9 : memref<80x128xf32, #tpu.memory_space<vmem>>) target(%dma_start3A_556 : memref<10240x128xf32, #tpu.memory_space<vmem_shared>>) offsets(%dma_start3A_553 : memref<80xi32, #tpu.memory_space<vmem>>) semaphore(%arg14 : memref<!tpu.dma_semaphore, #tpu.memory_space<semaphore_mem>>) {add = true}
      %dma_wait3A_557 = arith.constant 18 : i32
      %dma_wait3A_558 = arith.constant 0 : i32
      %dma_wait3A_559 = tpu.memref_slice %arg8[%dma_wait3A_557, %dma_wait3A_558] : memref<64x80xi32, #tpu.memory_space<vmem>> -> memref<1x80xi32, #tpu.memory_space<vmem>>
      %dma_wait3A_560 = tpu.memref_squeeze %dma_wait3A_559 : memref<1x80xi32, #tpu.memory_space<vmem>> -> memref<80xi32, #tpu.memory_space<vmem>>
      %dma_wait3A_561 = arith.constant 0 : i32
      %dma_wait3A_562 = arith.constant 0 : i32
      %dma_wait3A_563 = tpu.memref_slice %arg11[%dma_wait3A_561, %dma_wait3A_562] : memref<10240x128xf32, #tpu.memory_space<vmem_shared>> -> memref<10240x128xf32, #tpu.memory_space<vmem_shared>>
      tpu.wait_indirect_dma semaphore(%arg14 : memref<!tpu.dma_semaphore, #tpu.memory_space<semaphore_mem>>) src(%arg9 : memref<80x128xf32, #tpu.memory_space<vmem>>) dst(%dma_wait3A_563 : memref<10240x128xf32, #tpu.memory_space<vmem_shared>>)
      %dma_start3A_564 = arith.constant 20 : i32
      %dma_start3A_565 = arith.constant 0 : i32
      %dma_start3A_566 = tpu.memref_slice %arg7[%dma_start3A_564, %dma_start3A_565] : memref<64x80xi32, #tpu.memory_space<vmem>> -> memref<1x80xi32, #tpu.memory_space<vmem>>
      %dma_start3A_567 = tpu.memref_squeeze %dma_start3A_566 : memref<1x80xi32, #tpu.memory_space<vmem>> -> memref<80xi32, #tpu.memory_space<vmem>>
      %dma_start3A_568 = arith.constant 0 : i32
      %dma_start3A_569 = arith.constant 0 : i32
      %dma_start3A_570 = tpu.memref_slice %arg2[%dma_start3A_568, %dma_start3A_569] : memref<10240x128xf32, #tpu.memory_space<hbm>> -> memref<10240x128xf32, #tpu.memory_space<hbm>>
      tpu.enqueue_indirect_dma source(%dma_start3A_570 : memref<10240x128xf32, #tpu.memory_space<hbm>>) target(%arg9 : memref<80x128xf32, #tpu.memory_space<vmem>>) offsets(%dma_start3A_567 : memref<80xi32, #tpu.memory_space<vmem>>) semaphore(%arg12 : memref<!tpu.dma_semaphore, #tpu.memory_space<semaphore_mem>>)
      %dma_wait3A_571 = arith.constant 19 : i32
      %dma_wait3A_572 = arith.constant 0 : i32
      %dma_wait3A_573 = tpu.memref_slice %arg7[%dma_wait3A_571, %dma_wait3A_572] : memref<64x80xi32, #tpu.memory_space<vmem>> -> memref<1x80xi32, #tpu.memory_space<vmem>>
      %dma_wait3A_574 = tpu.memref_squeeze %dma_wait3A_573 : memref<1x80xi32, #tpu.memory_space<vmem>> -> memref<80xi32, #tpu.memory_space<vmem>>
      %dma_wait3A_575 = arith.constant 0 : i32
      %dma_wait3A_576 = arith.constant 0 : i32
      %dma_wait3A_577 = tpu.memref_slice %arg2[%dma_wait3A_575, %dma_wait3A_576] : memref<10240x128xf32, #tpu.memory_space<hbm>> -> memref<10240x128xf32, #tpu.memory_space<hbm>>
      tpu.wait_indirect_dma semaphore(%arg13 : memref<!tpu.dma_semaphore, #tpu.memory_space<semaphore_mem>>) src(%dma_wait3A_577 : memref<10240x128xf32, #tpu.memory_space<hbm>>) dst(%arg10 : memref<80x128xf32, #tpu.memory_space<vmem>>)
      %dma_start3A_578 = arith.constant 19 : i32
      %dma_start3A_579 = arith.constant 0 : i32
      %dma_start3A_580 = tpu.memref_slice %arg8[%dma_start3A_578, %dma_start3A_579] : memref<64x80xi32, #tpu.memory_space<vmem>> -> memref<1x80xi32, #tpu.memory_space<vmem>>
      %dma_start3A_581 = tpu.memref_squeeze %dma_start3A_580 : memref<1x80xi32, #tpu.memory_space<vmem>> -> memref<80xi32, #tpu.memory_space<vmem>>
      %dma_start3A_582 = arith.constant 0 : i32
      %dma_start3A_583 = arith.constant 0 : i32
      %dma_start3A_584 = tpu.memref_slice %arg11[%dma_start3A_582, %dma_start3A_583] : memref<10240x128xf32, #tpu.memory_space<vmem_shared>> -> memref<10240x128xf32, #tpu.memory_space<vmem_shared>>
      tpu.enqueue_indirect_dma source(%arg10 : memref<80x128xf32, #tpu.memory_space<vmem>>) target(%dma_start3A_584 : memref<10240x128xf32, #tpu.memory_space<vmem_shared>>) offsets(%dma_start3A_581 : memref<80xi32, #tpu.memory_space<vmem>>) semaphore(%arg15 : memref<!tpu.dma_semaphore, #tpu.memory_space<semaphore_mem>>) {add = true}
      %dma_wait3A_585 = arith.constant 19 : i32
      %dma_wait3A_586 = arith.constant 0 : i32
      %dma_wait3A_587 = tpu.memref_slice %arg8[%dma_wait3A_585, %dma_wait3A_586] : memref<64x80xi32, #tpu.memory_space<vmem>> -> memref<1x80xi32, #tpu.memory_space<vmem>>
      %dma_wait3A_588 = tpu.memref_squeeze %dma_wait3A_587 : memref<1x80xi32, #tpu.memory_space<vmem>> -> memref<80xi32, #tpu.memory_space<vmem>>
      %dma_wait3A_589 = arith.constant 0 : i32
      %dma_wait3A_590 = arith.constant 0 : i32
      %dma_wait3A_591 = tpu.memref_slice %arg11[%dma_wait3A_589, %dma_wait3A_590] : memref<10240x128xf32, #tpu.memory_space<vmem_shared>> -> memref<10240x128xf32, #tpu.memory_space<vmem_shared>>
      tpu.wait_indirect_dma semaphore(%arg15 : memref<!tpu.dma_semaphore, #tpu.memory_space<semaphore_mem>>) src(%arg10 : memref<80x128xf32, #tpu.memory_space<vmem>>) dst(%dma_wait3A_591 : memref<10240x128xf32, #tpu.memory_space<vmem_shared>>)
      %dma_start3A_592 = arith.constant 21 : i32
      %dma_start3A_593 = arith.constant 0 : i32
      %dma_start3A_594 = tpu.memref_slice %arg7[%dma_start3A_592, %dma_start3A_593] : memref<64x80xi32, #tpu.memory_space<vmem>> -> memref<1x80xi32, #tpu.memory_space<vmem>>
      %dma_start3A_595 = tpu.memref_squeeze %dma_start3A_594 : memref<1x80xi32, #tpu.memory_space<vmem>> -> memref<80xi32, #tpu.memory_space<vmem>>
      %dma_start3A_596 = arith.constant 0 : i32
      %dma_start3A_597 = arith.constant 0 : i32
      %dma_start3A_598 = tpu.memref_slice %arg2[%dma_start3A_596, %dma_start3A_597] : memref<10240x128xf32, #tpu.memory_space<hbm>> -> memref<10240x128xf32, #tpu.memory_space<hbm>>
      tpu.enqueue_indirect_dma source(%dma_start3A_598 : memref<10240x128xf32, #tpu.memory_space<hbm>>) target(%arg10 : memref<80x128xf32, #tpu.memory_space<vmem>>) offsets(%dma_start3A_595 : memref<80xi32, #tpu.memory_space<vmem>>) semaphore(%arg13 : memref<!tpu.dma_semaphore, #tpu.memory_space<semaphore_mem>>)
      %dma_wait3A_599 = arith.constant 20 : i32
      %dma_wait3A_600 = arith.constant 0 : i32
      %dma_wait3A_601 = tpu.memref_slice %arg7[%dma_wait3A_599, %dma_wait3A_600] : memref<64x80xi32, #tpu.memory_space<vmem>> -> memref<1x80xi32, #tpu.memory_space<vmem>>
      %dma_wait3A_602 = tpu.memref_squeeze %dma_wait3A_601 : memref<1x80xi32, #tpu.memory_space<vmem>> -> memref<80xi32, #tpu.memory_space<vmem>>
      %dma_wait3A_603 = arith.constant 0 : i32
      %dma_wait3A_604 = arith.constant 0 : i32
      %dma_wait3A_605 = tpu.memref_slice %arg2[%dma_wait3A_603, %dma_wait3A_604] : memref<10240x128xf32, #tpu.memory_space<hbm>> -> memref<10240x128xf32, #tpu.memory_space<hbm>>
      tpu.wait_indirect_dma semaphore(%arg12 : memref<!tpu.dma_semaphore, #tpu.memory_space<semaphore_mem>>) src(%dma_wait3A_605 : memref<10240x128xf32, #tpu.memory_space<hbm>>) dst(%arg9 : memref<80x128xf32, #tpu.memory_space<vmem>>)
      %dma_start3A_606 = arith.constant 20 : i32
      %dma_start3A_607 = arith.constant 0 : i32
      %dma_start3A_608 = tpu.memref_slice %arg8[%dma_start3A_606, %dma_start3A_607] : memref<64x80xi32, #tpu.memory_space<vmem>> -> memref<1x80xi32, #tpu.memory_space<vmem>>
      %dma_start3A_609 = tpu.memref_squeeze %dma_start3A_608 : memref<1x80xi32, #tpu.memory_space<vmem>> -> memref<80xi32, #tpu.memory_space<vmem>>
      %dma_start3A_610 = arith.constant 0 : i32
      %dma_start3A_611 = arith.constant 0 : i32
      %dma_start3A_612 = tpu.memref_slice %arg11[%dma_start3A_610, %dma_start3A_611] : memref<10240x128xf32, #tpu.memory_space<vmem_shared>> -> memref<10240x128xf32, #tpu.memory_space<vmem_shared>>
      tpu.enqueue_indirect_dma source(%arg9 : memref<80x128xf32, #tpu.memory_space<vmem>>) target(%dma_start3A_612 : memref<10240x128xf32, #tpu.memory_space<vmem_shared>>) offsets(%dma_start3A_609 : memref<80xi32, #tpu.memory_space<vmem>>) semaphore(%arg14 : memref<!tpu.dma_semaphore, #tpu.memory_space<semaphore_mem>>) {add = true}
      %dma_wait3A_613 = arith.constant 20 : i32
      %dma_wait3A_614 = arith.constant 0 : i32
      %dma_wait3A_615 = tpu.memref_slice %arg8[%dma_wait3A_613, %dma_wait3A_614] : memref<64x80xi32, #tpu.memory_space<vmem>> -> memref<1x80xi32, #tpu.memory_space<vmem>>
      %dma_wait3A_616 = tpu.memref_squeeze %dma_wait3A_615 : memref<1x80xi32, #tpu.memory_space<vmem>> -> memref<80xi32, #tpu.memory_space<vmem>>
      %dma_wait3A_617 = arith.constant 0 : i32
      %dma_wait3A_618 = arith.constant 0 : i32
      %dma_wait3A_619 = tpu.memref_slice %arg11[%dma_wait3A_617, %dma_wait3A_618] : memref<10240x128xf32, #tpu.memory_space<vmem_shared>> -> memref<10240x128xf32, #tpu.memory_space<vmem_shared>>
      tpu.wait_indirect_dma semaphore(%arg14 : memref<!tpu.dma_semaphore, #tpu.memory_space<semaphore_mem>>) src(%arg9 : memref<80x128xf32, #tpu.memory_space<vmem>>) dst(%dma_wait3A_619 : memref<10240x128xf32, #tpu.memory_space<vmem_shared>>)
      %dma_start3A_620 = arith.constant 22 : i32
      %dma_start3A_621 = arith.constant 0 : i32
      %dma_start3A_622 = tpu.memref_slice %arg7[%dma_start3A_620, %dma_start3A_621] : memref<64x80xi32, #tpu.memory_space<vmem>> -> memref<1x80xi32, #tpu.memory_space<vmem>>
      %dma_start3A_623 = tpu.memref_squeeze %dma_start3A_622 : memref<1x80xi32, #tpu.memory_space<vmem>> -> memref<80xi32, #tpu.memory_space<vmem>>
      %dma_start3A_624 = arith.constant 0 : i32
      %dma_start3A_625 = arith.constant 0 : i32
      %dma_start3A_626 = tpu.memref_slice %arg2[%dma_start3A_624, %dma_start3A_625] : memref<10240x128xf32, #tpu.memory_space<hbm>> -> memref<10240x128xf32, #tpu.memory_space<hbm>>
      tpu.enqueue_indirect_dma source(%dma_start3A_626 : memref<10240x128xf32, #tpu.memory_space<hbm>>) target(%arg9 : memref<80x128xf32, #tpu.memory_space<vmem>>) offsets(%dma_start3A_623 : memref<80xi32, #tpu.memory_space<vmem>>) semaphore(%arg12 : memref<!tpu.dma_semaphore, #tpu.memory_space<semaphore_mem>>)
      %dma_wait3A_627 = arith.constant 21 : i32
      %dma_wait3A_628 = arith.constant 0 : i32
      %dma_wait3A_629 = tpu.memref_slice %arg7[%dma_wait3A_627, %dma_wait3A_628] : memref<64x80xi32, #tpu.memory_space<vmem>> -> memref<1x80xi32, #tpu.memory_space<vmem>>
      %dma_wait3A_630 = tpu.memref_squeeze %dma_wait3A_629 : memref<1x80xi32, #tpu.memory_space<vmem>> -> memref<80xi32, #tpu.memory_space<vmem>>
      %dma_wait3A_631 = arith.constant 0 : i32
      %dma_wait3A_632 = arith.constant 0 : i32
      %dma_wait3A_633 = tpu.memref_slice %arg2[%dma_wait3A_631, %dma_wait3A_632] : memref<10240x128xf32, #tpu.memory_space<hbm>> -> memref<10240x128xf32, #tpu.memory_space<hbm>>
      tpu.wait_indirect_dma semaphore(%arg13 : memref<!tpu.dma_semaphore, #tpu.memory_space<semaphore_mem>>) src(%dma_wait3A_633 : memref<10240x128xf32, #tpu.memory_space<hbm>>) dst(%arg10 : memref<80x128xf32, #tpu.memory_space<vmem>>)
      %dma_start3A_634 = arith.constant 21 : i32
      %dma_start3A_635 = arith.constant 0 : i32
      %dma_start3A_636 = tpu.memref_slice %arg8[%dma_start3A_634, %dma_start3A_635] : memref<64x80xi32, #tpu.memory_space<vmem>> -> memref<1x80xi32, #tpu.memory_space<vmem>>
      %dma_start3A_637 = tpu.memref_squeeze %dma_start3A_636 : memref<1x80xi32, #tpu.memory_space<vmem>> -> memref<80xi32, #tpu.memory_space<vmem>>
      %dma_start3A_638 = arith.constant 0 : i32
      %dma_start3A_639 = arith.constant 0 : i32
      %dma_start3A_640 = tpu.memref_slice %arg11[%dma_start3A_638, %dma_start3A_639] : memref<10240x128xf32, #tpu.memory_space<vmem_shared>> -> memref<10240x128xf32, #tpu.memory_space<vmem_shared>>
      tpu.enqueue_indirect_dma source(%arg10 : memref<80x128xf32, #tpu.memory_space<vmem>>) target(%dma_start3A_640 : memref<10240x128xf32, #tpu.memory_space<vmem_shared>>) offsets(%dma_start3A_637 : memref<80xi32, #tpu.memory_space<vmem>>) semaphore(%arg15 : memref<!tpu.dma_semaphore, #tpu.memory_space<semaphore_mem>>) {add = true}
      %dma_wait3A_641 = arith.constant 21 : i32
      %dma_wait3A_642 = arith.constant 0 : i32
      %dma_wait3A_643 = tpu.memref_slice %arg8[%dma_wait3A_641, %dma_wait3A_642] : memref<64x80xi32, #tpu.memory_space<vmem>> -> memref<1x80xi32, #tpu.memory_space<vmem>>
      %dma_wait3A_644 = tpu.memref_squeeze %dma_wait3A_643 : memref<1x80xi32, #tpu.memory_space<vmem>> -> memref<80xi32, #tpu.memory_space<vmem>>
      %dma_wait3A_645 = arith.constant 0 : i32
      %dma_wait3A_646 = arith.constant 0 : i32
      %dma_wait3A_647 = tpu.memref_slice %arg11[%dma_wait3A_645, %dma_wait3A_646] : memref<10240x128xf32, #tpu.memory_space<vmem_shared>> -> memref<10240x128xf32, #tpu.memory_space<vmem_shared>>
      tpu.wait_indirect_dma semaphore(%arg15 : memref<!tpu.dma_semaphore, #tpu.memory_space<semaphore_mem>>) src(%arg10 : memref<80x128xf32, #tpu.memory_space<vmem>>) dst(%dma_wait3A_647 : memref<10240x128xf32, #tpu.memory_space<vmem_shared>>)
      %dma_start3A_648 = arith.constant 23 : i32
      %dma_start3A_649 = arith.constant 0 : i32
      %dma_start3A_650 = tpu.memref_slice %arg7[%dma_start3A_648, %dma_start3A_649] : memref<64x80xi32, #tpu.memory_space<vmem>> -> memref<1x80xi32, #tpu.memory_space<vmem>>
      %dma_start3A_651 = tpu.memref_squeeze %dma_start3A_650 : memref<1x80xi32, #tpu.memory_space<vmem>> -> memref<80xi32, #tpu.memory_space<vmem>>
      %dma_start3A_652 = arith.constant 0 : i32
      %dma_start3A_653 = arith.constant 0 : i32
      %dma_start3A_654 = tpu.memref_slice %arg2[%dma_start3A_652, %dma_start3A_653] : memref<10240x128xf32, #tpu.memory_space<hbm>> -> memref<10240x128xf32, #tpu.memory_space<hbm>>
      tpu.enqueue_indirect_dma source(%dma_start3A_654 : memref<10240x128xf32, #tpu.memory_space<hbm>>) target(%arg10 : memref<80x128xf32, #tpu.memory_space<vmem>>) offsets(%dma_start3A_651 : memref<80xi32, #tpu.memory_space<vmem>>) semaphore(%arg13 : memref<!tpu.dma_semaphore, #tpu.memory_space<semaphore_mem>>)
      %dma_wait3A_655 = arith.constant 22 : i32
      %dma_wait3A_656 = arith.constant 0 : i32
      %dma_wait3A_657 = tpu.memref_slice %arg7[%dma_wait3A_655, %dma_wait3A_656] : memref<64x80xi32, #tpu.memory_space<vmem>> -> memref<1x80xi32, #tpu.memory_space<vmem>>
      %dma_wait3A_658 = tpu.memref_squeeze %dma_wait3A_657 : memref<1x80xi32, #tpu.memory_space<vmem>> -> memref<80xi32, #tpu.memory_space<vmem>>
      %dma_wait3A_659 = arith.constant 0 : i32
      %dma_wait3A_660 = arith.constant 0 : i32
      %dma_wait3A_661 = tpu.memref_slice %arg2[%dma_wait3A_659, %dma_wait3A_660] : memref<10240x128xf32, #tpu.memory_space<hbm>> -> memref<10240x128xf32, #tpu.memory_space<hbm>>
      tpu.wait_indirect_dma semaphore(%arg12 : memref<!tpu.dma_semaphore, #tpu.memory_space<semaphore_mem>>) src(%dma_wait3A_661 : memref<10240x128xf32, #tpu.memory_space<hbm>>) dst(%arg9 : memref<80x128xf32, #tpu.memory_space<vmem>>)
      %dma_start3A_662 = arith.constant 22 : i32
      %dma_start3A_663 = arith.constant 0 : i32
      %dma_start3A_664 = tpu.memref_slice %arg8[%dma_start3A_662, %dma_start3A_663] : memref<64x80xi32, #tpu.memory_space<vmem>> -> memref<1x80xi32, #tpu.memory_space<vmem>>
      %dma_start3A_665 = tpu.memref_squeeze %dma_start3A_664 : memref<1x80xi32, #tpu.memory_space<vmem>> -> memref<80xi32, #tpu.memory_space<vmem>>
      %dma_start3A_666 = arith.constant 0 : i32
      %dma_start3A_667 = arith.constant 0 : i32
      %dma_start3A_668 = tpu.memref_slice %arg11[%dma_start3A_666, %dma_start3A_667] : memref<10240x128xf32, #tpu.memory_space<vmem_shared>> -> memref<10240x128xf32, #tpu.memory_space<vmem_shared>>
      tpu.enqueue_indirect_dma source(%arg9 : memref<80x128xf32, #tpu.memory_space<vmem>>) target(%dma_start3A_668 : memref<10240x128xf32, #tpu.memory_space<vmem_shared>>) offsets(%dma_start3A_665 : memref<80xi32, #tpu.memory_space<vmem>>) semaphore(%arg14 : memref<!tpu.dma_semaphore, #tpu.memory_space<semaphore_mem>>) {add = true}
      %dma_wait3A_669 = arith.constant 22 : i32
      %dma_wait3A_670 = arith.constant 0 : i32
      %dma_wait3A_671 = tpu.memref_slice %arg8[%dma_wait3A_669, %dma_wait3A_670] : memref<64x80xi32, #tpu.memory_space<vmem>> -> memref<1x80xi32, #tpu.memory_space<vmem>>
      %dma_wait3A_672 = tpu.memref_squeeze %dma_wait3A_671 : memref<1x80xi32, #tpu.memory_space<vmem>> -> memref<80xi32, #tpu.memory_space<vmem>>
      %dma_wait3A_673 = arith.constant 0 : i32
      %dma_wait3A_674 = arith.constant 0 : i32
      %dma_wait3A_675 = tpu.memref_slice %arg11[%dma_wait3A_673, %dma_wait3A_674] : memref<10240x128xf32, #tpu.memory_space<vmem_shared>> -> memref<10240x128xf32, #tpu.memory_space<vmem_shared>>
      tpu.wait_indirect_dma semaphore(%arg14 : memref<!tpu.dma_semaphore, #tpu.memory_space<semaphore_mem>>) src(%arg9 : memref<80x128xf32, #tpu.memory_space<vmem>>) dst(%dma_wait3A_675 : memref<10240x128xf32, #tpu.memory_space<vmem_shared>>)
      %dma_start3A_676 = arith.constant 24 : i32
      %dma_start3A_677 = arith.constant 0 : i32
      %dma_start3A_678 = tpu.memref_slice %arg7[%dma_start3A_676, %dma_start3A_677] : memref<64x80xi32, #tpu.memory_space<vmem>> -> memref<1x80xi32, #tpu.memory_space<vmem>>
      %dma_start3A_679 = tpu.memref_squeeze %dma_start3A_678 : memref<1x80xi32, #tpu.memory_space<vmem>> -> memref<80xi32, #tpu.memory_space<vmem>>
      %dma_start3A_680 = arith.constant 0 : i32
      %dma_start3A_681 = arith.constant 0 : i32
      %dma_start3A_682 = tpu.memref_slice %arg2[%dma_start3A_680, %dma_start3A_681] : memref<10240x128xf32, #tpu.memory_space<hbm>> -> memref<10240x128xf32, #tpu.memory_space<hbm>>
      tpu.enqueue_indirect_dma source(%dma_start3A_682 : memref<10240x128xf32, #tpu.memory_space<hbm>>) target(%arg9 : memref<80x128xf32, #tpu.memory_space<vmem>>) offsets(%dma_start3A_679 : memref<80xi32, #tpu.memory_space<vmem>>) semaphore(%arg12 : memref<!tpu.dma_semaphore, #tpu.memory_space<semaphore_mem>>)
      %dma_wait3A_683 = arith.constant 23 : i32
      %dma_wait3A_684 = arith.constant 0 : i32
      %dma_wait3A_685 = tpu.memref_slice %arg7[%dma_wait3A_683, %dma_wait3A_684] : memref<64x80xi32, #tpu.memory_space<vmem>> -> memref<1x80xi32, #tpu.memory_space<vmem>>
      %dma_wait3A_686 = tpu.memref_squeeze %dma_wait3A_685 : memref<1x80xi32, #tpu.memory_space<vmem>> -> memref<80xi32, #tpu.memory_space<vmem>>
      %dma_wait3A_687 = arith.constant 0 : i32
      %dma_wait3A_688 = arith.constant 0 : i32
      %dma_wait3A_689 = tpu.memref_slice %arg2[%dma_wait3A_687, %dma_wait3A_688] : memref<10240x128xf32, #tpu.memory_space<hbm>> -> memref<10240x128xf32, #tpu.memory_space<hbm>>
      tpu.wait_indirect_dma semaphore(%arg13 : memref<!tpu.dma_semaphore, #tpu.memory_space<semaphore_mem>>) src(%dma_wait3A_689 : memref<10240x128xf32, #tpu.memory_space<hbm>>) dst(%arg10 : memref<80x128xf32, #tpu.memory_space<vmem>>)
      %dma_start3A_690 = arith.constant 23 : i32
      %dma_start3A_691 = arith.constant 0 : i32
      %dma_start3A_692 = tpu.memref_slice %arg8[%dma_start3A_690, %dma_start3A_691] : memref<64x80xi32, #tpu.memory_space<vmem>> -> memref<1x80xi32, #tpu.memory_space<vmem>>
      %dma_start3A_693 = tpu.memref_squeeze %dma_start3A_692 : memref<1x80xi32, #tpu.memory_space<vmem>> -> memref<80xi32, #tpu.memory_space<vmem>>
      %dma_start3A_694 = arith.constant 0 : i32
      %dma_start3A_695 = arith.constant 0 : i32
      %dma_start3A_696 = tpu.memref_slice %arg11[%dma_start3A_694, %dma_start3A_695] : memref<10240x128xf32, #tpu.memory_space<vmem_shared>> -> memref<10240x128xf32, #tpu.memory_space<vmem_shared>>
      tpu.enqueue_indirect_dma source(%arg10 : memref<80x128xf32, #tpu.memory_space<vmem>>) target(%dma_start3A_696 : memref<10240x128xf32, #tpu.memory_space<vmem_shared>>) offsets(%dma_start3A_693 : memref<80xi32, #tpu.memory_space<vmem>>) semaphore(%arg15 : memref<!tpu.dma_semaphore, #tpu.memory_space<semaphore_mem>>) {add = true}
      %dma_wait3A_697 = arith.constant 23 : i32
      %dma_wait3A_698 = arith.constant 0 : i32
      %dma_wait3A_699 = tpu.memref_slice %arg8[%dma_wait3A_697, %dma_wait3A_698] : memref<64x80xi32, #tpu.memory_space<vmem>> -> memref<1x80xi32, #tpu.memory_space<vmem>>
      %dma_wait3A_700 = tpu.memref_squeeze %dma_wait3A_699 : memref<1x80xi32, #tpu.memory_space<vmem>> -> memref<80xi32, #tpu.memory_space<vmem>>
      %dma_wait3A_701 = arith.constant 0 : i32
      %dma_wait3A_702 = arith.constant 0 : i32
      %dma_wait3A_703 = tpu.memref_slice %arg11[%dma_wait3A_701, %dma_wait3A_702] : memref<10240x128xf32, #tpu.memory_space<vmem_shared>> -> memref<10240x128xf32, #tpu.memory_space<vmem_shared>>
      tpu.wait_indirect_dma semaphore(%arg15 : memref<!tpu.dma_semaphore, #tpu.memory_space<semaphore_mem>>) src(%arg10 : memref<80x128xf32, #tpu.memory_space<vmem>>) dst(%dma_wait3A_703 : memref<10240x128xf32, #tpu.memory_space<vmem_shared>>)
      %dma_start3A_704 = arith.constant 25 : i32
      %dma_start3A_705 = arith.constant 0 : i32
      %dma_start3A_706 = tpu.memref_slice %arg7[%dma_start3A_704, %dma_start3A_705] : memref<64x80xi32, #tpu.memory_space<vmem>> -> memref<1x80xi32, #tpu.memory_space<vmem>>
      %dma_start3A_707 = tpu.memref_squeeze %dma_start3A_706 : memref<1x80xi32, #tpu.memory_space<vmem>> -> memref<80xi32, #tpu.memory_space<vmem>>
      %dma_start3A_708 = arith.constant 0 : i32
      %dma_start3A_709 = arith.constant 0 : i32
      %dma_start3A_710 = tpu.memref_slice %arg2[%dma_start3A_708, %dma_start3A_709] : memref<10240x128xf32, #tpu.memory_space<hbm>> -> memref<10240x128xf32, #tpu.memory_space<hbm>>
      tpu.enqueue_indirect_dma source(%dma_start3A_710 : memref<10240x128xf32, #tpu.memory_space<hbm>>) target(%arg10 : memref<80x128xf32, #tpu.memory_space<vmem>>) offsets(%dma_start3A_707 : memref<80xi32, #tpu.memory_space<vmem>>) semaphore(%arg13 : memref<!tpu.dma_semaphore, #tpu.memory_space<semaphore_mem>>)
      %dma_wait3A_711 = arith.constant 24 : i32
      %dma_wait3A_712 = arith.constant 0 : i32
      %dma_wait3A_713 = tpu.memref_slice %arg7[%dma_wait3A_711, %dma_wait3A_712] : memref<64x80xi32, #tpu.memory_space<vmem>> -> memref<1x80xi32, #tpu.memory_space<vmem>>
      %dma_wait3A_714 = tpu.memref_squeeze %dma_wait3A_713 : memref<1x80xi32, #tpu.memory_space<vmem>> -> memref<80xi32, #tpu.memory_space<vmem>>
      %dma_wait3A_715 = arith.constant 0 : i32
      %dma_wait3A_716 = arith.constant 0 : i32
      %dma_wait3A_717 = tpu.memref_slice %arg2[%dma_wait3A_715, %dma_wait3A_716] : memref<10240x128xf32, #tpu.memory_space<hbm>> -> memref<10240x128xf32, #tpu.memory_space<hbm>>
      tpu.wait_indirect_dma semaphore(%arg12 : memref<!tpu.dma_semaphore, #tpu.memory_space<semaphore_mem>>) src(%dma_wait3A_717 : memref<10240x128xf32, #tpu.memory_space<hbm>>) dst(%arg9 : memref<80x128xf32, #tpu.memory_space<vmem>>)
      %dma_start3A_718 = arith.constant 24 : i32
      %dma_start3A_719 = arith.constant 0 : i32
      %dma_start3A_720 = tpu.memref_slice %arg8[%dma_start3A_718, %dma_start3A_719] : memref<64x80xi32, #tpu.memory_space<vmem>> -> memref<1x80xi32, #tpu.memory_space<vmem>>
      %dma_start3A_721 = tpu.memref_squeeze %dma_start3A_720 : memref<1x80xi32, #tpu.memory_space<vmem>> -> memref<80xi32, #tpu.memory_space<vmem>>
      %dma_start3A_722 = arith.constant 0 : i32
      %dma_start3A_723 = arith.constant 0 : i32
      %dma_start3A_724 = tpu.memref_slice %arg11[%dma_start3A_722, %dma_start3A_723] : memref<10240x128xf32, #tpu.memory_space<vmem_shared>> -> memref<10240x128xf32, #tpu.memory_space<vmem_shared>>
      tpu.enqueue_indirect_dma source(%arg9 : memref<80x128xf32, #tpu.memory_space<vmem>>) target(%dma_start3A_724 : memref<10240x128xf32, #tpu.memory_space<vmem_shared>>) offsets(%dma_start3A_721 : memref<80xi32, #tpu.memory_space<vmem>>) semaphore(%arg14 : memref<!tpu.dma_semaphore, #tpu.memory_space<semaphore_mem>>) {add = true}
      %dma_wait3A_725 = arith.constant 24 : i32
      %dma_wait3A_726 = arith.constant 0 : i32
      %dma_wait3A_727 = tpu.memref_slice %arg8[%dma_wait3A_725, %dma_wait3A_726] : memref<64x80xi32, #tpu.memory_space<vmem>> -> memref<1x80xi32, #tpu.memory_space<vmem>>
      %dma_wait3A_728 = tpu.memref_squeeze %dma_wait3A_727 : memref<1x80xi32, #tpu.memory_space<vmem>> -> memref<80xi32, #tpu.memory_space<vmem>>
      %dma_wait3A_729 = arith.constant 0 : i32
      %dma_wait3A_730 = arith.constant 0 : i32
      %dma_wait3A_731 = tpu.memref_slice %arg11[%dma_wait3A_729, %dma_wait3A_730] : memref<10240x128xf32, #tpu.memory_space<vmem_shared>> -> memref<10240x128xf32, #tpu.memory_space<vmem_shared>>
      tpu.wait_indirect_dma semaphore(%arg14 : memref<!tpu.dma_semaphore, #tpu.memory_space<semaphore_mem>>) src(%arg9 : memref<80x128xf32, #tpu.memory_space<vmem>>) dst(%dma_wait3A_731 : memref<10240x128xf32, #tpu.memory_space<vmem_shared>>)
      %dma_start3A_732 = arith.constant 26 : i32
      %dma_start3A_733 = arith.constant 0 : i32
      %dma_start3A_734 = tpu.memref_slice %arg7[%dma_start3A_732, %dma_start3A_733] : memref<64x80xi32, #tpu.memory_space<vmem>> -> memref<1x80xi32, #tpu.memory_space<vmem>>
      %dma_start3A_735 = tpu.memref_squeeze %dma_start3A_734 : memref<1x80xi32, #tpu.memory_space<vmem>> -> memref<80xi32, #tpu.memory_space<vmem>>
      %dma_start3A_736 = arith.constant 0 : i32
      %dma_start3A_737 = arith.constant 0 : i32
      %dma_start3A_738 = tpu.memref_slice %arg2[%dma_start3A_736, %dma_start3A_737] : memref<10240x128xf32, #tpu.memory_space<hbm>> -> memref<10240x128xf32, #tpu.memory_space<hbm>>
      tpu.enqueue_indirect_dma source(%dma_start3A_738 : memref<10240x128xf32, #tpu.memory_space<hbm>>) target(%arg9 : memref<80x128xf32, #tpu.memory_space<vmem>>) offsets(%dma_start3A_735 : memref<80xi32, #tpu.memory_space<vmem>>) semaphore(%arg12 : memref<!tpu.dma_semaphore, #tpu.memory_space<semaphore_mem>>)
      %dma_wait3A_739 = arith.constant 25 : i32
      %dma_wait3A_740 = arith.constant 0 : i32
      %dma_wait3A_741 = tpu.memref_slice %arg7[%dma_wait3A_739, %dma_wait3A_740] : memref<64x80xi32, #tpu.memory_space<vmem>> -> memref<1x80xi32, #tpu.memory_space<vmem>>
      %dma_wait3A_742 = tpu.memref_squeeze %dma_wait3A_741 : memref<1x80xi32, #tpu.memory_space<vmem>> -> memref<80xi32, #tpu.memory_space<vmem>>
      %dma_wait3A_743 = arith.constant 0 : i32
      %dma_wait3A_744 = arith.constant 0 : i32
      %dma_wait3A_745 = tpu.memref_slice %arg2[%dma_wait3A_743, %dma_wait3A_744] : memref<10240x128xf32, #tpu.memory_space<hbm>> -> memref<10240x128xf32, #tpu.memory_space<hbm>>
      tpu.wait_indirect_dma semaphore(%arg13 : memref<!tpu.dma_semaphore, #tpu.memory_space<semaphore_mem>>) src(%dma_wait3A_745 : memref<10240x128xf32, #tpu.memory_space<hbm>>) dst(%arg10 : memref<80x128xf32, #tpu.memory_space<vmem>>)
      %dma_start3A_746 = arith.constant 25 : i32
      %dma_start3A_747 = arith.constant 0 : i32
      %dma_start3A_748 = tpu.memref_slice %arg8[%dma_start3A_746, %dma_start3A_747] : memref<64x80xi32, #tpu.memory_space<vmem>> -> memref<1x80xi32, #tpu.memory_space<vmem>>
      %dma_start3A_749 = tpu.memref_squeeze %dma_start3A_748 : memref<1x80xi32, #tpu.memory_space<vmem>> -> memref<80xi32, #tpu.memory_space<vmem>>
      %dma_start3A_750 = arith.constant 0 : i32
      %dma_start3A_751 = arith.constant 0 : i32
      %dma_start3A_752 = tpu.memref_slice %arg11[%dma_start3A_750, %dma_start3A_751] : memref<10240x128xf32, #tpu.memory_space<vmem_shared>> -> memref<10240x128xf32, #tpu.memory_space<vmem_shared>>
      tpu.enqueue_indirect_dma source(%arg10 : memref<80x128xf32, #tpu.memory_space<vmem>>) target(%dma_start3A_752 : memref<10240x128xf32, #tpu.memory_space<vmem_shared>>) offsets(%dma_start3A_749 : memref<80xi32, #tpu.memory_space<vmem>>) semaphore(%arg15 : memref<!tpu.dma_semaphore, #tpu.memory_space<semaphore_mem>>) {add = true}
      %dma_wait3A_753 = arith.constant 25 : i32
      %dma_wait3A_754 = arith.constant 0 : i32
      %dma_wait3A_755 = tpu.memref_slice %arg8[%dma_wait3A_753, %dma_wait3A_754] : memref<64x80xi32, #tpu.memory_space<vmem>> -> memref<1x80xi32, #tpu.memory_space<vmem>>
      %dma_wait3A_756 = tpu.memref_squeeze %dma_wait3A_755 : memref<1x80xi32, #tpu.memory_space<vmem>> -> memref<80xi32, #tpu.memory_space<vmem>>
      %dma_wait3A_757 = arith.constant 0 : i32
      %dma_wait3A_758 = arith.constant 0 : i32
      %dma_wait3A_759 = tpu.memref_slice %arg11[%dma_wait3A_757, %dma_wait3A_758] : memref<10240x128xf32, #tpu.memory_space<vmem_shared>> -> memref<10240x128xf32, #tpu.memory_space<vmem_shared>>
      tpu.wait_indirect_dma semaphore(%arg15 : memref<!tpu.dma_semaphore, #tpu.memory_space<semaphore_mem>>) src(%arg10 : memref<80x128xf32, #tpu.memory_space<vmem>>) dst(%dma_wait3A_759 : memref<10240x128xf32, #tpu.memory_space<vmem_shared>>)
      %dma_start3A_760 = arith.constant 27 : i32
      %dma_start3A_761 = arith.constant 0 : i32
      %dma_start3A_762 = tpu.memref_slice %arg7[%dma_start3A_760, %dma_start3A_761] : memref<64x80xi32, #tpu.memory_space<vmem>> -> memref<1x80xi32, #tpu.memory_space<vmem>>
      %dma_start3A_763 = tpu.memref_squeeze %dma_start3A_762 : memref<1x80xi32, #tpu.memory_space<vmem>> -> memref<80xi32, #tpu.memory_space<vmem>>
      %dma_start3A_764 = arith.constant 0 : i32
      %dma_start3A_765 = arith.constant 0 : i32
      %dma_start3A_766 = tpu.memref_slice %arg2[%dma_start3A_764, %dma_start3A_765] : memref<10240x128xf32, #tpu.memory_space<hbm>> -> memref<10240x128xf32, #tpu.memory_space<hbm>>
      tpu.enqueue_indirect_dma source(%dma_start3A_766 : memref<10240x128xf32, #tpu.memory_space<hbm>>) target(%arg10 : memref<80x128xf32, #tpu.memory_space<vmem>>) offsets(%dma_start3A_763 : memref<80xi32, #tpu.memory_space<vmem>>) semaphore(%arg13 : memref<!tpu.dma_semaphore, #tpu.memory_space<semaphore_mem>>)
      %dma_wait3A_767 = arith.constant 26 : i32
      %dma_wait3A_768 = arith.constant 0 : i32
      %dma_wait3A_769 = tpu.memref_slice %arg7[%dma_wait3A_767, %dma_wait3A_768] : memref<64x80xi32, #tpu.memory_space<vmem>> -> memref<1x80xi32, #tpu.memory_space<vmem>>
      %dma_wait3A_770 = tpu.memref_squeeze %dma_wait3A_769 : memref<1x80xi32, #tpu.memory_space<vmem>> -> memref<80xi32, #tpu.memory_space<vmem>>
      %dma_wait3A_771 = arith.constant 0 : i32
      %dma_wait3A_772 = arith.constant 0 : i32
      %dma_wait3A_773 = tpu.memref_slice %arg2[%dma_wait3A_771, %dma_wait3A_772] : memref<10240x128xf32, #tpu.memory_space<hbm>> -> memref<10240x128xf32, #tpu.memory_space<hbm>>
      tpu.wait_indirect_dma semaphore(%arg12 : memref<!tpu.dma_semaphore, #tpu.memory_space<semaphore_mem>>) src(%dma_wait3A_773 : memref<10240x128xf32, #tpu.memory_space<hbm>>) dst(%arg9 : memref<80x128xf32, #tpu.memory_space<vmem>>)
      %dma_start3A_774 = arith.constant 26 : i32
      %dma_start3A_775 = arith.constant 0 : i32
      %dma_start3A_776 = tpu.memref_slice %arg8[%dma_start3A_774, %dma_start3A_775] : memref<64x80xi32, #tpu.memory_space<vmem>> -> memref<1x80xi32, #tpu.memory_space<vmem>>
      %dma_start3A_777 = tpu.memref_squeeze %dma_start3A_776 : memref<1x80xi32, #tpu.memory_space<vmem>> -> memref<80xi32, #tpu.memory_space<vmem>>
      %dma_start3A_778 = arith.constant 0 : i32
      %dma_start3A_779 = arith.constant 0 : i32
      %dma_start3A_780 = tpu.memref_slice %arg11[%dma_start3A_778, %dma_start3A_779] : memref<10240x128xf32, #tpu.memory_space<vmem_shared>> -> memref<10240x128xf32, #tpu.memory_space<vmem_shared>>
      tpu.enqueue_indirect_dma source(%arg9 : memref<80x128xf32, #tpu.memory_space<vmem>>) target(%dma_start3A_780 : memref<10240x128xf32, #tpu.memory_space<vmem_shared>>) offsets(%dma_start3A_777 : memref<80xi32, #tpu.memory_space<vmem>>) semaphore(%arg14 : memref<!tpu.dma_semaphore, #tpu.memory_space<semaphore_mem>>) {add = true}
      %dma_wait3A_781 = arith.constant 26 : i32
      %dma_wait3A_782 = arith.constant 0 : i32
      %dma_wait3A_783 = tpu.memref_slice %arg8[%dma_wait3A_781, %dma_wait3A_782] : memref<64x80xi32, #tpu.memory_space<vmem>> -> memref<1x80xi32, #tpu.memory_space<vmem>>
      %dma_wait3A_784 = tpu.memref_squeeze %dma_wait3A_783 : memref<1x80xi32, #tpu.memory_space<vmem>> -> memref<80xi32, #tpu.memory_space<vmem>>
      %dma_wait3A_785 = arith.constant 0 : i32
      %dma_wait3A_786 = arith.constant 0 : i32
      %dma_wait3A_787 = tpu.memref_slice %arg11[%dma_wait3A_785, %dma_wait3A_786] : memref<10240x128xf32, #tpu.memory_space<vmem_shared>> -> memref<10240x128xf32, #tpu.memory_space<vmem_shared>>
      tpu.wait_indirect_dma semaphore(%arg14 : memref<!tpu.dma_semaphore, #tpu.memory_space<semaphore_mem>>) src(%arg9 : memref<80x128xf32, #tpu.memory_space<vmem>>) dst(%dma_wait3A_787 : memref<10240x128xf32, #tpu.memory_space<vmem_shared>>)
      %dma_start3A_788 = arith.constant 28 : i32
      %dma_start3A_789 = arith.constant 0 : i32
      %dma_start3A_790 = tpu.memref_slice %arg7[%dma_start3A_788, %dma_start3A_789] : memref<64x80xi32, #tpu.memory_space<vmem>> -> memref<1x80xi32, #tpu.memory_space<vmem>>
      %dma_start3A_791 = tpu.memref_squeeze %dma_start3A_790 : memref<1x80xi32, #tpu.memory_space<vmem>> -> memref<80xi32, #tpu.memory_space<vmem>>
      %dma_start3A_792 = arith.constant 0 : i32
      %dma_start3A_793 = arith.constant 0 : i32
      %dma_start3A_794 = tpu.memref_slice %arg2[%dma_start3A_792, %dma_start3A_793] : memref<10240x128xf32, #tpu.memory_space<hbm>> -> memref<10240x128xf32, #tpu.memory_space<hbm>>
      tpu.enqueue_indirect_dma source(%dma_start3A_794 : memref<10240x128xf32, #tpu.memory_space<hbm>>) target(%arg9 : memref<80x128xf32, #tpu.memory_space<vmem>>) offsets(%dma_start3A_791 : memref<80xi32, #tpu.memory_space<vmem>>) semaphore(%arg12 : memref<!tpu.dma_semaphore, #tpu.memory_space<semaphore_mem>>)
      %dma_wait3A_795 = arith.constant 27 : i32
      %dma_wait3A_796 = arith.constant 0 : i32
      %dma_wait3A_797 = tpu.memref_slice %arg7[%dma_wait3A_795, %dma_wait3A_796] : memref<64x80xi32, #tpu.memory_space<vmem>> -> memref<1x80xi32, #tpu.memory_space<vmem>>
      %dma_wait3A_798 = tpu.memref_squeeze %dma_wait3A_797 : memref<1x80xi32, #tpu.memory_space<vmem>> -> memref<80xi32, #tpu.memory_space<vmem>>
      %dma_wait3A_799 = arith.constant 0 : i32
      %dma_wait3A_800 = arith.constant 0 : i32
      %dma_wait3A_801 = tpu.memref_slice %arg2[%dma_wait3A_799, %dma_wait3A_800] : memref<10240x128xf32, #tpu.memory_space<hbm>> -> memref<10240x128xf32, #tpu.memory_space<hbm>>
      tpu.wait_indirect_dma semaphore(%arg13 : memref<!tpu.dma_semaphore, #tpu.memory_space<semaphore_mem>>) src(%dma_wait3A_801 : memref<10240x128xf32, #tpu.memory_space<hbm>>) dst(%arg10 : memref<80x128xf32, #tpu.memory_space<vmem>>)
      %dma_start3A_802 = arith.constant 27 : i32
      %dma_start3A_803 = arith.constant 0 : i32
      %dma_start3A_804 = tpu.memref_slice %arg8[%dma_start3A_802, %dma_start3A_803] : memref<64x80xi32, #tpu.memory_space<vmem>> -> memref<1x80xi32, #tpu.memory_space<vmem>>
      %dma_start3A_805 = tpu.memref_squeeze %dma_start3A_804 : memref<1x80xi32, #tpu.memory_space<vmem>> -> memref<80xi32, #tpu.memory_space<vmem>>
      %dma_start3A_806 = arith.constant 0 : i32
      %dma_start3A_807 = arith.constant 0 : i32
      %dma_start3A_808 = tpu.memref_slice %arg11[%dma_start3A_806, %dma_start3A_807] : memref<10240x128xf32, #tpu.memory_space<vmem_shared>> -> memref<10240x128xf32, #tpu.memory_space<vmem_shared>>
      tpu.enqueue_indirect_dma source(%arg10 : memref<80x128xf32, #tpu.memory_space<vmem>>) target(%dma_start3A_808 : memref<10240x128xf32, #tpu.memory_space<vmem_shared>>) offsets(%dma_start3A_805 : memref<80xi32, #tpu.memory_space<vmem>>) semaphore(%arg15 : memref<!tpu.dma_semaphore, #tpu.memory_space<semaphore_mem>>) {add = true}
      %dma_wait3A_809 = arith.constant 27 : i32
      %dma_wait3A_810 = arith.constant 0 : i32
      %dma_wait3A_811 = tpu.memref_slice %arg8[%dma_wait3A_809, %dma_wait3A_810] : memref<64x80xi32, #tpu.memory_space<vmem>> -> memref<1x80xi32, #tpu.memory_space<vmem>>
      %dma_wait3A_812 = tpu.memref_squeeze %dma_wait3A_811 : memref<1x80xi32, #tpu.memory_space<vmem>> -> memref<80xi32, #tpu.memory_space<vmem>>
      %dma_wait3A_813 = arith.constant 0 : i32
      %dma_wait3A_814 = arith.constant 0 : i32
      %dma_wait3A_815 = tpu.memref_slice %arg11[%dma_wait3A_813, %dma_wait3A_814] : memref<10240x128xf32, #tpu.memory_space<vmem_shared>> -> memref<10240x128xf32, #tpu.memory_space<vmem_shared>>
      tpu.wait_indirect_dma semaphore(%arg15 : memref<!tpu.dma_semaphore, #tpu.memory_space<semaphore_mem>>) src(%arg10 : memref<80x128xf32, #tpu.memory_space<vmem>>) dst(%dma_wait3A_815 : memref<10240x128xf32, #tpu.memory_space<vmem_shared>>)
      %dma_start3A_816 = arith.constant 29 : i32
      %dma_start3A_817 = arith.constant 0 : i32
      %dma_start3A_818 = tpu.memref_slice %arg7[%dma_start3A_816, %dma_start3A_817] : memref<64x80xi32, #tpu.memory_space<vmem>> -> memref<1x80xi32, #tpu.memory_space<vmem>>
      %dma_start3A_819 = tpu.memref_squeeze %dma_start3A_818 : memref<1x80xi32, #tpu.memory_space<vmem>> -> memref<80xi32, #tpu.memory_space<vmem>>
      %dma_start3A_820 = arith.constant 0 : i32
      %dma_start3A_821 = arith.constant 0 : i32
      %dma_start3A_822 = tpu.memref_slice %arg2[%dma_start3A_820, %dma_start3A_821] : memref<10240x128xf32, #tpu.memory_space<hbm>> -> memref<10240x128xf32, #tpu.memory_space<hbm>>
      tpu.enqueue_indirect_dma source(%dma_start3A_822 : memref<10240x128xf32, #tpu.memory_space<hbm>>) target(%arg10 : memref<80x128xf32, #tpu.memory_space<vmem>>) offsets(%dma_start3A_819 : memref<80xi32, #tpu.memory_space<vmem>>) semaphore(%arg13 : memref<!tpu.dma_semaphore, #tpu.memory_space<semaphore_mem>>)
      %dma_wait3A_823 = arith.constant 28 : i32
      %dma_wait3A_824 = arith.constant 0 : i32
      %dma_wait3A_825 = tpu.memref_slice %arg7[%dma_wait3A_823, %dma_wait3A_824] : memref<64x80xi32, #tpu.memory_space<vmem>> -> memref<1x80xi32, #tpu.memory_space<vmem>>
      %dma_wait3A_826 = tpu.memref_squeeze %dma_wait3A_825 : memref<1x80xi32, #tpu.memory_space<vmem>> -> memref<80xi32, #tpu.memory_space<vmem>>
      %dma_wait3A_827 = arith.constant 0 : i32
      %dma_wait3A_828 = arith.constant 0 : i32
      %dma_wait3A_829 = tpu.memref_slice %arg2[%dma_wait3A_827, %dma_wait3A_828] : memref<10240x128xf32, #tpu.memory_space<hbm>> -> memref<10240x128xf32, #tpu.memory_space<hbm>>
      tpu.wait_indirect_dma semaphore(%arg12 : memref<!tpu.dma_semaphore, #tpu.memory_space<semaphore_mem>>) src(%dma_wait3A_829 : memref<10240x128xf32, #tpu.memory_space<hbm>>) dst(%arg9 : memref<80x128xf32, #tpu.memory_space<vmem>>)
      %dma_start3A_830 = arith.constant 28 : i32
      %dma_start3A_831 = arith.constant 0 : i32
      %dma_start3A_832 = tpu.memref_slice %arg8[%dma_start3A_830, %dma_start3A_831] : memref<64x80xi32, #tpu.memory_space<vmem>> -> memref<1x80xi32, #tpu.memory_space<vmem>>
      %dma_start3A_833 = tpu.memref_squeeze %dma_start3A_832 : memref<1x80xi32, #tpu.memory_space<vmem>> -> memref<80xi32, #tpu.memory_space<vmem>>
      %dma_start3A_834 = arith.constant 0 : i32
      %dma_start3A_835 = arith.constant 0 : i32
      %dma_start3A_836 = tpu.memref_slice %arg11[%dma_start3A_834, %dma_start3A_835] : memref<10240x128xf32, #tpu.memory_space<vmem_shared>> -> memref<10240x128xf32, #tpu.memory_space<vmem_shared>>
      tpu.enqueue_indirect_dma source(%arg9 : memref<80x128xf32, #tpu.memory_space<vmem>>) target(%dma_start3A_836 : memref<10240x128xf32, #tpu.memory_space<vmem_shared>>) offsets(%dma_start3A_833 : memref<80xi32, #tpu.memory_space<vmem>>) semaphore(%arg14 : memref<!tpu.dma_semaphore, #tpu.memory_space<semaphore_mem>>) {add = true}
      %dma_wait3A_837 = arith.constant 28 : i32
      %dma_wait3A_838 = arith.constant 0 : i32
      %dma_wait3A_839 = tpu.memref_slice %arg8[%dma_wait3A_837, %dma_wait3A_838] : memref<64x80xi32, #tpu.memory_space<vmem>> -> memref<1x80xi32, #tpu.memory_space<vmem>>
      %dma_wait3A_840 = tpu.memref_squeeze %dma_wait3A_839 : memref<1x80xi32, #tpu.memory_space<vmem>> -> memref<80xi32, #tpu.memory_space<vmem>>
      %dma_wait3A_841 = arith.constant 0 : i32
      %dma_wait3A_842 = arith.constant 0 : i32
      %dma_wait3A_843 = tpu.memref_slice %arg11[%dma_wait3A_841, %dma_wait3A_842] : memref<10240x128xf32, #tpu.memory_space<vmem_shared>> -> memref<10240x128xf32, #tpu.memory_space<vmem_shared>>
      tpu.wait_indirect_dma semaphore(%arg14 : memref<!tpu.dma_semaphore, #tpu.memory_space<semaphore_mem>>) src(%arg9 : memref<80x128xf32, #tpu.memory_space<vmem>>) dst(%dma_wait3A_843 : memref<10240x128xf32, #tpu.memory_space<vmem_shared>>)
      %dma_start3A_844 = arith.constant 30 : i32
      %dma_start3A_845 = arith.constant 0 : i32
      %dma_start3A_846 = tpu.memref_slice %arg7[%dma_start3A_844, %dma_start3A_845] : memref<64x80xi32, #tpu.memory_space<vmem>> -> memref<1x80xi32, #tpu.memory_space<vmem>>
      %dma_start3A_847 = tpu.memref_squeeze %dma_start3A_846 : memref<1x80xi32, #tpu.memory_space<vmem>> -> memref<80xi32, #tpu.memory_space<vmem>>
      %dma_start3A_848 = arith.constant 0 : i32
      %dma_start3A_849 = arith.constant 0 : i32
      %dma_start3A_850 = tpu.memref_slice %arg2[%dma_start3A_848, %dma_start3A_849] : memref<10240x128xf32, #tpu.memory_space<hbm>> -> memref<10240x128xf32, #tpu.memory_space<hbm>>
      tpu.enqueue_indirect_dma source(%dma_start3A_850 : memref<10240x128xf32, #tpu.memory_space<hbm>>) target(%arg9 : memref<80x128xf32, #tpu.memory_space<vmem>>) offsets(%dma_start3A_847 : memref<80xi32, #tpu.memory_space<vmem>>) semaphore(%arg12 : memref<!tpu.dma_semaphore, #tpu.memory_space<semaphore_mem>>)
      %dma_wait3A_851 = arith.constant 29 : i32
      %dma_wait3A_852 = arith.constant 0 : i32
      %dma_wait3A_853 = tpu.memref_slice %arg7[%dma_wait3A_851, %dma_wait3A_852] : memref<64x80xi32, #tpu.memory_space<vmem>> -> memref<1x80xi32, #tpu.memory_space<vmem>>
      %dma_wait3A_854 = tpu.memref_squeeze %dma_wait3A_853 : memref<1x80xi32, #tpu.memory_space<vmem>> -> memref<80xi32, #tpu.memory_space<vmem>>
      %dma_wait3A_855 = arith.constant 0 : i32
      %dma_wait3A_856 = arith.constant 0 : i32
      %dma_wait3A_857 = tpu.memref_slice %arg2[%dma_wait3A_855, %dma_wait3A_856] : memref<10240x128xf32, #tpu.memory_space<hbm>> -> memref<10240x128xf32, #tpu.memory_space<hbm>>
      tpu.wait_indirect_dma semaphore(%arg13 : memref<!tpu.dma_semaphore, #tpu.memory_space<semaphore_mem>>) src(%dma_wait3A_857 : memref<10240x128xf32, #tpu.memory_space<hbm>>) dst(%arg10 : memref<80x128xf32, #tpu.memory_space<vmem>>)
      %dma_start3A_858 = arith.constant 29 : i32
      %dma_start3A_859 = arith.constant 0 : i32
      %dma_start3A_860 = tpu.memref_slice %arg8[%dma_start3A_858, %dma_start3A_859] : memref<64x80xi32, #tpu.memory_space<vmem>> -> memref<1x80xi32, #tpu.memory_space<vmem>>
      %dma_start3A_861 = tpu.memref_squeeze %dma_start3A_860 : memref<1x80xi32, #tpu.memory_space<vmem>> -> memref<80xi32, #tpu.memory_space<vmem>>
      %dma_start3A_862 = arith.constant 0 : i32
      %dma_start3A_863 = arith.constant 0 : i32
      %dma_start3A_864 = tpu.memref_slice %arg11[%dma_start3A_862, %dma_start3A_863] : memref<10240x128xf32, #tpu.memory_space<vmem_shared>> -> memref<10240x128xf32, #tpu.memory_space<vmem_shared>>
      tpu.enqueue_indirect_dma source(%arg10 : memref<80x128xf32, #tpu.memory_space<vmem>>) target(%dma_start3A_864 : memref<10240x128xf32, #tpu.memory_space<vmem_shared>>) offsets(%dma_start3A_861 : memref<80xi32, #tpu.memory_space<vmem>>) semaphore(%arg15 : memref<!tpu.dma_semaphore, #tpu.memory_space<semaphore_mem>>) {add = true}
      %dma_wait3A_865 = arith.constant 29 : i32
      %dma_wait3A_866 = arith.constant 0 : i32
      %dma_wait3A_867 = tpu.memref_slice %arg8[%dma_wait3A_865, %dma_wait3A_866] : memref<64x80xi32, #tpu.memory_space<vmem>> -> memref<1x80xi32, #tpu.memory_space<vmem>>
      %dma_wait3A_868 = tpu.memref_squeeze %dma_wait3A_867 : memref<1x80xi32, #tpu.memory_space<vmem>> -> memref<80xi32, #tpu.memory_space<vmem>>
      %dma_wait3A_869 = arith.constant 0 : i32
      %dma_wait3A_870 = arith.constant 0 : i32
      %dma_wait3A_871 = tpu.memref_slice %arg11[%dma_wait3A_869, %dma_wait3A_870] : memref<10240x128xf32, #tpu.memory_space<vmem_shared>> -> memref<10240x128xf32, #tpu.memory_space<vmem_shared>>
      tpu.wait_indirect_dma semaphore(%arg15 : memref<!tpu.dma_semaphore, #tpu.memory_space<semaphore_mem>>) src(%arg10 : memref<80x128xf32, #tpu.memory_space<vmem>>) dst(%dma_wait3A_871 : memref<10240x128xf32, #tpu.memory_space<vmem_shared>>)
      %dma_start3A_872 = arith.constant 31 : i32
      %dma_start3A_873 = arith.constant 0 : i32
      %dma_start3A_874 = tpu.memref_slice %arg7[%dma_start3A_872, %dma_start3A_873] : memref<64x80xi32, #tpu.memory_space<vmem>> -> memref<1x80xi32, #tpu.memory_space<vmem>>
      %dma_start3A_875 = tpu.memref_squeeze %dma_start3A_874 : memref<1x80xi32, #tpu.memory_space<vmem>> -> memref<80xi32, #tpu.memory_space<vmem>>
      %dma_start3A_876 = arith.constant 0 : i32
      %dma_start3A_877 = arith.constant 0 : i32
      %dma_start3A_878 = tpu.memref_slice %arg2[%dma_start3A_876, %dma_start3A_877] : memref<10240x128xf32, #tpu.memory_space<hbm>> -> memref<10240x128xf32, #tpu.memory_space<hbm>>
      tpu.enqueue_indirect_dma source(%dma_start3A_878 : memref<10240x128xf32, #tpu.memory_space<hbm>>) target(%arg10 : memref<80x128xf32, #tpu.memory_space<vmem>>) offsets(%dma_start3A_875 : memref<80xi32, #tpu.memory_space<vmem>>) semaphore(%arg13 : memref<!tpu.dma_semaphore, #tpu.memory_space<semaphore_mem>>)
      %dma_wait3A_879 = arith.constant 30 : i32
      %dma_wait3A_880 = arith.constant 0 : i32
      %dma_wait3A_881 = tpu.memref_slice %arg7[%dma_wait3A_879, %dma_wait3A_880] : memref<64x80xi32, #tpu.memory_space<vmem>> -> memref<1x80xi32, #tpu.memory_space<vmem>>
      %dma_wait3A_882 = tpu.memref_squeeze %dma_wait3A_881 : memref<1x80xi32, #tpu.memory_space<vmem>> -> memref<80xi32, #tpu.memory_space<vmem>>
      %dma_wait3A_883 = arith.constant 0 : i32
      %dma_wait3A_884 = arith.constant 0 : i32
      %dma_wait3A_885 = tpu.memref_slice %arg2[%dma_wait3A_883, %dma_wait3A_884] : memref<10240x128xf32, #tpu.memory_space<hbm>> -> memref<10240x128xf32, #tpu.memory_space<hbm>>
      tpu.wait_indirect_dma semaphore(%arg12 : memref<!tpu.dma_semaphore, #tpu.memory_space<semaphore_mem>>) src(%dma_wait3A_885 : memref<10240x128xf32, #tpu.memory_space<hbm>>) dst(%arg9 : memref<80x128xf32, #tpu.memory_space<vmem>>)
      %dma_start3A_886 = arith.constant 30 : i32
      %dma_start3A_887 = arith.constant 0 : i32
      %dma_start3A_888 = tpu.memref_slice %arg8[%dma_start3A_886, %dma_start3A_887] : memref<64x80xi32, #tpu.memory_space<vmem>> -> memref<1x80xi32, #tpu.memory_space<vmem>>
      %dma_start3A_889 = tpu.memref_squeeze %dma_start3A_888 : memref<1x80xi32, #tpu.memory_space<vmem>> -> memref<80xi32, #tpu.memory_space<vmem>>
      %dma_start3A_890 = arith.constant 0 : i32
      %dma_start3A_891 = arith.constant 0 : i32
      %dma_start3A_892 = tpu.memref_slice %arg11[%dma_start3A_890, %dma_start3A_891] : memref<10240x128xf32, #tpu.memory_space<vmem_shared>> -> memref<10240x128xf32, #tpu.memory_space<vmem_shared>>
      tpu.enqueue_indirect_dma source(%arg9 : memref<80x128xf32, #tpu.memory_space<vmem>>) target(%dma_start3A_892 : memref<10240x128xf32, #tpu.memory_space<vmem_shared>>) offsets(%dma_start3A_889 : memref<80xi32, #tpu.memory_space<vmem>>) semaphore(%arg14 : memref<!tpu.dma_semaphore, #tpu.memory_space<semaphore_mem>>) {add = true}
      %dma_wait3A_893 = arith.constant 30 : i32
      %dma_wait3A_894 = arith.constant 0 : i32
      %dma_wait3A_895 = tpu.memref_slice %arg8[%dma_wait3A_893, %dma_wait3A_894] : memref<64x80xi32, #tpu.memory_space<vmem>> -> memref<1x80xi32, #tpu.memory_space<vmem>>
      %dma_wait3A_896 = tpu.memref_squeeze %dma_wait3A_895 : memref<1x80xi32, #tpu.memory_space<vmem>> -> memref<80xi32, #tpu.memory_space<vmem>>
      %dma_wait3A_897 = arith.constant 0 : i32
      %dma_wait3A_898 = arith.constant 0 : i32
      %dma_wait3A_899 = tpu.memref_slice %arg11[%dma_wait3A_897, %dma_wait3A_898] : memref<10240x128xf32, #tpu.memory_space<vmem_shared>> -> memref<10240x128xf32, #tpu.memory_space<vmem_shared>>
      tpu.wait_indirect_dma semaphore(%arg14 : memref<!tpu.dma_semaphore, #tpu.memory_space<semaphore_mem>>) src(%arg9 : memref<80x128xf32, #tpu.memory_space<vmem>>) dst(%dma_wait3A_899 : memref<10240x128xf32, #tpu.memory_space<vmem_shared>>)
      %dma_start3A_900 = arith.constant 32 : i32
      %dma_start3A_901 = arith.constant 0 : i32
      %dma_start3A_902 = tpu.memref_slice %arg7[%dma_start3A_900, %dma_start3A_901] : memref<64x80xi32, #tpu.memory_space<vmem>> -> memref<1x80xi32, #tpu.memory_space<vmem>>
      %dma_start3A_903 = tpu.memref_squeeze %dma_start3A_902 : memref<1x80xi32, #tpu.memory_space<vmem>> -> memref<80xi32, #tpu.memory_space<vmem>>
      %dma_start3A_904 = arith.constant 0 : i32
      %dma_start3A_905 = arith.constant 0 : i32
      %dma_start3A_906 = tpu.memref_slice %arg2[%dma_start3A_904, %dma_start3A_905] : memref<10240x128xf32, #tpu.memory_space<hbm>> -> memref<10240x128xf32, #tpu.memory_space<hbm>>
      tpu.enqueue_indirect_dma source(%dma_start3A_906 : memref<10240x128xf32, #tpu.memory_space<hbm>>) target(%arg9 : memref<80x128xf32, #tpu.memory_space<vmem>>) offsets(%dma_start3A_903 : memref<80xi32, #tpu.memory_space<vmem>>) semaphore(%arg12 : memref<!tpu.dma_semaphore, #tpu.memory_space<semaphore_mem>>)
      %dma_wait3A_907 = arith.constant 31 : i32
      %dma_wait3A_908 = arith.constant 0 : i32
      %dma_wait3A_909 = tpu.memref_slice %arg7[%dma_wait3A_907, %dma_wait3A_908] : memref<64x80xi32, #tpu.memory_space<vmem>> -> memref<1x80xi32, #tpu.memory_space<vmem>>
      %dma_wait3A_910 = tpu.memref_squeeze %dma_wait3A_909 : memref<1x80xi32, #tpu.memory_space<vmem>> -> memref<80xi32, #tpu.memory_space<vmem>>
      %dma_wait3A_911 = arith.constant 0 : i32
      %dma_wait3A_912 = arith.constant 0 : i32
      %dma_wait3A_913 = tpu.memref_slice %arg2[%dma_wait3A_911, %dma_wait3A_912] : memref<10240x128xf32, #tpu.memory_space<hbm>> -> memref<10240x128xf32, #tpu.memory_space<hbm>>
      tpu.wait_indirect_dma semaphore(%arg13 : memref<!tpu.dma_semaphore, #tpu.memory_space<semaphore_mem>>) src(%dma_wait3A_913 : memref<10240x128xf32, #tpu.memory_space<hbm>>) dst(%arg10 : memref<80x128xf32, #tpu.memory_space<vmem>>)
      %dma_start3A_914 = arith.constant 31 : i32
      %dma_start3A_915 = arith.constant 0 : i32
      %dma_start3A_916 = tpu.memref_slice %arg8[%dma_start3A_914, %dma_start3A_915] : memref<64x80xi32, #tpu.memory_space<vmem>> -> memref<1x80xi32, #tpu.memory_space<vmem>>
      %dma_start3A_917 = tpu.memref_squeeze %dma_start3A_916 : memref<1x80xi32, #tpu.memory_space<vmem>> -> memref<80xi32, #tpu.memory_space<vmem>>
      %dma_start3A_918 = arith.constant 0 : i32
      %dma_start3A_919 = arith.constant 0 : i32
      %dma_start3A_920 = tpu.memref_slice %arg11[%dma_start3A_918, %dma_start3A_919] : memref<10240x128xf32, #tpu.memory_space<vmem_shared>> -> memref<10240x128xf32, #tpu.memory_space<vmem_shared>>
      tpu.enqueue_indirect_dma source(%arg10 : memref<80x128xf32, #tpu.memory_space<vmem>>) target(%dma_start3A_920 : memref<10240x128xf32, #tpu.memory_space<vmem_shared>>) offsets(%dma_start3A_917 : memref<80xi32, #tpu.memory_space<vmem>>) semaphore(%arg15 : memref<!tpu.dma_semaphore, #tpu.memory_space<semaphore_mem>>) {add = true}
      %dma_wait3A_921 = arith.constant 31 : i32
      %dma_wait3A_922 = arith.constant 0 : i32
      %dma_wait3A_923 = tpu.memref_slice %arg8[%dma_wait3A_921, %dma_wait3A_922] : memref<64x80xi32, #tpu.memory_space<vmem>> -> memref<1x80xi32, #tpu.memory_space<vmem>>
      %dma_wait3A_924 = tpu.memref_squeeze %dma_wait3A_923 : memref<1x80xi32, #tpu.memory_space<vmem>> -> memref<80xi32, #tpu.memory_space<vmem>>
      %dma_wait3A_925 = arith.constant 0 : i32
      %dma_wait3A_926 = arith.constant 0 : i32
      %dma_wait3A_927 = tpu.memref_slice %arg11[%dma_wait3A_925, %dma_wait3A_926] : memref<10240x128xf32, #tpu.memory_space<vmem_shared>> -> memref<10240x128xf32, #tpu.memory_space<vmem_shared>>
      tpu.wait_indirect_dma semaphore(%arg15 : memref<!tpu.dma_semaphore, #tpu.memory_space<semaphore_mem>>) src(%arg10 : memref<80x128xf32, #tpu.memory_space<vmem>>) dst(%dma_wait3A_927 : memref<10240x128xf32, #tpu.memory_space<vmem_shared>>)
      %dma_start3A_928 = arith.constant 33 : i32
      %dma_start3A_929 = arith.constant 0 : i32
      %dma_start3A_930 = tpu.memref_slice %arg7[%dma_start3A_928, %dma_start3A_929] : memref<64x80xi32, #tpu.memory_space<vmem>> -> memref<1x80xi32, #tpu.memory_space<vmem>>
      %dma_start3A_931 = tpu.memref_squeeze %dma_start3A_930 : memref<1x80xi32, #tpu.memory_space<vmem>> -> memref<80xi32, #tpu.memory_space<vmem>>
      %dma_start3A_932 = arith.constant 0 : i32
      %dma_start3A_933 = arith.constant 0 : i32
      %dma_start3A_934 = tpu.memref_slice %arg2[%dma_start3A_932, %dma_start3A_933] : memref<10240x128xf32, #tpu.memory_space<hbm>> -> memref<10240x128xf32, #tpu.memory_space<hbm>>
      tpu.enqueue_indirect_dma source(%dma_start3A_934 : memref<10240x128xf32, #tpu.memory_space<hbm>>) target(%arg10 : memref<80x128xf32, #tpu.memory_space<vmem>>) offsets(%dma_start3A_931 : memref<80xi32, #tpu.memory_space<vmem>>) semaphore(%arg13 : memref<!tpu.dma_semaphore, #tpu.memory_space<semaphore_mem>>)
      %dma_wait3A_935 = arith.constant 32 : i32
      %dma_wait3A_936 = arith.constant 0 : i32
      %dma_wait3A_937 = tpu.memref_slice %arg7[%dma_wait3A_935, %dma_wait3A_936] : memref<64x80xi32, #tpu.memory_space<vmem>> -> memref<1x80xi32, #tpu.memory_space<vmem>>
      %dma_wait3A_938 = tpu.memref_squeeze %dma_wait3A_937 : memref<1x80xi32, #tpu.memory_space<vmem>> -> memref<80xi32, #tpu.memory_space<vmem>>
      %dma_wait3A_939 = arith.constant 0 : i32
      %dma_wait3A_940 = arith.constant 0 : i32
      %dma_wait3A_941 = tpu.memref_slice %arg2[%dma_wait3A_939, %dma_wait3A_940] : memref<10240x128xf32, #tpu.memory_space<hbm>> -> memref<10240x128xf32, #tpu.memory_space<hbm>>
      tpu.wait_indirect_dma semaphore(%arg12 : memref<!tpu.dma_semaphore, #tpu.memory_space<semaphore_mem>>) src(%dma_wait3A_941 : memref<10240x128xf32, #tpu.memory_space<hbm>>) dst(%arg9 : memref<80x128xf32, #tpu.memory_space<vmem>>)
      %dma_start3A_942 = arith.constant 32 : i32
      %dma_start3A_943 = arith.constant 0 : i32
      %dma_start3A_944 = tpu.memref_slice %arg8[%dma_start3A_942, %dma_start3A_943] : memref<64x80xi32, #tpu.memory_space<vmem>> -> memref<1x80xi32, #tpu.memory_space<vmem>>
      %dma_start3A_945 = tpu.memref_squeeze %dma_start3A_944 : memref<1x80xi32, #tpu.memory_space<vmem>> -> memref<80xi32, #tpu.memory_space<vmem>>
      %dma_start3A_946 = arith.constant 0 : i32
      %dma_start3A_947 = arith.constant 0 : i32
      %dma_start3A_948 = tpu.memref_slice %arg11[%dma_start3A_946, %dma_start3A_947] : memref<10240x128xf32, #tpu.memory_space<vmem_shared>> -> memref<10240x128xf32, #tpu.memory_space<vmem_shared>>
      tpu.enqueue_indirect_dma source(%arg9 : memref<80x128xf32, #tpu.memory_space<vmem>>) target(%dma_start3A_948 : memref<10240x128xf32, #tpu.memory_space<vmem_shared>>) offsets(%dma_start3A_945 : memref<80xi32, #tpu.memory_space<vmem>>) semaphore(%arg14 : memref<!tpu.dma_semaphore, #tpu.memory_space<semaphore_mem>>) {add = true}
      %dma_wait3A_949 = arith.constant 32 : i32
      %dma_wait3A_950 = arith.constant 0 : i32
      %dma_wait3A_951 = tpu.memref_slice %arg8[%dma_wait3A_949, %dma_wait3A_950] : memref<64x80xi32, #tpu.memory_space<vmem>> -> memref<1x80xi32, #tpu.memory_space<vmem>>
      %dma_wait3A_952 = tpu.memref_squeeze %dma_wait3A_951 : memref<1x80xi32, #tpu.memory_space<vmem>> -> memref<80xi32, #tpu.memory_space<vmem>>
      %dma_wait3A_953 = arith.constant 0 : i32
      %dma_wait3A_954 = arith.constant 0 : i32
      %dma_wait3A_955 = tpu.memref_slice %arg11[%dma_wait3A_953, %dma_wait3A_954] : memref<10240x128xf32, #tpu.memory_space<vmem_shared>> -> memref<10240x128xf32, #tpu.memory_space<vmem_shared>>
      tpu.wait_indirect_dma semaphore(%arg14 : memref<!tpu.dma_semaphore, #tpu.memory_space<semaphore_mem>>) src(%arg9 : memref<80x128xf32, #tpu.memory_space<vmem>>) dst(%dma_wait3A_955 : memref<10240x128xf32, #tpu.memory_space<vmem_shared>>)
      %dma_start3A_956 = arith.constant 34 : i32
      %dma_start3A_957 = arith.constant 0 : i32
      %dma_start3A_958 = tpu.memref_slice %arg7[%dma_start3A_956, %dma_start3A_957] : memref<64x80xi32, #tpu.memory_space<vmem>> -> memref<1x80xi32, #tpu.memory_space<vmem>>
      %dma_start3A_959 = tpu.memref_squeeze %dma_start3A_958 : memref<1x80xi32, #tpu.memory_space<vmem>> -> memref<80xi32, #tpu.memory_space<vmem>>
      %dma_start3A_960 = arith.constant 0 : i32
      %dma_start3A_961 = arith.constant 0 : i32
      %dma_start3A_962 = tpu.memref_slice %arg2[%dma_start3A_960, %dma_start3A_961] : memref<10240x128xf32, #tpu.memory_space<hbm>> -> memref<10240x128xf32, #tpu.memory_space<hbm>>
      tpu.enqueue_indirect_dma source(%dma_start3A_962 : memref<10240x128xf32, #tpu.memory_space<hbm>>) target(%arg9 : memref<80x128xf32, #tpu.memory_space<vmem>>) offsets(%dma_start3A_959 : memref<80xi32, #tpu.memory_space<vmem>>) semaphore(%arg12 : memref<!tpu.dma_semaphore, #tpu.memory_space<semaphore_mem>>)
      %dma_wait3A_963 = arith.constant 33 : i32
      %dma_wait3A_964 = arith.constant 0 : i32
      %dma_wait3A_965 = tpu.memref_slice %arg7[%dma_wait3A_963, %dma_wait3A_964] : memref<64x80xi32, #tpu.memory_space<vmem>> -> memref<1x80xi32, #tpu.memory_space<vmem>>
      %dma_wait3A_966 = tpu.memref_squeeze %dma_wait3A_965 : memref<1x80xi32, #tpu.memory_space<vmem>> -> memref<80xi32, #tpu.memory_space<vmem>>
      %dma_wait3A_967 = arith.constant 0 : i32
      %dma_wait3A_968 = arith.constant 0 : i32
      %dma_wait3A_969 = tpu.memref_slice %arg2[%dma_wait3A_967, %dma_wait3A_968] : memref<10240x128xf32, #tpu.memory_space<hbm>> -> memref<10240x128xf32, #tpu.memory_space<hbm>>
      tpu.wait_indirect_dma semaphore(%arg13 : memref<!tpu.dma_semaphore, #tpu.memory_space<semaphore_mem>>) src(%dma_wait3A_969 : memref<10240x128xf32, #tpu.memory_space<hbm>>) dst(%arg10 : memref<80x128xf32, #tpu.memory_space<vmem>>)
      %dma_start3A_970 = arith.constant 33 : i32
      %dma_start3A_971 = arith.constant 0 : i32
      %dma_start3A_972 = tpu.memref_slice %arg8[%dma_start3A_970, %dma_start3A_971] : memref<64x80xi32, #tpu.memory_space<vmem>> -> memref<1x80xi32, #tpu.memory_space<vmem>>
      %dma_start3A_973 = tpu.memref_squeeze %dma_start3A_972 : memref<1x80xi32, #tpu.memory_space<vmem>> -> memref<80xi32, #tpu.memory_space<vmem>>
      %dma_start3A_974 = arith.constant 0 : i32
      %dma_start3A_975 = arith.constant 0 : i32
      %dma_start3A_976 = tpu.memref_slice %arg11[%dma_start3A_974, %dma_start3A_975] : memref<10240x128xf32, #tpu.memory_space<vmem_shared>> -> memref<10240x128xf32, #tpu.memory_space<vmem_shared>>
      tpu.enqueue_indirect_dma source(%arg10 : memref<80x128xf32, #tpu.memory_space<vmem>>) target(%dma_start3A_976 : memref<10240x128xf32, #tpu.memory_space<vmem_shared>>) offsets(%dma_start3A_973 : memref<80xi32, #tpu.memory_space<vmem>>) semaphore(%arg15 : memref<!tpu.dma_semaphore, #tpu.memory_space<semaphore_mem>>) {add = true}
      %dma_wait3A_977 = arith.constant 33 : i32
      %dma_wait3A_978 = arith.constant 0 : i32
      %dma_wait3A_979 = tpu.memref_slice %arg8[%dma_wait3A_977, %dma_wait3A_978] : memref<64x80xi32, #tpu.memory_space<vmem>> -> memref<1x80xi32, #tpu.memory_space<vmem>>
      %dma_wait3A_980 = tpu.memref_squeeze %dma_wait3A_979 : memref<1x80xi32, #tpu.memory_space<vmem>> -> memref<80xi32, #tpu.memory_space<vmem>>
      %dma_wait3A_981 = arith.constant 0 : i32
      %dma_wait3A_982 = arith.constant 0 : i32
      %dma_wait3A_983 = tpu.memref_slice %arg11[%dma_wait3A_981, %dma_wait3A_982] : memref<10240x128xf32, #tpu.memory_space<vmem_shared>> -> memref<10240x128xf32, #tpu.memory_space<vmem_shared>>
      tpu.wait_indirect_dma semaphore(%arg15 : memref<!tpu.dma_semaphore, #tpu.memory_space<semaphore_mem>>) src(%arg10 : memref<80x128xf32, #tpu.memory_space<vmem>>) dst(%dma_wait3A_983 : memref<10240x128xf32, #tpu.memory_space<vmem_shared>>)
      %dma_start3A_984 = arith.constant 35 : i32
      %dma_start3A_985 = arith.constant 0 : i32
      %dma_start3A_986 = tpu.memref_slice %arg7[%dma_start3A_984, %dma_start3A_985] : memref<64x80xi32, #tpu.memory_space<vmem>> -> memref<1x80xi32, #tpu.memory_space<vmem>>
      %dma_start3A_987 = tpu.memref_squeeze %dma_start3A_986 : memref<1x80xi32, #tpu.memory_space<vmem>> -> memref<80xi32, #tpu.memory_space<vmem>>
      %dma_start3A_988 = arith.constant 0 : i32
      %dma_start3A_989 = arith.constant 0 : i32
      %dma_start3A_990 = tpu.memref_slice %arg2[%dma_start3A_988, %dma_start3A_989] : memref<10240x128xf32, #tpu.memory_space<hbm>> -> memref<10240x128xf32, #tpu.memory_space<hbm>>
      tpu.enqueue_indirect_dma source(%dma_start3A_990 : memref<10240x128xf32, #tpu.memory_space<hbm>>) target(%arg10 : memref<80x128xf32, #tpu.memory_space<vmem>>) offsets(%dma_start3A_987 : memref<80xi32, #tpu.memory_space<vmem>>) semaphore(%arg13 : memref<!tpu.dma_semaphore, #tpu.memory_space<semaphore_mem>>)
      %dma_wait3A_991 = arith.constant 34 : i32
      %dma_wait3A_992 = arith.constant 0 : i32
      %dma_wait3A_993 = tpu.memref_slice %arg7[%dma_wait3A_991, %dma_wait3A_992] : memref<64x80xi32, #tpu.memory_space<vmem>> -> memref<1x80xi32, #tpu.memory_space<vmem>>
      %dma_wait3A_994 = tpu.memref_squeeze %dma_wait3A_993 : memref<1x80xi32, #tpu.memory_space<vmem>> -> memref<80xi32, #tpu.memory_space<vmem>>
      %dma_wait3A_995 = arith.constant 0 : i32
      %dma_wait3A_996 = arith.constant 0 : i32
      %dma_wait3A_997 = tpu.memref_slice %arg2[%dma_wait3A_995, %dma_wait3A_996] : memref<10240x128xf32, #tpu.memory_space<hbm>> -> memref<10240x128xf32, #tpu.memory_space<hbm>>
      tpu.wait_indirect_dma semaphore(%arg12 : memref<!tpu.dma_semaphore, #tpu.memory_space<semaphore_mem>>) src(%dma_wait3A_997 : memref<10240x128xf32, #tpu.memory_space<hbm>>) dst(%arg9 : memref<80x128xf32, #tpu.memory_space<vmem>>)
      %dma_start3A_998 = arith.constant 34 : i32
      %dma_start3A_999 = arith.constant 0 : i32
      %dma_start3A_1000 = tpu.memref_slice %arg8[%dma_start3A_998, %dma_start3A_999] : memref<64x80xi32, #tpu.memory_space<vmem>> -> memref<1x80xi32, #tpu.memory_space<vmem>>
      %dma_start3A_1001 = tpu.memref_squeeze %dma_start3A_1000 : memref<1x80xi32, #tpu.memory_space<vmem>> -> memref<80xi32, #tpu.memory_space<vmem>>
      %dma_start3A_1002 = arith.constant 0 : i32
      %dma_start3A_1003 = arith.constant 0 : i32
      %dma_start3A_1004 = tpu.memref_slice %arg11[%dma_start3A_1002, %dma_start3A_1003] : memref<10240x128xf32, #tpu.memory_space<vmem_shared>> -> memref<10240x128xf32, #tpu.memory_space<vmem_shared>>
      tpu.enqueue_indirect_dma source(%arg9 : memref<80x128xf32, #tpu.memory_space<vmem>>) target(%dma_start3A_1004 : memref<10240x128xf32, #tpu.memory_space<vmem_shared>>) offsets(%dma_start3A_1001 : memref<80xi32, #tpu.memory_space<vmem>>) semaphore(%arg14 : memref<!tpu.dma_semaphore, #tpu.memory_space<semaphore_mem>>) {add = true}
      %dma_wait3A_1005 = arith.constant 34 : i32
      %dma_wait3A_1006 = arith.constant 0 : i32
      %dma_wait3A_1007 = tpu.memref_slice %arg8[%dma_wait3A_1005, %dma_wait3A_1006] : memref<64x80xi32, #tpu.memory_space<vmem>> -> memref<1x80xi32, #tpu.memory_space<vmem>>
      %dma_wait3A_1008 = tpu.memref_squeeze %dma_wait3A_1007 : memref<1x80xi32, #tpu.memory_space<vmem>> -> memref<80xi32, #tpu.memory_space<vmem>>
      %dma_wait3A_1009 = arith.constant 0 : i32
      %dma_wait3A_1010 = arith.constant 0 : i32
      %dma_wait3A_1011 = tpu.memref_slice %arg11[%dma_wait3A_1009, %dma_wait3A_1010] : memref<10240x128xf32, #tpu.memory_space<vmem_shared>> -> memref<10240x128xf32, #tpu.memory_space<vmem_shared>>
      tpu.wait_indirect_dma semaphore(%arg14 : memref<!tpu.dma_semaphore, #tpu.memory_space<semaphore_mem>>) src(%arg9 : memref<80x128xf32, #tpu.memory_space<vmem>>) dst(%dma_wait3A_1011 : memref<10240x128xf32, #tpu.memory_space<vmem_shared>>)
      %dma_start3A_1012 = arith.constant 36 : i32
      %dma_start3A_1013 = arith.constant 0 : i32
      %dma_start3A_1014 = tpu.memref_slice %arg7[%dma_start3A_1012, %dma_start3A_1013] : memref<64x80xi32, #tpu.memory_space<vmem>> -> memref<1x80xi32, #tpu.memory_space<vmem>>
      %dma_start3A_1015 = tpu.memref_squeeze %dma_start3A_1014 : memref<1x80xi32, #tpu.memory_space<vmem>> -> memref<80xi32, #tpu.memory_space<vmem>>
      %dma_start3A_1016 = arith.constant 0 : i32
      %dma_start3A_1017 = arith.constant 0 : i32
      %dma_start3A_1018 = tpu.memref_slice %arg2[%dma_start3A_1016, %dma_start3A_1017] : memref<10240x128xf32, #tpu.memory_space<hbm>> -> memref<10240x128xf32, #tpu.memory_space<hbm>>
      tpu.enqueue_indirect_dma source(%dma_start3A_1018 : memref<10240x128xf32, #tpu.memory_space<hbm>>) target(%arg9 : memref<80x128xf32, #tpu.memory_space<vmem>>) offsets(%dma_start3A_1015 : memref<80xi32, #tpu.memory_space<vmem>>) semaphore(%arg12 : memref<!tpu.dma_semaphore, #tpu.memory_space<semaphore_mem>>)
      %dma_wait3A_1019 = arith.constant 35 : i32
      %dma_wait3A_1020 = arith.constant 0 : i32
      %dma_wait3A_1021 = tpu.memref_slice %arg7[%dma_wait3A_1019, %dma_wait3A_1020] : memref<64x80xi32, #tpu.memory_space<vmem>> -> memref<1x80xi32, #tpu.memory_space<vmem>>
      %dma_wait3A_1022 = tpu.memref_squeeze %dma_wait3A_1021 : memref<1x80xi32, #tpu.memory_space<vmem>> -> memref<80xi32, #tpu.memory_space<vmem>>
      %dma_wait3A_1023 = arith.constant 0 : i32
      %dma_wait3A_1024 = arith.constant 0 : i32
      %dma_wait3A_1025 = tpu.memref_slice %arg2[%dma_wait3A_1023, %dma_wait3A_1024] : memref<10240x128xf32, #tpu.memory_space<hbm>> -> memref<10240x128xf32, #tpu.memory_space<hbm>>
      tpu.wait_indirect_dma semaphore(%arg13 : memref<!tpu.dma_semaphore, #tpu.memory_space<semaphore_mem>>) src(%dma_wait3A_1025 : memref<10240x128xf32, #tpu.memory_space<hbm>>) dst(%arg10 : memref<80x128xf32, #tpu.memory_space<vmem>>)
      %dma_start3A_1026 = arith.constant 35 : i32
      %dma_start3A_1027 = arith.constant 0 : i32
      %dma_start3A_1028 = tpu.memref_slice %arg8[%dma_start3A_1026, %dma_start3A_1027] : memref<64x80xi32, #tpu.memory_space<vmem>> -> memref<1x80xi32, #tpu.memory_space<vmem>>
      %dma_start3A_1029 = tpu.memref_squeeze %dma_start3A_1028 : memref<1x80xi32, #tpu.memory_space<vmem>> -> memref<80xi32, #tpu.memory_space<vmem>>
      %dma_start3A_1030 = arith.constant 0 : i32
      %dma_start3A_1031 = arith.constant 0 : i32
      %dma_start3A_1032 = tpu.memref_slice %arg11[%dma_start3A_1030, %dma_start3A_1031] : memref<10240x128xf32, #tpu.memory_space<vmem_shared>> -> memref<10240x128xf32, #tpu.memory_space<vmem_shared>>
      tpu.enqueue_indirect_dma source(%arg10 : memref<80x128xf32, #tpu.memory_space<vmem>>) target(%dma_start3A_1032 : memref<10240x128xf32, #tpu.memory_space<vmem_shared>>) offsets(%dma_start3A_1029 : memref<80xi32, #tpu.memory_space<vmem>>) semaphore(%arg15 : memref<!tpu.dma_semaphore, #tpu.memory_space<semaphore_mem>>) {add = true}
      %dma_wait3A_1033 = arith.constant 35 : i32
      %dma_wait3A_1034 = arith.constant 0 : i32
      %dma_wait3A_1035 = tpu.memref_slice %arg8[%dma_wait3A_1033, %dma_wait3A_1034] : memref<64x80xi32, #tpu.memory_space<vmem>> -> memref<1x80xi32, #tpu.memory_space<vmem>>
      %dma_wait3A_1036 = tpu.memref_squeeze %dma_wait3A_1035 : memref<1x80xi32, #tpu.memory_space<vmem>> -> memref<80xi32, #tpu.memory_space<vmem>>
      %dma_wait3A_1037 = arith.constant 0 : i32
      %dma_wait3A_1038 = arith.constant 0 : i32
      %dma_wait3A_1039 = tpu.memref_slice %arg11[%dma_wait3A_1037, %dma_wait3A_1038] : memref<10240x128xf32, #tpu.memory_space<vmem_shared>> -> memref<10240x128xf32, #tpu.memory_space<vmem_shared>>
      tpu.wait_indirect_dma semaphore(%arg15 : memref<!tpu.dma_semaphore, #tpu.memory_space<semaphore_mem>>) src(%arg10 : memref<80x128xf32, #tpu.memory_space<vmem>>) dst(%dma_wait3A_1039 : memref<10240x128xf32, #tpu.memory_space<vmem_shared>>)
      %dma_start3A_1040 = arith.constant 37 : i32
      %dma_start3A_1041 = arith.constant 0 : i32
      %dma_start3A_1042 = tpu.memref_slice %arg7[%dma_start3A_1040, %dma_start3A_1041] : memref<64x80xi32, #tpu.memory_space<vmem>> -> memref<1x80xi32, #tpu.memory_space<vmem>>
      %dma_start3A_1043 = tpu.memref_squeeze %dma_start3A_1042 : memref<1x80xi32, #tpu.memory_space<vmem>> -> memref<80xi32, #tpu.memory_space<vmem>>
      %dma_start3A_1044 = arith.constant 0 : i32
      %dma_start3A_1045 = arith.constant 0 : i32
      %dma_start3A_1046 = tpu.memref_slice %arg2[%dma_start3A_1044, %dma_start3A_1045] : memref<10240x128xf32, #tpu.memory_space<hbm>> -> memref<10240x128xf32, #tpu.memory_space<hbm>>
      tpu.enqueue_indirect_dma source(%dma_start3A_1046 : memref<10240x128xf32, #tpu.memory_space<hbm>>) target(%arg10 : memref<80x128xf32, #tpu.memory_space<vmem>>) offsets(%dma_start3A_1043 : memref<80xi32, #tpu.memory_space<vmem>>) semaphore(%arg13 : memref<!tpu.dma_semaphore, #tpu.memory_space<semaphore_mem>>)
      %dma_wait3A_1047 = arith.constant 36 : i32
      %dma_wait3A_1048 = arith.constant 0 : i32
      %dma_wait3A_1049 = tpu.memref_slice %arg7[%dma_wait3A_1047, %dma_wait3A_1048] : memref<64x80xi32, #tpu.memory_space<vmem>> -> memref<1x80xi32, #tpu.memory_space<vmem>>
      %dma_wait3A_1050 = tpu.memref_squeeze %dma_wait3A_1049 : memref<1x80xi32, #tpu.memory_space<vmem>> -> memref<80xi32, #tpu.memory_space<vmem>>
      %dma_wait3A_1051 = arith.constant 0 : i32
      %dma_wait3A_1052 = arith.constant 0 : i32
      %dma_wait3A_1053 = tpu.memref_slice %arg2[%dma_wait3A_1051, %dma_wait3A_1052] : memref<10240x128xf32, #tpu.memory_space<hbm>> -> memref<10240x128xf32, #tpu.memory_space<hbm>>
      tpu.wait_indirect_dma semaphore(%arg12 : memref<!tpu.dma_semaphore, #tpu.memory_space<semaphore_mem>>) src(%dma_wait3A_1053 : memref<10240x128xf32, #tpu.memory_space<hbm>>) dst(%arg9 : memref<80x128xf32, #tpu.memory_space<vmem>>)
      %dma_start3A_1054 = arith.constant 36 : i32
      %dma_start3A_1055 = arith.constant 0 : i32
      %dma_start3A_1056 = tpu.memref_slice %arg8[%dma_start3A_1054, %dma_start3A_1055] : memref<64x80xi32, #tpu.memory_space<vmem>> -> memref<1x80xi32, #tpu.memory_space<vmem>>
      %dma_start3A_1057 = tpu.memref_squeeze %dma_start3A_1056 : memref<1x80xi32, #tpu.memory_space<vmem>> -> memref<80xi32, #tpu.memory_space<vmem>>
      %dma_start3A_1058 = arith.constant 0 : i32
      %dma_start3A_1059 = arith.constant 0 : i32
      %dma_start3A_1060 = tpu.memref_slice %arg11[%dma_start3A_1058, %dma_start3A_1059] : memref<10240x128xf32, #tpu.memory_space<vmem_shared>> -> memref<10240x128xf32, #tpu.memory_space<vmem_shared>>
      tpu.enqueue_indirect_dma source(%arg9 : memref<80x128xf32, #tpu.memory_space<vmem>>) target(%dma_start3A_1060 : memref<10240x128xf32, #tpu.memory_space<vmem_shared>>) offsets(%dma_start3A_1057 : memref<80xi32, #tpu.memory_space<vmem>>) semaphore(%arg14 : memref<!tpu.dma_semaphore, #tpu.memory_space<semaphore_mem>>) {add = true}
      %dma_wait3A_1061 = arith.constant 36 : i32
      %dma_wait3A_1062 = arith.constant 0 : i32
      %dma_wait3A_1063 = tpu.memref_slice %arg8[%dma_wait3A_1061, %dma_wait3A_1062] : memref<64x80xi32, #tpu.memory_space<vmem>> -> memref<1x80xi32, #tpu.memory_space<vmem>>
      %dma_wait3A_1064 = tpu.memref_squeeze %dma_wait3A_1063 : memref<1x80xi32, #tpu.memory_space<vmem>> -> memref<80xi32, #tpu.memory_space<vmem>>
      %dma_wait3A_1065 = arith.constant 0 : i32
      %dma_wait3A_1066 = arith.constant 0 : i32
      %dma_wait3A_1067 = tpu.memref_slice %arg11[%dma_wait3A_1065, %dma_wait3A_1066] : memref<10240x128xf32, #tpu.memory_space<vmem_shared>> -> memref<10240x128xf32, #tpu.memory_space<vmem_shared>>
      tpu.wait_indirect_dma semaphore(%arg14 : memref<!tpu.dma_semaphore, #tpu.memory_space<semaphore_mem>>) src(%arg9 : memref<80x128xf32, #tpu.memory_space<vmem>>) dst(%dma_wait3A_1067 : memref<10240x128xf32, #tpu.memory_space<vmem_shared>>)
      %dma_start3A_1068 = arith.constant 38 : i32
      %dma_start3A_1069 = arith.constant 0 : i32
      %dma_start3A_1070 = tpu.memref_slice %arg7[%dma_start3A_1068, %dma_start3A_1069] : memref<64x80xi32, #tpu.memory_space<vmem>> -> memref<1x80xi32, #tpu.memory_space<vmem>>
      %dma_start3A_1071 = tpu.memref_squeeze %dma_start3A_1070 : memref<1x80xi32, #tpu.memory_space<vmem>> -> memref<80xi32, #tpu.memory_space<vmem>>
      %dma_start3A_1072 = arith.constant 0 : i32
      %dma_start3A_1073 = arith.constant 0 : i32
      %dma_start3A_1074 = tpu.memref_slice %arg2[%dma_start3A_1072, %dma_start3A_1073] : memref<10240x128xf32, #tpu.memory_space<hbm>> -> memref<10240x128xf32, #tpu.memory_space<hbm>>
      tpu.enqueue_indirect_dma source(%dma_start3A_1074 : memref<10240x128xf32, #tpu.memory_space<hbm>>) target(%arg9 : memref<80x128xf32, #tpu.memory_space<vmem>>) offsets(%dma_start3A_1071 : memref<80xi32, #tpu.memory_space<vmem>>) semaphore(%arg12 : memref<!tpu.dma_semaphore, #tpu.memory_space<semaphore_mem>>)
      %dma_wait3A_1075 = arith.constant 37 : i32
      %dma_wait3A_1076 = arith.constant 0 : i32
      %dma_wait3A_1077 = tpu.memref_slice %arg7[%dma_wait3A_1075, %dma_wait3A_1076] : memref<64x80xi32, #tpu.memory_space<vmem>> -> memref<1x80xi32, #tpu.memory_space<vmem>>
      %dma_wait3A_1078 = tpu.memref_squeeze %dma_wait3A_1077 : memref<1x80xi32, #tpu.memory_space<vmem>> -> memref<80xi32, #tpu.memory_space<vmem>>
      %dma_wait3A_1079 = arith.constant 0 : i32
      %dma_wait3A_1080 = arith.constant 0 : i32
      %dma_wait3A_1081 = tpu.memref_slice %arg2[%dma_wait3A_1079, %dma_wait3A_1080] : memref<10240x128xf32, #tpu.memory_space<hbm>> -> memref<10240x128xf32, #tpu.memory_space<hbm>>
      tpu.wait_indirect_dma semaphore(%arg13 : memref<!tpu.dma_semaphore, #tpu.memory_space<semaphore_mem>>) src(%dma_wait3A_1081 : memref<10240x128xf32, #tpu.memory_space<hbm>>) dst(%arg10 : memref<80x128xf32, #tpu.memory_space<vmem>>)
      %dma_start3A_1082 = arith.constant 37 : i32
      %dma_start3A_1083 = arith.constant 0 : i32
      %dma_start3A_1084 = tpu.memref_slice %arg8[%dma_start3A_1082, %dma_start3A_1083] : memref<64x80xi32, #tpu.memory_space<vmem>> -> memref<1x80xi32, #tpu.memory_space<vmem>>
      %dma_start3A_1085 = tpu.memref_squeeze %dma_start3A_1084 : memref<1x80xi32, #tpu.memory_space<vmem>> -> memref<80xi32, #tpu.memory_space<vmem>>
      %dma_start3A_1086 = arith.constant 0 : i32
      %dma_start3A_1087 = arith.constant 0 : i32
      %dma_start3A_1088 = tpu.memref_slice %arg11[%dma_start3A_1086, %dma_start3A_1087] : memref<10240x128xf32, #tpu.memory_space<vmem_shared>> -> memref<10240x128xf32, #tpu.memory_space<vmem_shared>>
      tpu.enqueue_indirect_dma source(%arg10 : memref<80x128xf32, #tpu.memory_space<vmem>>) target(%dma_start3A_1088 : memref<10240x128xf32, #tpu.memory_space<vmem_shared>>) offsets(%dma_start3A_1085 : memref<80xi32, #tpu.memory_space<vmem>>) semaphore(%arg15 : memref<!tpu.dma_semaphore, #tpu.memory_space<semaphore_mem>>) {add = true}
      %dma_wait3A_1089 = arith.constant 37 : i32
      %dma_wait3A_1090 = arith.constant 0 : i32
      %dma_wait3A_1091 = tpu.memref_slice %arg8[%dma_wait3A_1089, %dma_wait3A_1090] : memref<64x80xi32, #tpu.memory_space<vmem>> -> memref<1x80xi32, #tpu.memory_space<vmem>>
      %dma_wait3A_1092 = tpu.memref_squeeze %dma_wait3A_1091 : memref<1x80xi32, #tpu.memory_space<vmem>> -> memref<80xi32, #tpu.memory_space<vmem>>
      %dma_wait3A_1093 = arith.constant 0 : i32
      %dma_wait3A_1094 = arith.constant 0 : i32
      %dma_wait3A_1095 = tpu.memref_slice %arg11[%dma_wait3A_1093, %dma_wait3A_1094] : memref<10240x128xf32, #tpu.memory_space<vmem_shared>> -> memref<10240x128xf32, #tpu.memory_space<vmem_shared>>
      tpu.wait_indirect_dma semaphore(%arg15 : memref<!tpu.dma_semaphore, #tpu.memory_space<semaphore_mem>>) src(%arg10 : memref<80x128xf32, #tpu.memory_space<vmem>>) dst(%dma_wait3A_1095 : memref<10240x128xf32, #tpu.memory_space<vmem_shared>>)
      %dma_start3A_1096 = arith.constant 39 : i32
      %dma_start3A_1097 = arith.constant 0 : i32
      %dma_start3A_1098 = tpu.memref_slice %arg7[%dma_start3A_1096, %dma_start3A_1097] : memref<64x80xi32, #tpu.memory_space<vmem>> -> memref<1x80xi32, #tpu.memory_space<vmem>>
      %dma_start3A_1099 = tpu.memref_squeeze %dma_start3A_1098 : memref<1x80xi32, #tpu.memory_space<vmem>> -> memref<80xi32, #tpu.memory_space<vmem>>
      %dma_start3A_1100 = arith.constant 0 : i32
      %dma_start3A_1101 = arith.constant 0 : i32
      %dma_start3A_1102 = tpu.memref_slice %arg2[%dma_start3A_1100, %dma_start3A_1101] : memref<10240x128xf32, #tpu.memory_space<hbm>> -> memref<10240x128xf32, #tpu.memory_space<hbm>>
      tpu.enqueue_indirect_dma source(%dma_start3A_1102 : memref<10240x128xf32, #tpu.memory_space<hbm>>) target(%arg10 : memref<80x128xf32, #tpu.memory_space<vmem>>) offsets(%dma_start3A_1099 : memref<80xi32, #tpu.memory_space<vmem>>) semaphore(%arg13 : memref<!tpu.dma_semaphore, #tpu.memory_space<semaphore_mem>>)
      %dma_wait3A_1103 = arith.constant 38 : i32
      %dma_wait3A_1104 = arith.constant 0 : i32
      %dma_wait3A_1105 = tpu.memref_slice %arg7[%dma_wait3A_1103, %dma_wait3A_1104] : memref<64x80xi32, #tpu.memory_space<vmem>> -> memref<1x80xi32, #tpu.memory_space<vmem>>
      %dma_wait3A_1106 = tpu.memref_squeeze %dma_wait3A_1105 : memref<1x80xi32, #tpu.memory_space<vmem>> -> memref<80xi32, #tpu.memory_space<vmem>>
      %dma_wait3A_1107 = arith.constant 0 : i32
      %dma_wait3A_1108 = arith.constant 0 : i32
      %dma_wait3A_1109 = tpu.memref_slice %arg2[%dma_wait3A_1107, %dma_wait3A_1108] : memref<10240x128xf32, #tpu.memory_space<hbm>> -> memref<10240x128xf32, #tpu.memory_space<hbm>>
      tpu.wait_indirect_dma semaphore(%arg12 : memref<!tpu.dma_semaphore, #tpu.memory_space<semaphore_mem>>) src(%dma_wait3A_1109 : memref<10240x128xf32, #tpu.memory_space<hbm>>) dst(%arg9 : memref<80x128xf32, #tpu.memory_space<vmem>>)
      %dma_start3A_1110 = arith.constant 38 : i32
      %dma_start3A_1111 = arith.constant 0 : i32
      %dma_start3A_1112 = tpu.memref_slice %arg8[%dma_start3A_1110, %dma_start3A_1111] : memref<64x80xi32, #tpu.memory_space<vmem>> -> memref<1x80xi32, #tpu.memory_space<vmem>>
      %dma_start3A_1113 = tpu.memref_squeeze %dma_start3A_1112 : memref<1x80xi32, #tpu.memory_space<vmem>> -> memref<80xi32, #tpu.memory_space<vmem>>
      %dma_start3A_1114 = arith.constant 0 : i32
      %dma_start3A_1115 = arith.constant 0 : i32
      %dma_start3A_1116 = tpu.memref_slice %arg11[%dma_start3A_1114, %dma_start3A_1115] : memref<10240x128xf32, #tpu.memory_space<vmem_shared>> -> memref<10240x128xf32, #tpu.memory_space<vmem_shared>>
      tpu.enqueue_indirect_dma source(%arg9 : memref<80x128xf32, #tpu.memory_space<vmem>>) target(%dma_start3A_1116 : memref<10240x128xf32, #tpu.memory_space<vmem_shared>>) offsets(%dma_start3A_1113 : memref<80xi32, #tpu.memory_space<vmem>>) semaphore(%arg14 : memref<!tpu.dma_semaphore, #tpu.memory_space<semaphore_mem>>) {add = true}
      %dma_wait3A_1117 = arith.constant 38 : i32
      %dma_wait3A_1118 = arith.constant 0 : i32
      %dma_wait3A_1119 = tpu.memref_slice %arg8[%dma_wait3A_1117, %dma_wait3A_1118] : memref<64x80xi32, #tpu.memory_space<vmem>> -> memref<1x80xi32, #tpu.memory_space<vmem>>
      %dma_wait3A_1120 = tpu.memref_squeeze %dma_wait3A_1119 : memref<1x80xi32, #tpu.memory_space<vmem>> -> memref<80xi32, #tpu.memory_space<vmem>>
      %dma_wait3A_1121 = arith.constant 0 : i32
      %dma_wait3A_1122 = arith.constant 0 : i32
      %dma_wait3A_1123 = tpu.memref_slice %arg11[%dma_wait3A_1121, %dma_wait3A_1122] : memref<10240x128xf32, #tpu.memory_space<vmem_shared>> -> memref<10240x128xf32, #tpu.memory_space<vmem_shared>>
      tpu.wait_indirect_dma semaphore(%arg14 : memref<!tpu.dma_semaphore, #tpu.memory_space<semaphore_mem>>) src(%arg9 : memref<80x128xf32, #tpu.memory_space<vmem>>) dst(%dma_wait3A_1123 : memref<10240x128xf32, #tpu.memory_space<vmem_shared>>)
      %dma_start3A_1124 = arith.constant 40 : i32
      %dma_start3A_1125 = arith.constant 0 : i32
      %dma_start3A_1126 = tpu.memref_slice %arg7[%dma_start3A_1124, %dma_start3A_1125] : memref<64x80xi32, #tpu.memory_space<vmem>> -> memref<1x80xi32, #tpu.memory_space<vmem>>
      %dma_start3A_1127 = tpu.memref_squeeze %dma_start3A_1126 : memref<1x80xi32, #tpu.memory_space<vmem>> -> memref<80xi32, #tpu.memory_space<vmem>>
      %dma_start3A_1128 = arith.constant 0 : i32
      %dma_start3A_1129 = arith.constant 0 : i32
      %dma_start3A_1130 = tpu.memref_slice %arg2[%dma_start3A_1128, %dma_start3A_1129] : memref<10240x128xf32, #tpu.memory_space<hbm>> -> memref<10240x128xf32, #tpu.memory_space<hbm>>
      tpu.enqueue_indirect_dma source(%dma_start3A_1130 : memref<10240x128xf32, #tpu.memory_space<hbm>>) target(%arg9 : memref<80x128xf32, #tpu.memory_space<vmem>>) offsets(%dma_start3A_1127 : memref<80xi32, #tpu.memory_space<vmem>>) semaphore(%arg12 : memref<!tpu.dma_semaphore, #tpu.memory_space<semaphore_mem>>)
      %dma_wait3A_1131 = arith.constant 39 : i32
      %dma_wait3A_1132 = arith.constant 0 : i32
      %dma_wait3A_1133 = tpu.memref_slice %arg7[%dma_wait3A_1131, %dma_wait3A_1132] : memref<64x80xi32, #tpu.memory_space<vmem>> -> memref<1x80xi32, #tpu.memory_space<vmem>>
      %dma_wait3A_1134 = tpu.memref_squeeze %dma_wait3A_1133 : memref<1x80xi32, #tpu.memory_space<vmem>> -> memref<80xi32, #tpu.memory_space<vmem>>
      %dma_wait3A_1135 = arith.constant 0 : i32
      %dma_wait3A_1136 = arith.constant 0 : i32
      %dma_wait3A_1137 = tpu.memref_slice %arg2[%dma_wait3A_1135, %dma_wait3A_1136] : memref<10240x128xf32, #tpu.memory_space<hbm>> -> memref<10240x128xf32, #tpu.memory_space<hbm>>
      tpu.wait_indirect_dma semaphore(%arg13 : memref<!tpu.dma_semaphore, #tpu.memory_space<semaphore_mem>>) src(%dma_wait3A_1137 : memref<10240x128xf32, #tpu.memory_space<hbm>>) dst(%arg10 : memref<80x128xf32, #tpu.memory_space<vmem>>)
      %dma_start3A_1138 = arith.constant 39 : i32
      %dma_start3A_1139 = arith.constant 0 : i32
      %dma_start3A_1140 = tpu.memref_slice %arg8[%dma_start3A_1138, %dma_start3A_1139] : memref<64x80xi32, #tpu.memory_space<vmem>> -> memref<1x80xi32, #tpu.memory_space<vmem>>
      %dma_start3A_1141 = tpu.memref_squeeze %dma_start3A_1140 : memref<1x80xi32, #tpu.memory_space<vmem>> -> memref<80xi32, #tpu.memory_space<vmem>>
      %dma_start3A_1142 = arith.constant 0 : i32
      %dma_start3A_1143 = arith.constant 0 : i32
      %dma_start3A_1144 = tpu.memref_slice %arg11[%dma_start3A_1142, %dma_start3A_1143] : memref<10240x128xf32, #tpu.memory_space<vmem_shared>> -> memref<10240x128xf32, #tpu.memory_space<vmem_shared>>
      tpu.enqueue_indirect_dma source(%arg10 : memref<80x128xf32, #tpu.memory_space<vmem>>) target(%dma_start3A_1144 : memref<10240x128xf32, #tpu.memory_space<vmem_shared>>) offsets(%dma_start3A_1141 : memref<80xi32, #tpu.memory_space<vmem>>) semaphore(%arg15 : memref<!tpu.dma_semaphore, #tpu.memory_space<semaphore_mem>>) {add = true}
      %dma_wait3A_1145 = arith.constant 39 : i32
      %dma_wait3A_1146 = arith.constant 0 : i32
      %dma_wait3A_1147 = tpu.memref_slice %arg8[%dma_wait3A_1145, %dma_wait3A_1146] : memref<64x80xi32, #tpu.memory_space<vmem>> -> memref<1x80xi32, #tpu.memory_space<vmem>>
      %dma_wait3A_1148 = tpu.memref_squeeze %dma_wait3A_1147 : memref<1x80xi32, #tpu.memory_space<vmem>> -> memref<80xi32, #tpu.memory_space<vmem>>
      %dma_wait3A_1149 = arith.constant 0 : i32
      %dma_wait3A_1150 = arith.constant 0 : i32
      %dma_wait3A_1151 = tpu.memref_slice %arg11[%dma_wait3A_1149, %dma_wait3A_1150] : memref<10240x128xf32, #tpu.memory_space<vmem_shared>> -> memref<10240x128xf32, #tpu.memory_space<vmem_shared>>
      tpu.wait_indirect_dma semaphore(%arg15 : memref<!tpu.dma_semaphore, #tpu.memory_space<semaphore_mem>>) src(%arg10 : memref<80x128xf32, #tpu.memory_space<vmem>>) dst(%dma_wait3A_1151 : memref<10240x128xf32, #tpu.memory_space<vmem_shared>>)
      %dma_start3A_1152 = arith.constant 41 : i32
      %dma_start3A_1153 = arith.constant 0 : i32
      %dma_start3A_1154 = tpu.memref_slice %arg7[%dma_start3A_1152, %dma_start3A_1153] : memref<64x80xi32, #tpu.memory_space<vmem>> -> memref<1x80xi32, #tpu.memory_space<vmem>>
      %dma_start3A_1155 = tpu.memref_squeeze %dma_start3A_1154 : memref<1x80xi32, #tpu.memory_space<vmem>> -> memref<80xi32, #tpu.memory_space<vmem>>
      %dma_start3A_1156 = arith.constant 0 : i32
      %dma_start3A_1157 = arith.constant 0 : i32
      %dma_start3A_1158 = tpu.memref_slice %arg2[%dma_start3A_1156, %dma_start3A_1157] : memref<10240x128xf32, #tpu.memory_space<hbm>> -> memref<10240x128xf32, #tpu.memory_space<hbm>>
      tpu.enqueue_indirect_dma source(%dma_start3A_1158 : memref<10240x128xf32, #tpu.memory_space<hbm>>) target(%arg10 : memref<80x128xf32, #tpu.memory_space<vmem>>) offsets(%dma_start3A_1155 : memref<80xi32, #tpu.memory_space<vmem>>) semaphore(%arg13 : memref<!tpu.dma_semaphore, #tpu.memory_space<semaphore_mem>>)
      %dma_wait3A_1159 = arith.constant 40 : i32
      %dma_wait3A_1160 = arith.constant 0 : i32
      %dma_wait3A_1161 = tpu.memref_slice %arg7[%dma_wait3A_1159, %dma_wait3A_1160] : memref<64x80xi32, #tpu.memory_space<vmem>> -> memref<1x80xi32, #tpu.memory_space<vmem>>
      %dma_wait3A_1162 = tpu.memref_squeeze %dma_wait3A_1161 : memref<1x80xi32, #tpu.memory_space<vmem>> -> memref<80xi32, #tpu.memory_space<vmem>>
      %dma_wait3A_1163 = arith.constant 0 : i32
      %dma_wait3A_1164 = arith.constant 0 : i32
      %dma_wait3A_1165 = tpu.memref_slice %arg2[%dma_wait3A_1163, %dma_wait3A_1164] : memref<10240x128xf32, #tpu.memory_space<hbm>> -> memref<10240x128xf32, #tpu.memory_space<hbm>>
      tpu.wait_indirect_dma semaphore(%arg12 : memref<!tpu.dma_semaphore, #tpu.memory_space<semaphore_mem>>) src(%dma_wait3A_1165 : memref<10240x128xf32, #tpu.memory_space<hbm>>) dst(%arg9 : memref<80x128xf32, #tpu.memory_space<vmem>>)
      %dma_start3A_1166 = arith.constant 40 : i32
      %dma_start3A_1167 = arith.constant 0 : i32
      %dma_start3A_1168 = tpu.memref_slice %arg8[%dma_start3A_1166, %dma_start3A_1167] : memref<64x80xi32, #tpu.memory_space<vmem>> -> memref<1x80xi32, #tpu.memory_space<vmem>>
      %dma_start3A_1169 = tpu.memref_squeeze %dma_start3A_1168 : memref<1x80xi32, #tpu.memory_space<vmem>> -> memref<80xi32, #tpu.memory_space<vmem>>
      %dma_start3A_1170 = arith.constant 0 : i32
      %dma_start3A_1171 = arith.constant 0 : i32
      %dma_start3A_1172 = tpu.memref_slice %arg11[%dma_start3A_1170, %dma_start3A_1171] : memref<10240x128xf32, #tpu.memory_space<vmem_shared>> -> memref<10240x128xf32, #tpu.memory_space<vmem_shared>>
      tpu.enqueue_indirect_dma source(%arg9 : memref<80x128xf32, #tpu.memory_space<vmem>>) target(%dma_start3A_1172 : memref<10240x128xf32, #tpu.memory_space<vmem_shared>>) offsets(%dma_start3A_1169 : memref<80xi32, #tpu.memory_space<vmem>>) semaphore(%arg14 : memref<!tpu.dma_semaphore, #tpu.memory_space<semaphore_mem>>) {add = true}
      %dma_wait3A_1173 = arith.constant 40 : i32
      %dma_wait3A_1174 = arith.constant 0 : i32
      %dma_wait3A_1175 = tpu.memref_slice %arg8[%dma_wait3A_1173, %dma_wait3A_1174] : memref<64x80xi32, #tpu.memory_space<vmem>> -> memref<1x80xi32, #tpu.memory_space<vmem>>
      %dma_wait3A_1176 = tpu.memref_squeeze %dma_wait3A_1175 : memref<1x80xi32, #tpu.memory_space<vmem>> -> memref<80xi32, #tpu.memory_space<vmem>>
      %dma_wait3A_1177 = arith.constant 0 : i32
      %dma_wait3A_1178 = arith.constant 0 : i32
      %dma_wait3A_1179 = tpu.memref_slice %arg11[%dma_wait3A_1177, %dma_wait3A_1178] : memref<10240x128xf32, #tpu.memory_space<vmem_shared>> -> memref<10240x128xf32, #tpu.memory_space<vmem_shared>>
      tpu.wait_indirect_dma semaphore(%arg14 : memref<!tpu.dma_semaphore, #tpu.memory_space<semaphore_mem>>) src(%arg9 : memref<80x128xf32, #tpu.memory_space<vmem>>) dst(%dma_wait3A_1179 : memref<10240x128xf32, #tpu.memory_space<vmem_shared>>)
      %dma_start3A_1180 = arith.constant 42 : i32
      %dma_start3A_1181 = arith.constant 0 : i32
      %dma_start3A_1182 = tpu.memref_slice %arg7[%dma_start3A_1180, %dma_start3A_1181] : memref<64x80xi32, #tpu.memory_space<vmem>> -> memref<1x80xi32, #tpu.memory_space<vmem>>
      %dma_start3A_1183 = tpu.memref_squeeze %dma_start3A_1182 : memref<1x80xi32, #tpu.memory_space<vmem>> -> memref<80xi32, #tpu.memory_space<vmem>>
      %dma_start3A_1184 = arith.constant 0 : i32
      %dma_start3A_1185 = arith.constant 0 : i32
      %dma_start3A_1186 = tpu.memref_slice %arg2[%dma_start3A_1184, %dma_start3A_1185] : memref<10240x128xf32, #tpu.memory_space<hbm>> -> memref<10240x128xf32, #tpu.memory_space<hbm>>
      tpu.enqueue_indirect_dma source(%dma_start3A_1186 : memref<10240x128xf32, #tpu.memory_space<hbm>>) target(%arg9 : memref<80x128xf32, #tpu.memory_space<vmem>>) offsets(%dma_start3A_1183 : memref<80xi32, #tpu.memory_space<vmem>>) semaphore(%arg12 : memref<!tpu.dma_semaphore, #tpu.memory_space<semaphore_mem>>)
      %dma_wait3A_1187 = arith.constant 41 : i32
      %dma_wait3A_1188 = arith.constant 0 : i32
      %dma_wait3A_1189 = tpu.memref_slice %arg7[%dma_wait3A_1187, %dma_wait3A_1188] : memref<64x80xi32, #tpu.memory_space<vmem>> -> memref<1x80xi32, #tpu.memory_space<vmem>>
      %dma_wait3A_1190 = tpu.memref_squeeze %dma_wait3A_1189 : memref<1x80xi32, #tpu.memory_space<vmem>> -> memref<80xi32, #tpu.memory_space<vmem>>
      %dma_wait3A_1191 = arith.constant 0 : i32
      %dma_wait3A_1192 = arith.constant 0 : i32
      %dma_wait3A_1193 = tpu.memref_slice %arg2[%dma_wait3A_1191, %dma_wait3A_1192] : memref<10240x128xf32, #tpu.memory_space<hbm>> -> memref<10240x128xf32, #tpu.memory_space<hbm>>
      tpu.wait_indirect_dma semaphore(%arg13 : memref<!tpu.dma_semaphore, #tpu.memory_space<semaphore_mem>>) src(%dma_wait3A_1193 : memref<10240x128xf32, #tpu.memory_space<hbm>>) dst(%arg10 : memref<80x128xf32, #tpu.memory_space<vmem>>)
      %dma_start3A_1194 = arith.constant 41 : i32
      %dma_start3A_1195 = arith.constant 0 : i32
      %dma_start3A_1196 = tpu.memref_slice %arg8[%dma_start3A_1194, %dma_start3A_1195] : memref<64x80xi32, #tpu.memory_space<vmem>> -> memref<1x80xi32, #tpu.memory_space<vmem>>
      %dma_start3A_1197 = tpu.memref_squeeze %dma_start3A_1196 : memref<1x80xi32, #tpu.memory_space<vmem>> -> memref<80xi32, #tpu.memory_space<vmem>>
      %dma_start3A_1198 = arith.constant 0 : i32
      %dma_start3A_1199 = arith.constant 0 : i32
      %dma_start3A_1200 = tpu.memref_slice %arg11[%dma_start3A_1198, %dma_start3A_1199] : memref<10240x128xf32, #tpu.memory_space<vmem_shared>> -> memref<10240x128xf32, #tpu.memory_space<vmem_shared>>
      tpu.enqueue_indirect_dma source(%arg10 : memref<80x128xf32, #tpu.memory_space<vmem>>) target(%dma_start3A_1200 : memref<10240x128xf32, #tpu.memory_space<vmem_shared>>) offsets(%dma_start3A_1197 : memref<80xi32, #tpu.memory_space<vmem>>) semaphore(%arg15 : memref<!tpu.dma_semaphore, #tpu.memory_space<semaphore_mem>>) {add = true}
      %dma_wait3A_1201 = arith.constant 41 : i32
      %dma_wait3A_1202 = arith.constant 0 : i32
      %dma_wait3A_1203 = tpu.memref_slice %arg8[%dma_wait3A_1201, %dma_wait3A_1202] : memref<64x80xi32, #tpu.memory_space<vmem>> -> memref<1x80xi32, #tpu.memory_space<vmem>>
      %dma_wait3A_1204 = tpu.memref_squeeze %dma_wait3A_1203 : memref<1x80xi32, #tpu.memory_space<vmem>> -> memref<80xi32, #tpu.memory_space<vmem>>
      %dma_wait3A_1205 = arith.constant 0 : i32
      %dma_wait3A_1206 = arith.constant 0 : i32
      %dma_wait3A_1207 = tpu.memref_slice %arg11[%dma_wait3A_1205, %dma_wait3A_1206] : memref<10240x128xf32, #tpu.memory_space<vmem_shared>> -> memref<10240x128xf32, #tpu.memory_space<vmem_shared>>
      tpu.wait_indirect_dma semaphore(%arg15 : memref<!tpu.dma_semaphore, #tpu.memory_space<semaphore_mem>>) src(%arg10 : memref<80x128xf32, #tpu.memory_space<vmem>>) dst(%dma_wait3A_1207 : memref<10240x128xf32, #tpu.memory_space<vmem_shared>>)
      %dma_start3A_1208 = arith.constant 43 : i32
      %dma_start3A_1209 = arith.constant 0 : i32
      %dma_start3A_1210 = tpu.memref_slice %arg7[%dma_start3A_1208, %dma_start3A_1209] : memref<64x80xi32, #tpu.memory_space<vmem>> -> memref<1x80xi32, #tpu.memory_space<vmem>>
      %dma_start3A_1211 = tpu.memref_squeeze %dma_start3A_1210 : memref<1x80xi32, #tpu.memory_space<vmem>> -> memref<80xi32, #tpu.memory_space<vmem>>
      %dma_start3A_1212 = arith.constant 0 : i32
      %dma_start3A_1213 = arith.constant 0 : i32
      %dma_start3A_1214 = tpu.memref_slice %arg2[%dma_start3A_1212, %dma_start3A_1213] : memref<10240x128xf32, #tpu.memory_space<hbm>> -> memref<10240x128xf32, #tpu.memory_space<hbm>>
      tpu.enqueue_indirect_dma source(%dma_start3A_1214 : memref<10240x128xf32, #tpu.memory_space<hbm>>) target(%arg10 : memref<80x128xf32, #tpu.memory_space<vmem>>) offsets(%dma_start3A_1211 : memref<80xi32, #tpu.memory_space<vmem>>) semaphore(%arg13 : memref<!tpu.dma_semaphore, #tpu.memory_space<semaphore_mem>>)
      %dma_wait3A_1215 = arith.constant 42 : i32
      %dma_wait3A_1216 = arith.constant 0 : i32
      %dma_wait3A_1217 = tpu.memref_slice %arg7[%dma_wait3A_1215, %dma_wait3A_1216] : memref<64x80xi32, #tpu.memory_space<vmem>> -> memref<1x80xi32, #tpu.memory_space<vmem>>
      %dma_wait3A_1218 = tpu.memref_squeeze %dma_wait3A_1217 : memref<1x80xi32, #tpu.memory_space<vmem>> -> memref<80xi32, #tpu.memory_space<vmem>>
      %dma_wait3A_1219 = arith.constant 0 : i32
      %dma_wait3A_1220 = arith.constant 0 : i32
      %dma_wait3A_1221 = tpu.memref_slice %arg2[%dma_wait3A_1219, %dma_wait3A_1220] : memref<10240x128xf32, #tpu.memory_space<hbm>> -> memref<10240x128xf32, #tpu.memory_space<hbm>>
      tpu.wait_indirect_dma semaphore(%arg12 : memref<!tpu.dma_semaphore, #tpu.memory_space<semaphore_mem>>) src(%dma_wait3A_1221 : memref<10240x128xf32, #tpu.memory_space<hbm>>) dst(%arg9 : memref<80x128xf32, #tpu.memory_space<vmem>>)
      %dma_start3A_1222 = arith.constant 42 : i32
      %dma_start3A_1223 = arith.constant 0 : i32
      %dma_start3A_1224 = tpu.memref_slice %arg8[%dma_start3A_1222, %dma_start3A_1223] : memref<64x80xi32, #tpu.memory_space<vmem>> -> memref<1x80xi32, #tpu.memory_space<vmem>>
      %dma_start3A_1225 = tpu.memref_squeeze %dma_start3A_1224 : memref<1x80xi32, #tpu.memory_space<vmem>> -> memref<80xi32, #tpu.memory_space<vmem>>
      %dma_start3A_1226 = arith.constant 0 : i32
      %dma_start3A_1227 = arith.constant 0 : i32
      %dma_start3A_1228 = tpu.memref_slice %arg11[%dma_start3A_1226, %dma_start3A_1227] : memref<10240x128xf32, #tpu.memory_space<vmem_shared>> -> memref<10240x128xf32, #tpu.memory_space<vmem_shared>>
      tpu.enqueue_indirect_dma source(%arg9 : memref<80x128xf32, #tpu.memory_space<vmem>>) target(%dma_start3A_1228 : memref<10240x128xf32, #tpu.memory_space<vmem_shared>>) offsets(%dma_start3A_1225 : memref<80xi32, #tpu.memory_space<vmem>>) semaphore(%arg14 : memref<!tpu.dma_semaphore, #tpu.memory_space<semaphore_mem>>) {add = true}
      %dma_wait3A_1229 = arith.constant 42 : i32
      %dma_wait3A_1230 = arith.constant 0 : i32
      %dma_wait3A_1231 = tpu.memref_slice %arg8[%dma_wait3A_1229, %dma_wait3A_1230] : memref<64x80xi32, #tpu.memory_space<vmem>> -> memref<1x80xi32, #tpu.memory_space<vmem>>
      %dma_wait3A_1232 = tpu.memref_squeeze %dma_wait3A_1231 : memref<1x80xi32, #tpu.memory_space<vmem>> -> memref<80xi32, #tpu.memory_space<vmem>>
      %dma_wait3A_1233 = arith.constant 0 : i32
      %dma_wait3A_1234 = arith.constant 0 : i32
      %dma_wait3A_1235 = tpu.memref_slice %arg11[%dma_wait3A_1233, %dma_wait3A_1234] : memref<10240x128xf32, #tpu.memory_space<vmem_shared>> -> memref<10240x128xf32, #tpu.memory_space<vmem_shared>>
      tpu.wait_indirect_dma semaphore(%arg14 : memref<!tpu.dma_semaphore, #tpu.memory_space<semaphore_mem>>) src(%arg9 : memref<80x128xf32, #tpu.memory_space<vmem>>) dst(%dma_wait3A_1235 : memref<10240x128xf32, #tpu.memory_space<vmem_shared>>)
      %dma_start3A_1236 = arith.constant 44 : i32
      %dma_start3A_1237 = arith.constant 0 : i32
      %dma_start3A_1238 = tpu.memref_slice %arg7[%dma_start3A_1236, %dma_start3A_1237] : memref<64x80xi32, #tpu.memory_space<vmem>> -> memref<1x80xi32, #tpu.memory_space<vmem>>
      %dma_start3A_1239 = tpu.memref_squeeze %dma_start3A_1238 : memref<1x80xi32, #tpu.memory_space<vmem>> -> memref<80xi32, #tpu.memory_space<vmem>>
      %dma_start3A_1240 = arith.constant 0 : i32
      %dma_start3A_1241 = arith.constant 0 : i32
      %dma_start3A_1242 = tpu.memref_slice %arg2[%dma_start3A_1240, %dma_start3A_1241] : memref<10240x128xf32, #tpu.memory_space<hbm>> -> memref<10240x128xf32, #tpu.memory_space<hbm>>
      tpu.enqueue_indirect_dma source(%dma_start3A_1242 : memref<10240x128xf32, #tpu.memory_space<hbm>>) target(%arg9 : memref<80x128xf32, #tpu.memory_space<vmem>>) offsets(%dma_start3A_1239 : memref<80xi32, #tpu.memory_space<vmem>>) semaphore(%arg12 : memref<!tpu.dma_semaphore, #tpu.memory_space<semaphore_mem>>)
      %dma_wait3A_1243 = arith.constant 43 : i32
      %dma_wait3A_1244 = arith.constant 0 : i32
      %dma_wait3A_1245 = tpu.memref_slice %arg7[%dma_wait3A_1243, %dma_wait3A_1244] : memref<64x80xi32, #tpu.memory_space<vmem>> -> memref<1x80xi32, #tpu.memory_space<vmem>>
      %dma_wait3A_1246 = tpu.memref_squeeze %dma_wait3A_1245 : memref<1x80xi32, #tpu.memory_space<vmem>> -> memref<80xi32, #tpu.memory_space<vmem>>
      %dma_wait3A_1247 = arith.constant 0 : i32
      %dma_wait3A_1248 = arith.constant 0 : i32
      %dma_wait3A_1249 = tpu.memref_slice %arg2[%dma_wait3A_1247, %dma_wait3A_1248] : memref<10240x128xf32, #tpu.memory_space<hbm>> -> memref<10240x128xf32, #tpu.memory_space<hbm>>
      tpu.wait_indirect_dma semaphore(%arg13 : memref<!tpu.dma_semaphore, #tpu.memory_space<semaphore_mem>>) src(%dma_wait3A_1249 : memref<10240x128xf32, #tpu.memory_space<hbm>>) dst(%arg10 : memref<80x128xf32, #tpu.memory_space<vmem>>)
      %dma_start3A_1250 = arith.constant 43 : i32
      %dma_start3A_1251 = arith.constant 0 : i32
      %dma_start3A_1252 = tpu.memref_slice %arg8[%dma_start3A_1250, %dma_start3A_1251] : memref<64x80xi32, #tpu.memory_space<vmem>> -> memref<1x80xi32, #tpu.memory_space<vmem>>
      %dma_start3A_1253 = tpu.memref_squeeze %dma_start3A_1252 : memref<1x80xi32, #tpu.memory_space<vmem>> -> memref<80xi32, #tpu.memory_space<vmem>>
      %dma_start3A_1254 = arith.constant 0 : i32
      %dma_start3A_1255 = arith.constant 0 : i32
      %dma_start3A_1256 = tpu.memref_slice %arg11[%dma_start3A_1254, %dma_start3A_1255] : memref<10240x128xf32, #tpu.memory_space<vmem_shared>> -> memref<10240x128xf32, #tpu.memory_space<vmem_shared>>
      tpu.enqueue_indirect_dma source(%arg10 : memref<80x128xf32, #tpu.memory_space<vmem>>) target(%dma_start3A_1256 : memref<10240x128xf32, #tpu.memory_space<vmem_shared>>) offsets(%dma_start3A_1253 : memref<80xi32, #tpu.memory_space<vmem>>) semaphore(%arg15 : memref<!tpu.dma_semaphore, #tpu.memory_space<semaphore_mem>>) {add = true}
      %dma_wait3A_1257 = arith.constant 43 : i32
      %dma_wait3A_1258 = arith.constant 0 : i32
      %dma_wait3A_1259 = tpu.memref_slice %arg8[%dma_wait3A_1257, %dma_wait3A_1258] : memref<64x80xi32, #tpu.memory_space<vmem>> -> memref<1x80xi32, #tpu.memory_space<vmem>>
      %dma_wait3A_1260 = tpu.memref_squeeze %dma_wait3A_1259 : memref<1x80xi32, #tpu.memory_space<vmem>> -> memref<80xi32, #tpu.memory_space<vmem>>
      %dma_wait3A_1261 = arith.constant 0 : i32
      %dma_wait3A_1262 = arith.constant 0 : i32
      %dma_wait3A_1263 = tpu.memref_slice %arg11[%dma_wait3A_1261, %dma_wait3A_1262] : memref<10240x128xf32, #tpu.memory_space<vmem_shared>> -> memref<10240x128xf32, #tpu.memory_space<vmem_shared>>
      tpu.wait_indirect_dma semaphore(%arg15 : memref<!tpu.dma_semaphore, #tpu.memory_space<semaphore_mem>>) src(%arg10 : memref<80x128xf32, #tpu.memory_space<vmem>>) dst(%dma_wait3A_1263 : memref<10240x128xf32, #tpu.memory_space<vmem_shared>>)
      %dma_start3A_1264 = arith.constant 45 : i32
      %dma_start3A_1265 = arith.constant 0 : i32
      %dma_start3A_1266 = tpu.memref_slice %arg7[%dma_start3A_1264, %dma_start3A_1265] : memref<64x80xi32, #tpu.memory_space<vmem>> -> memref<1x80xi32, #tpu.memory_space<vmem>>
      %dma_start3A_1267 = tpu.memref_squeeze %dma_start3A_1266 : memref<1x80xi32, #tpu.memory_space<vmem>> -> memref<80xi32, #tpu.memory_space<vmem>>
      %dma_start3A_1268 = arith.constant 0 : i32
      %dma_start3A_1269 = arith.constant 0 : i32
      %dma_start3A_1270 = tpu.memref_slice %arg2[%dma_start3A_1268, %dma_start3A_1269] : memref<10240x128xf32, #tpu.memory_space<hbm>> -> memref<10240x128xf32, #tpu.memory_space<hbm>>
      tpu.enqueue_indirect_dma source(%dma_start3A_1270 : memref<10240x128xf32, #tpu.memory_space<hbm>>) target(%arg10 : memref<80x128xf32, #tpu.memory_space<vmem>>) offsets(%dma_start3A_1267 : memref<80xi32, #tpu.memory_space<vmem>>) semaphore(%arg13 : memref<!tpu.dma_semaphore, #tpu.memory_space<semaphore_mem>>)
      %dma_wait3A_1271 = arith.constant 44 : i32
      %dma_wait3A_1272 = arith.constant 0 : i32
      %dma_wait3A_1273 = tpu.memref_slice %arg7[%dma_wait3A_1271, %dma_wait3A_1272] : memref<64x80xi32, #tpu.memory_space<vmem>> -> memref<1x80xi32, #tpu.memory_space<vmem>>
      %dma_wait3A_1274 = tpu.memref_squeeze %dma_wait3A_1273 : memref<1x80xi32, #tpu.memory_space<vmem>> -> memref<80xi32, #tpu.memory_space<vmem>>
      %dma_wait3A_1275 = arith.constant 0 : i32
      %dma_wait3A_1276 = arith.constant 0 : i32
      %dma_wait3A_1277 = tpu.memref_slice %arg2[%dma_wait3A_1275, %dma_wait3A_1276] : memref<10240x128xf32, #tpu.memory_space<hbm>> -> memref<10240x128xf32, #tpu.memory_space<hbm>>
      tpu.wait_indirect_dma semaphore(%arg12 : memref<!tpu.dma_semaphore, #tpu.memory_space<semaphore_mem>>) src(%dma_wait3A_1277 : memref<10240x128xf32, #tpu.memory_space<hbm>>) dst(%arg9 : memref<80x128xf32, #tpu.memory_space<vmem>>)
      %dma_start3A_1278 = arith.constant 44 : i32
      %dma_start3A_1279 = arith.constant 0 : i32
      %dma_start3A_1280 = tpu.memref_slice %arg8[%dma_start3A_1278, %dma_start3A_1279] : memref<64x80xi32, #tpu.memory_space<vmem>> -> memref<1x80xi32, #tpu.memory_space<vmem>>
      %dma_start3A_1281 = tpu.memref_squeeze %dma_start3A_1280 : memref<1x80xi32, #tpu.memory_space<vmem>> -> memref<80xi32, #tpu.memory_space<vmem>>
      %dma_start3A_1282 = arith.constant 0 : i32
      %dma_start3A_1283 = arith.constant 0 : i32
      %dma_start3A_1284 = tpu.memref_slice %arg11[%dma_start3A_1282, %dma_start3A_1283] : memref<10240x128xf32, #tpu.memory_space<vmem_shared>> -> memref<10240x128xf32, #tpu.memory_space<vmem_shared>>
      tpu.enqueue_indirect_dma source(%arg9 : memref<80x128xf32, #tpu.memory_space<vmem>>) target(%dma_start3A_1284 : memref<10240x128xf32, #tpu.memory_space<vmem_shared>>) offsets(%dma_start3A_1281 : memref<80xi32, #tpu.memory_space<vmem>>) semaphore(%arg14 : memref<!tpu.dma_semaphore, #tpu.memory_space<semaphore_mem>>) {add = true}
      %dma_wait3A_1285 = arith.constant 44 : i32
      %dma_wait3A_1286 = arith.constant 0 : i32
      %dma_wait3A_1287 = tpu.memref_slice %arg8[%dma_wait3A_1285, %dma_wait3A_1286] : memref<64x80xi32, #tpu.memory_space<vmem>> -> memref<1x80xi32, #tpu.memory_space<vmem>>
      %dma_wait3A_1288 = tpu.memref_squeeze %dma_wait3A_1287 : memref<1x80xi32, #tpu.memory_space<vmem>> -> memref<80xi32, #tpu.memory_space<vmem>>
      %dma_wait3A_1289 = arith.constant 0 : i32
      %dma_wait3A_1290 = arith.constant 0 : i32
      %dma_wait3A_1291 = tpu.memref_slice %arg11[%dma_wait3A_1289, %dma_wait3A_1290] : memref<10240x128xf32, #tpu.memory_space<vmem_shared>> -> memref<10240x128xf32, #tpu.memory_space<vmem_shared>>
      tpu.wait_indirect_dma semaphore(%arg14 : memref<!tpu.dma_semaphore, #tpu.memory_space<semaphore_mem>>) src(%arg9 : memref<80x128xf32, #tpu.memory_space<vmem>>) dst(%dma_wait3A_1291 : memref<10240x128xf32, #tpu.memory_space<vmem_shared>>)
      %dma_start3A_1292 = arith.constant 46 : i32
      %dma_start3A_1293 = arith.constant 0 : i32
      %dma_start3A_1294 = tpu.memref_slice %arg7[%dma_start3A_1292, %dma_start3A_1293] : memref<64x80xi32, #tpu.memory_space<vmem>> -> memref<1x80xi32, #tpu.memory_space<vmem>>
      %dma_start3A_1295 = tpu.memref_squeeze %dma_start3A_1294 : memref<1x80xi32, #tpu.memory_space<vmem>> -> memref<80xi32, #tpu.memory_space<vmem>>
      %dma_start3A_1296 = arith.constant 0 : i32
      %dma_start3A_1297 = arith.constant 0 : i32
      %dma_start3A_1298 = tpu.memref_slice %arg2[%dma_start3A_1296, %dma_start3A_1297] : memref<10240x128xf32, #tpu.memory_space<hbm>> -> memref<10240x128xf32, #tpu.memory_space<hbm>>
      tpu.enqueue_indirect_dma source(%dma_start3A_1298 : memref<10240x128xf32, #tpu.memory_space<hbm>>) target(%arg9 : memref<80x128xf32, #tpu.memory_space<vmem>>) offsets(%dma_start3A_1295 : memref<80xi32, #tpu.memory_space<vmem>>) semaphore(%arg12 : memref<!tpu.dma_semaphore, #tpu.memory_space<semaphore_mem>>)
      %dma_wait3A_1299 = arith.constant 45 : i32
      %dma_wait3A_1300 = arith.constant 0 : i32
      %dma_wait3A_1301 = tpu.memref_slice %arg7[%dma_wait3A_1299, %dma_wait3A_1300] : memref<64x80xi32, #tpu.memory_space<vmem>> -> memref<1x80xi32, #tpu.memory_space<vmem>>
      %dma_wait3A_1302 = tpu.memref_squeeze %dma_wait3A_1301 : memref<1x80xi32, #tpu.memory_space<vmem>> -> memref<80xi32, #tpu.memory_space<vmem>>
      %dma_wait3A_1303 = arith.constant 0 : i32
      %dma_wait3A_1304 = arith.constant 0 : i32
      %dma_wait3A_1305 = tpu.memref_slice %arg2[%dma_wait3A_1303, %dma_wait3A_1304] : memref<10240x128xf32, #tpu.memory_space<hbm>> -> memref<10240x128xf32, #tpu.memory_space<hbm>>
      tpu.wait_indirect_dma semaphore(%arg13 : memref<!tpu.dma_semaphore, #tpu.memory_space<semaphore_mem>>) src(%dma_wait3A_1305 : memref<10240x128xf32, #tpu.memory_space<hbm>>) dst(%arg10 : memref<80x128xf32, #tpu.memory_space<vmem>>)
      %dma_start3A_1306 = arith.constant 45 : i32
      %dma_start3A_1307 = arith.constant 0 : i32
      %dma_start3A_1308 = tpu.memref_slice %arg8[%dma_start3A_1306, %dma_start3A_1307] : memref<64x80xi32, #tpu.memory_space<vmem>> -> memref<1x80xi32, #tpu.memory_space<vmem>>
      %dma_start3A_1309 = tpu.memref_squeeze %dma_start3A_1308 : memref<1x80xi32, #tpu.memory_space<vmem>> -> memref<80xi32, #tpu.memory_space<vmem>>
      %dma_start3A_1310 = arith.constant 0 : i32
      %dma_start3A_1311 = arith.constant 0 : i32
      %dma_start3A_1312 = tpu.memref_slice %arg11[%dma_start3A_1310, %dma_start3A_1311] : memref<10240x128xf32, #tpu.memory_space<vmem_shared>> -> memref<10240x128xf32, #tpu.memory_space<vmem_shared>>
      tpu.enqueue_indirect_dma source(%arg10 : memref<80x128xf32, #tpu.memory_space<vmem>>) target(%dma_start3A_1312 : memref<10240x128xf32, #tpu.memory_space<vmem_shared>>) offsets(%dma_start3A_1309 : memref<80xi32, #tpu.memory_space<vmem>>) semaphore(%arg15 : memref<!tpu.dma_semaphore, #tpu.memory_space<semaphore_mem>>) {add = true}
      %dma_wait3A_1313 = arith.constant 45 : i32
      %dma_wait3A_1314 = arith.constant 0 : i32
      %dma_wait3A_1315 = tpu.memref_slice %arg8[%dma_wait3A_1313, %dma_wait3A_1314] : memref<64x80xi32, #tpu.memory_space<vmem>> -> memref<1x80xi32, #tpu.memory_space<vmem>>
      %dma_wait3A_1316 = tpu.memref_squeeze %dma_wait3A_1315 : memref<1x80xi32, #tpu.memory_space<vmem>> -> memref<80xi32, #tpu.memory_space<vmem>>
      %dma_wait3A_1317 = arith.constant 0 : i32
      %dma_wait3A_1318 = arith.constant 0 : i32
      %dma_wait3A_1319 = tpu.memref_slice %arg11[%dma_wait3A_1317, %dma_wait3A_1318] : memref<10240x128xf32, #tpu.memory_space<vmem_shared>> -> memref<10240x128xf32, #tpu.memory_space<vmem_shared>>
      tpu.wait_indirect_dma semaphore(%arg15 : memref<!tpu.dma_semaphore, #tpu.memory_space<semaphore_mem>>) src(%arg10 : memref<80x128xf32, #tpu.memory_space<vmem>>) dst(%dma_wait3A_1319 : memref<10240x128xf32, #tpu.memory_space<vmem_shared>>)
      %dma_start3A_1320 = arith.constant 47 : i32
      %dma_start3A_1321 = arith.constant 0 : i32
      %dma_start3A_1322 = tpu.memref_slice %arg7[%dma_start3A_1320, %dma_start3A_1321] : memref<64x80xi32, #tpu.memory_space<vmem>> -> memref<1x80xi32, #tpu.memory_space<vmem>>
      %dma_start3A_1323 = tpu.memref_squeeze %dma_start3A_1322 : memref<1x80xi32, #tpu.memory_space<vmem>> -> memref<80xi32, #tpu.memory_space<vmem>>
      %dma_start3A_1324 = arith.constant 0 : i32
      %dma_start3A_1325 = arith.constant 0 : i32
      %dma_start3A_1326 = tpu.memref_slice %arg2[%dma_start3A_1324, %dma_start3A_1325] : memref<10240x128xf32, #tpu.memory_space<hbm>> -> memref<10240x128xf32, #tpu.memory_space<hbm>>
      tpu.enqueue_indirect_dma source(%dma_start3A_1326 : memref<10240x128xf32, #tpu.memory_space<hbm>>) target(%arg10 : memref<80x128xf32, #tpu.memory_space<vmem>>) offsets(%dma_start3A_1323 : memref<80xi32, #tpu.memory_space<vmem>>) semaphore(%arg13 : memref<!tpu.dma_semaphore, #tpu.memory_space<semaphore_mem>>)
      %dma_wait3A_1327 = arith.constant 46 : i32
      %dma_wait3A_1328 = arith.constant 0 : i32
      %dma_wait3A_1329 = tpu.memref_slice %arg7[%dma_wait3A_1327, %dma_wait3A_1328] : memref<64x80xi32, #tpu.memory_space<vmem>> -> memref<1x80xi32, #tpu.memory_space<vmem>>
      %dma_wait3A_1330 = tpu.memref_squeeze %dma_wait3A_1329 : memref<1x80xi32, #tpu.memory_space<vmem>> -> memref<80xi32, #tpu.memory_space<vmem>>
      %dma_wait3A_1331 = arith.constant 0 : i32
      %dma_wait3A_1332 = arith.constant 0 : i32
      %dma_wait3A_1333 = tpu.memref_slice %arg2[%dma_wait3A_1331, %dma_wait3A_1332] : memref<10240x128xf32, #tpu.memory_space<hbm>> -> memref<10240x128xf32, #tpu.memory_space<hbm>>
      tpu.wait_indirect_dma semaphore(%arg12 : memref<!tpu.dma_semaphore, #tpu.memory_space<semaphore_mem>>) src(%dma_wait3A_1333 : memref<10240x128xf32, #tpu.memory_space<hbm>>) dst(%arg9 : memref<80x128xf32, #tpu.memory_space<vmem>>)
      %dma_start3A_1334 = arith.constant 46 : i32
      %dma_start3A_1335 = arith.constant 0 : i32
      %dma_start3A_1336 = tpu.memref_slice %arg8[%dma_start3A_1334, %dma_start3A_1335] : memref<64x80xi32, #tpu.memory_space<vmem>> -> memref<1x80xi32, #tpu.memory_space<vmem>>
      %dma_start3A_1337 = tpu.memref_squeeze %dma_start3A_1336 : memref<1x80xi32, #tpu.memory_space<vmem>> -> memref<80xi32, #tpu.memory_space<vmem>>
      %dma_start3A_1338 = arith.constant 0 : i32
      %dma_start3A_1339 = arith.constant 0 : i32
      %dma_start3A_1340 = tpu.memref_slice %arg11[%dma_start3A_1338, %dma_start3A_1339] : memref<10240x128xf32, #tpu.memory_space<vmem_shared>> -> memref<10240x128xf32, #tpu.memory_space<vmem_shared>>
      tpu.enqueue_indirect_dma source(%arg9 : memref<80x128xf32, #tpu.memory_space<vmem>>) target(%dma_start3A_1340 : memref<10240x128xf32, #tpu.memory_space<vmem_shared>>) offsets(%dma_start3A_1337 : memref<80xi32, #tpu.memory_space<vmem>>) semaphore(%arg14 : memref<!tpu.dma_semaphore, #tpu.memory_space<semaphore_mem>>) {add = true}
      %dma_wait3A_1341 = arith.constant 46 : i32
      %dma_wait3A_1342 = arith.constant 0 : i32
      %dma_wait3A_1343 = tpu.memref_slice %arg8[%dma_wait3A_1341, %dma_wait3A_1342] : memref<64x80xi32, #tpu.memory_space<vmem>> -> memref<1x80xi32, #tpu.memory_space<vmem>>
      %dma_wait3A_1344 = tpu.memref_squeeze %dma_wait3A_1343 : memref<1x80xi32, #tpu.memory_space<vmem>> -> memref<80xi32, #tpu.memory_space<vmem>>
      %dma_wait3A_1345 = arith.constant 0 : i32
      %dma_wait3A_1346 = arith.constant 0 : i32
      %dma_wait3A_1347 = tpu.memref_slice %arg11[%dma_wait3A_1345, %dma_wait3A_1346] : memref<10240x128xf32, #tpu.memory_space<vmem_shared>> -> memref<10240x128xf32, #tpu.memory_space<vmem_shared>>
      tpu.wait_indirect_dma semaphore(%arg14 : memref<!tpu.dma_semaphore, #tpu.memory_space<semaphore_mem>>) src(%arg9 : memref<80x128xf32, #tpu.memory_space<vmem>>) dst(%dma_wait3A_1347 : memref<10240x128xf32, #tpu.memory_space<vmem_shared>>)
      %dma_start3A_1348 = arith.constant 48 : i32
      %dma_start3A_1349 = arith.constant 0 : i32
      %dma_start3A_1350 = tpu.memref_slice %arg7[%dma_start3A_1348, %dma_start3A_1349] : memref<64x80xi32, #tpu.memory_space<vmem>> -> memref<1x80xi32, #tpu.memory_space<vmem>>
      %dma_start3A_1351 = tpu.memref_squeeze %dma_start3A_1350 : memref<1x80xi32, #tpu.memory_space<vmem>> -> memref<80xi32, #tpu.memory_space<vmem>>
      %dma_start3A_1352 = arith.constant 0 : i32
      %dma_start3A_1353 = arith.constant 0 : i32
      %dma_start3A_1354 = tpu.memref_slice %arg2[%dma_start3A_1352, %dma_start3A_1353] : memref<10240x128xf32, #tpu.memory_space<hbm>> -> memref<10240x128xf32, #tpu.memory_space<hbm>>
      tpu.enqueue_indirect_dma source(%dma_start3A_1354 : memref<10240x128xf32, #tpu.memory_space<hbm>>) target(%arg9 : memref<80x128xf32, #tpu.memory_space<vmem>>) offsets(%dma_start3A_1351 : memref<80xi32, #tpu.memory_space<vmem>>) semaphore(%arg12 : memref<!tpu.dma_semaphore, #tpu.memory_space<semaphore_mem>>)
      %dma_wait3A_1355 = arith.constant 47 : i32
      %dma_wait3A_1356 = arith.constant 0 : i32
      %dma_wait3A_1357 = tpu.memref_slice %arg7[%dma_wait3A_1355, %dma_wait3A_1356] : memref<64x80xi32, #tpu.memory_space<vmem>> -> memref<1x80xi32, #tpu.memory_space<vmem>>
      %dma_wait3A_1358 = tpu.memref_squeeze %dma_wait3A_1357 : memref<1x80xi32, #tpu.memory_space<vmem>> -> memref<80xi32, #tpu.memory_space<vmem>>
      %dma_wait3A_1359 = arith.constant 0 : i32
      %dma_wait3A_1360 = arith.constant 0 : i32
      %dma_wait3A_1361 = tpu.memref_slice %arg2[%dma_wait3A_1359, %dma_wait3A_1360] : memref<10240x128xf32, #tpu.memory_space<hbm>> -> memref<10240x128xf32, #tpu.memory_space<hbm>>
      tpu.wait_indirect_dma semaphore(%arg13 : memref<!tpu.dma_semaphore, #tpu.memory_space<semaphore_mem>>) src(%dma_wait3A_1361 : memref<10240x128xf32, #tpu.memory_space<hbm>>) dst(%arg10 : memref<80x128xf32, #tpu.memory_space<vmem>>)
      %dma_start3A_1362 = arith.constant 47 : i32
      %dma_start3A_1363 = arith.constant 0 : i32
      %dma_start3A_1364 = tpu.memref_slice %arg8[%dma_start3A_1362, %dma_start3A_1363] : memref<64x80xi32, #tpu.memory_space<vmem>> -> memref<1x80xi32, #tpu.memory_space<vmem>>
      %dma_start3A_1365 = tpu.memref_squeeze %dma_start3A_1364 : memref<1x80xi32, #tpu.memory_space<vmem>> -> memref<80xi32, #tpu.memory_space<vmem>>
      %dma_start3A_1366 = arith.constant 0 : i32
      %dma_start3A_1367 = arith.constant 0 : i32
      %dma_start3A_1368 = tpu.memref_slice %arg11[%dma_start3A_1366, %dma_start3A_1367] : memref<10240x128xf32, #tpu.memory_space<vmem_shared>> -> memref<10240x128xf32, #tpu.memory_space<vmem_shared>>
      tpu.enqueue_indirect_dma source(%arg10 : memref<80x128xf32, #tpu.memory_space<vmem>>) target(%dma_start3A_1368 : memref<10240x128xf32, #tpu.memory_space<vmem_shared>>) offsets(%dma_start3A_1365 : memref<80xi32, #tpu.memory_space<vmem>>) semaphore(%arg15 : memref<!tpu.dma_semaphore, #tpu.memory_space<semaphore_mem>>) {add = true}
      %dma_wait3A_1369 = arith.constant 47 : i32
      %dma_wait3A_1370 = arith.constant 0 : i32
      %dma_wait3A_1371 = tpu.memref_slice %arg8[%dma_wait3A_1369, %dma_wait3A_1370] : memref<64x80xi32, #tpu.memory_space<vmem>> -> memref<1x80xi32, #tpu.memory_space<vmem>>
      %dma_wait3A_1372 = tpu.memref_squeeze %dma_wait3A_1371 : memref<1x80xi32, #tpu.memory_space<vmem>> -> memref<80xi32, #tpu.memory_space<vmem>>
      %dma_wait3A_1373 = arith.constant 0 : i32
      %dma_wait3A_1374 = arith.constant 0 : i32
      %dma_wait3A_1375 = tpu.memref_slice %arg11[%dma_wait3A_1373, %dma_wait3A_1374] : memref<10240x128xf32, #tpu.memory_space<vmem_shared>> -> memref<10240x128xf32, #tpu.memory_space<vmem_shared>>
      tpu.wait_indirect_dma semaphore(%arg15 : memref<!tpu.dma_semaphore, #tpu.memory_space<semaphore_mem>>) src(%arg10 : memref<80x128xf32, #tpu.memory_space<vmem>>) dst(%dma_wait3A_1375 : memref<10240x128xf32, #tpu.memory_space<vmem_shared>>)
      %dma_start3A_1376 = arith.constant 49 : i32
      %dma_start3A_1377 = arith.constant 0 : i32
      %dma_start3A_1378 = tpu.memref_slice %arg7[%dma_start3A_1376, %dma_start3A_1377] : memref<64x80xi32, #tpu.memory_space<vmem>> -> memref<1x80xi32, #tpu.memory_space<vmem>>
      %dma_start3A_1379 = tpu.memref_squeeze %dma_start3A_1378 : memref<1x80xi32, #tpu.memory_space<vmem>> -> memref<80xi32, #tpu.memory_space<vmem>>
      %dma_start3A_1380 = arith.constant 0 : i32
      %dma_start3A_1381 = arith.constant 0 : i32
      %dma_start3A_1382 = tpu.memref_slice %arg2[%dma_start3A_1380, %dma_start3A_1381] : memref<10240x128xf32, #tpu.memory_space<hbm>> -> memref<10240x128xf32, #tpu.memory_space<hbm>>
      tpu.enqueue_indirect_dma source(%dma_start3A_1382 : memref<10240x128xf32, #tpu.memory_space<hbm>>) target(%arg10 : memref<80x128xf32, #tpu.memory_space<vmem>>) offsets(%dma_start3A_1379 : memref<80xi32, #tpu.memory_space<vmem>>) semaphore(%arg13 : memref<!tpu.dma_semaphore, #tpu.memory_space<semaphore_mem>>)
      %dma_wait3A_1383 = arith.constant 48 : i32
      %dma_wait3A_1384 = arith.constant 0 : i32
      %dma_wait3A_1385 = tpu.memref_slice %arg7[%dma_wait3A_1383, %dma_wait3A_1384] : memref<64x80xi32, #tpu.memory_space<vmem>> -> memref<1x80xi32, #tpu.memory_space<vmem>>
      %dma_wait3A_1386 = tpu.memref_squeeze %dma_wait3A_1385 : memref<1x80xi32, #tpu.memory_space<vmem>> -> memref<80xi32, #tpu.memory_space<vmem>>
      %dma_wait3A_1387 = arith.constant 0 : i32
      %dma_wait3A_1388 = arith.constant 0 : i32
      %dma_wait3A_1389 = tpu.memref_slice %arg2[%dma_wait3A_1387, %dma_wait3A_1388] : memref<10240x128xf32, #tpu.memory_space<hbm>> -> memref<10240x128xf32, #tpu.memory_space<hbm>>
      tpu.wait_indirect_dma semaphore(%arg12 : memref<!tpu.dma_semaphore, #tpu.memory_space<semaphore_mem>>) src(%dma_wait3A_1389 : memref<10240x128xf32, #tpu.memory_space<hbm>>) dst(%arg9 : memref<80x128xf32, #tpu.memory_space<vmem>>)
      %dma_start3A_1390 = arith.constant 48 : i32
      %dma_start3A_1391 = arith.constant 0 : i32
      %dma_start3A_1392 = tpu.memref_slice %arg8[%dma_start3A_1390, %dma_start3A_1391] : memref<64x80xi32, #tpu.memory_space<vmem>> -> memref<1x80xi32, #tpu.memory_space<vmem>>
      %dma_start3A_1393 = tpu.memref_squeeze %dma_start3A_1392 : memref<1x80xi32, #tpu.memory_space<vmem>> -> memref<80xi32, #tpu.memory_space<vmem>>
      %dma_start3A_1394 = arith.constant 0 : i32
      %dma_start3A_1395 = arith.constant 0 : i32
      %dma_start3A_1396 = tpu.memref_slice %arg11[%dma_start3A_1394, %dma_start3A_1395] : memref<10240x128xf32, #tpu.memory_space<vmem_shared>> -> memref<10240x128xf32, #tpu.memory_space<vmem_shared>>
      tpu.enqueue_indirect_dma source(%arg9 : memref<80x128xf32, #tpu.memory_space<vmem>>) target(%dma_start3A_1396 : memref<10240x128xf32, #tpu.memory_space<vmem_shared>>) offsets(%dma_start3A_1393 : memref<80xi32, #tpu.memory_space<vmem>>) semaphore(%arg14 : memref<!tpu.dma_semaphore, #tpu.memory_space<semaphore_mem>>) {add = true}
      %dma_wait3A_1397 = arith.constant 48 : i32
      %dma_wait3A_1398 = arith.constant 0 : i32
      %dma_wait3A_1399 = tpu.memref_slice %arg8[%dma_wait3A_1397, %dma_wait3A_1398] : memref<64x80xi32, #tpu.memory_space<vmem>> -> memref<1x80xi32, #tpu.memory_space<vmem>>
      %dma_wait3A_1400 = tpu.memref_squeeze %dma_wait3A_1399 : memref<1x80xi32, #tpu.memory_space<vmem>> -> memref<80xi32, #tpu.memory_space<vmem>>
      %dma_wait3A_1401 = arith.constant 0 : i32
      %dma_wait3A_1402 = arith.constant 0 : i32
      %dma_wait3A_1403 = tpu.memref_slice %arg11[%dma_wait3A_1401, %dma_wait3A_1402] : memref<10240x128xf32, #tpu.memory_space<vmem_shared>> -> memref<10240x128xf32, #tpu.memory_space<vmem_shared>>
      tpu.wait_indirect_dma semaphore(%arg14 : memref<!tpu.dma_semaphore, #tpu.memory_space<semaphore_mem>>) src(%arg9 : memref<80x128xf32, #tpu.memory_space<vmem>>) dst(%dma_wait3A_1403 : memref<10240x128xf32, #tpu.memory_space<vmem_shared>>)
      %dma_start3A_1404 = arith.constant 50 : i32
      %dma_start3A_1405 = arith.constant 0 : i32
      %dma_start3A_1406 = tpu.memref_slice %arg7[%dma_start3A_1404, %dma_start3A_1405] : memref<64x80xi32, #tpu.memory_space<vmem>> -> memref<1x80xi32, #tpu.memory_space<vmem>>
      %dma_start3A_1407 = tpu.memref_squeeze %dma_start3A_1406 : memref<1x80xi32, #tpu.memory_space<vmem>> -> memref<80xi32, #tpu.memory_space<vmem>>
      %dma_start3A_1408 = arith.constant 0 : i32
      %dma_start3A_1409 = arith.constant 0 : i32
      %dma_start3A_1410 = tpu.memref_slice %arg2[%dma_start3A_1408, %dma_start3A_1409] : memref<10240x128xf32, #tpu.memory_space<hbm>> -> memref<10240x128xf32, #tpu.memory_space<hbm>>
      tpu.enqueue_indirect_dma source(%dma_start3A_1410 : memref<10240x128xf32, #tpu.memory_space<hbm>>) target(%arg9 : memref<80x128xf32, #tpu.memory_space<vmem>>) offsets(%dma_start3A_1407 : memref<80xi32, #tpu.memory_space<vmem>>) semaphore(%arg12 : memref<!tpu.dma_semaphore, #tpu.memory_space<semaphore_mem>>)
      %dma_wait3A_1411 = arith.constant 49 : i32
      %dma_wait3A_1412 = arith.constant 0 : i32
      %dma_wait3A_1413 = tpu.memref_slice %arg7[%dma_wait3A_1411, %dma_wait3A_1412] : memref<64x80xi32, #tpu.memory_space<vmem>> -> memref<1x80xi32, #tpu.memory_space<vmem>>
      %dma_wait3A_1414 = tpu.memref_squeeze %dma_wait3A_1413 : memref<1x80xi32, #tpu.memory_space<vmem>> -> memref<80xi32, #tpu.memory_space<vmem>>
      %dma_wait3A_1415 = arith.constant 0 : i32
      %dma_wait3A_1416 = arith.constant 0 : i32
      %dma_wait3A_1417 = tpu.memref_slice %arg2[%dma_wait3A_1415, %dma_wait3A_1416] : memref<10240x128xf32, #tpu.memory_space<hbm>> -> memref<10240x128xf32, #tpu.memory_space<hbm>>
      tpu.wait_indirect_dma semaphore(%arg13 : memref<!tpu.dma_semaphore, #tpu.memory_space<semaphore_mem>>) src(%dma_wait3A_1417 : memref<10240x128xf32, #tpu.memory_space<hbm>>) dst(%arg10 : memref<80x128xf32, #tpu.memory_space<vmem>>)
      %dma_start3A_1418 = arith.constant 49 : i32
      %dma_start3A_1419 = arith.constant 0 : i32
      %dma_start3A_1420 = tpu.memref_slice %arg8[%dma_start3A_1418, %dma_start3A_1419] : memref<64x80xi32, #tpu.memory_space<vmem>> -> memref<1x80xi32, #tpu.memory_space<vmem>>
      %dma_start3A_1421 = tpu.memref_squeeze %dma_start3A_1420 : memref<1x80xi32, #tpu.memory_space<vmem>> -> memref<80xi32, #tpu.memory_space<vmem>>
      %dma_start3A_1422 = arith.constant 0 : i32
      %dma_start3A_1423 = arith.constant 0 : i32
      %dma_start3A_1424 = tpu.memref_slice %arg11[%dma_start3A_1422, %dma_start3A_1423] : memref<10240x128xf32, #tpu.memory_space<vmem_shared>> -> memref<10240x128xf32, #tpu.memory_space<vmem_shared>>
      tpu.enqueue_indirect_dma source(%arg10 : memref<80x128xf32, #tpu.memory_space<vmem>>) target(%dma_start3A_1424 : memref<10240x128xf32, #tpu.memory_space<vmem_shared>>) offsets(%dma_start3A_1421 : memref<80xi32, #tpu.memory_space<vmem>>) semaphore(%arg15 : memref<!tpu.dma_semaphore, #tpu.memory_space<semaphore_mem>>) {add = true}
      %dma_wait3A_1425 = arith.constant 49 : i32
      %dma_wait3A_1426 = arith.constant 0 : i32
      %dma_wait3A_1427 = tpu.memref_slice %arg8[%dma_wait3A_1425, %dma_wait3A_1426] : memref<64x80xi32, #tpu.memory_space<vmem>> -> memref<1x80xi32, #tpu.memory_space<vmem>>
      %dma_wait3A_1428 = tpu.memref_squeeze %dma_wait3A_1427 : memref<1x80xi32, #tpu.memory_space<vmem>> -> memref<80xi32, #tpu.memory_space<vmem>>
      %dma_wait3A_1429 = arith.constant 0 : i32
      %dma_wait3A_1430 = arith.constant 0 : i32
      %dma_wait3A_1431 = tpu.memref_slice %arg11[%dma_wait3A_1429, %dma_wait3A_1430] : memref<10240x128xf32, #tpu.memory_space<vmem_shared>> -> memref<10240x128xf32, #tpu.memory_space<vmem_shared>>
      tpu.wait_indirect_dma semaphore(%arg15 : memref<!tpu.dma_semaphore, #tpu.memory_space<semaphore_mem>>) src(%arg10 : memref<80x128xf32, #tpu.memory_space<vmem>>) dst(%dma_wait3A_1431 : memref<10240x128xf32, #tpu.memory_space<vmem_shared>>)
      %dma_start3A_1432 = arith.constant 51 : i32
      %dma_start3A_1433 = arith.constant 0 : i32
      %dma_start3A_1434 = tpu.memref_slice %arg7[%dma_start3A_1432, %dma_start3A_1433] : memref<64x80xi32, #tpu.memory_space<vmem>> -> memref<1x80xi32, #tpu.memory_space<vmem>>
      %dma_start3A_1435 = tpu.memref_squeeze %dma_start3A_1434 : memref<1x80xi32, #tpu.memory_space<vmem>> -> memref<80xi32, #tpu.memory_space<vmem>>
      %dma_start3A_1436 = arith.constant 0 : i32
      %dma_start3A_1437 = arith.constant 0 : i32
      %dma_start3A_1438 = tpu.memref_slice %arg2[%dma_start3A_1436, %dma_start3A_1437] : memref<10240x128xf32, #tpu.memory_space<hbm>> -> memref<10240x128xf32, #tpu.memory_space<hbm>>
      tpu.enqueue_indirect_dma source(%dma_start3A_1438 : memref<10240x128xf32, #tpu.memory_space<hbm>>) target(%arg10 : memref<80x128xf32, #tpu.memory_space<vmem>>) offsets(%dma_start3A_1435 : memref<80xi32, #tpu.memory_space<vmem>>) semaphore(%arg13 : memref<!tpu.dma_semaphore, #tpu.memory_space<semaphore_mem>>)
      %dma_wait3A_1439 = arith.constant 50 : i32
      %dma_wait3A_1440 = arith.constant 0 : i32
      %dma_wait3A_1441 = tpu.memref_slice %arg7[%dma_wait3A_1439, %dma_wait3A_1440] : memref<64x80xi32, #tpu.memory_space<vmem>> -> memref<1x80xi32, #tpu.memory_space<vmem>>
      %dma_wait3A_1442 = tpu.memref_squeeze %dma_wait3A_1441 : memref<1x80xi32, #tpu.memory_space<vmem>> -> memref<80xi32, #tpu.memory_space<vmem>>
      %dma_wait3A_1443 = arith.constant 0 : i32
      %dma_wait3A_1444 = arith.constant 0 : i32
      %dma_wait3A_1445 = tpu.memref_slice %arg2[%dma_wait3A_1443, %dma_wait3A_1444] : memref<10240x128xf32, #tpu.memory_space<hbm>> -> memref<10240x128xf32, #tpu.memory_space<hbm>>
      tpu.wait_indirect_dma semaphore(%arg12 : memref<!tpu.dma_semaphore, #tpu.memory_space<semaphore_mem>>) src(%dma_wait3A_1445 : memref<10240x128xf32, #tpu.memory_space<hbm>>) dst(%arg9 : memref<80x128xf32, #tpu.memory_space<vmem>>)
      %dma_start3A_1446 = arith.constant 50 : i32
      %dma_start3A_1447 = arith.constant 0 : i32
      %dma_start3A_1448 = tpu.memref_slice %arg8[%dma_start3A_1446, %dma_start3A_1447] : memref<64x80xi32, #tpu.memory_space<vmem>> -> memref<1x80xi32, #tpu.memory_space<vmem>>
      %dma_start3A_1449 = tpu.memref_squeeze %dma_start3A_1448 : memref<1x80xi32, #tpu.memory_space<vmem>> -> memref<80xi32, #tpu.memory_space<vmem>>
      %dma_start3A_1450 = arith.constant 0 : i32
      %dma_start3A_1451 = arith.constant 0 : i32
      %dma_start3A_1452 = tpu.memref_slice %arg11[%dma_start3A_1450, %dma_start3A_1451] : memref<10240x128xf32, #tpu.memory_space<vmem_shared>> -> memref<10240x128xf32, #tpu.memory_space<vmem_shared>>
      tpu.enqueue_indirect_dma source(%arg9 : memref<80x128xf32, #tpu.memory_space<vmem>>) target(%dma_start3A_1452 : memref<10240x128xf32, #tpu.memory_space<vmem_shared>>) offsets(%dma_start3A_1449 : memref<80xi32, #tpu.memory_space<vmem>>) semaphore(%arg14 : memref<!tpu.dma_semaphore, #tpu.memory_space<semaphore_mem>>) {add = true}
      %dma_wait3A_1453 = arith.constant 50 : i32
      %dma_wait3A_1454 = arith.constant 0 : i32
      %dma_wait3A_1455 = tpu.memref_slice %arg8[%dma_wait3A_1453, %dma_wait3A_1454] : memref<64x80xi32, #tpu.memory_space<vmem>> -> memref<1x80xi32, #tpu.memory_space<vmem>>
      %dma_wait3A_1456 = tpu.memref_squeeze %dma_wait3A_1455 : memref<1x80xi32, #tpu.memory_space<vmem>> -> memref<80xi32, #tpu.memory_space<vmem>>
      %dma_wait3A_1457 = arith.constant 0 : i32
      %dma_wait3A_1458 = arith.constant 0 : i32
      %dma_wait3A_1459 = tpu.memref_slice %arg11[%dma_wait3A_1457, %dma_wait3A_1458] : memref<10240x128xf32, #tpu.memory_space<vmem_shared>> -> memref<10240x128xf32, #tpu.memory_space<vmem_shared>>
      tpu.wait_indirect_dma semaphore(%arg14 : memref<!tpu.dma_semaphore, #tpu.memory_space<semaphore_mem>>) src(%arg9 : memref<80x128xf32, #tpu.memory_space<vmem>>) dst(%dma_wait3A_1459 : memref<10240x128xf32, #tpu.memory_space<vmem_shared>>)
      %dma_start3A_1460 = arith.constant 52 : i32
      %dma_start3A_1461 = arith.constant 0 : i32
      %dma_start3A_1462 = tpu.memref_slice %arg7[%dma_start3A_1460, %dma_start3A_1461] : memref<64x80xi32, #tpu.memory_space<vmem>> -> memref<1x80xi32, #tpu.memory_space<vmem>>
      %dma_start3A_1463 = tpu.memref_squeeze %dma_start3A_1462 : memref<1x80xi32, #tpu.memory_space<vmem>> -> memref<80xi32, #tpu.memory_space<vmem>>
      %dma_start3A_1464 = arith.constant 0 : i32
      %dma_start3A_1465 = arith.constant 0 : i32
      %dma_start3A_1466 = tpu.memref_slice %arg2[%dma_start3A_1464, %dma_start3A_1465] : memref<10240x128xf32, #tpu.memory_space<hbm>> -> memref<10240x128xf32, #tpu.memory_space<hbm>>
      tpu.enqueue_indirect_dma source(%dma_start3A_1466 : memref<10240x128xf32, #tpu.memory_space<hbm>>) target(%arg9 : memref<80x128xf32, #tpu.memory_space<vmem>>) offsets(%dma_start3A_1463 : memref<80xi32, #tpu.memory_space<vmem>>) semaphore(%arg12 : memref<!tpu.dma_semaphore, #tpu.memory_space<semaphore_mem>>)
      %dma_wait3A_1467 = arith.constant 51 : i32
      %dma_wait3A_1468 = arith.constant 0 : i32
      %dma_wait3A_1469 = tpu.memref_slice %arg7[%dma_wait3A_1467, %dma_wait3A_1468] : memref<64x80xi32, #tpu.memory_space<vmem>> -> memref<1x80xi32, #tpu.memory_space<vmem>>
      %dma_wait3A_1470 = tpu.memref_squeeze %dma_wait3A_1469 : memref<1x80xi32, #tpu.memory_space<vmem>> -> memref<80xi32, #tpu.memory_space<vmem>>
      %dma_wait3A_1471 = arith.constant 0 : i32
      %dma_wait3A_1472 = arith.constant 0 : i32
      %dma_wait3A_1473 = tpu.memref_slice %arg2[%dma_wait3A_1471, %dma_wait3A_1472] : memref<10240x128xf32, #tpu.memory_space<hbm>> -> memref<10240x128xf32, #tpu.memory_space<hbm>>
      tpu.wait_indirect_dma semaphore(%arg13 : memref<!tpu.dma_semaphore, #tpu.memory_space<semaphore_mem>>) src(%dma_wait3A_1473 : memref<10240x128xf32, #tpu.memory_space<hbm>>) dst(%arg10 : memref<80x128xf32, #tpu.memory_space<vmem>>)
      %dma_start3A_1474 = arith.constant 51 : i32
      %dma_start3A_1475 = arith.constant 0 : i32
      %dma_start3A_1476 = tpu.memref_slice %arg8[%dma_start3A_1474, %dma_start3A_1475] : memref<64x80xi32, #tpu.memory_space<vmem>> -> memref<1x80xi32, #tpu.memory_space<vmem>>
      %dma_start3A_1477 = tpu.memref_squeeze %dma_start3A_1476 : memref<1x80xi32, #tpu.memory_space<vmem>> -> memref<80xi32, #tpu.memory_space<vmem>>
      %dma_start3A_1478 = arith.constant 0 : i32
      %dma_start3A_1479 = arith.constant 0 : i32
      %dma_start3A_1480 = tpu.memref_slice %arg11[%dma_start3A_1478, %dma_start3A_1479] : memref<10240x128xf32, #tpu.memory_space<vmem_shared>> -> memref<10240x128xf32, #tpu.memory_space<vmem_shared>>
      tpu.enqueue_indirect_dma source(%arg10 : memref<80x128xf32, #tpu.memory_space<vmem>>) target(%dma_start3A_1480 : memref<10240x128xf32, #tpu.memory_space<vmem_shared>>) offsets(%dma_start3A_1477 : memref<80xi32, #tpu.memory_space<vmem>>) semaphore(%arg15 : memref<!tpu.dma_semaphore, #tpu.memory_space<semaphore_mem>>) {add = true}
      %dma_wait3A_1481 = arith.constant 51 : i32
      %dma_wait3A_1482 = arith.constant 0 : i32
      %dma_wait3A_1483 = tpu.memref_slice %arg8[%dma_wait3A_1481, %dma_wait3A_1482] : memref<64x80xi32, #tpu.memory_space<vmem>> -> memref<1x80xi32, #tpu.memory_space<vmem>>
      %dma_wait3A_1484 = tpu.memref_squeeze %dma_wait3A_1483 : memref<1x80xi32, #tpu.memory_space<vmem>> -> memref<80xi32, #tpu.memory_space<vmem>>
      %dma_wait3A_1485 = arith.constant 0 : i32
      %dma_wait3A_1486 = arith.constant 0 : i32
      %dma_wait3A_1487 = tpu.memref_slice %arg11[%dma_wait3A_1485, %dma_wait3A_1486] : memref<10240x128xf32, #tpu.memory_space<vmem_shared>> -> memref<10240x128xf32, #tpu.memory_space<vmem_shared>>
      tpu.wait_indirect_dma semaphore(%arg15 : memref<!tpu.dma_semaphore, #tpu.memory_space<semaphore_mem>>) src(%arg10 : memref<80x128xf32, #tpu.memory_space<vmem>>) dst(%dma_wait3A_1487 : memref<10240x128xf32, #tpu.memory_space<vmem_shared>>)
      %dma_start3A_1488 = arith.constant 53 : i32
      %dma_start3A_1489 = arith.constant 0 : i32
      %dma_start3A_1490 = tpu.memref_slice %arg7[%dma_start3A_1488, %dma_start3A_1489] : memref<64x80xi32, #tpu.memory_space<vmem>> -> memref<1x80xi32, #tpu.memory_space<vmem>>
      %dma_start3A_1491 = tpu.memref_squeeze %dma_start3A_1490 : memref<1x80xi32, #tpu.memory_space<vmem>> -> memref<80xi32, #tpu.memory_space<vmem>>
      %dma_start3A_1492 = arith.constant 0 : i32
      %dma_start3A_1493 = arith.constant 0 : i32
      %dma_start3A_1494 = tpu.memref_slice %arg2[%dma_start3A_1492, %dma_start3A_1493] : memref<10240x128xf32, #tpu.memory_space<hbm>> -> memref<10240x128xf32, #tpu.memory_space<hbm>>
      tpu.enqueue_indirect_dma source(%dma_start3A_1494 : memref<10240x128xf32, #tpu.memory_space<hbm>>) target(%arg10 : memref<80x128xf32, #tpu.memory_space<vmem>>) offsets(%dma_start3A_1491 : memref<80xi32, #tpu.memory_space<vmem>>) semaphore(%arg13 : memref<!tpu.dma_semaphore, #tpu.memory_space<semaphore_mem>>)
      %dma_wait3A_1495 = arith.constant 52 : i32
      %dma_wait3A_1496 = arith.constant 0 : i32
      %dma_wait3A_1497 = tpu.memref_slice %arg7[%dma_wait3A_1495, %dma_wait3A_1496] : memref<64x80xi32, #tpu.memory_space<vmem>> -> memref<1x80xi32, #tpu.memory_space<vmem>>
      %dma_wait3A_1498 = tpu.memref_squeeze %dma_wait3A_1497 : memref<1x80xi32, #tpu.memory_space<vmem>> -> memref<80xi32, #tpu.memory_space<vmem>>
      %dma_wait3A_1499 = arith.constant 0 : i32
      %dma_wait3A_1500 = arith.constant 0 : i32
      %dma_wait3A_1501 = tpu.memref_slice %arg2[%dma_wait3A_1499, %dma_wait3A_1500] : memref<10240x128xf32, #tpu.memory_space<hbm>> -> memref<10240x128xf32, #tpu.memory_space<hbm>>
      tpu.wait_indirect_dma semaphore(%arg12 : memref<!tpu.dma_semaphore, #tpu.memory_space<semaphore_mem>>) src(%dma_wait3A_1501 : memref<10240x128xf32, #tpu.memory_space<hbm>>) dst(%arg9 : memref<80x128xf32, #tpu.memory_space<vmem>>)
      %dma_start3A_1502 = arith.constant 52 : i32
      %dma_start3A_1503 = arith.constant 0 : i32
      %dma_start3A_1504 = tpu.memref_slice %arg8[%dma_start3A_1502, %dma_start3A_1503] : memref<64x80xi32, #tpu.memory_space<vmem>> -> memref<1x80xi32, #tpu.memory_space<vmem>>
      %dma_start3A_1505 = tpu.memref_squeeze %dma_start3A_1504 : memref<1x80xi32, #tpu.memory_space<vmem>> -> memref<80xi32, #tpu.memory_space<vmem>>
      %dma_start3A_1506 = arith.constant 0 : i32
      %dma_start3A_1507 = arith.constant 0 : i32
      %dma_start3A_1508 = tpu.memref_slice %arg11[%dma_start3A_1506, %dma_start3A_1507] : memref<10240x128xf32, #tpu.memory_space<vmem_shared>> -> memref<10240x128xf32, #tpu.memory_space<vmem_shared>>
      tpu.enqueue_indirect_dma source(%arg9 : memref<80x128xf32, #tpu.memory_space<vmem>>) target(%dma_start3A_1508 : memref<10240x128xf32, #tpu.memory_space<vmem_shared>>) offsets(%dma_start3A_1505 : memref<80xi32, #tpu.memory_space<vmem>>) semaphore(%arg14 : memref<!tpu.dma_semaphore, #tpu.memory_space<semaphore_mem>>) {add = true}
      %dma_wait3A_1509 = arith.constant 52 : i32
      %dma_wait3A_1510 = arith.constant 0 : i32
      %dma_wait3A_1511 = tpu.memref_slice %arg8[%dma_wait3A_1509, %dma_wait3A_1510] : memref<64x80xi32, #tpu.memory_space<vmem>> -> memref<1x80xi32, #tpu.memory_space<vmem>>
      %dma_wait3A_1512 = tpu.memref_squeeze %dma_wait3A_1511 : memref<1x80xi32, #tpu.memory_space<vmem>> -> memref<80xi32, #tpu.memory_space<vmem>>
      %dma_wait3A_1513 = arith.constant 0 : i32
      %dma_wait3A_1514 = arith.constant 0 : i32
      %dma_wait3A_1515 = tpu.memref_slice %arg11[%dma_wait3A_1513, %dma_wait3A_1514] : memref<10240x128xf32, #tpu.memory_space<vmem_shared>> -> memref<10240x128xf32, #tpu.memory_space<vmem_shared>>
      tpu.wait_indirect_dma semaphore(%arg14 : memref<!tpu.dma_semaphore, #tpu.memory_space<semaphore_mem>>) src(%arg9 : memref<80x128xf32, #tpu.memory_space<vmem>>) dst(%dma_wait3A_1515 : memref<10240x128xf32, #tpu.memory_space<vmem_shared>>)
      %dma_start3A_1516 = arith.constant 54 : i32
      %dma_start3A_1517 = arith.constant 0 : i32
      %dma_start3A_1518 = tpu.memref_slice %arg7[%dma_start3A_1516, %dma_start3A_1517] : memref<64x80xi32, #tpu.memory_space<vmem>> -> memref<1x80xi32, #tpu.memory_space<vmem>>
      %dma_start3A_1519 = tpu.memref_squeeze %dma_start3A_1518 : memref<1x80xi32, #tpu.memory_space<vmem>> -> memref<80xi32, #tpu.memory_space<vmem>>
      %dma_start3A_1520 = arith.constant 0 : i32
      %dma_start3A_1521 = arith.constant 0 : i32
      %dma_start3A_1522 = tpu.memref_slice %arg2[%dma_start3A_1520, %dma_start3A_1521] : memref<10240x128xf32, #tpu.memory_space<hbm>> -> memref<10240x128xf32, #tpu.memory_space<hbm>>
      tpu.enqueue_indirect_dma source(%dma_start3A_1522 : memref<10240x128xf32, #tpu.memory_space<hbm>>) target(%arg9 : memref<80x128xf32, #tpu.memory_space<vmem>>) offsets(%dma_start3A_1519 : memref<80xi32, #tpu.memory_space<vmem>>) semaphore(%arg12 : memref<!tpu.dma_semaphore, #tpu.memory_space<semaphore_mem>>)
      %dma_wait3A_1523 = arith.constant 53 : i32
      %dma_wait3A_1524 = arith.constant 0 : i32
      %dma_wait3A_1525 = tpu.memref_slice %arg7[%dma_wait3A_1523, %dma_wait3A_1524] : memref<64x80xi32, #tpu.memory_space<vmem>> -> memref<1x80xi32, #tpu.memory_space<vmem>>
      %dma_wait3A_1526 = tpu.memref_squeeze %dma_wait3A_1525 : memref<1x80xi32, #tpu.memory_space<vmem>> -> memref<80xi32, #tpu.memory_space<vmem>>
      %dma_wait3A_1527 = arith.constant 0 : i32
      %dma_wait3A_1528 = arith.constant 0 : i32
      %dma_wait3A_1529 = tpu.memref_slice %arg2[%dma_wait3A_1527, %dma_wait3A_1528] : memref<10240x128xf32, #tpu.memory_space<hbm>> -> memref<10240x128xf32, #tpu.memory_space<hbm>>
      tpu.wait_indirect_dma semaphore(%arg13 : memref<!tpu.dma_semaphore, #tpu.memory_space<semaphore_mem>>) src(%dma_wait3A_1529 : memref<10240x128xf32, #tpu.memory_space<hbm>>) dst(%arg10 : memref<80x128xf32, #tpu.memory_space<vmem>>)
      %dma_start3A_1530 = arith.constant 53 : i32
      %dma_start3A_1531 = arith.constant 0 : i32
      %dma_start3A_1532 = tpu.memref_slice %arg8[%dma_start3A_1530, %dma_start3A_1531] : memref<64x80xi32, #tpu.memory_space<vmem>> -> memref<1x80xi32, #tpu.memory_space<vmem>>
      %dma_start3A_1533 = tpu.memref_squeeze %dma_start3A_1532 : memref<1x80xi32, #tpu.memory_space<vmem>> -> memref<80xi32, #tpu.memory_space<vmem>>
      %dma_start3A_1534 = arith.constant 0 : i32
      %dma_start3A_1535 = arith.constant 0 : i32
      %dma_start3A_1536 = tpu.memref_slice %arg11[%dma_start3A_1534, %dma_start3A_1535] : memref<10240x128xf32, #tpu.memory_space<vmem_shared>> -> memref<10240x128xf32, #tpu.memory_space<vmem_shared>>
      tpu.enqueue_indirect_dma source(%arg10 : memref<80x128xf32, #tpu.memory_space<vmem>>) target(%dma_start3A_1536 : memref<10240x128xf32, #tpu.memory_space<vmem_shared>>) offsets(%dma_start3A_1533 : memref<80xi32, #tpu.memory_space<vmem>>) semaphore(%arg15 : memref<!tpu.dma_semaphore, #tpu.memory_space<semaphore_mem>>) {add = true}
      %dma_wait3A_1537 = arith.constant 53 : i32
      %dma_wait3A_1538 = arith.constant 0 : i32
      %dma_wait3A_1539 = tpu.memref_slice %arg8[%dma_wait3A_1537, %dma_wait3A_1538] : memref<64x80xi32, #tpu.memory_space<vmem>> -> memref<1x80xi32, #tpu.memory_space<vmem>>
      %dma_wait3A_1540 = tpu.memref_squeeze %dma_wait3A_1539 : memref<1x80xi32, #tpu.memory_space<vmem>> -> memref<80xi32, #tpu.memory_space<vmem>>
      %dma_wait3A_1541 = arith.constant 0 : i32
      %dma_wait3A_1542 = arith.constant 0 : i32
      %dma_wait3A_1543 = tpu.memref_slice %arg11[%dma_wait3A_1541, %dma_wait3A_1542] : memref<10240x128xf32, #tpu.memory_space<vmem_shared>> -> memref<10240x128xf32, #tpu.memory_space<vmem_shared>>
      tpu.wait_indirect_dma semaphore(%arg15 : memref<!tpu.dma_semaphore, #tpu.memory_space<semaphore_mem>>) src(%arg10 : memref<80x128xf32, #tpu.memory_space<vmem>>) dst(%dma_wait3A_1543 : memref<10240x128xf32, #tpu.memory_space<vmem_shared>>)
      %dma_start3A_1544 = arith.constant 55 : i32
      %dma_start3A_1545 = arith.constant 0 : i32
      %dma_start3A_1546 = tpu.memref_slice %arg7[%dma_start3A_1544, %dma_start3A_1545] : memref<64x80xi32, #tpu.memory_space<vmem>> -> memref<1x80xi32, #tpu.memory_space<vmem>>
      %dma_start3A_1547 = tpu.memref_squeeze %dma_start3A_1546 : memref<1x80xi32, #tpu.memory_space<vmem>> -> memref<80xi32, #tpu.memory_space<vmem>>
      %dma_start3A_1548 = arith.constant 0 : i32
      %dma_start3A_1549 = arith.constant 0 : i32
      %dma_start3A_1550 = tpu.memref_slice %arg2[%dma_start3A_1548, %dma_start3A_1549] : memref<10240x128xf32, #tpu.memory_space<hbm>> -> memref<10240x128xf32, #tpu.memory_space<hbm>>
      tpu.enqueue_indirect_dma source(%dma_start3A_1550 : memref<10240x128xf32, #tpu.memory_space<hbm>>) target(%arg10 : memref<80x128xf32, #tpu.memory_space<vmem>>) offsets(%dma_start3A_1547 : memref<80xi32, #tpu.memory_space<vmem>>) semaphore(%arg13 : memref<!tpu.dma_semaphore, #tpu.memory_space<semaphore_mem>>)
      %dma_wait3A_1551 = arith.constant 54 : i32
      %dma_wait3A_1552 = arith.constant 0 : i32
      %dma_wait3A_1553 = tpu.memref_slice %arg7[%dma_wait3A_1551, %dma_wait3A_1552] : memref<64x80xi32, #tpu.memory_space<vmem>> -> memref<1x80xi32, #tpu.memory_space<vmem>>
      %dma_wait3A_1554 = tpu.memref_squeeze %dma_wait3A_1553 : memref<1x80xi32, #tpu.memory_space<vmem>> -> memref<80xi32, #tpu.memory_space<vmem>>
      %dma_wait3A_1555 = arith.constant 0 : i32
      %dma_wait3A_1556 = arith.constant 0 : i32
      %dma_wait3A_1557 = tpu.memref_slice %arg2[%dma_wait3A_1555, %dma_wait3A_1556] : memref<10240x128xf32, #tpu.memory_space<hbm>> -> memref<10240x128xf32, #tpu.memory_space<hbm>>
      tpu.wait_indirect_dma semaphore(%arg12 : memref<!tpu.dma_semaphore, #tpu.memory_space<semaphore_mem>>) src(%dma_wait3A_1557 : memref<10240x128xf32, #tpu.memory_space<hbm>>) dst(%arg9 : memref<80x128xf32, #tpu.memory_space<vmem>>)
      %dma_start3A_1558 = arith.constant 54 : i32
      %dma_start3A_1559 = arith.constant 0 : i32
      %dma_start3A_1560 = tpu.memref_slice %arg8[%dma_start3A_1558, %dma_start3A_1559] : memref<64x80xi32, #tpu.memory_space<vmem>> -> memref<1x80xi32, #tpu.memory_space<vmem>>
      %dma_start3A_1561 = tpu.memref_squeeze %dma_start3A_1560 : memref<1x80xi32, #tpu.memory_space<vmem>> -> memref<80xi32, #tpu.memory_space<vmem>>
      %dma_start3A_1562 = arith.constant 0 : i32
      %dma_start3A_1563 = arith.constant 0 : i32
      %dma_start3A_1564 = tpu.memref_slice %arg11[%dma_start3A_1562, %dma_start3A_1563] : memref<10240x128xf32, #tpu.memory_space<vmem_shared>> -> memref<10240x128xf32, #tpu.memory_space<vmem_shared>>
      tpu.enqueue_indirect_dma source(%arg9 : memref<80x128xf32, #tpu.memory_space<vmem>>) target(%dma_start3A_1564 : memref<10240x128xf32, #tpu.memory_space<vmem_shared>>) offsets(%dma_start3A_1561 : memref<80xi32, #tpu.memory_space<vmem>>) semaphore(%arg14 : memref<!tpu.dma_semaphore, #tpu.memory_space<semaphore_mem>>) {add = true}
      %dma_wait3A_1565 = arith.constant 54 : i32
      %dma_wait3A_1566 = arith.constant 0 : i32
      %dma_wait3A_1567 = tpu.memref_slice %arg8[%dma_wait3A_1565, %dma_wait3A_1566] : memref<64x80xi32, #tpu.memory_space<vmem>> -> memref<1x80xi32, #tpu.memory_space<vmem>>
      %dma_wait3A_1568 = tpu.memref_squeeze %dma_wait3A_1567 : memref<1x80xi32, #tpu.memory_space<vmem>> -> memref<80xi32, #tpu.memory_space<vmem>>
      %dma_wait3A_1569 = arith.constant 0 : i32
      %dma_wait3A_1570 = arith.constant 0 : i32
      %dma_wait3A_1571 = tpu.memref_slice %arg11[%dma_wait3A_1569, %dma_wait3A_1570] : memref<10240x128xf32, #tpu.memory_space<vmem_shared>> -> memref<10240x128xf32, #tpu.memory_space<vmem_shared>>
      tpu.wait_indirect_dma semaphore(%arg14 : memref<!tpu.dma_semaphore, #tpu.memory_space<semaphore_mem>>) src(%arg9 : memref<80x128xf32, #tpu.memory_space<vmem>>) dst(%dma_wait3A_1571 : memref<10240x128xf32, #tpu.memory_space<vmem_shared>>)
      %dma_start3A_1572 = arith.constant 56 : i32
      %dma_start3A_1573 = arith.constant 0 : i32
      %dma_start3A_1574 = tpu.memref_slice %arg7[%dma_start3A_1572, %dma_start3A_1573] : memref<64x80xi32, #tpu.memory_space<vmem>> -> memref<1x80xi32, #tpu.memory_space<vmem>>
      %dma_start3A_1575 = tpu.memref_squeeze %dma_start3A_1574 : memref<1x80xi32, #tpu.memory_space<vmem>> -> memref<80xi32, #tpu.memory_space<vmem>>
      %dma_start3A_1576 = arith.constant 0 : i32
      %dma_start3A_1577 = arith.constant 0 : i32
      %dma_start3A_1578 = tpu.memref_slice %arg2[%dma_start3A_1576, %dma_start3A_1577] : memref<10240x128xf32, #tpu.memory_space<hbm>> -> memref<10240x128xf32, #tpu.memory_space<hbm>>
      tpu.enqueue_indirect_dma source(%dma_start3A_1578 : memref<10240x128xf32, #tpu.memory_space<hbm>>) target(%arg9 : memref<80x128xf32, #tpu.memory_space<vmem>>) offsets(%dma_start3A_1575 : memref<80xi32, #tpu.memory_space<vmem>>) semaphore(%arg12 : memref<!tpu.dma_semaphore, #tpu.memory_space<semaphore_mem>>)
      %dma_wait3A_1579 = arith.constant 55 : i32
      %dma_wait3A_1580 = arith.constant 0 : i32
      %dma_wait3A_1581 = tpu.memref_slice %arg7[%dma_wait3A_1579, %dma_wait3A_1580] : memref<64x80xi32, #tpu.memory_space<vmem>> -> memref<1x80xi32, #tpu.memory_space<vmem>>
      %dma_wait3A_1582 = tpu.memref_squeeze %dma_wait3A_1581 : memref<1x80xi32, #tpu.memory_space<vmem>> -> memref<80xi32, #tpu.memory_space<vmem>>
      %dma_wait3A_1583 = arith.constant 0 : i32
      %dma_wait3A_1584 = arith.constant 0 : i32
      %dma_wait3A_1585 = tpu.memref_slice %arg2[%dma_wait3A_1583, %dma_wait3A_1584] : memref<10240x128xf32, #tpu.memory_space<hbm>> -> memref<10240x128xf32, #tpu.memory_space<hbm>>
      tpu.wait_indirect_dma semaphore(%arg13 : memref<!tpu.dma_semaphore, #tpu.memory_space<semaphore_mem>>) src(%dma_wait3A_1585 : memref<10240x128xf32, #tpu.memory_space<hbm>>) dst(%arg10 : memref<80x128xf32, #tpu.memory_space<vmem>>)
      %dma_start3A_1586 = arith.constant 55 : i32
      %dma_start3A_1587 = arith.constant 0 : i32
      %dma_start3A_1588 = tpu.memref_slice %arg8[%dma_start3A_1586, %dma_start3A_1587] : memref<64x80xi32, #tpu.memory_space<vmem>> -> memref<1x80xi32, #tpu.memory_space<vmem>>
      %dma_start3A_1589 = tpu.memref_squeeze %dma_start3A_1588 : memref<1x80xi32, #tpu.memory_space<vmem>> -> memref<80xi32, #tpu.memory_space<vmem>>
      %dma_start3A_1590 = arith.constant 0 : i32
      %dma_start3A_1591 = arith.constant 0 : i32
      %dma_start3A_1592 = tpu.memref_slice %arg11[%dma_start3A_1590, %dma_start3A_1591] : memref<10240x128xf32, #tpu.memory_space<vmem_shared>> -> memref<10240x128xf32, #tpu.memory_space<vmem_shared>>
      tpu.enqueue_indirect_dma source(%arg10 : memref<80x128xf32, #tpu.memory_space<vmem>>) target(%dma_start3A_1592 : memref<10240x128xf32, #tpu.memory_space<vmem_shared>>) offsets(%dma_start3A_1589 : memref<80xi32, #tpu.memory_space<vmem>>) semaphore(%arg15 : memref<!tpu.dma_semaphore, #tpu.memory_space<semaphore_mem>>) {add = true}
      %dma_wait3A_1593 = arith.constant 55 : i32
      %dma_wait3A_1594 = arith.constant 0 : i32
      %dma_wait3A_1595 = tpu.memref_slice %arg8[%dma_wait3A_1593, %dma_wait3A_1594] : memref<64x80xi32, #tpu.memory_space<vmem>> -> memref<1x80xi32, #tpu.memory_space<vmem>>
      %dma_wait3A_1596 = tpu.memref_squeeze %dma_wait3A_1595 : memref<1x80xi32, #tpu.memory_space<vmem>> -> memref<80xi32, #tpu.memory_space<vmem>>
      %dma_wait3A_1597 = arith.constant 0 : i32
      %dma_wait3A_1598 = arith.constant 0 : i32
      %dma_wait3A_1599 = tpu.memref_slice %arg11[%dma_wait3A_1597, %dma_wait3A_1598] : memref<10240x128xf32, #tpu.memory_space<vmem_shared>> -> memref<10240x128xf32, #tpu.memory_space<vmem_shared>>
      tpu.wait_indirect_dma semaphore(%arg15 : memref<!tpu.dma_semaphore, #tpu.memory_space<semaphore_mem>>) src(%arg10 : memref<80x128xf32, #tpu.memory_space<vmem>>) dst(%dma_wait3A_1599 : memref<10240x128xf32, #tpu.memory_space<vmem_shared>>)
      %dma_start3A_1600 = arith.constant 57 : i32
      %dma_start3A_1601 = arith.constant 0 : i32
      %dma_start3A_1602 = tpu.memref_slice %arg7[%dma_start3A_1600, %dma_start3A_1601] : memref<64x80xi32, #tpu.memory_space<vmem>> -> memref<1x80xi32, #tpu.memory_space<vmem>>
      %dma_start3A_1603 = tpu.memref_squeeze %dma_start3A_1602 : memref<1x80xi32, #tpu.memory_space<vmem>> -> memref<80xi32, #tpu.memory_space<vmem>>
      %dma_start3A_1604 = arith.constant 0 : i32
      %dma_start3A_1605 = arith.constant 0 : i32
      %dma_start3A_1606 = tpu.memref_slice %arg2[%dma_start3A_1604, %dma_start3A_1605] : memref<10240x128xf32, #tpu.memory_space<hbm>> -> memref<10240x128xf32, #tpu.memory_space<hbm>>
      tpu.enqueue_indirect_dma source(%dma_start3A_1606 : memref<10240x128xf32, #tpu.memory_space<hbm>>) target(%arg10 : memref<80x128xf32, #tpu.memory_space<vmem>>) offsets(%dma_start3A_1603 : memref<80xi32, #tpu.memory_space<vmem>>) semaphore(%arg13 : memref<!tpu.dma_semaphore, #tpu.memory_space<semaphore_mem>>)
      %dma_wait3A_1607 = arith.constant 56 : i32
      %dma_wait3A_1608 = arith.constant 0 : i32
      %dma_wait3A_1609 = tpu.memref_slice %arg7[%dma_wait3A_1607, %dma_wait3A_1608] : memref<64x80xi32, #tpu.memory_space<vmem>> -> memref<1x80xi32, #tpu.memory_space<vmem>>
      %dma_wait3A_1610 = tpu.memref_squeeze %dma_wait3A_1609 : memref<1x80xi32, #tpu.memory_space<vmem>> -> memref<80xi32, #tpu.memory_space<vmem>>
      %dma_wait3A_1611 = arith.constant 0 : i32
      %dma_wait3A_1612 = arith.constant 0 : i32
      %dma_wait3A_1613 = tpu.memref_slice %arg2[%dma_wait3A_1611, %dma_wait3A_1612] : memref<10240x128xf32, #tpu.memory_space<hbm>> -> memref<10240x128xf32, #tpu.memory_space<hbm>>
      tpu.wait_indirect_dma semaphore(%arg12 : memref<!tpu.dma_semaphore, #tpu.memory_space<semaphore_mem>>) src(%dma_wait3A_1613 : memref<10240x128xf32, #tpu.memory_space<hbm>>) dst(%arg9 : memref<80x128xf32, #tpu.memory_space<vmem>>)
      %dma_start3A_1614 = arith.constant 56 : i32
      %dma_start3A_1615 = arith.constant 0 : i32
      %dma_start3A_1616 = tpu.memref_slice %arg8[%dma_start3A_1614, %dma_start3A_1615] : memref<64x80xi32, #tpu.memory_space<vmem>> -> memref<1x80xi32, #tpu.memory_space<vmem>>
      %dma_start3A_1617 = tpu.memref_squeeze %dma_start3A_1616 : memref<1x80xi32, #tpu.memory_space<vmem>> -> memref<80xi32, #tpu.memory_space<vmem>>
      %dma_start3A_1618 = arith.constant 0 : i32
      %dma_start3A_1619 = arith.constant 0 : i32
      %dma_start3A_1620 = tpu.memref_slice %arg11[%dma_start3A_1618, %dma_start3A_1619] : memref<10240x128xf32, #tpu.memory_space<vmem_shared>> -> memref<10240x128xf32, #tpu.memory_space<vmem_shared>>
      tpu.enqueue_indirect_dma source(%arg9 : memref<80x128xf32, #tpu.memory_space<vmem>>) target(%dma_start3A_1620 : memref<10240x128xf32, #tpu.memory_space<vmem_shared>>) offsets(%dma_start3A_1617 : memref<80xi32, #tpu.memory_space<vmem>>) semaphore(%arg14 : memref<!tpu.dma_semaphore, #tpu.memory_space<semaphore_mem>>) {add = true}
      %dma_wait3A_1621 = arith.constant 56 : i32
      %dma_wait3A_1622 = arith.constant 0 : i32
      %dma_wait3A_1623 = tpu.memref_slice %arg8[%dma_wait3A_1621, %dma_wait3A_1622] : memref<64x80xi32, #tpu.memory_space<vmem>> -> memref<1x80xi32, #tpu.memory_space<vmem>>
      %dma_wait3A_1624 = tpu.memref_squeeze %dma_wait3A_1623 : memref<1x80xi32, #tpu.memory_space<vmem>> -> memref<80xi32, #tpu.memory_space<vmem>>
      %dma_wait3A_1625 = arith.constant 0 : i32
      %dma_wait3A_1626 = arith.constant 0 : i32
      %dma_wait3A_1627 = tpu.memref_slice %arg11[%dma_wait3A_1625, %dma_wait3A_1626] : memref<10240x128xf32, #tpu.memory_space<vmem_shared>> -> memref<10240x128xf32, #tpu.memory_space<vmem_shared>>
      tpu.wait_indirect_dma semaphore(%arg14 : memref<!tpu.dma_semaphore, #tpu.memory_space<semaphore_mem>>) src(%arg9 : memref<80x128xf32, #tpu.memory_space<vmem>>) dst(%dma_wait3A_1627 : memref<10240x128xf32, #tpu.memory_space<vmem_shared>>)
      %dma_start3A_1628 = arith.constant 58 : i32
      %dma_start3A_1629 = arith.constant 0 : i32
      %dma_start3A_1630 = tpu.memref_slice %arg7[%dma_start3A_1628, %dma_start3A_1629] : memref<64x80xi32, #tpu.memory_space<vmem>> -> memref<1x80xi32, #tpu.memory_space<vmem>>
      %dma_start3A_1631 = tpu.memref_squeeze %dma_start3A_1630 : memref<1x80xi32, #tpu.memory_space<vmem>> -> memref<80xi32, #tpu.memory_space<vmem>>
      %dma_start3A_1632 = arith.constant 0 : i32
      %dma_start3A_1633 = arith.constant 0 : i32
      %dma_start3A_1634 = tpu.memref_slice %arg2[%dma_start3A_1632, %dma_start3A_1633] : memref<10240x128xf32, #tpu.memory_space<hbm>> -> memref<10240x128xf32, #tpu.memory_space<hbm>>
      tpu.enqueue_indirect_dma source(%dma_start3A_1634 : memref<10240x128xf32, #tpu.memory_space<hbm>>) target(%arg9 : memref<80x128xf32, #tpu.memory_space<vmem>>) offsets(%dma_start3A_1631 : memref<80xi32, #tpu.memory_space<vmem>>) semaphore(%arg12 : memref<!tpu.dma_semaphore, #tpu.memory_space<semaphore_mem>>)
      %dma_wait3A_1635 = arith.constant 57 : i32
      %dma_wait3A_1636 = arith.constant 0 : i32
      %dma_wait3A_1637 = tpu.memref_slice %arg7[%dma_wait3A_1635, %dma_wait3A_1636] : memref<64x80xi32, #tpu.memory_space<vmem>> -> memref<1x80xi32, #tpu.memory_space<vmem>>
      %dma_wait3A_1638 = tpu.memref_squeeze %dma_wait3A_1637 : memref<1x80xi32, #tpu.memory_space<vmem>> -> memref<80xi32, #tpu.memory_space<vmem>>
      %dma_wait3A_1639 = arith.constant 0 : i32
      %dma_wait3A_1640 = arith.constant 0 : i32
      %dma_wait3A_1641 = tpu.memref_slice %arg2[%dma_wait3A_1639, %dma_wait3A_1640] : memref<10240x128xf32, #tpu.memory_space<hbm>> -> memref<10240x128xf32, #tpu.memory_space<hbm>>
      tpu.wait_indirect_dma semaphore(%arg13 : memref<!tpu.dma_semaphore, #tpu.memory_space<semaphore_mem>>) src(%dma_wait3A_1641 : memref<10240x128xf32, #tpu.memory_space<hbm>>) dst(%arg10 : memref<80x128xf32, #tpu.memory_space<vmem>>)
      %dma_start3A_1642 = arith.constant 57 : i32
      %dma_start3A_1643 = arith.constant 0 : i32
      %dma_start3A_1644 = tpu.memref_slice %arg8[%dma_start3A_1642, %dma_start3A_1643] : memref<64x80xi32, #tpu.memory_space<vmem>> -> memref<1x80xi32, #tpu.memory_space<vmem>>
      %dma_start3A_1645 = tpu.memref_squeeze %dma_start3A_1644 : memref<1x80xi32, #tpu.memory_space<vmem>> -> memref<80xi32, #tpu.memory_space<vmem>>
      %dma_start3A_1646 = arith.constant 0 : i32
      %dma_start3A_1647 = arith.constant 0 : i32
      %dma_start3A_1648 = tpu.memref_slice %arg11[%dma_start3A_1646, %dma_start3A_1647] : memref<10240x128xf32, #tpu.memory_space<vmem_shared>> -> memref<10240x128xf32, #tpu.memory_space<vmem_shared>>
      tpu.enqueue_indirect_dma source(%arg10 : memref<80x128xf32, #tpu.memory_space<vmem>>) target(%dma_start3A_1648 : memref<10240x128xf32, #tpu.memory_space<vmem_shared>>) offsets(%dma_start3A_1645 : memref<80xi32, #tpu.memory_space<vmem>>) semaphore(%arg15 : memref<!tpu.dma_semaphore, #tpu.memory_space<semaphore_mem>>) {add = true}
      %dma_wait3A_1649 = arith.constant 57 : i32
      %dma_wait3A_1650 = arith.constant 0 : i32
      %dma_wait3A_1651 = tpu.memref_slice %arg8[%dma_wait3A_1649, %dma_wait3A_1650] : memref<64x80xi32, #tpu.memory_space<vmem>> -> memref<1x80xi32, #tpu.memory_space<vmem>>
      %dma_wait3A_1652 = tpu.memref_squeeze %dma_wait3A_1651 : memref<1x80xi32, #tpu.memory_space<vmem>> -> memref<80xi32, #tpu.memory_space<vmem>>
      %dma_wait3A_1653 = arith.constant 0 : i32
      %dma_wait3A_1654 = arith.constant 0 : i32
      %dma_wait3A_1655 = tpu.memref_slice %arg11[%dma_wait3A_1653, %dma_wait3A_1654] : memref<10240x128xf32, #tpu.memory_space<vmem_shared>> -> memref<10240x128xf32, #tpu.memory_space<vmem_shared>>
      tpu.wait_indirect_dma semaphore(%arg15 : memref<!tpu.dma_semaphore, #tpu.memory_space<semaphore_mem>>) src(%arg10 : memref<80x128xf32, #tpu.memory_space<vmem>>) dst(%dma_wait3A_1655 : memref<10240x128xf32, #tpu.memory_space<vmem_shared>>)
      %dma_start3A_1656 = arith.constant 59 : i32
      %dma_start3A_1657 = arith.constant 0 : i32
      %dma_start3A_1658 = tpu.memref_slice %arg7[%dma_start3A_1656, %dma_start3A_1657] : memref<64x80xi32, #tpu.memory_space<vmem>> -> memref<1x80xi32, #tpu.memory_space<vmem>>
      %dma_start3A_1659 = tpu.memref_squeeze %dma_start3A_1658 : memref<1x80xi32, #tpu.memory_space<vmem>> -> memref<80xi32, #tpu.memory_space<vmem>>
      %dma_start3A_1660 = arith.constant 0 : i32
      %dma_start3A_1661 = arith.constant 0 : i32
      %dma_start3A_1662 = tpu.memref_slice %arg2[%dma_start3A_1660, %dma_start3A_1661] : memref<10240x128xf32, #tpu.memory_space<hbm>> -> memref<10240x128xf32, #tpu.memory_space<hbm>>
      tpu.enqueue_indirect_dma source(%dma_start3A_1662 : memref<10240x128xf32, #tpu.memory_space<hbm>>) target(%arg10 : memref<80x128xf32, #tpu.memory_space<vmem>>) offsets(%dma_start3A_1659 : memref<80xi32, #tpu.memory_space<vmem>>) semaphore(%arg13 : memref<!tpu.dma_semaphore, #tpu.memory_space<semaphore_mem>>)
      %dma_wait3A_1663 = arith.constant 58 : i32
      %dma_wait3A_1664 = arith.constant 0 : i32
      %dma_wait3A_1665 = tpu.memref_slice %arg7[%dma_wait3A_1663, %dma_wait3A_1664] : memref<64x80xi32, #tpu.memory_space<vmem>> -> memref<1x80xi32, #tpu.memory_space<vmem>>
      %dma_wait3A_1666 = tpu.memref_squeeze %dma_wait3A_1665 : memref<1x80xi32, #tpu.memory_space<vmem>> -> memref<80xi32, #tpu.memory_space<vmem>>
      %dma_wait3A_1667 = arith.constant 0 : i32
      %dma_wait3A_1668 = arith.constant 0 : i32
      %dma_wait3A_1669 = tpu.memref_slice %arg2[%dma_wait3A_1667, %dma_wait3A_1668] : memref<10240x128xf32, #tpu.memory_space<hbm>> -> memref<10240x128xf32, #tpu.memory_space<hbm>>
      tpu.wait_indirect_dma semaphore(%arg12 : memref<!tpu.dma_semaphore, #tpu.memory_space<semaphore_mem>>) src(%dma_wait3A_1669 : memref<10240x128xf32, #tpu.memory_space<hbm>>) dst(%arg9 : memref<80x128xf32, #tpu.memory_space<vmem>>)
      %dma_start3A_1670 = arith.constant 58 : i32
      %dma_start3A_1671 = arith.constant 0 : i32
      %dma_start3A_1672 = tpu.memref_slice %arg8[%dma_start3A_1670, %dma_start3A_1671] : memref<64x80xi32, #tpu.memory_space<vmem>> -> memref<1x80xi32, #tpu.memory_space<vmem>>
      %dma_start3A_1673 = tpu.memref_squeeze %dma_start3A_1672 : memref<1x80xi32, #tpu.memory_space<vmem>> -> memref<80xi32, #tpu.memory_space<vmem>>
      %dma_start3A_1674 = arith.constant 0 : i32
      %dma_start3A_1675 = arith.constant 0 : i32
      %dma_start3A_1676 = tpu.memref_slice %arg11[%dma_start3A_1674, %dma_start3A_1675] : memref<10240x128xf32, #tpu.memory_space<vmem_shared>> -> memref<10240x128xf32, #tpu.memory_space<vmem_shared>>
      tpu.enqueue_indirect_dma source(%arg9 : memref<80x128xf32, #tpu.memory_space<vmem>>) target(%dma_start3A_1676 : memref<10240x128xf32, #tpu.memory_space<vmem_shared>>) offsets(%dma_start3A_1673 : memref<80xi32, #tpu.memory_space<vmem>>) semaphore(%arg14 : memref<!tpu.dma_semaphore, #tpu.memory_space<semaphore_mem>>) {add = true}
      %dma_wait3A_1677 = arith.constant 58 : i32
      %dma_wait3A_1678 = arith.constant 0 : i32
      %dma_wait3A_1679 = tpu.memref_slice %arg8[%dma_wait3A_1677, %dma_wait3A_1678] : memref<64x80xi32, #tpu.memory_space<vmem>> -> memref<1x80xi32, #tpu.memory_space<vmem>>
      %dma_wait3A_1680 = tpu.memref_squeeze %dma_wait3A_1679 : memref<1x80xi32, #tpu.memory_space<vmem>> -> memref<80xi32, #tpu.memory_space<vmem>>
      %dma_wait3A_1681 = arith.constant 0 : i32
      %dma_wait3A_1682 = arith.constant 0 : i32
      %dma_wait3A_1683 = tpu.memref_slice %arg11[%dma_wait3A_1681, %dma_wait3A_1682] : memref<10240x128xf32, #tpu.memory_space<vmem_shared>> -> memref<10240x128xf32, #tpu.memory_space<vmem_shared>>
      tpu.wait_indirect_dma semaphore(%arg14 : memref<!tpu.dma_semaphore, #tpu.memory_space<semaphore_mem>>) src(%arg9 : memref<80x128xf32, #tpu.memory_space<vmem>>) dst(%dma_wait3A_1683 : memref<10240x128xf32, #tpu.memory_space<vmem_shared>>)
      %dma_start3A_1684 = arith.constant 60 : i32
      %dma_start3A_1685 = arith.constant 0 : i32
      %dma_start3A_1686 = tpu.memref_slice %arg7[%dma_start3A_1684, %dma_start3A_1685] : memref<64x80xi32, #tpu.memory_space<vmem>> -> memref<1x80xi32, #tpu.memory_space<vmem>>
      %dma_start3A_1687 = tpu.memref_squeeze %dma_start3A_1686 : memref<1x80xi32, #tpu.memory_space<vmem>> -> memref<80xi32, #tpu.memory_space<vmem>>
      %dma_start3A_1688 = arith.constant 0 : i32
      %dma_start3A_1689 = arith.constant 0 : i32
      %dma_start3A_1690 = tpu.memref_slice %arg2[%dma_start3A_1688, %dma_start3A_1689] : memref<10240x128xf32, #tpu.memory_space<hbm>> -> memref<10240x128xf32, #tpu.memory_space<hbm>>
      tpu.enqueue_indirect_dma source(%dma_start3A_1690 : memref<10240x128xf32, #tpu.memory_space<hbm>>) target(%arg9 : memref<80x128xf32, #tpu.memory_space<vmem>>) offsets(%dma_start3A_1687 : memref<80xi32, #tpu.memory_space<vmem>>) semaphore(%arg12 : memref<!tpu.dma_semaphore, #tpu.memory_space<semaphore_mem>>)
      %dma_wait3A_1691 = arith.constant 59 : i32
      %dma_wait3A_1692 = arith.constant 0 : i32
      %dma_wait3A_1693 = tpu.memref_slice %arg7[%dma_wait3A_1691, %dma_wait3A_1692] : memref<64x80xi32, #tpu.memory_space<vmem>> -> memref<1x80xi32, #tpu.memory_space<vmem>>
      %dma_wait3A_1694 = tpu.memref_squeeze %dma_wait3A_1693 : memref<1x80xi32, #tpu.memory_space<vmem>> -> memref<80xi32, #tpu.memory_space<vmem>>
      %dma_wait3A_1695 = arith.constant 0 : i32
      %dma_wait3A_1696 = arith.constant 0 : i32
      %dma_wait3A_1697 = tpu.memref_slice %arg2[%dma_wait3A_1695, %dma_wait3A_1696] : memref<10240x128xf32, #tpu.memory_space<hbm>> -> memref<10240x128xf32, #tpu.memory_space<hbm>>
      tpu.wait_indirect_dma semaphore(%arg13 : memref<!tpu.dma_semaphore, #tpu.memory_space<semaphore_mem>>) src(%dma_wait3A_1697 : memref<10240x128xf32, #tpu.memory_space<hbm>>) dst(%arg10 : memref<80x128xf32, #tpu.memory_space<vmem>>)
      %dma_start3A_1698 = arith.constant 59 : i32
      %dma_start3A_1699 = arith.constant 0 : i32
      %dma_start3A_1700 = tpu.memref_slice %arg8[%dma_start3A_1698, %dma_start3A_1699] : memref<64x80xi32, #tpu.memory_space<vmem>> -> memref<1x80xi32, #tpu.memory_space<vmem>>
      %dma_start3A_1701 = tpu.memref_squeeze %dma_start3A_1700 : memref<1x80xi32, #tpu.memory_space<vmem>> -> memref<80xi32, #tpu.memory_space<vmem>>
      %dma_start3A_1702 = arith.constant 0 : i32
      %dma_start3A_1703 = arith.constant 0 : i32
      %dma_start3A_1704 = tpu.memref_slice %arg11[%dma_start3A_1702, %dma_start3A_1703] : memref<10240x128xf32, #tpu.memory_space<vmem_shared>> -> memref<10240x128xf32, #tpu.memory_space<vmem_shared>>
      tpu.enqueue_indirect_dma source(%arg10 : memref<80x128xf32, #tpu.memory_space<vmem>>) target(%dma_start3A_1704 : memref<10240x128xf32, #tpu.memory_space<vmem_shared>>) offsets(%dma_start3A_1701 : memref<80xi32, #tpu.memory_space<vmem>>) semaphore(%arg15 : memref<!tpu.dma_semaphore, #tpu.memory_space<semaphore_mem>>) {add = true}
      %dma_wait3A_1705 = arith.constant 59 : i32
      %dma_wait3A_1706 = arith.constant 0 : i32
      %dma_wait3A_1707 = tpu.memref_slice %arg8[%dma_wait3A_1705, %dma_wait3A_1706] : memref<64x80xi32, #tpu.memory_space<vmem>> -> memref<1x80xi32, #tpu.memory_space<vmem>>
      %dma_wait3A_1708 = tpu.memref_squeeze %dma_wait3A_1707 : memref<1x80xi32, #tpu.memory_space<vmem>> -> memref<80xi32, #tpu.memory_space<vmem>>
      %dma_wait3A_1709 = arith.constant 0 : i32
      %dma_wait3A_1710 = arith.constant 0 : i32
      %dma_wait3A_1711 = tpu.memref_slice %arg11[%dma_wait3A_1709, %dma_wait3A_1710] : memref<10240x128xf32, #tpu.memory_space<vmem_shared>> -> memref<10240x128xf32, #tpu.memory_space<vmem_shared>>
      tpu.wait_indirect_dma semaphore(%arg15 : memref<!tpu.dma_semaphore, #tpu.memory_space<semaphore_mem>>) src(%arg10 : memref<80x128xf32, #tpu.memory_space<vmem>>) dst(%dma_wait3A_1711 : memref<10240x128xf32, #tpu.memory_space<vmem_shared>>)
      %dma_start3A_1712 = arith.constant 61 : i32
      %dma_start3A_1713 = arith.constant 0 : i32
      %dma_start3A_1714 = tpu.memref_slice %arg7[%dma_start3A_1712, %dma_start3A_1713] : memref<64x80xi32, #tpu.memory_space<vmem>> -> memref<1x80xi32, #tpu.memory_space<vmem>>
      %dma_start3A_1715 = tpu.memref_squeeze %dma_start3A_1714 : memref<1x80xi32, #tpu.memory_space<vmem>> -> memref<80xi32, #tpu.memory_space<vmem>>
      %dma_start3A_1716 = arith.constant 0 : i32
      %dma_start3A_1717 = arith.constant 0 : i32
      %dma_start3A_1718 = tpu.memref_slice %arg2[%dma_start3A_1716, %dma_start3A_1717] : memref<10240x128xf32, #tpu.memory_space<hbm>> -> memref<10240x128xf32, #tpu.memory_space<hbm>>
      tpu.enqueue_indirect_dma source(%dma_start3A_1718 : memref<10240x128xf32, #tpu.memory_space<hbm>>) target(%arg10 : memref<80x128xf32, #tpu.memory_space<vmem>>) offsets(%dma_start3A_1715 : memref<80xi32, #tpu.memory_space<vmem>>) semaphore(%arg13 : memref<!tpu.dma_semaphore, #tpu.memory_space<semaphore_mem>>)
      %dma_wait3A_1719 = arith.constant 60 : i32
      %dma_wait3A_1720 = arith.constant 0 : i32
      %dma_wait3A_1721 = tpu.memref_slice %arg7[%dma_wait3A_1719, %dma_wait3A_1720] : memref<64x80xi32, #tpu.memory_space<vmem>> -> memref<1x80xi32, #tpu.memory_space<vmem>>
      %dma_wait3A_1722 = tpu.memref_squeeze %dma_wait3A_1721 : memref<1x80xi32, #tpu.memory_space<vmem>> -> memref<80xi32, #tpu.memory_space<vmem>>
      %dma_wait3A_1723 = arith.constant 0 : i32
      %dma_wait3A_1724 = arith.constant 0 : i32
      %dma_wait3A_1725 = tpu.memref_slice %arg2[%dma_wait3A_1723, %dma_wait3A_1724] : memref<10240x128xf32, #tpu.memory_space<hbm>> -> memref<10240x128xf32, #tpu.memory_space<hbm>>
      tpu.wait_indirect_dma semaphore(%arg12 : memref<!tpu.dma_semaphore, #tpu.memory_space<semaphore_mem>>) src(%dma_wait3A_1725 : memref<10240x128xf32, #tpu.memory_space<hbm>>) dst(%arg9 : memref<80x128xf32, #tpu.memory_space<vmem>>)
      %dma_start3A_1726 = arith.constant 60 : i32
      %dma_start3A_1727 = arith.constant 0 : i32
      %dma_start3A_1728 = tpu.memref_slice %arg8[%dma_start3A_1726, %dma_start3A_1727] : memref<64x80xi32, #tpu.memory_space<vmem>> -> memref<1x80xi32, #tpu.memory_space<vmem>>
      %dma_start3A_1729 = tpu.memref_squeeze %dma_start3A_1728 : memref<1x80xi32, #tpu.memory_space<vmem>> -> memref<80xi32, #tpu.memory_space<vmem>>
      %dma_start3A_1730 = arith.constant 0 : i32
      %dma_start3A_1731 = arith.constant 0 : i32
      %dma_start3A_1732 = tpu.memref_slice %arg11[%dma_start3A_1730, %dma_start3A_1731] : memref<10240x128xf32, #tpu.memory_space<vmem_shared>> -> memref<10240x128xf32, #tpu.memory_space<vmem_shared>>
      tpu.enqueue_indirect_dma source(%arg9 : memref<80x128xf32, #tpu.memory_space<vmem>>) target(%dma_start3A_1732 : memref<10240x128xf32, #tpu.memory_space<vmem_shared>>) offsets(%dma_start3A_1729 : memref<80xi32, #tpu.memory_space<vmem>>) semaphore(%arg14 : memref<!tpu.dma_semaphore, #tpu.memory_space<semaphore_mem>>) {add = true}
      %dma_wait3A_1733 = arith.constant 60 : i32
      %dma_wait3A_1734 = arith.constant 0 : i32
      %dma_wait3A_1735 = tpu.memref_slice %arg8[%dma_wait3A_1733, %dma_wait3A_1734] : memref<64x80xi32, #tpu.memory_space<vmem>> -> memref<1x80xi32, #tpu.memory_space<vmem>>
      %dma_wait3A_1736 = tpu.memref_squeeze %dma_wait3A_1735 : memref<1x80xi32, #tpu.memory_space<vmem>> -> memref<80xi32, #tpu.memory_space<vmem>>
      %dma_wait3A_1737 = arith.constant 0 : i32
      %dma_wait3A_1738 = arith.constant 0 : i32
      %dma_wait3A_1739 = tpu.memref_slice %arg11[%dma_wait3A_1737, %dma_wait3A_1738] : memref<10240x128xf32, #tpu.memory_space<vmem_shared>> -> memref<10240x128xf32, #tpu.memory_space<vmem_shared>>
      tpu.wait_indirect_dma semaphore(%arg14 : memref<!tpu.dma_semaphore, #tpu.memory_space<semaphore_mem>>) src(%arg9 : memref<80x128xf32, #tpu.memory_space<vmem>>) dst(%dma_wait3A_1739 : memref<10240x128xf32, #tpu.memory_space<vmem_shared>>)
      %dma_start3A_1740 = arith.constant 62 : i32
      %dma_start3A_1741 = arith.constant 0 : i32
      %dma_start3A_1742 = tpu.memref_slice %arg7[%dma_start3A_1740, %dma_start3A_1741] : memref<64x80xi32, #tpu.memory_space<vmem>> -> memref<1x80xi32, #tpu.memory_space<vmem>>
      %dma_start3A_1743 = tpu.memref_squeeze %dma_start3A_1742 : memref<1x80xi32, #tpu.memory_space<vmem>> -> memref<80xi32, #tpu.memory_space<vmem>>
      %dma_start3A_1744 = arith.constant 0 : i32
      %dma_start3A_1745 = arith.constant 0 : i32
      %dma_start3A_1746 = tpu.memref_slice %arg2[%dma_start3A_1744, %dma_start3A_1745] : memref<10240x128xf32, #tpu.memory_space<hbm>> -> memref<10240x128xf32, #tpu.memory_space<hbm>>
      tpu.enqueue_indirect_dma source(%dma_start3A_1746 : memref<10240x128xf32, #tpu.memory_space<hbm>>) target(%arg9 : memref<80x128xf32, #tpu.memory_space<vmem>>) offsets(%dma_start3A_1743 : memref<80xi32, #tpu.memory_space<vmem>>) semaphore(%arg12 : memref<!tpu.dma_semaphore, #tpu.memory_space<semaphore_mem>>)
      %dma_wait3A_1747 = arith.constant 61 : i32
      %dma_wait3A_1748 = arith.constant 0 : i32
      %dma_wait3A_1749 = tpu.memref_slice %arg7[%dma_wait3A_1747, %dma_wait3A_1748] : memref<64x80xi32, #tpu.memory_space<vmem>> -> memref<1x80xi32, #tpu.memory_space<vmem>>
      %dma_wait3A_1750 = tpu.memref_squeeze %dma_wait3A_1749 : memref<1x80xi32, #tpu.memory_space<vmem>> -> memref<80xi32, #tpu.memory_space<vmem>>
      %dma_wait3A_1751 = arith.constant 0 : i32
      %dma_wait3A_1752 = arith.constant 0 : i32
      %dma_wait3A_1753 = tpu.memref_slice %arg2[%dma_wait3A_1751, %dma_wait3A_1752] : memref<10240x128xf32, #tpu.memory_space<hbm>> -> memref<10240x128xf32, #tpu.memory_space<hbm>>
      tpu.wait_indirect_dma semaphore(%arg13 : memref<!tpu.dma_semaphore, #tpu.memory_space<semaphore_mem>>) src(%dma_wait3A_1753 : memref<10240x128xf32, #tpu.memory_space<hbm>>) dst(%arg10 : memref<80x128xf32, #tpu.memory_space<vmem>>)
      %dma_start3A_1754 = arith.constant 61 : i32
      %dma_start3A_1755 = arith.constant 0 : i32
      %dma_start3A_1756 = tpu.memref_slice %arg8[%dma_start3A_1754, %dma_start3A_1755] : memref<64x80xi32, #tpu.memory_space<vmem>> -> memref<1x80xi32, #tpu.memory_space<vmem>>
      %dma_start3A_1757 = tpu.memref_squeeze %dma_start3A_1756 : memref<1x80xi32, #tpu.memory_space<vmem>> -> memref<80xi32, #tpu.memory_space<vmem>>
      %dma_start3A_1758 = arith.constant 0 : i32
      %dma_start3A_1759 = arith.constant 0 : i32
      %dma_start3A_1760 = tpu.memref_slice %arg11[%dma_start3A_1758, %dma_start3A_1759] : memref<10240x128xf32, #tpu.memory_space<vmem_shared>> -> memref<10240x128xf32, #tpu.memory_space<vmem_shared>>
      tpu.enqueue_indirect_dma source(%arg10 : memref<80x128xf32, #tpu.memory_space<vmem>>) target(%dma_start3A_1760 : memref<10240x128xf32, #tpu.memory_space<vmem_shared>>) offsets(%dma_start3A_1757 : memref<80xi32, #tpu.memory_space<vmem>>) semaphore(%arg15 : memref<!tpu.dma_semaphore, #tpu.memory_space<semaphore_mem>>) {add = true}
      %dma_wait3A_1761 = arith.constant 61 : i32
      %dma_wait3A_1762 = arith.constant 0 : i32
      %dma_wait3A_1763 = tpu.memref_slice %arg8[%dma_wait3A_1761, %dma_wait3A_1762] : memref<64x80xi32, #tpu.memory_space<vmem>> -> memref<1x80xi32, #tpu.memory_space<vmem>>
      %dma_wait3A_1764 = tpu.memref_squeeze %dma_wait3A_1763 : memref<1x80xi32, #tpu.memory_space<vmem>> -> memref<80xi32, #tpu.memory_space<vmem>>
      %dma_wait3A_1765 = arith.constant 0 : i32
      %dma_wait3A_1766 = arith.constant 0 : i32
      %dma_wait3A_1767 = tpu.memref_slice %arg11[%dma_wait3A_1765, %dma_wait3A_1766] : memref<10240x128xf32, #tpu.memory_space<vmem_shared>> -> memref<10240x128xf32, #tpu.memory_space<vmem_shared>>
      tpu.wait_indirect_dma semaphore(%arg15 : memref<!tpu.dma_semaphore, #tpu.memory_space<semaphore_mem>>) src(%arg10 : memref<80x128xf32, #tpu.memory_space<vmem>>) dst(%dma_wait3A_1767 : memref<10240x128xf32, #tpu.memory_space<vmem_shared>>)
      %dma_start3A_1768 = arith.constant 63 : i32
      %dma_start3A_1769 = arith.constant 0 : i32
      %dma_start3A_1770 = tpu.memref_slice %arg7[%dma_start3A_1768, %dma_start3A_1769] : memref<64x80xi32, #tpu.memory_space<vmem>> -> memref<1x80xi32, #tpu.memory_space<vmem>>
      %dma_start3A_1771 = tpu.memref_squeeze %dma_start3A_1770 : memref<1x80xi32, #tpu.memory_space<vmem>> -> memref<80xi32, #tpu.memory_space<vmem>>
      %dma_start3A_1772 = arith.constant 0 : i32
      %dma_start3A_1773 = arith.constant 0 : i32
      %dma_start3A_1774 = tpu.memref_slice %arg2[%dma_start3A_1772, %dma_start3A_1773] : memref<10240x128xf32, #tpu.memory_space<hbm>> -> memref<10240x128xf32, #tpu.memory_space<hbm>>
      tpu.enqueue_indirect_dma source(%dma_start3A_1774 : memref<10240x128xf32, #tpu.memory_space<hbm>>) target(%arg10 : memref<80x128xf32, #tpu.memory_space<vmem>>) offsets(%dma_start3A_1771 : memref<80xi32, #tpu.memory_space<vmem>>) semaphore(%arg13 : memref<!tpu.dma_semaphore, #tpu.memory_space<semaphore_mem>>)
      %dma_wait3A_1775 = arith.constant 62 : i32
      %dma_wait3A_1776 = arith.constant 0 : i32
      %dma_wait3A_1777 = tpu.memref_slice %arg7[%dma_wait3A_1775, %dma_wait3A_1776] : memref<64x80xi32, #tpu.memory_space<vmem>> -> memref<1x80xi32, #tpu.memory_space<vmem>>
      %dma_wait3A_1778 = tpu.memref_squeeze %dma_wait3A_1777 : memref<1x80xi32, #tpu.memory_space<vmem>> -> memref<80xi32, #tpu.memory_space<vmem>>
      %dma_wait3A_1779 = arith.constant 0 : i32
      %dma_wait3A_1780 = arith.constant 0 : i32
      %dma_wait3A_1781 = tpu.memref_slice %arg2[%dma_wait3A_1779, %dma_wait3A_1780] : memref<10240x128xf32, #tpu.memory_space<hbm>> -> memref<10240x128xf32, #tpu.memory_space<hbm>>
      tpu.wait_indirect_dma semaphore(%arg12 : memref<!tpu.dma_semaphore, #tpu.memory_space<semaphore_mem>>) src(%dma_wait3A_1781 : memref<10240x128xf32, #tpu.memory_space<hbm>>) dst(%arg9 : memref<80x128xf32, #tpu.memory_space<vmem>>)
      %dma_start3A_1782 = arith.constant 62 : i32
      %dma_start3A_1783 = arith.constant 0 : i32
      %dma_start3A_1784 = tpu.memref_slice %arg8[%dma_start3A_1782, %dma_start3A_1783] : memref<64x80xi32, #tpu.memory_space<vmem>> -> memref<1x80xi32, #tpu.memory_space<vmem>>
      %dma_start3A_1785 = tpu.memref_squeeze %dma_start3A_1784 : memref<1x80xi32, #tpu.memory_space<vmem>> -> memref<80xi32, #tpu.memory_space<vmem>>
      %dma_start3A_1786 = arith.constant 0 : i32
      %dma_start3A_1787 = arith.constant 0 : i32
      %dma_start3A_1788 = tpu.memref_slice %arg11[%dma_start3A_1786, %dma_start3A_1787] : memref<10240x128xf32, #tpu.memory_space<vmem_shared>> -> memref<10240x128xf32, #tpu.memory_space<vmem_shared>>
      tpu.enqueue_indirect_dma source(%arg9 : memref<80x128xf32, #tpu.memory_space<vmem>>) target(%dma_start3A_1788 : memref<10240x128xf32, #tpu.memory_space<vmem_shared>>) offsets(%dma_start3A_1785 : memref<80xi32, #tpu.memory_space<vmem>>) semaphore(%arg14 : memref<!tpu.dma_semaphore, #tpu.memory_space<semaphore_mem>>) {add = true}
      %dma_wait3A_1789 = arith.constant 63 : i32
      %dma_wait3A_1790 = arith.constant 0 : i32
      %dma_wait3A_1791 = tpu.memref_slice %arg7[%dma_wait3A_1789, %dma_wait3A_1790] : memref<64x80xi32, #tpu.memory_space<vmem>> -> memref<1x80xi32, #tpu.memory_space<vmem>>
      %dma_wait3A_1792 = tpu.memref_squeeze %dma_wait3A_1791 : memref<1x80xi32, #tpu.memory_space<vmem>> -> memref<80xi32, #tpu.memory_space<vmem>>
      %dma_wait3A_1793 = arith.constant 0 : i32
      %dma_wait3A_1794 = arith.constant 0 : i32
      %dma_wait3A_1795 = tpu.memref_slice %arg2[%dma_wait3A_1793, %dma_wait3A_1794] : memref<10240x128xf32, #tpu.memory_space<hbm>> -> memref<10240x128xf32, #tpu.memory_space<hbm>>
      tpu.wait_indirect_dma semaphore(%arg13 : memref<!tpu.dma_semaphore, #tpu.memory_space<semaphore_mem>>) src(%dma_wait3A_1795 : memref<10240x128xf32, #tpu.memory_space<hbm>>) dst(%arg10 : memref<80x128xf32, #tpu.memory_space<vmem>>)
      %dma_start3A_1796 = arith.constant 63 : i32
      %dma_start3A_1797 = arith.constant 0 : i32
      %dma_start3A_1798 = tpu.memref_slice %arg8[%dma_start3A_1796, %dma_start3A_1797] : memref<64x80xi32, #tpu.memory_space<vmem>> -> memref<1x80xi32, #tpu.memory_space<vmem>>
      %dma_start3A_1799 = tpu.memref_squeeze %dma_start3A_1798 : memref<1x80xi32, #tpu.memory_space<vmem>> -> memref<80xi32, #tpu.memory_space<vmem>>
      %dma_start3A_1800 = arith.constant 0 : i32
      %dma_start3A_1801 = arith.constant 0 : i32
      %dma_start3A_1802 = tpu.memref_slice %arg11[%dma_start3A_1800, %dma_start3A_1801] : memref<10240x128xf32, #tpu.memory_space<vmem_shared>> -> memref<10240x128xf32, #tpu.memory_space<vmem_shared>>
      tpu.enqueue_indirect_dma source(%arg10 : memref<80x128xf32, #tpu.memory_space<vmem>>) target(%dma_start3A_1802 : memref<10240x128xf32, #tpu.memory_space<vmem_shared>>) offsets(%dma_start3A_1799 : memref<80xi32, #tpu.memory_space<vmem>>) semaphore(%arg15 : memref<!tpu.dma_semaphore, #tpu.memory_space<semaphore_mem>>) {add = true}
      %dma_wait3A_1803 = arith.constant 62 : i32
      %dma_wait3A_1804 = arith.constant 0 : i32
      %dma_wait3A_1805 = tpu.memref_slice %arg8[%dma_wait3A_1803, %dma_wait3A_1804] : memref<64x80xi32, #tpu.memory_space<vmem>> -> memref<1x80xi32, #tpu.memory_space<vmem>>
      %dma_wait3A_1806 = tpu.memref_squeeze %dma_wait3A_1805 : memref<1x80xi32, #tpu.memory_space<vmem>> -> memref<80xi32, #tpu.memory_space<vmem>>
      %dma_wait3A_1807 = arith.constant 0 : i32
      %dma_wait3A_1808 = arith.constant 0 : i32
      %dma_wait3A_1809 = tpu.memref_slice %arg11[%dma_wait3A_1807, %dma_wait3A_1808] : memref<10240x128xf32, #tpu.memory_space<vmem_shared>> -> memref<10240x128xf32, #tpu.memory_space<vmem_shared>>
      tpu.wait_indirect_dma semaphore(%arg14 : memref<!tpu.dma_semaphore, #tpu.memory_space<semaphore_mem>>) src(%arg9 : memref<80x128xf32, #tpu.memory_space<vmem>>) dst(%dma_wait3A_1809 : memref<10240x128xf32, #tpu.memory_space<vmem_shared>>)
      %dma_wait3A_1810 = arith.constant 63 : i32
      %dma_wait3A_1811 = arith.constant 0 : i32
      %dma_wait3A_1812 = tpu.memref_slice %arg8[%dma_wait3A_1810, %dma_wait3A_1811] : memref<64x80xi32, #tpu.memory_space<vmem>> -> memref<1x80xi32, #tpu.memory_space<vmem>>
      %dma_wait3A_1813 = tpu.memref_squeeze %dma_wait3A_1812 : memref<1x80xi32, #tpu.memory_space<vmem>> -> memref<80xi32, #tpu.memory_space<vmem>>
      %dma_wait3A_1814 = arith.constant 0 : i32
      %dma_wait3A_1815 = arith.constant 0 : i32
      %dma_wait3A_1816 = tpu.memref_slice %arg11[%dma_wait3A_1814, %dma_wait3A_1815] : memref<10240x128xf32, #tpu.memory_space<vmem_shared>> -> memref<10240x128xf32, #tpu.memory_space<vmem_shared>>
      tpu.wait_indirect_dma semaphore(%arg15 : memref<!tpu.dma_semaphore, #tpu.memory_space<semaphore_mem>>) src(%arg10 : memref<80x128xf32, #tpu.memory_space<vmem>>) dst(%dma_wait3A_1816 : memref<10240x128xf32, #tpu.memory_space<vmem_shared>>)
    }
    %scan3A_10 = arith.constant 2 : i32
    %barrier3A_11 = arith.constant 0 : index
    tpu.barrier barrier_id(%barrier3A_11)
    %mul3A_12 = arith.constant 640 : i32
    %mul3A_13 = arith.muli %arg1, %mul3A_12 : i32
    %mul3A_14 = arith.constant 640 : i32
    %mul3A_15 = arith.muli %arg1, %mul3A_14 : i32
    "tpu.region"() ({
      %run_scoped3A = tpu.sem_alloc : memref<!tpu.dma_semaphore, #tpu.memory_space<semaphore_mem>>
      %dma_start3A = arith.constant 0 : i32
      %dma_start3A_16 = arith.constant 0 : i32
      %dma_start3A_17 = tpu.memref_slice %arg6[%arg0, %dma_start3A, %dma_start3A_16] : memref<2x10240x128xf32, #tpu.memory_space<hbm>> -> memref<1x10240x128xf32, #tpu.memory_space<hbm>>
      %dma_start3A_18 = tpu.memref_squeeze %dma_start3A_17 : memref<1x10240x128xf32, #tpu.memory_space<hbm>> -> memref<10240x128xf32, #tpu.memory_space<hbm>>
      %dma_start3A_19 = arith.constant 0 : i32
      %dma_start3A_20 = tpu.memref_slice %dma_start3A_18[%mul3A_15, %dma_start3A_19] : memref<10240x128xf32, #tpu.memory_space<hbm>> -> memref<640x128xf32, #tpu.memory_space<hbm>>
      %dma_start3A_21 = arith.constant 0 : i32
      %dma_start3A_22 = tpu.memref_slice %arg11[%mul3A_13, %dma_start3A_21] : memref<10240x128xf32, #tpu.memory_space<vmem_shared>> -> memref<640x128xf32, #tpu.memory_space<vmem_shared>>
      tpu.enqueue_dma source(%dma_start3A_22 : memref<640x128xf32, #tpu.memory_space<vmem_shared>>) target(%dma_start3A_20 : memref<640x128xf32, #tpu.memory_space<hbm>>) target_semaphore(%run_scoped3A : memref<!tpu.dma_semaphore, #tpu.memory_space<semaphore_mem>>)
      %dma_wait3A = arith.constant 0 : i32
      %dma_wait3A_23 = arith.constant 0 : i32
      %dma_wait3A_24 = tpu.memref_slice %arg6[%arg0, %dma_wait3A, %dma_wait3A_23] : memref<2x10240x128xf32, #tpu.memory_space<hbm>> -> memref<1x10240x128xf32, #tpu.memory_space<hbm>>
      %dma_wait3A_25 = tpu.memref_squeeze %dma_wait3A_24 : memref<1x10240x128xf32, #tpu.memory_space<hbm>> -> memref<10240x128xf32, #tpu.memory_space<hbm>>
      %dma_wait3A_26 = arith.constant 0 : i32
      %dma_wait3A_27 = tpu.memref_slice %dma_wait3A_25[%mul3A_15, %dma_wait3A_26] : memref<10240x128xf32, #tpu.memory_space<hbm>> -> memref<640x128xf32, #tpu.memory_space<hbm>>
      %dma_wait3A_28 = arith.constant 0 : i32
      %dma_wait3A_29 = tpu.memref_slice %arg11[%mul3A_13, %dma_wait3A_28] : memref<10240x128xf32, #tpu.memory_space<vmem_shared>> -> memref<640x128xf32, #tpu.memory_space<vmem_shared>>
      tpu.wait_dma2 semaphore(%run_scoped3A : memref<!tpu.dma_semaphore, #tpu.memory_space<semaphore_mem>>) src(%dma_wait3A_29 : memref<640x128xf32, #tpu.memory_space<vmem_shared>>) dst(%dma_wait3A_27 : memref<640x128xf32, #tpu.memory_space<hbm>>)
      tpu.yield
    }) : () -> ()
    return
  }
}

module attributes {stable_mosaic.version = 14 : i64} {
  func.func @_lin1_body(%arg0: i32, %arg1: memref<1024x128xf32, #tpu.memory_space<vmem>>, %arg2: memref<128x128xf32, #tpu.memory_space<vmem>>, %arg3: memref<1x128xf32, #tpu.memory_space<vmem>>, %arg4: memref<1024x1xf32, #tpu.memory_space<vmem>>, %arg5: memref<1024x1xf32, #tpu.memory_space<vmem>>, %arg6: memref<1024x128xf32, #tpu.memory_space<vmem>>, %arg7: memref<1024x128xf32, #tpu.memory_space<vmem>>, %arg8: memref<1024x1xf32, #tpu.memory_space<vmem>>) attributes {dimension_semantics = [#tpu.dimension_semantics<arbitrary>], iteration_bounds = array<i64: 10>, scalar_prefetch = 0 : i64, scratch_operands = 0 : i64, tpu.core_type = #tpu.core_type<tc>, window_params = [{transform_indices = @transform_0, window_bounds = array<i64: 1024, 128>}, {pipeline_mode = #tpu.pipeline_mode<synchronous>, transform_indices = @transform_1, window_bounds = array<i64: 128, 128>}, {pipeline_mode = #tpu.pipeline_mode<synchronous>, transform_indices = @transform_2, window_bounds = array<i64: 1, 128>}, {transform_indices = @transform_3, window_bounds = array<i64: 1024, 1>}, {transform_indices = @transform_4, window_bounds = array<i64: 1024, 1>}, {transform_indices = @transform_5, window_bounds = array<i64: 1024, 128>}, {transform_indices = @transform_6, window_bounds = array<i64: 1024, 128>}, {transform_indices = @transform_7, window_bounds = array<i64: 1024, 1>}]} {
    %iota3A = tpu.iota {dimensions = array<i32: 0>} : vector<1024x1xi32>
    %mul3A = arith.constant 1024 : i32
    %mul3A_0 = arith.muli %arg0, %mul3A : i32
    %add3A = vector.broadcast %mul3A_0 : i32 to vector<1024x1xi32>
    %add3A_1 = arith.addi %iota3A, %add3A : vector<1024x1xi32>
    %lt3A = arith.constant 10000 : i32
    %lt3A_2 = vector.broadcast %lt3A : i32 to vector<1024x1xi32>
    %lt3A_3 = arith.cmpi slt, %add3A_1, %lt3A_2 : vector<1024x1xi32>
    %get3A = arith.constant 0 : index
    %get3A_4 = arith.constant 0 : index
    %get3A_5 = vector.load %arg4[%get3A, %get3A_4] : memref<1024x1xf32, #tpu.memory_space<vmem>>, vector<1024x1xf32>
    %get3A_6 = arith.constant 0 : index
    %get3A_7 = arith.constant 0 : index
    %get3A_8 = vector.load %arg5[%get3A_6, %get3A_7] : memref<1024x1xf32, #tpu.memory_space<vmem>>, vector<1024x1xf32>
    %add3A_9 = arith.addf %get3A_5, %get3A_8 : vector<1024x1xf32>
    %add3A_10 = arith.constant 1.000000e+00 : f32
    %add3A_11 = vector.broadcast %add3A_10 : f32 to vector<1024x1xf32>
    %add3A_12 = arith.addf %add3A_9, %add3A_11 : vector<1024x1xf32>
    %rsqrt3A = math.rsqrt %add3A_12 : vector<1024x1xf32>
    %jit3A = arith.constant 0.000000e+00 : f32
    %broadcast_in_dim3A = vector.broadcast %jit3A : f32 to vector<1024x1xf32>
    %select_n3A = arith.select %lt3A_3, %rsqrt3A, %broadcast_in_dim3A : vector<1024x1xi1>, vector<1024x1xf32>
    %get3A_13 = arith.constant 0 : index
    %get3A_14 = arith.constant 0 : index
    %get3A_15 = vector.load %arg1[%get3A_13, %get3A_14] : memref<1024x128xf32, #tpu.memory_space<vmem>>, vector<1024x128xf32>
    %get3A_16 = arith.constant 0 : index
    %get3A_17 = arith.constant 0 : index
    %get3A_18 = vector.load %arg2[%get3A_16, %get3A_17] : memref<128x128xf32, #tpu.memory_space<vmem>>, vector<128x128xf32>
    %dot_general3A = arith.constant dense<0.000000e+00> : vector<1024x128xf32>
    %dot_general3A_19 = tpu.matmul %get3A_15, %get3A_18, %dot_general3A {dimension_numbers = #tpu.dot_dimension_numbers<[1], [0], [0], [1], [0, 0, 1, 1], [], []>, transpose_lhs_hint = false} : vector<1024x128xf32>, vector<128x128xf32>, vector<1024x128xf32> -> vector<1024x128xf32>
    %get3A_20 = arith.constant 0 : index
    %get3A_21 = arith.constant 0 : index
    %get3A_22 = vector.load %arg3[%get3A_20, %get3A_21] : memref<1x128xf32, #tpu.memory_space<vmem>>, vector<1x128xf32>
    %add3A_23 = vector.broadcast %get3A_22 : vector<1x128xf32> to vector<1024x128xf32>
    %add3A_24 = arith.addf %dot_general3A_19, %add3A_23 : vector<1024x128xf32>
    %jit3A_25 = arith.constant 0.000000e+00 : f32
    %broadcast_in_dim3A_26 = vector.shape_cast %lt3A_3 : vector<1024x1xi1> to vector<1024x1xi1>
    %broadcast_in_dim3A_27 = vector.broadcast %broadcast_in_dim3A_26 : vector<1024x1xi1> to vector<1024x128xi1>
    %broadcast_in_dim3A_28 = vector.broadcast %jit3A_25 : f32 to vector<1024x128xf32>
    %select_n3A_29 = arith.select %broadcast_in_dim3A_27, %add3A_24, %broadcast_in_dim3A_28 : vector<1024x128xi1>, vector<1024x128xf32>
    %swap3A = arith.constant 0 : index
    %swap3A_30 = arith.constant 0 : index
    %swap3A_31 = vector.load %arg6[%swap3A, %swap3A_30] : memref<1024x128xf32, #tpu.memory_space<vmem>>, vector<1024x128xf32>
    tpu.vector_store %arg6[%swap3A, %swap3A_30], %select_n3A_29 {strides = array<i32>} : memref<1024x128xf32, #tpu.memory_space<vmem>>, vector<1024x128xf32>,
    %mul3A_32 = vector.broadcast %select_n3A : vector<1024x1xf32> to vector<1024x128xf32>
    %mul3A_33 = arith.mulf %mul3A_32, %select_n3A_29 : vector<1024x128xf32>
    %swap3A_34 = arith.constant 0 : index
    %swap3A_35 = arith.constant 0 : index
    %swap3A_36 = vector.load %arg7[%swap3A_34, %swap3A_35] : memref<1024x128xf32, #tpu.memory_space<vmem>>, vector<1024x128xf32>
    tpu.vector_store %arg7[%swap3A_34, %swap3A_35], %mul3A_33 {strides = array<i32>} : memref<1024x128xf32, #tpu.memory_space<vmem>>, vector<1024x128xf32>,
    %swap3A_37 = arith.constant 0 : index
    %swap3A_38 = arith.constant 0 : index
    %swap3A_39 = vector.load %arg8[%swap3A_37, %swap3A_38] : memref<1024x1xf32, #tpu.memory_space<vmem>>, vector<1024x1xf32>
    tpu.vector_store %arg8[%swap3A_37, %swap3A_38], %select_n3A {strides = array<i32>} : memref<1024x1xf32, #tpu.memory_space<vmem>>, vector<1024x1xf32>,
    return
  }
  func.func @transform_0(%arg0: i32) -> (i32, i32) {
    %c0_i32 = arith.constant 0 : i32
    %c0_i32_0 = arith.constant 0 : i32
    return %arg0, %c0_i32 : i32, i32
  }
  func.func @transform_1(%arg0: i32) -> (i32, i32) {
    %c0_i32 = arith.constant 0 : i32
    %c0_i32_0 = arith.constant 0 : i32
    %c0_i32_1 = arith.constant 0 : i32
    return %c0_i32, %c0_i32_0 : i32, i32
  }
  func.func @transform_2(%arg0: i32) -> (i32, i32) {
    %c0_i32 = arith.constant 0 : i32
    %c0_i32_0 = arith.constant 0 : i32
    %c0_i32_1 = arith.constant 0 : i32
    return %c0_i32, %c0_i32_0 : i32, i32
  }
  func.func @transform_3(%arg0: i32) -> (i32, i32) {
    %c0_i32 = arith.constant 0 : i32
    %c0_i32_0 = arith.constant 0 : i32
    return %arg0, %c0_i32 : i32, i32
  }
  func.func @transform_4(%arg0: i32) -> (i32, i32) {
    %c0_i32 = arith.constant 0 : i32
    %c0_i32_0 = arith.constant 0 : i32
    return %arg0, %c0_i32 : i32, i32
  }
  func.func @transform_5(%arg0: i32) -> (i32, i32) {
    %c0_i32 = arith.constant 0 : i32
    %c0_i32_0 = arith.constant 0 : i32
    return %arg0, %c0_i32 : i32, i32
  }
  func.func @transform_6(%arg0: i32) -> (i32, i32) {
    %c0_i32 = arith.constant 0 : i32
    %c0_i32_0 = arith.constant 0 : i32
    return %arg0, %c0_i32 : i32, i32
  }
  func.func @transform_7(%arg0: i32) -> (i32, i32) {
    %c0_i32 = arith.constant 0 : i32
    %c0_i32_0 = arith.constant 0 : i32
    return %arg0, %c0_i32 : i32, i32
  }
}

module attributes {stable_mosaic.version = 14 : i64} {
  func.func @_comb_body(%arg0: i32, %arg1: memref<1024x128xf32, #tpu.memory_space<vmem>>, %arg2: memref<1024x128xf32, #tpu.memory_space<vmem>>, %arg3: memref<1024x1xf32, #tpu.memory_space<vmem>>, %arg4: memref<1024x128xf32, #tpu.memory_space<vmem>>, %arg5: memref<1024x128xf32, #tpu.memory_space<vmem>>, %arg6: memref<1024x128xf32, #tpu.memory_space<vmem>>, %arg7: memref<1024x128xf32, #tpu.memory_space<vmem>>) attributes {dimension_semantics = [#tpu.dimension_semantics<arbitrary>], iteration_bounds = array<i64: 10>, scalar_prefetch = 0 : i64, scratch_operands = 0 : i64, tpu.core_type = #tpu.core_type<tc>, window_params = [{transform_indices = @transform_0, window_bounds = array<i64: 1024, 128>}, {transform_indices = @transform_1, window_bounds = array<i64: 1024, 128>}, {transform_indices = @transform_2, window_bounds = array<i64: 1024, 1>}, {transform_indices = @transform_3, window_bounds = array<i64: 1024, 128>}, {transform_indices = @transform_4, window_bounds = array<i64: 1024, 128>}, {transform_indices = @transform_5, window_bounds = array<i64: 1024, 128>}, {transform_indices = @transform_6, window_bounds = array<i64: 1024, 128>}]} {
    %get3A = arith.constant 0 : index
    %get3A_0 = arith.constant 0 : index
    %get3A_1 = vector.load %arg3[%get3A, %get3A_0] : memref<1024x1xf32, #tpu.memory_space<vmem>>, vector<1024x1xf32>
    %get3A_2 = arith.constant 0 : index
    %get3A_3 = arith.constant 0 : index
    %get3A_4 = vector.load %arg1[%get3A_2, %get3A_3] : memref<1024x128xf32, #tpu.memory_space<vmem>>, vector<1024x128xf32>
    %get3A_5 = arith.constant 0 : index
    %get3A_6 = arith.constant 0 : index
    %get3A_7 = vector.load %arg2[%get3A_5, %get3A_6] : memref<1024x128xf32, #tpu.memory_space<vmem>>, vector<1024x128xf32>
    %add3A = arith.addf %get3A_4, %get3A_7 : vector<1024x128xf32>
    %mul3A = vector.broadcast %get3A_1 : vector<1024x1xf32> to vector<1024x128xf32>
    %mul3A_8 = arith.mulf %mul3A, %add3A : vector<1024x128xf32>
    %mul3A_9 = arith.mulf %get3A_1, %get3A_1 : vector<1024x1xf32>
    %get3A_10 = arith.constant 0 : index
    %get3A_11 = arith.constant 0 : index
    %get3A_12 = vector.load %arg4[%get3A_10, %get3A_11] : memref<1024x128xf32, #tpu.memory_space<vmem>>, vector<1024x128xf32>
    %mul3A_13 = vector.broadcast %mul3A_9 : vector<1024x1xf32> to vector<1024x128xf32>
    %mul3A_14 = arith.mulf %mul3A_13, %get3A_12 : vector<1024x128xf32>
    %add3A_15 = arith.addf %mul3A_8, %mul3A_14 : vector<1024x128xf32>
    %mul3A_16 = arith.constant 0.899999976 : f32
    %mul3A_17 = vector.broadcast %mul3A_16 : f32 to vector<1024x128xf32>
    %mul3A_18 = arith.mulf %mul3A_17, %add3A_15 : vector<1024x128xf32>
    %get3A_19 = arith.constant 0 : index
    %get3A_20 = arith.constant 0 : index
    %get3A_21 = vector.load %arg5[%get3A_19, %get3A_20] : memref<1024x128xf32, #tpu.memory_space<vmem>>, vector<1024x128xf32>
    %mul3A_22 = arith.constant 1.000000e-01 : f32
    %mul3A_23 = vector.broadcast %mul3A_22 : f32 to vector<1024x128xf32>
    %mul3A_24 = arith.mulf %mul3A_23, %get3A_21 : vector<1024x128xf32>
    %add3A_25 = arith.addf %mul3A_18, %mul3A_24 : vector<1024x128xf32>
    %swap3A = arith.constant 0 : index
    %swap3A_26 = arith.constant 0 : index
    %swap3A_27 = vector.load %arg6[%swap3A, %swap3A_26] : memref<1024x128xf32, #tpu.memory_space<vmem>>, vector<1024x128xf32>
    tpu.vector_store %arg6[%swap3A, %swap3A_26], %add3A_25 {strides = array<i32>} : memref<1024x128xf32, #tpu.memory_space<vmem>>, vector<1024x128xf32>,
    %mul3A_28 = vector.broadcast %get3A_1 : vector<1024x1xf32> to vector<1024x128xf32>
    %mul3A_29 = arith.mulf %mul3A_28, %add3A_25 : vector<1024x128xf32>
    %swap3A_30 = arith.constant 0 : index
    %swap3A_31 = arith.constant 0 : index
    %swap3A_32 = vector.load %arg7[%swap3A_30, %swap3A_31] : memref<1024x128xf32, #tpu.memory_space<vmem>>, vector<1024x128xf32>
    tpu.vector_store %arg7[%swap3A_30, %swap3A_31], %mul3A_29 {strides = array<i32>} : memref<1024x128xf32, #tpu.memory_space<vmem>>, vector<1024x128xf32>,
    return
  }
  func.func @transform_0(%arg0: i32) -> (i32, i32) {
    %c0_i32 = arith.constant 0 : i32
    %c0_i32_0 = arith.constant 0 : i32
    return %arg0, %c0_i32 : i32, i32
  }
  func.func @transform_1(%arg0: i32) -> (i32, i32) {
    %c0_i32 = arith.constant 0 : i32
    %c0_i32_0 = arith.constant 0 : i32
    return %arg0, %c0_i32 : i32, i32
  }
  func.func @transform_2(%arg0: i32) -> (i32, i32) {
    %c0_i32 = arith.constant 0 : i32
    %c0_i32_0 = arith.constant 0 : i32
    return %arg0, %c0_i32 : i32, i32
  }
  func.func @transform_3(%arg0: i32) -> (i32, i32) {
    %c0_i32 = arith.constant 0 : i32
    %c0_i32_0 = arith.constant 0 : i32
    return %arg0, %c0_i32 : i32, i32
  }
  func.func @transform_4(%arg0: i32) -> (i32, i32) {
    %c0_i32 = arith.constant 0 : i32
    %c0_i32_0 = arith.constant 0 : i32
    return %arg0, %c0_i32 : i32, i32
  }
  func.func @transform_5(%arg0: i32) -> (i32, i32) {
    %c0_i32 = arith.constant 0 : i32
    %c0_i32_0 = arith.constant 0 : i32
    return %arg0, %c0_i32 : i32, i32
  }
  func.func @transform_6(%arg0: i32) -> (i32, i32) {
    %c0_i32 = arith.constant 0 : i32
    %c0_i32_0 = arith.constant 0 : i32
    return %arg0, %c0_i32 : i32, i32
  }
}

module attributes {stable_mosaic.version = 14 : i64} {
  func.func @_stats_body(%arg0: memref<10240x128xf32, #tpu.memory_space<vmem>>, %arg1: memref<2x128xf32, #tpu.memory_space<vmem>>) attributes {dimension_semantics = [], scalar_prefetch = 0 : i64, scratch_operands = 0 : i64, tpu.core_type = #tpu.core_type<tc>} {
    %get3A = arith.constant 0 : index
    %get3A_0 = arith.constant 0 : index
    %get3A_1 = vector.load %arg0[%get3A, %get3A_0] : memref<10240x128xf32, #tpu.memory_space<vmem>>, vector<10240x128xf32>
    %reduce_sum3A = arith.constant dense<0.000000e+00> : vector<128xf32>
    %reduce_sum3A_2 = vector.multi_reduction <add>, %get3A_1, %reduce_sum3A [0] : vector<10240x128xf32> to vector<128xf32>
    %broadcast_in_dim3A = vector.shape_cast %reduce_sum3A_2 : vector<128xf32> to vector<1x128xf32>
    %div3A = arith.constant 1.000000e+04 : f32
    %div3A_3 = vector.broadcast %div3A : f32 to vector<1x128xf32>
    %div3A_4 = arith.divf %broadcast_in_dim3A, %div3A_3 : vector<1x128xf32>
    %mul3A = arith.mulf %get3A_1, %get3A_1 : vector<10240x128xf32>
    %reduce_sum3A_5 = arith.constant dense<0.000000e+00> : vector<128xf32>
    %reduce_sum3A_6 = vector.multi_reduction <add>, %mul3A, %reduce_sum3A_5 [0] : vector<10240x128xf32> to vector<128xf32>
    %broadcast_in_dim3A_7 = vector.shape_cast %reduce_sum3A_6 : vector<128xf32> to vector<1x128xf32>
    %div3A_8 = arith.constant 1.000000e+04 : f32
    %div3A_9 = vector.broadcast %div3A_8 : f32 to vector<1x128xf32>
    %div3A_10 = arith.divf %broadcast_in_dim3A_7, %div3A_9 : vector<1x128xf32>
    %mul3A_11 = arith.mulf %div3A_4, %div3A_4 : vector<1x128xf32>
    %sub3A = arith.subf %div3A_10, %mul3A_11 : vector<1x128xf32>
    %add3A = arith.constant 9.99999974E-6 : f32
    %add3A_12 = vector.broadcast %add3A : f32 to vector<1x128xf32>
    %add3A_13 = arith.addf %sub3A, %add3A_12 : vector<1x128xf32>
    %rsqrt3A = math.rsqrt %add3A_13 : vector<1x128xf32>
    %concatenate3A = tpu.concatenate %div3A_4, %rsqrt3A in 0 : vector<1x128xf32>, vector<1x128xf32> -> vector<2x128xf32>
    %swap3A = arith.constant 0 : index
    %swap3A_14 = arith.constant 0 : index
    %swap3A_15 = vector.load %arg1[%swap3A, %swap3A_14] : memref<2x128xf32, #tpu.memory_space<vmem>>, vector<2x128xf32>
    tpu.vector_store %arg1[%swap3A, %swap3A_14], %concatenate3A {strides = array<i32>} : memref<2x128xf32, #tpu.memory_space<vmem>>, vector<2x128xf32>,
    return
  }
}

module attributes {stable_mosaic.version = 14 : i64} {
  func.func @_final_body(%arg0: i32, %arg1: memref<1024x128xf32, #tpu.memory_space<vmem>>, %arg2: memref<2x128xf32, #tpu.memory_space<vmem>>, %arg3: memref<1x128xf32, #tpu.memory_space<vmem>>, %arg4: memref<1x128xf32, #tpu.memory_space<vmem>>, %arg5: memref<128x64xf32, #tpu.memory_space<vmem>>, %arg6: memref<1x64xf32, #tpu.memory_space<vmem>>, %arg7: memref<1024x64xf32, #tpu.memory_space<vmem>>, %arg8: memref<1024x64xf32, #tpu.memory_space<vmem>>) attributes {dimension_semantics = [#tpu.dimension_semantics<arbitrary>], iteration_bounds = array<i64: 10>, scalar_prefetch = 0 : i64, scratch_operands = 0 : i64, tpu.core_type = #tpu.core_type<tc>, window_params = [{transform_indices = @transform_0, window_bounds = array<i64: 1024, 128>}, {pipeline_mode = #tpu.pipeline_mode<synchronous>, transform_indices = @transform_1, window_bounds = array<i64: 2, 128>}, {pipeline_mode = #tpu.pipeline_mode<synchronous>, transform_indices = @transform_2, window_bounds = array<i64: 1, 128>}, {pipeline_mode = #tpu.pipeline_mode<synchronous>, transform_indices = @transform_3, window_bounds = array<i64: 1, 128>}, {pipeline_mode = #tpu.pipeline_mode<synchronous>, transform_indices = @transform_4, window_bounds = array<i64: 128, 64>}, {pipeline_mode = #tpu.pipeline_mode<synchronous>, transform_indices = @transform_5, window_bounds = array<i64: 1, 64>}, {transform_indices = @transform_6, window_bounds = array<i64: 1024, 64>}, {transform_indices = @transform_7, window_bounds = array<i64: 1024, 64>}]} {
    %get3A = arith.constant 0 : index
    %get3A_0 = arith.constant 0 : index
    %get3A_1 = vector.load %arg1[%get3A, %get3A_0] : memref<1024x128xf32, #tpu.memory_space<vmem>>, vector<1024x128xf32>
    %get3A_2 = arith.constant 0 : index
    %get3A_3 = arith.constant 0 : index
    %get3A_4 = vector.load %arg2[%get3A_2, %get3A_3] : memref<2x128xf32, #tpu.memory_space<vmem>>, vector<1x128xf32>
    %sub3A = vector.broadcast %get3A_4 : vector<1x128xf32> to vector<1024x128xf32>
    %sub3A_5 = arith.subf %get3A_1, %sub3A : vector<1024x128xf32>
    %get3A_6 = arith.constant 1 : index
    %get3A_7 = arith.constant 0 : index
    %get3A_8 = vector.load %arg2[%get3A_6, %get3A_7] : memref<2x128xf32, #tpu.memory_space<vmem>>, vector<1x128xf32>
    %mul3A = vector.broadcast %get3A_8 : vector<1x128xf32> to vector<1024x128xf32>
    %mul3A_9 = arith.mulf %sub3A_5, %mul3A : vector<1024x128xf32>
    %get3A_10 = arith.constant 0 : index
    %get3A_11 = arith.constant 0 : index
    %get3A_12 = vector.load %arg3[%get3A_10, %get3A_11] : memref<1x128xf32, #tpu.memory_space<vmem>>, vector<1x128xf32>
    %mul3A_13 = vector.broadcast %get3A_12 : vector<1x128xf32> to vector<1024x128xf32>
    %mul3A_14 = arith.mulf %mul3A_9, %mul3A_13 : vector<1024x128xf32>
    %get3A_15 = arith.constant 0 : index
    %get3A_16 = arith.constant 0 : index
    %get3A_17 = vector.load %arg4[%get3A_15, %get3A_16] : memref<1x128xf32, #tpu.memory_space<vmem>>, vector<1x128xf32>
    %add3A = vector.broadcast %get3A_17 : vector<1x128xf32> to vector<1024x128xf32>
    %add3A_18 = arith.addf %mul3A_14, %add3A : vector<1024x128xf32>
    %get3A_19 = arith.constant 0 : index
    %get3A_20 = arith.constant 0 : index
    %get3A_21 = vector.load %arg5[%get3A_19, %get3A_20] : memref<128x64xf32, #tpu.memory_space<vmem>>, vector<128x64xf32>
    %dot_general3A = arith.constant dense<0.000000e+00> : vector<1024x64xf32>
    %dot_general3A_22 = tpu.matmul %add3A_18, %get3A_21, %dot_general3A {dimension_numbers = #tpu.dot_dimension_numbers<[1], [0], [0], [1], [0, 0, 1, 1], [], []>, transpose_lhs_hint = false} : vector<1024x128xf32>, vector<128x64xf32>, vector<1024x64xf32> -> vector<1024x64xf32>
    %get3A_23 = arith.constant 0 : index
    %get3A_24 = arith.constant 0 : index
    %get3A_25 = vector.load %arg6[%get3A_23, %get3A_24] : memref<1x64xf32, #tpu.memory_space<vmem>>, vector<1x64xf32>
    %add3A_26 = vector.broadcast %get3A_25 : vector<1x64xf32> to vector<1024x64xf32>
    %add3A_27 = arith.addf %dot_general3A_22, %add3A_26 : vector<1024x64xf32>
    %reduce_max3A = arith.constant dense<0xFF800000> : vector<1024xf32>
    %reduce_max3A_28 = vector.multi_reduction <maximumf>, %add3A_27, %reduce_max3A [1] : vector<1024x64xf32> to vector<1024xf32>
    %broadcast_in_dim3A = vector.shape_cast %reduce_max3A_28 : vector<1024xf32> to vector<1024x1xf32>
    %sub3A_29 = vector.broadcast %broadcast_in_dim3A : vector<1024x1xf32> to vector<1024x64xf32>
    %sub3A_30 = arith.subf %add3A_27, %sub3A_29 : vector<1024x64xf32>
    %exp3A = math.exp %sub3A_30 : vector<1024x64xf32>
    %reduce_sum3A = arith.constant dense<0.000000e+00> : vector<1024xf32>
    %reduce_sum3A_31 = vector.multi_reduction <add>, %exp3A, %reduce_sum3A [1] : vector<1024x64xf32> to vector<1024xf32>
    %broadcast_in_dim3A_32 = vector.shape_cast %reduce_sum3A_31 : vector<1024xf32> to vector<1024x1xf32>
    %log3A = math.log %broadcast_in_dim3A_32 : vector<1024x1xf32>
    %add3A_33 = arith.addf %log3A, %broadcast_in_dim3A : vector<1024x1xf32>
    %swap3A = arith.constant 0 : index
    %swap3A_34 = arith.constant 0 : index
    %swap3A_35 = vector.load %arg8[%swap3A, %swap3A_34] : memref<1024x64xf32, #tpu.memory_space<vmem>>, vector<1024x64xf32>
    tpu.vector_store %arg8[%swap3A, %swap3A_34], %add3A_27 {strides = array<i32>} : memref<1024x64xf32, #tpu.memory_space<vmem>>, vector<1024x64xf32>,
    %sub3A_36 = vector.broadcast %add3A_33 : vector<1024x1xf32> to vector<1024x64xf32>
    %sub3A_37 = arith.subf %add3A_27, %sub3A_36 : vector<1024x64xf32>
    %swap3A_38 = arith.constant 0 : index
    %swap3A_39 = arith.constant 0 : index
    %swap3A_40 = vector.load %arg7[%swap3A_38, %swap3A_39] : memref<1024x64xf32, #tpu.memory_space<vmem>>, vector<1024x64xf32>
    tpu.vector_store %arg7[%swap3A_38, %swap3A_39], %sub3A_37 {strides = array<i32>} : memref<1024x64xf32, #tpu.memory_space<vmem>>, vector<1024x64xf32>,
    return
  }
  func.func @transform_0(%arg0: i32) -> (i32, i32) {
    %c0_i32 = arith.constant 0 : i32
    %c0_i32_0 = arith.constant 0 : i32
    return %arg0, %c0_i32 : i32, i32
  }
  func.func @transform_1(%arg0: i32) -> (i32, i32) {
    %c0_i32 = arith.constant 0 : i32
    %c0_i32_0 = arith.constant 0 : i32
    %c0_i32_1 = arith.constant 0 : i32
    return %c0_i32, %c0_i32_0 : i32, i32
  }
  func.func @transform_2(%arg0: i32) -> (i32, i32) {
    %c0_i32 = arith.constant 0 : i32
    %c0_i32_0 = arith.constant 0 : i32
    %c0_i32_1 = arith.constant 0 : i32
    return %c0_i32, %c0_i32_0 : i32, i32
  }
  func.func @transform_3(%arg0: i32) -> (i32, i32) {
    %c0_i32 = arith.constant 0 : i32
    %c0_i32_0 = arith.constant 0 : i32
    %c0_i32_1 = arith.constant 0 : i32
    return %c0_i32, %c0_i32_0 : i32, i32
  }
  func.func @transform_4(%arg0: i32) -> (i32, i32) {
    %c0_i32 = arith.constant 0 : i32
    %c0_i32_0 = arith.constant 0 : i32
    %c0_i32_1 = arith.constant 0 : i32
    return %c0_i32, %c0_i32_0 : i32, i32
  }
  func.func @transform_5(%arg0: i32) -> (i32, i32) {
    %c0_i32 = arith.constant 0 : i32
    %c0_i32_0 = arith.constant 0 : i32
    %c0_i32_1 = arith.constant 0 : i32
    return %c0_i32, %c0_i32_0 : i32, i32
  }
  func.func @transform_6(%arg0: i32) -> (i32, i32) {
    %c0_i32 = arith.constant 0 : i32
    %c0_i32_0 = arith.constant 0 : i32
    return %arg0, %c0_i32 : i32, i32
  }
  func.func @transform_7(%arg0: i32) -> (i32, i32) {
    %c0_i32 = arith.constant 0 : i32
    %c0_i32_0 = arith.constant 0 : i32
    return %arg0, %c0_i32 : i32, i32
  }
}

</mosaic_0001>

<sc_bundles>
// kernel: closed_call.13.cloned.1.call-start
scs
__scs_entry_jumppad:
0x0: {  	(pc) =	sbr.rel $0x88, $3  }
0x1: {  	(tag) =	ssettag $0x0;
	lr =	simm.s32 $0x1  }
0x2: {  	[smem:$0x3F99] =	sst lr;
	_ =	strace $0xD0000000  }
0x3: {  	_ = 	snop  }
0x4: {  	_ = 	snop  }
0x5: {  	_ = 	snop  }
0x6: {  	_ = 	snop  }
0x7: {  	_ = 	snop  }
__scs_overlays_trampoline_lowered:
0x8: {  	[smem:$0x3FA8] =	sst s0  }
0x9: {  	[smem:$0x3FA9] =	sst s1  }
0xa: {  	[smem:$0x3FAA] =	sst s2  }
0xb: {  	[smem:$0x3FAB] =	sst s3  }
0xc: {  	[smem:$0x3FAC] =	sst s4  }
0xd: {  	[smem:$0x3FAD] =	sst s5  }
0xe: {  	[smem:$0x3FAE] =	sst s6  }
0xf: {  	[smem:$0x3FAF] =	sst s7  }
0x10: {  	[smem:$0x3FB0] =	sst s8  }
0x11: {  	[smem:$0x3FB1] =	sst s9;
	s0 =	simm.s32 @!p0 $0x0  }
0x12: {  	s1 =	sld [smem:$0x3F97];
	s0 =	simm.s32 @p0 $0x1  }
0x13: {  	[smem:$0x3FB2] =	sst s0;
	s0 =	simm.s32 @!p1 $0x0  }
0x14: {  	s2 =	sld [smem:$0x3F96];
	s0 =	simm.s32 @p1 $0x1  }
0x15: {  	[smem:$0x3FB3] =	sst s0;
	s0 =	simm.s32 @!p2 $0x0  }
0x16: {  	s3 =	sld [smem:$0x3FDB];
	s0 =	simm.s32 @p2 $0x1  }
0x17: {  	s4 =	simm.s32 $0x1BF5;
	[smem:$0x3FB5] =	sst s0  }
0x18: {  	s0 =	sld [smem:$0x3F98];
	_ =	swait.ge [sflag:s4], $0x0  }
0x19: {  	s7 =	sld [smem:$0x3F99]  }
0x1a: {  	s8 =	sadd.s32 $0xFFFFE003, lr  }
0x1b: {  	s9 =	sadd.s32 $0xFFFFFEF7, lr;
	s5 =	simm.s32 $0xFFFFFFFF;
	p2 =	slt.u32 s8, $0xFFFFF086  }
0x1c: {  	p1 =	slt.u32 s9, $0xF7A;
	s5 =	simm.s32 @!p2 $0x0  }
0x1d: {  	s5 =	simm.s32 @p1 $0x1;
	p0 =	seq.s32 s7, s2  }
0x1e: {  	s7 =	smul.u32 @!p0 $0xF7A, s2;
	p2 =	seq.s32 @!p0 s5, $0x0  }
0x1f: {  	s9 =	smul.u32 $0xF7A, s1;
	s8 =	simm.s32 @!p0 $0x1BF5;
	p2 =	por !p2, p0  }
0x20: {  	[sflag:s8] =	ssyncset.s32 @!p0 $0xFFFFF086;
	s6 =	sadd.s32 @!p0 s3, s7;
	s7 =	simm.s32 @!p0 $0x108  }
0x21: {  	s3 =	sadd.s32 s3, s9;
	s6 =	sadd.s32 @!p0 $0x88, s6;
	s7 =	simm.s32 @p2 $0x1082  }
0x22: {  	[simem:s7], [sflag:s8] =	dma.local @!p0 [hbm:s6], $0xF7A  }
0x23: {  	s9 =	sor.u32 $0xD0000000, s2;
	s6 =	simm.s32 $0x108;
	_ =	swait.ge @!p0 [sflag:s8], $0x0  }
0x24: {  	s3 =	sadd.s32 $0x88, s3;
	s6 =	simm.s32 @!p1 $0x1082;
	[sflag:s4] =	ssyncset.s32 $0xFFFFF086  }
0x25: {  	[simem:s6], [sflag:s4] =	dma.local [hbm:s3], $0xF7A  }
0x26: {  	[smem:$0x3F99] =	sst s1;
	(tag) =	ssettag s2;
	_ =	strace s9  }
0x27: {  	s1 =	sld [smem:$0x3FA9]  }
0x28: {  	s2 =	sld [smem:$0x3FAA]  }
0x29: {  	s4 =	sld [smem:$0x3FAC]  }
0x2a: {  	p0 =	seq.s32 s5, $0x0;
	s5 =	sld [smem:$0x3FAD]  }
0x2b: {  	s6 =	sld [smem:$0x3FAE]  }
0x2c: {  	s7 =	sld [smem:$0x3FAF]  }
0x2d: {  	s3 =	simm.s32 $0x108;
	s8 =	sld [smem:$0x3FB0]  }
0x2e: {  	s3 =	simm.s32 @!p0 $0x1082;
	s9 =	sld [smem:$0x3FB1]  }
0x2f: {  	lr =	sadd.s32 s0, s3;
	s0 =	sld [smem:$0x3FA8]  }
0x30: {  	s3 =	sld [smem:$0x3FAB]  }
0x31: {  	[smem:$0x3FB4] =	sst s10  }
0x32: {  	s10 =	sld [smem:$0x3FB2];
	_ =	sdelay $0x3  }
0x33: {  	p0 =	seq.s32 s10, $0x1;
	s10 =	sld [smem:$0x3FB4];
	_ =	sdelay $0x3  }
0x34: {  	[smem:$0x3FB4] =	sst s10  }
0x35: {  	s10 =	sld [smem:$0x3FB3];
	_ =	sdelay $0x3  }
0x36: {  	p1 =	seq.s32 s10, $0x1;
	s10 =	sld [smem:$0x3FB4];
	_ =	sdelay $0x3  }
0x37: {  	[smem:$0x3FB4] =	sst s10  }
0x38: {  	s10 =	sld [smem:$0x3FB5]  }
0x39: {  	_ = 	snop;
	(pc) =	sbr.ind lr, $3  }
0x3a: {  	_ = 	snop  }
0x3b: {  	_ = 	snop  }
0x3c: {  	p2 =	seq.s32 s10, $0x1;
	s10 =	sld [smem:$0x3FB4]  }
0x3d: {  	_ =	shalt  }
0x3e: {  	_ =	shalt  }
0x3f: {  	_ =	shalt  }
0x40: {  	_ =	shalt  }
0x41: {  	_ =	shalt  }
0x42: {  	_ =	shalt  }
0x43: {  	_ =	shalt  }
0x44: {  	_ =	shalt  }
0x45: {  	_ =	shalt  }
0x46: {  	_ =	shalt  }
0x47: {  	_ =	shalt  }
0x48: {  	_ =	shalt  }
0x49: {  	_ =	shalt  }
0x4a: {  	_ =	shalt  }
0x4b: {  	_ =	shalt  }
0x4c: {  	_ =	shalt  }
0x4d: {  	_ =	shalt  }
0x4e: {  	_ =	shalt  }
0x4f: {  	_ =	shalt  }
0x50: {  	_ =	shalt  }
0x51: {  	_ =	shalt  }
0x52: {  	_ =	shalt  }
0x53: {  	_ =	shalt  }
0x54: {  	_ =	shalt  }
0x55: {  	_ =	shalt  }
0x56: {  	_ =	shalt  }
0x57: {  	_ =	shalt  }
0x58: {  	_ =	shalt  }
0x59: {  	_ =	shalt  }
0x5a: {  	_ =	shalt  }
0x5b: {  	_ =	shalt  }
0x5c: {  	_ =	shalt  }
0x5d: {  	_ =	shalt  }
0x5e: {  	_ =	shalt  }
0x5f: {  	_ =	shalt  }
0x60: {  	_ =	shalt  }
0x61: {  	_ =	shalt  }
0x62: {  	_ =	shalt  }
0x63: {  	_ =	shalt  }
0x64: {  	_ =	shalt  }
0x65: {  	_ =	shalt  }
0x66: {  	_ =	shalt  }
0x67: {  	_ =	shalt  }
0x68: {  	_ =	shalt  }
0x69: {  	_ =	shalt  }
0x6a: {  	_ =	shalt  }
0x6b: {  	_ =	shalt  }
0x6c: {  	_ =	shalt  }
0x6d: {  	_ =	shalt  }
0x6e: {  	_ =	shalt  }
0x6f: {  	_ =	shalt  }
0x70: {  	_ =	shalt  }
0x71: {  	_ =	shalt  }
0x72: {  	_ =	shalt  }
0x73: {  	_ =	shalt  }
0x74: {  	_ =	shalt  }
0x75: {  	_ =	shalt  }
0x76: {  	_ =	shalt  }
0x77: {  	_ =	shalt  }
0x78: {  	_ =	shalt  }
0x79: {  	_ =	shalt  }
0x7a: {  	_ =	shalt  }
0x7b: {  	_ =	shalt  }
0x7c: {  	_ =	shalt  }
0x7d: {  	_ =	shalt  }
0x7e: {  	_ =	shalt  }
0x7f: {  	_ =	shalt  }
0x80: {  	_ =	shalt  }
0x81: {  	_ =	shalt  }
0x82: {  	_ =	shalt  }
0x83: {  	_ =	shalt  }
0x84: {  	_ =	shalt  }
0x85: {  	_ =	shalt  }
0x86: {  	_ =	shalt  }
0x87: {  	_ =	shalt  }
.Lfunc_end0:
.L_simem_size_0:
called_computation_lowered:
.L_overlay_start_0:
0x88: {  	s2 =	sld [smem:$0x3FD9]  }
0x89: {  	s3 =	sld [smem:$0x3FFE];
	_ =	sdelay $0x1  }
0x8a: {  	s1 =	srdreg.scid  }
0x8b: {  	s0 =	sand.u32 $0x1, s1  }
0x8c: {  	s14 =	sshll.u32 s0, $0xA;
	s2 =	sadd.s32 s3, s2  }
0x8d: {  	s2 =	sadd.s32 s2, s14  }
0x8e: {  	[smem:$0x3FC0] =	sst s2  }
0x8f: {  	_ = 	snop  }
0x90: {  	s2 =	sld [smem:$0x3FD0];
	_ =	sdelay $0x2  }
0x91: {  	s15 =	simm.s32 $0xA;
	s4 =	simm.s32 $0x10  }
0x92: {  	[smem:s4], [sflag:s15] =	dma.local [hbm:s2], $0x1  }
0x93: {  	_ =	swait.eq [sflag:s15], $0x1  }
0x94: {  	[sflag:s15] =	ssyncset.done $0x0  }
0x95: {  	s16 =	sld [smem:$0x10];
	[sflag:s15] =	ssyncadd.s32 $0xFFFFFFFF  }
0x96: {  	s17 =	sld [smem:$0x11];
	(tm) =	ssettm $0x1  }
0x97: {  	s18 =	sld [smem:$0x3FFB];
	_ =	sdelay $0x3  }
0x98: {  	_ =	strace s18  }
0x99: {  	s4 =	sld [smem:$0x3FFC];
	_ =	sdelay $0x3  }
0x9a: {  	_ =	strace s4  }
0x9b: {  	s4 =	sld [smem:$0x3FFD];
	_ =	sdelay $0x3  }
0x9c: {  	_ =	strace s4  }
0x9d: {  	_ =	strace $0x8FFFFFFF  }
0x9e: {  	s19 =	sld [smem:$0x3FDB];
	_ =	sdelay $0x1  }
0x9f: {  	s5 =	simm.s32 $_scs_section_size  }
0xa0: {  	s6 =	simm.s32 $_size__tile_overlayer_lowered;
	s7 =	simm.s32 $_tile_overlayer_lowered  }
0xa1: {  	s22 =	simm.s32 $0x1BFF;
	s21 =	sshll.u32 s7, $0x1;
	s4 =	sadd.s32 s5, s19  }
0xa2: {  	s8 =	simm.s32 $0x0;
	s20 =	sshll.u32 s6, $0x1;
	s6 =	sadd.s32 s21, s4  }
0xa3: {  	[timem:s8], [sflag:s22] =	dma.local [hbm:s6], s20  }
0xa4: {  	_ =	swait.ge [sflag:s22], s20  }
0xa5: {  	s5 =	ssub.s32 $0x0, s20;
	[sflag:s22] =	ssyncset.done $0x0  }
0xa6: {  	[sflag:s22] =	ssyncadd.s32 s5;
	_ =	sdelay $0x1  }
0xa7: {  	s23 =	simm.s32 $0x1B8B  }
0xa8: {  	_ =	swait.ge [sflag:s23], $0x1  }
0xa9: {  	[sflag:s23] =	ssyncset.done $0x0  }
0xaa: {  	s25 =	simm.s32 $0x1B8E;
	s24 =	sld [smem:$0x3FFE];
	[sflag:s23] =	ssyncadd.s32 $0xFFFFFFFF  }
0xab: {  	s26 =	simm.s32 $execute0_lowered;
	[smem:$0x3FD2] =	sst s25  }
0xac: {  	s6 =	sshll.u32 s26, $0x1;
	_ =	strace $0x80000049;
	[dreg:$0x1] =	wrdreg $0xFFFFFFFF  }
0xad: {  	s28 =	simm.s32 $_size_execute0_lowered;
	s4 =	sadd.s32 s4, s6;
	[dreg:$0x0] =	wrdreg $0x0  }
0xae: {  	s6 =	sshll.u32 s28, $0x1;
	[dreg:$0x2] =	wrdreg s4  }
0xaf: {  	[dreg:$0x3] =	wrdreg s6  }
0xb0: {  	[dreg:$0x4] =	wrdreg $0xC0  }
0xb1: {  	_ =	task [dreg:s8], $0x5FFFF  }
0xb2: {  	[dreg:$0x1] =	wrdreg $0xFFFFFFFF  }
0xb3: {  	[dreg:$0x0] =	wrdreg $0x60  }
0xb4: {  	[dreg:$0x2] =	wrdreg s24  }
0xb5: {  	[dreg:$0x3] =	wrdreg s16  }
0xb6: {  	[dreg:$0x4] =	wrdreg s17  }
0xb7: {  	[dreg:$0x5] =	wrdreg $0x90000  }
0xb8: {  	[dreg:$0x6] =	wrdreg $0x9  }
0xb9: {  	_ =	task.clear_ibuf [dreg:s8], $0x7FFFF;
	_ =	strace $0x90000049  }
0xba: {  	s29 =	simm.s32 $0x9;
	_ =	strace $0x8000004B  }
0xbb: {  	_ =	swait.ge [sflag:s29], $0x1  }
0xbc: {  	[sflag:s29] =	ssyncadd.s32 $0xFFFFFFFF  }
0xbd: {  	_ =	strace $0x9000004B  }
0xbe: {  	_ =	sfence  }
0xbf: {  	s30 =	sld [smem:$0x0];
	_ =	sdelay $0x2  }
0xc0: {  	s31 =	sshll.u32 s1, $0xD;
	s1 =	sshrl.u32 s1, $0x2  }
0xc1: {  	s3 =	sand.u32 $0x4000, s31;
	s1 =	sadd.s32 s1, s30  }
0xc2: {  	s0 =	sor.u32 s3, s0;
	s1 =	sshll.u32 s1, $0x11  }
0xc3: {  	s0 =	sor.u32 s1, s0  }
0xc4: {  	s0 =	sadd.s32 $0x8F2B, s0  }
0xc5: {  	[sflag:s0] =	ssyncadd.remote.s32 $0x1  }
0xc6: {  	_ =	sfence.sel $0xFFFF  }
0xc7: {  	[dreg:$0x0] =	wrdreg $0xFFFFFFFF;
	(pc) =	sbr.abs _section_cstart, $3  }
0xc8: {  	[dreg:$0x1] =	wrdreg $0xFFFFFFFF  }
0xc9: {  	_ =	task.clear_ibuf [dreg:s8], $0x2FFFF;
	_ =	strace $0x9FFFFFFF  }
0xca: {  	(tm) =	ssettm $0x7FFFFFFF  }
0xcb: {  	_ =	shalt  }
tec
execute0_lowered:
.L_overlay_start_1:
0x0: {  	(tag) =	ssettag $0x1  }
0x1: {  	s0 =	rddreg [dreg:$0x0]  }
0x2: {  	s16 =	rddreg [dreg:$0x1]  }
0x3: {  	s20 =	rddreg [dreg:$0x2]  }
0x4: {  	s4 =	rddreg [dreg:$0x3]  }
0x5: {  	s10 =	stileid.u32;
	s1 =	srdreg.scid;
	s5 =	simm.s32 $0x0  }
0x6: {  	s12 =	simm.s32 $0x5;
	s13 =	simm.s32 $0x2000;
	s14 =	simm.s32 $0x50  }
0x7: {  	s15 =	simm.s32 $0x4000;
	s17 =	simm.s32 $0x6800;
	s18 =	simm.s32 $0x1  }
0x8: {  	s19 =	simm.s32 $0x3;
	s21 =	simm.s32 $0x2;
	s28 =	simm.s32 $0x1D80  }
0x9: {  	s29 =	simm.s32 $0x3D00;
	s30 =	simm.s32 $0x1E00;
	s31 =	simm.s32 $0x3D80  }
0xa: {  	s11 =	simm.s32 $0x3F80;
	s2 =	smul.u32 $0x2800, s10;
	s1 =	sand.u32 $0x1, s1  }
0xb: {  	[smem:$0x7FF] =	sst s5;
	s7 =	smul.u32 $0x50000, s10;
	s6 =	sadd.s32 $0x3000, s0  }
0xc: {  	s24 =	sshll.u32 s10, $0x6;
	s25 =	sshll.u32 s10, $0xC;
	s10 =	simm.s32 $0x3E80  }
0xd: {  	s3 =	smul.u32 $0x28000, s1;
	_ =	strace $0x8000004A;
	s9 =	ssub.s32 $0x2, s1  }
0xe: {  	s1 =	sshll.u32 s1, $0xB;
	s22 =	sor.u32 $0x1C05, s24;
	s24 =	simm.s32 $0x1F80  }
0xf: {  	s8 =	sadd.s32 s2, s0;
	s23 =	sshrl.u32 s9, $0x1;
	s7 =	sshrl.u32 s7, $0x2  }
0x10: {  	[dreg:$0x6] =	wrdreg s22;
	s0 =	sadd.s32 s3, s0;
	s3 =	ssub.s32 s9, s23  }
0x11: {  	s7 =	sadd.s32 s7, s4;
	s8 =	sadd.s32 $0x53000, s8;
	s9 =	sor.u32 s1, s25  }
0x12: {  	s23 =	simm.s32 $0x4;
	s1 =	simm.s32 $0x3E00;
	[dreg:$0x5] =	wrdreg s8  }
0x13: {  	s0 =	sadd.s32 $0x7B000, s0;
	s26 =	smax.u32 s3, $0x1;
	s25 =	sshrl.u32 s7, $0x3  }
0x14: {  	s7 =	simm.s32 $0x1F00;
	s8 =	simm.s32 $0x3F00;
	[dreg:$0x7] =	wrdreg s26  }
0x15: {  	s0 =	sadd.s32 s2, s0;
	[dreg:$0x8] =	wrdreg s25;
	s2 =	simm.s32 $0x3C00  }
0x16: {  	s26 =	simm.s32 $0x3C80;
	[dreg:$0x9] =	wrdreg s0;
	s0 =	simm.s32 $0x0  }
.LBB2_1:
0x17: {  	[dreg:$0xa] =	wrdreg s0  }
0x18: {  	s3 =	rddreg [dreg:$0x5]  }
0x19: {  	[spmem:s25], [sflag:s22] =	dma.local [hbm:s3], $0x2800  }
0x1a: {  	_ =	swait.ge [sflag:s12], $0x2800  }
0x1b: {  	[sflag:s12] =	ssyncset.done $0x0  }
0x1c: {  	p0 =	por $0x1, $0x1;
	s0 =	simm.s32 $0x1E80;
	[sflag:s12] =	ssyncadd.s32 $0xFFFFD800  }
0x1d: {  	s3 =	simm.s32 $0x0;
	s25 =	simm.s32 $0x1D00;
	[bflag:$0x0] =	sbarrier.arrive $0xFFFF  }
.LBB2_2:
0x1e: {  	s3 =	sor.u32 s9, s3  }
0x1f: {  	s22 =	smov.u32 s20;
	s20 =	smov.u32 s16;
	s16 =	sadd.s32 s16, s3  }
0x20: {  	[tilespmem:s5], [sflag:$0x5] =	stream.linear.gather [hbm4b:s16+s5], $0x2000, $0x38;
	[tilespmem:$0x1D000] =	vst v63  }
0x21: {  	_ =	swait.ge [sflag:s12], $0x2000  }
0x22: {  	[sflag:s12] =	ssyncset.done $0x0  }
0x23: {  	s3 =	sadd.s32 s22, s3;
	[sflag:s12] =	ssyncadd.s32 $0xFFFFE000  }
0x24: {  	[tilespmem:s13], [sflag:$0x5] =	stream.linear.gather [hbm4b:s3+s5], $0x2000, $0x38;
	[tilespmem:$0x1D000] =	vst v63  }
0x25: {  	_ =	swait.ge [sflag:s12], $0x2000  }
0x26: {  	[sflag:s12] =	ssyncset.done $0x0  }
0x27: {  	[sflag:s12] =	ssyncadd.s32 $0xFFFFE000  }
0x28: {  	[tilespmem:s15], [sflag:$0x1] =	stream.indirect.gather [hbm4b:s6+s14], $0x80, s5, s14, $0xb8;
	[tilespmem:$0x1D000] =	vst v63  }
0x29: {  	s16 =	smov.u32 s20;
	s20 =	smov.u32 s22;
	s22 =	simm.s32 $0x80  }
0x2a: {  	[tilespmem:s17], [sflag:$0x2] =	stream.indirect.gather [hbm4b:s6+s14], $0x80, s22, s14, $0xb8;
	[tilespmem:$0x1D000] =	vst v63  }
0x2b: {  	_ =	swait.ge [sflag:s18], $0x2800  }
0x2c: {  	[sflag:s18] =	ssyncset.done $0x0  }
0x2d: {  	[sflag:s18] =	ssyncadd.s32 $0xFFFFD800  }
0x2e: {  	[spmem:s4] =	stream.indirect.scatter.add.f32 [tilespmem:s15], [sflag:$0x3], $0x80, s13, s14, $0xb8;
	[tilespmem:$0x1D000] =	vst v63  }
0x2f: {  	_ =	swait.ge [sflag:s19], $0x2800  }
0x30: {  	[sflag:s19] =	ssyncset.done $0x0  }
0x31: {  	s22 =	simm.s32 $0x100;
	[sflag:s19] =	ssyncadd.s32 $0xFFFFD800  }
0x32: {  	[tilespmem:s15], [sflag:$0x1] =	stream.indirect.gather [hbm4b:s6+s14], $0x80, s22, s14, $0xb8;
	[tilespmem:$0x1D000] =	vst v63  }
0x33: {  	_ =	swait.ge [sflag:s21], $0x2800  }
0x34: {  	[sflag:s21] =	ssyncset.done $0x0  }
0x35: {  	s22 =	simm.s32 $0x2080;
	[sflag:s21] =	ssyncadd.s32 $0xFFFFD800  }
0x36: {  	[spmem:s4] =	stream.indirect.scatter.add.f32 [tilespmem:s17], [sflag:$0x4], $0x80, s22, s14, $0xb8;
	[tilespmem:$0x1D000] =	vst v63  }
0x37: {  	_ =	swait.ge [sflag:s23], $0x2800  }
0x38: {  	[sflag:s23] =	ssyncset.done $0x0  }
0x39: {  	s22 =	simm.s32 $0x180;
	[sflag:s23] =	ssyncadd.s32 $0xFFFFD800  }
0x3a: {  	[tilespmem:s17], [sflag:$0x2] =	stream.indirect.gather [hbm4b:s6+s14], $0x80, s22, s14, $0xb8;
	[tilespmem:$0x1D000] =	vst v63  }
0x3b: {  	_ =	swait.ge [sflag:s18], $0x2800  }
0x3c: {  	[sflag:s18] =	ssyncset.done $0x0  }
0x3d: {  	s22 =	simm.s32 $0x2100;
	[sflag:s18] =	ssyncadd.s32 $0xFFFFD800  }
0x3e: {  	[spmem:s4] =	stream.indirect.scatter.add.f32 [tilespmem:s15], [sflag:$0x3], $0x80, s22, s14, $0xb8;
	[tilespmem:$0x1D000] =	vst v63  }
0x3f: {  	_ =	swait.ge [sflag:s19], $0x2800  }
0x40: {  	[sflag:s19] =	ssyncset.done $0x0  }
0x41: {  	s22 =	simm.s32 $0x200;
	[sflag:s19] =	ssyncadd.s32 $0xFFFFD800  }
0x42: {  	[tilespmem:s15], [sflag:$0x1] =	stream.indirect.gather [hbm4b:s6+s14], $0x80, s22, s14, $0xb8;
	[tilespmem:$0x1D000] =	vst v63  }
0x43: {  	_ =	swait.ge [sflag:s21], $0x2800  }
0x44: {  	[sflag:s21] =	ssyncset.done $0x0  }
0x45: {  	s22 =	simm.s32 $0x2180;
	[sflag:s21] =	ssyncadd.s32 $0xFFFFD800  }
0x46: {  	[spmem:s4] =	stream.indirect.scatter.add.f32 [tilespmem:s17], [sflag:$0x4], $0x80, s22, s14, $0xb8;
	[tilespmem:$0x1D000] =	vst v63  }
0x47: {  	_ =	swait.ge [sflag:s23], $0x2800  }
0x48: {  	[sflag:s23] =	ssyncset.done $0x0  }
0x49: {  	s22 =	simm.s32 $0x280;
	[sflag:s23] =	ssyncadd.s32 $0xFFFFD800  }
0x4a: {  	[tilespmem:s17], [sflag:$0x2] =	stream.indirect.gather [hbm4b:s6+s14], $0x80, s22, s14, $0xb8;
	[tilespmem:$0x1D000] =	vst v63  }
0x4b: {  	_ =	swait.ge [sflag:s18], $0x2800  }
0x4c: {  	[sflag:s18] =	ssyncset.done $0x0  }
0x4d: {  	s22 =	simm.s32 $0x2200;
	[sflag:s18] =	ssyncadd.s32 $0xFFFFD800  }
0x4e: {  	[spmem:s4] =	stream.indirect.scatter.add.f32 [tilespmem:s15], [sflag:$0x3], $0x80, s22, s14, $0xb8;
	[tilespmem:$0x1D000] =	vst v63  }
0x4f: {  	_ =	swait.ge [sflag:s19], $0x2800  }
0x50: {  	[sflag:s19] =	ssyncset.done $0x0  }
0x51: {  	s22 =	simm.s32 $0x300;
	[sflag:s19] =	ssyncadd.s32 $0xFFFFD800  }
0x52: {  	[tilespmem:s15], [sflag:$0x1] =	stream.indirect.gather [hbm4b:s6+s14], $0x80, s22, s14, $0xb8;
	[tilespmem:$0x1D000] =	vst v63  }
0x53: {  	_ =	swait.ge [sflag:s21], $0x2800  }
0x54: {  	[sflag:s21] =	ssyncset.done $0x0  }
0x55: {  	s22 =	simm.s32 $0x2280;
	[sflag:s21] =	ssyncadd.s32 $0xFFFFD800  }
0x56: {  	[spmem:s4] =	stream.indirect.scatter.add.f32 [tilespmem:s17], [sflag:$0x4], $0x80, s22, s14, $0xb8;
	[tilespmem:$0x1D000] =	vst v63  }
0x57: {  	_ =	swait.ge [sflag:s23], $0x2800  }
0x58: {  	[sflag:s23] =	ssyncset.done $0x0  }
0x59: {  	s22 =	simm.s32 $0x380;
	[sflag:s23] =	ssyncadd.s32 $0xFFFFD800  }
0x5a: {  	[tilespmem:s17], [sflag:$0x2] =	stream.indirect.gather [hbm4b:s6+s14], $0x80, s22, s14, $0xb8;
	[tilespmem:$0x1D000] =	vst v63  }
0x5b: {  	_ =	swait.ge [sflag:s18], $0x2800  }
0x5c: {  	[sflag:s18] =	ssyncset.done $0x0  }
0x5d: {  	s22 =	simm.s32 $0x2300;
	[sflag:s18] =	ssyncadd.s32 $0xFFFFD800  }
0x5e: {  	[spmem:s4] =	stream.indirect.scatter.add.f32 [tilespmem:s15], [sflag:$0x3], $0x80, s22, s14, $0xb8;
	[tilespmem:$0x1D000] =	vst v63  }
0x5f: {  	_ =	swait.ge [sflag:s19], $0x2800  }
0x60: {  	[sflag:s19] =	ssyncset.done $0x0  }
0x61: {  	s3 =	simm.s32 $0x400;
	[sflag:s19] =	ssyncadd.s32 $0xFFFFD800  }
0x62: {  	[tilespmem:s15], [sflag:$0x1] =	stream.indirect.gather [hbm4b:s6+s14], $0x80, s3, s14, $0xb8;
	[tilespmem:$0x1D000] =	vst v63  }
0x63: {  	_ =	swait.ge [sflag:s21], $0x2800  }
0x64: {  	[sflag:s21] =	ssyncset.done $0x0  }
0x65: {  	s22 =	simm.s32 $0x2380;
	[sflag:s21] =	ssyncadd.s32 $0xFFFFD800  }
0x66: {  	[spmem:s4] =	stream.indirect.scatter.add.f32 [tilespmem:s17], [sflag:$0x4], $0x80, s22, s14, $0xb8;
	[tilespmem:$0x1D000] =	vst v63  }
0x67: {  	_ =	swait.ge [sflag:s23], $0x2800  }
0x68: {  	[sflag:s23] =	ssyncset.done $0x0  }
0x69: {  	s22 =	simm.s32 $0x480;
	[sflag:s23] =	ssyncadd.s32 $0xFFFFD800  }
0x6a: {  	[tilespmem:s17], [sflag:$0x2] =	stream.indirect.gather [hbm4b:s6+s14], $0x80, s22, s14, $0xb8;
	[tilespmem:$0x1D000] =	vst v63  }
0x6b: {  	_ =	swait.ge [sflag:s18], $0x2800  }
0x6c: {  	[sflag:s18] =	ssyncset.done $0x0  }
0x6d: {  	s22 =	simm.s32 $0x2400;
	[sflag:s18] =	ssyncadd.s32 $0xFFFFD800  }
0x6e: {  	[spmem:s4] =	stream.indirect.scatter.add.f32 [tilespmem:s15], [sflag:$0x3], $0x80, s22, s14, $0xb8;
	[tilespmem:$0x1D000] =	vst v63  }
0x6f: {  	_ =	swait.ge [sflag:s19], $0x2800  }
0x70: {  	[sflag:s19] =	ssyncset.done $0x0  }
0x71: {  	s22 =	simm.s32 $0x500;
	[sflag:s19] =	ssyncadd.s32 $0xFFFFD800  }
0x72: {  	[tilespmem:s15], [sflag:$0x1] =	stream.indirect.gather [hbm4b:s6+s14], $0x80, s22, s14, $0xb8;
	[tilespmem:$0x1D000] =	vst v63  }
0x73: {  	_ =	swait.ge [sflag:s21], $0x2800  }
0x74: {  	[sflag:s21] =	ssyncset.done $0x0  }
0x75: {  	s22 =	simm.s32 $0x2480;
	[sflag:s21] =	ssyncadd.s32 $0xFFFFD800  }
0x76: {  	[spmem:s4] =	stream.indirect.scatter.add.f32 [tilespmem:s17], [sflag:$0x4], $0x80, s22, s14, $0xb8;
	[tilespmem:$0x1D000] =	vst v63  }
0x77: {  	_ =	swait.ge [sflag:s23], $0x2800  }
0x78: {  	[sflag:s23] =	ssyncset.done $0x0  }
0x79: {  	s22 =	simm.s32 $0x580;
	[sflag:s23] =	ssyncadd.s32 $0xFFFFD800  }
0x7a: {  	[tilespmem:s17], [sflag:$0x2] =	stream.indirect.gather [hbm4b:s6+s14], $0x80, s22, s14, $0xb8;
	[tilespmem:$0x1D000] =	vst v63  }
0x7b: {  	_ =	swait.ge [sflag:s18], $0x2800  }
0x7c: {  	[sflag:s18] =	ssyncset.done $0x0  }
0x7d: {  	s22 =	simm.s32 $0x2500;
	[sflag:s18] =	ssyncadd.s32 $0xFFFFD800  }
0x7e: {  	[spmem:s4] =	stream.indirect.scatter.add.f32 [tilespmem:s15], [sflag:$0x3], $0x80, s22, s14, $0xb8;
	[tilespmem:$0x1D000] =	vst v63  }
0x7f: {  	_ =	swait.ge [sflag:s19], $0x2800  }
0x80: {  	[sflag:s19] =	ssyncset.done $0x0  }
0x81: {  	s22 =	simm.s32 $0x600;
	[sflag:s19] =	ssyncadd.s32 $0xFFFFD800  }
0x82: {  	[tilespmem:s15], [sflag:$0x1] =	stream.indirect.gather [hbm4b:s6+s14], $0x80, s22, s14, $0xb8;
	[tilespmem:$0x1D000] =	vst v63  }
0x83: {  	_ =	swait.ge [sflag:s21], $0x2800  }
0x84: {  	[sflag:s21] =	ssyncset.done $0x0  }
0x85: {  	s22 =	simm.s32 $0x2580;
	[sflag:s21] =	ssyncadd.s32 $0xFFFFD800  }
0x86: {  	[spmem:s4] =	stream.indirect.scatter.add.f32 [tilespmem:s17], [sflag:$0x4], $0x80, s22, s14, $0xb8;
	[tilespmem:$0x1D000] =	vst v63  }
0x87: {  	_ =	swait.ge [sflag:s23], $0x2800  }
0x88: {  	[sflag:s23] =	ssyncset.done $0x0  }
0x89: {  	s22 =	simm.s32 $0x680;
	[sflag:s23] =	ssyncadd.s32 $0xFFFFD800  }
0x8a: {  	[tilespmem:s17], [sflag:$0x2] =	stream.indirect.gather [hbm4b:s6+s14], $0x80, s22, s14, $0xb8;
	[tilespmem:$0x1D000] =	vst v63  }
0x8b: {  	_ =	swait.ge [sflag:s18], $0x2800  }
0x8c: {  	[sflag:s18] =	ssyncset.done $0x0  }
0x8d: {  	s22 =	simm.s32 $0x2600;
	[sflag:s18] =	ssyncadd.s32 $0xFFFFD800  }
0x8e: {  	[spmem:s4] =	stream.indirect.scatter.add.f32 [tilespmem:s15], [sflag:$0x3], $0x80, s22, s14, $0xb8;
	[tilespmem:$0x1D000] =	vst v63  }
0x8f: {  	_ =	swait.ge [sflag:s19], $0x2800  }
0x90: {  	[sflag:s19] =	ssyncset.done $0x0  }
0x91: {  	s22 =	simm.s32 $0x700;
	[sflag:s19] =	ssyncadd.s32 $0xFFFFD800  }
0x92: {  	[tilespmem:s15], [sflag:$0x1] =	stream.indirect.gather [hbm4b:s6+s14], $0x80, s22, s14, $0xb8;
	[tilespmem:$0x1D000] =	vst v63  }
0x93: {  	_ =	swait.ge [sflag:s21], $0x2800  }
0x94: {  	[sflag:s21] =	ssyncset.done $0x0  }
0x95: {  	s22 =	simm.s32 $0x2680;
	[sflag:s21] =	ssyncadd.s32 $0xFFFFD800  }
0x96: {  	[spmem:s4] =	stream.indirect.scatter.add.f32 [tilespmem:s17], [sflag:$0x4], $0x80, s22, s14, $0xb8;
	[tilespmem:$0x1D000] =	vst v63  }
0x97: {  	_ =	swait.ge [sflag:s23], $0x2800  }
0x98: {  	[sflag:s23] =	ssyncset.done $0x0  }
0x99: {  	s22 =	simm.s32 $0x780;
	[sflag:s23] =	ssyncadd.s32 $0xFFFFD800  }
0x9a: {  	[tilespmem:s17], [sflag:$0x2] =	stream.indirect.gather [hbm4b:s6+s14], $0x80, s22, s14, $0xb8;
	[tilespmem:$0x1D000] =	vst v63  }
0x9b: {  	_ =	swait.ge [sflag:s18], $0x2800  }
0x9c: {  	[sflag:s18] =	ssyncset.done $0x0  }
0x9d: {  	s22 =	simm.s32 $0x2700;
	[sflag:s18] =	ssyncadd.s32 $0xFFFFD800  }
0x9e: {  	[spmem:s4] =	stream.indirect.scatter.add.f32 [tilespmem:s15], [sflag:$0x3], $0x80, s22, s14, $0xb8;
	[tilespmem:$0x1D000] =	vst v63  }
0x9f: {  	_ =	swait.ge [sflag:s19], $0x2800  }
0xa0: {  	[sflag:s19] =	ssyncset.done $0x0  }
0xa1: {  	s22 =	simm.s32 $0x800;
	[sflag:s19] =	ssyncadd.s32 $0xFFFFD800  }
0xa2: {  	[tilespmem:s15], [sflag:$0x1] =	stream.indirect.gather [hbm4b:s6+s14], $0x80, s22, s14, $0xb8;
	[tilespmem:$0x1D000] =	vst v63  }
0xa3: {  	_ =	swait.ge [sflag:s21], $0x2800  }
0xa4: {  	[sflag:s21] =	ssyncset.done $0x0  }
0xa5: {  	s22 =	simm.s32 $0x2780;
	[sflag:s21] =	ssyncadd.s32 $0xFFFFD800  }
0xa6: {  	[spmem:s4] =	stream.indirect.scatter.add.f32 [tilespmem:s17], [sflag:$0x4], $0x80, s22, s14, $0xb8;
	[tilespmem:$0x1D000] =	vst v63  }
0xa7: {  	_ =	swait.ge [sflag:s23], $0x2800  }
0xa8: {  	[sflag:s23] =	ssyncset.done $0x0  }
0xa9: {  	s22 =	simm.s32 $0x880;
	[sflag:s23] =	ssyncadd.s32 $0xFFFFD800  }
0xaa: {  	[tilespmem:s17], [sflag:$0x2] =	stream.indirect.gather [hbm4b:s6+s14], $0x80, s22, s14, $0xb8;
	[tilespmem:$0x1D000] =	vst v63  }
0xab: {  	_ =	swait.ge [sflag:s18], $0x2800  }
0xac: {  	[sflag:s18] =	ssyncset.done $0x0  }
0xad: {  	s22 =	simm.s32 $0x2800;
	[sflag:s18] =	ssyncadd.s32 $0xFFFFD800  }
0xae: {  	[spmem:s4] =	stream.indirect.scatter.add.f32 [tilespmem:s15], [sflag:$0x3], $0x80, s22, s14, $0xb8;
	[tilespmem:$0x1D000] =	vst v63  }
0xaf: {  	_ =	swait.ge [sflag:s19], $0x2800  }
0xb0: {  	[sflag:s19] =	ssyncset.done $0x0  }
0xb1: {  	s22 =	simm.s32 $0x900;
	[sflag:s19] =	ssyncadd.s32 $0xFFFFD800  }
0xb2: {  	[tilespmem:s15], [sflag:$0x1] =	stream.indirect.gather [hbm4b:s6+s14], $0x80, s22, s14, $0xb8;
	[tilespmem:$0x1D000] =	vst v63  }
0xb3: {  	_ =	swait.ge [sflag:s21], $0x2800  }
0xb4: {  	[sflag:s21] =	ssyncset.done $0x0  }
0xb5: {  	s22 =	simm.s32 $0x2880;
	[sflag:s21] =	ssyncadd.s32 $0xFFFFD800  }
0xb6: {  	[spmem:s4] =	stream.indirect.scatter.add.f32 [tilespmem:s17], [sflag:$0x4], $0x80, s22, s14, $0xb8;
	[tilespmem:$0x1D000] =	vst v63  }
0xb7: {  	_ =	swait.ge [sflag:s23], $0x2800  }
0xb8: {  	[sflag:s23] =	ssyncset.done $0x0  }
0xb9: {  	s22 =	simm.s32 $0x980;
	[sflag:s23] =	ssyncadd.s32 $0xFFFFD800  }
0xba: {  	[tilespmem:s17], [sflag:$0x2] =	stream.indirect.gather [hbm4b:s6+s14], $0x80, s22, s14, $0xb8;
	[tilespmem:$0x1D000] =	vst v63  }
0xbb: {  	_ =	swait.ge [sflag:s18], $0x2800  }
0xbc: {  	[sflag:s18] =	ssyncset.done $0x0  }
0xbd: {  	s22 =	simm.s32 $0x2900;
	[sflag:s18] =	ssyncadd.s32 $0xFFFFD800  }
0xbe: {  	[spmem:s4] =	stream.indirect.scatter.add.f32 [tilespmem:s15], [sflag:$0x3], $0x80, s22, s14, $0xb8;
	[tilespmem:$0x1D000] =	vst v63  }
0xbf: {  	_ =	swait.ge [sflag:s19], $0x2800  }
0xc0: {  	[sflag:s19] =	ssyncset.done $0x0  }
0xc1: {  	s22 =	simm.s32 $0xA00;
	[sflag:s19] =	ssyncadd.s32 $0xFFFFD800  }
0xc2: {  	[tilespmem:s15], [sflag:$0x1] =	stream.indirect.gather [hbm4b:s6+s14], $0x80, s22, s14, $0xb8;
	[tilespmem:$0x1D000] =	vst v63  }
0xc3: {  	_ =	swait.ge [sflag:s21], $0x2800  }
0xc4: {  	[sflag:s21] =	ssyncset.done $0x0  }
0xc5: {  	s22 =	simm.s32 $0x2980;
	[sflag:s21] =	ssyncadd.s32 $0xFFFFD800  }
0xc6: {  	[spmem:s4] =	stream.indirect.scatter.add.f32 [tilespmem:s17], [sflag:$0x4], $0x80, s22, s14, $0xb8;
	[tilespmem:$0x1D000] =	vst v63  }
0xc7: {  	_ =	swait.ge [sflag:s23], $0x2800  }
0xc8: {  	[sflag:s23] =	ssyncset.done $0x0  }
0xc9: {  	s22 =	simm.s32 $0xA80;
	[sflag:s23] =	ssyncadd.s32 $0xFFFFD800  }
0xca: {  	[tilespmem:s17], [sflag:$0x2] =	stream.indirect.gather [hbm4b:s6+s14], $0x80, s22, s14, $0xb8;
	[tilespmem:$0x1D000] =	vst v63  }
0xcb: {  	_ =	swait.ge [sflag:s18], $0x2800  }
0xcc: {  	[sflag:s18] =	ssyncset.done $0x0  }
0xcd: {  	s22 =	simm.s32 $0x2A00;
	[sflag:s18] =	ssyncadd.s32 $0xFFFFD800  }
0xce: {  	[spmem:s4] =	stream.indirect.scatter.add.f32 [tilespmem:s15], [sflag:$0x3], $0x80, s22, s14, $0xb8;
	[tilespmem:$0x1D000] =	vst v63  }
0xcf: {  	_ =	swait.ge [sflag:s19], $0x2800  }
0xd0: {  	[sflag:s19] =	ssyncset.done $0x0  }
0xd1: {  	s22 =	simm.s32 $0xB00;
	[sflag:s19] =	ssyncadd.s32 $0xFFFFD800  }
0xd2: {  	[tilespmem:s15], [sflag:$0x1] =	stream.indirect.gather [hbm4b:s6+s14], $0x80, s22, s14, $0xb8;
	[tilespmem:$0x1D000] =	vst v63  }
0xd3: {  	_ =	swait.ge [sflag:s21], $0x2800  }
0xd4: {  	[sflag:s21] =	ssyncset.done $0x0  }
0xd5: {  	s22 =	simm.s32 $0x2A80;
	[sflag:s21] =	ssyncadd.s32 $0xFFFFD800  }
0xd6: {  	[spmem:s4] =	stream.indirect.scatter.add.f32 [tilespmem:s17], [sflag:$0x4], $0x80, s22, s14, $0xb8;
	[tilespmem:$0x1D000] =	vst v63  }
0xd7: {  	_ =	swait.ge [sflag:s23], $0x2800  }
0xd8: {  	[sflag:s23] =	ssyncset.done $0x0  }
0xd9: {  	s22 =	simm.s32 $0xB80;
	[sflag:s23] =	ssyncadd.s32 $0xFFFFD800  }
0xda: {  	[tilespmem:s17], [sflag:$0x2] =	stream.indirect.gather [hbm4b:s6+s14], $0x80, s22, s14, $0xb8;
	[tilespmem:$0x1D000] =	vst v63  }
0xdb: {  	_ =	swait.ge [sflag:s18], $0x2800  }
0xdc: {  	[sflag:s18] =	ssyncset.done $0x0  }
0xdd: {  	s22 =	simm.s32 $0x2B00;
	[sflag:s18] =	ssyncadd.s32 $0xFFFFD800  }
0xde: {  	[spmem:s4] =	stream.indirect.scatter.add.f32 [tilespmem:s15], [sflag:$0x3], $0x80, s22, s14, $0xb8;
	[tilespmem:$0x1D000] =	vst v63  }
0xdf: {  	_ =	swait.ge [sflag:s19], $0x2800  }
0xe0: {  	[sflag:s19] =	ssyncset.done $0x0  }
0xe1: {  	s22 =	simm.s32 $0xC00;
	[sflag:s19] =	ssyncadd.s32 $0xFFFFD800  }
0xe2: {  	[tilespmem:s15], [sflag:$0x1] =	stream.indirect.gather [hbm4b:s6+s14], $0x80, s22, s14, $0xb8;
	[tilespmem:$0x1D000] =	vst v63  }
0xe3: {  	_ =	swait.ge [sflag:s21], $0x2800  }
0xe4: {  	[sflag:s21] =	ssyncset.done $0x0  }
0xe5: {  	s22 =	simm.s32 $0x2B80;
	[sflag:s21] =	ssyncadd.s32 $0xFFFFD800  }
0xe6: {  	[spmem:s4] =	stream.indirect.scatter.add.f32 [tilespmem:s17], [sflag:$0x4], $0x80, s22, s14, $0xb8;
	[tilespmem:$0x1D000] =	vst v63  }
0xe7: {  	_ =	swait.ge [sflag:s23], $0x2800  }
0xe8: {  	[sflag:s23] =	ssyncset.done $0x0  }
0xe9: {  	s22 =	simm.s32 $0xC80;
	[sflag:s23] =	ssyncadd.s32 $0xFFFFD800  }
0xea: {  	[tilespmem:s17], [sflag:$0x2] =	stream.indirect.gather [hbm4b:s6+s14], $0x80, s22, s14, $0xb8;
	[tilespmem:$0x1D000] =	vst v63  }
0xeb: {  	_ =	swait.ge [sflag:s18], $0x2800  }
0xec: {  	[sflag:s18] =	ssyncset.done $0x0  }
0xed: {  	s22 =	simm.s32 $0x2C00;
	[sflag:s18] =	ssyncadd.s32 $0xFFFFD800  }
0xee: {  	[spmem:s4] =	stream.indirect.scatter.add.f32 [tilespmem:s15], [sflag:$0x3], $0x80, s22, s14, $0xb8;
	[tilespmem:$0x1D000] =	vst v63  }
0xef: {  	_ =	swait.ge [sflag:s19], $0x2800  }
0xf0: {  	[sflag:s19] =	ssyncset.done $0x0  }
0xf1: {  	s22 =	simm.s32 $0xD00;
	[sflag:s19] =	ssyncadd.s32 $0xFFFFD800  }
0xf2: {  	[tilespmem:s15], [sflag:$0x1] =	stream.indirect.gather [hbm4b:s6+s14], $0x80, s22, s14, $0xb8;
	[tilespmem:$0x1D000] =	vst v63  }
0xf3: {  	_ =	swait.ge [sflag:s21], $0x2800  }
0xf4: {  	[sflag:s21] =	ssyncset.done $0x0  }
0xf5: {  	s22 =	simm.s32 $0x2C80;
	[sflag:s21] =	ssyncadd.s32 $0xFFFFD800  }
0xf6: {  	[spmem:s4] =	stream.indirect.scatter.add.f32 [tilespmem:s17], [sflag:$0x4], $0x80, s22, s14, $0xb8;
	[tilespmem:$0x1D000] =	vst v63  }
0xf7: {  	_ =	swait.ge [sflag:s23], $0x2800  }
0xf8: {  	[sflag:s23] =	ssyncset.done $0x0  }
0xf9: {  	s22 =	simm.s32 $0xD80;
	[sflag:s23] =	ssyncadd.s32 $0xFFFFD800  }
0xfa: {  	[tilespmem:s17], [sflag:$0x2] =	stream.indirect.gather [hbm4b:s6+s14], $0x80, s22, s14, $0xb8;
	[tilespmem:$0x1D000] =	vst v63  }
0xfb: {  	_ =	swait.ge [sflag:s18], $0x2800  }
0xfc: {  	[sflag:s18] =	ssyncset.done $0x0  }
0xfd: {  	s22 =	simm.s32 $0x2D00;
	[sflag:s18] =	ssyncadd.s32 $0xFFFFD800  }
0xfe: {  	[spmem:s4] =	stream.indirect.scatter.add.f32 [tilespmem:s15], [sflag:$0x3], $0x80, s22, s14, $0xb8;
	[tilespmem:$0x1D000] =	vst v63  }
0xff: {  	_ =	swait.ge [sflag:s19], $0x2800  }
0x100: {  	[sflag:s19] =	ssyncset.done $0x0  }
0x101: {  	s22 =	simm.s32 $0xE00;
	[sflag:s19] =	ssyncadd.s32 $0xFFFFD800  }
0x102: {  	[tilespmem:s15], [sflag:$0x1] =	stream.indirect.gather [hbm4b:s6+s14], $0x80, s22, s14, $0xb8;
	[tilespmem:$0x1D000] =	vst v63  }
0x103: {  	_ =	swait.ge [sflag:s21], $0x2800  }
0x104: {  	[sflag:s21] =	ssyncset.done $0x0  }
0x105: {  	s22 =	simm.s32 $0x2D80;
	[sflag:s21] =	ssyncadd.s32 $0xFFFFD800  }
0x106: {  	[spmem:s4] =	stream.indirect.scatter.add.f32 [tilespmem:s17], [sflag:$0x4], $0x80, s22, s14, $0xb8;
	[tilespmem:$0x1D000] =	vst v63  }
0x107: {  	_ =	swait.ge [sflag:s23], $0x2800  }
0x108: {  	[sflag:s23] =	ssyncset.done $0x0  }
0x109: {  	s22 =	simm.s32 $0xE80;
	[sflag:s23] =	ssyncadd.s32 $0xFFFFD800  }
0x10a: {  	[tilespmem:s17], [sflag:$0x2] =	stream.indirect.gather [hbm4b:s6+s14], $0x80, s22, s14, $0xb8;
	[tilespmem:$0x1D000] =	vst v63  }
0x10b: {  	_ =	swait.ge [sflag:s18], $0x2800  }
0x10c: {  	[sflag:s18] =	ssyncset.done $0x0  }
0x10d: {  	s22 =	simm.s32 $0x2E00;
	[sflag:s18] =	ssyncadd.s32 $0xFFFFD800  }
0x10e: {  	[spmem:s4] =	stream.indirect.scatter.add.f32 [tilespmem:s15], [sflag:$0x3], $0x80, s22, s14, $0xb8;
	[tilespmem:$0x1D000] =	vst v63  }
0x10f: {  	_ =	swait.ge [sflag:s19], $0x2800  }
0x110: {  	[sflag:s19] =	ssyncset.done $0x0  }
0x111: {  	s22 =	simm.s32 $0xF00;
	[sflag:s19] =	ssyncadd.s32 $0xFFFFD800  }
0x112: {  	[tilespmem:s15], [sflag:$0x1] =	stream.indirect.gather [hbm4b:s6+s14], $0x80, s22, s14, $0xb8;
	[tilespmem:$0x1D000] =	vst v63  }
0x113: {  	_ =	swait.ge [sflag:s21], $0x2800  }
0x114: {  	[sflag:s21] =	ssyncset.done $0x0  }
0x115: {  	s22 =	simm.s32 $0x2E80;
	[sflag:s21] =	ssyncadd.s32 $0xFFFFD800  }
0x116: {  	[spmem:s4] =	stream.indirect.scatter.add.f32 [tilespmem:s17], [sflag:$0x4], $0x80, s22, s14, $0xb8;
	[tilespmem:$0x1D000] =	vst v63  }
0x117: {  	_ =	swait.ge [sflag:s23], $0x2800  }
0x118: {  	[sflag:s23] =	ssyncset.done $0x0  }
0x119: {  	s22 =	simm.s32 $0xF80;
	[sflag:s23] =	ssyncadd.s32 $0xFFFFD800  }
0x11a: {  	[tilespmem:s17], [sflag:$0x2] =	stream.indirect.gather [hbm4b:s6+s14], $0x80, s22, s14, $0xb8;
	[tilespmem:$0x1D000] =	vst v63  }
0x11b: {  	_ =	swait.ge [sflag:s18], $0x2800  }
0x11c: {  	[sflag:s18] =	ssyncset.done $0x0  }
0x11d: {  	s22 =	simm.s32 $0x2F00;
	[sflag:s18] =	ssyncadd.s32 $0xFFFFD800  }
0x11e: {  	[spmem:s4] =	stream.indirect.scatter.add.f32 [tilespmem:s15], [sflag:$0x3], $0x80, s22, s14, $0xb8;
	[tilespmem:$0x1D000] =	vst v63  }
0x11f: {  	_ =	swait.ge [sflag:s19], $0x2800  }
0x120: {  	[sflag:s19] =	ssyncset.done $0x0  }
0x121: {  	s22 =	simm.s32 $0x1000;
	[sflag:s19] =	ssyncadd.s32 $0xFFFFD800  }
0x122: {  	[tilespmem:s15], [sflag:$0x1] =	stream.indirect.gather [hbm4b:s6+s14], $0x80, s22, s14, $0xb8;
	[tilespmem:$0x1D000] =	vst v63  }
0x123: {  	_ =	swait.ge [sflag:s21], $0x2800  }
0x124: {  	[sflag:s21] =	ssyncset.done $0x0  }
0x125: {  	s22 =	simm.s32 $0x2F80;
	[sflag:s21] =	ssyncadd.s32 $0xFFFFD800  }
0x126: {  	[spmem:s4] =	stream.indirect.scatter.add.f32 [tilespmem:s17], [sflag:$0x4], $0x80, s22, s14, $0xb8;
	[tilespmem:$0x1D000] =	vst v63  }
0x127: {  	_ =	swait.ge [sflag:s23], $0x2800  }
0x128: {  	[sflag:s23] =	ssyncset.done $0x0  }
0x129: {  	s22 =	simm.s32 $0x1080;
	[sflag:s23] =	ssyncadd.s32 $0xFFFFD800  }
0x12a: {  	[tilespmem:s17], [sflag:$0x2] =	stream.indirect.gather [hbm4b:s6+s14], $0x80, s22, s14, $0xb8;
	[tilespmem:$0x1D000] =	vst v63  }
0x12b: {  	_ =	swait.ge [sflag:s18], $0x2800  }
0x12c: {  	[sflag:s18] =	ssyncset.done $0x0  }
0x12d: {  	s22 =	simm.s32 $0x3000;
	[sflag:s18] =	ssyncadd.s32 $0xFFFFD800  }
0x12e: {  	[spmem:s4] =	stream.indirect.scatter.add.f32 [tilespmem:s15], [sflag:$0x3], $0x80, s22, s14, $0xb8;
	[tilespmem:$0x1D000] =	vst v63  }
0x12f: {  	_ =	swait.ge [sflag:s19], $0x2800  }
0x130: {  	[sflag:s19] =	ssyncset.done $0x0  }
0x131: {  	s22 =	simm.s32 $0x1100;
	[sflag:s19] =	ssyncadd.s32 $0xFFFFD800  }
0x132: {  	[tilespmem:s15], [sflag:$0x1] =	stream.indirect.gather [hbm4b:s6+s14], $0x80, s22, s14, $0xb8;
	[tilespmem:$0x1D000] =	vst v63  }
0x133: {  	_ =	swait.ge [sflag:s21], $0x2800  }
0x134: {  	[sflag:s21] =	ssyncset.done $0x0  }
0x135: {  	s22 =	simm.s32 $0x3080;
	[sflag:s21] =	ssyncadd.s32 $0xFFFFD800  }
0x136: {  	[spmem:s4] =	stream.indirect.scatter.add.f32 [tilespmem:s17], [sflag:$0x4], $0x80, s22, s14, $0xb8;
	[tilespmem:$0x1D000] =	vst v63  }
0x137: {  	_ =	swait.ge [sflag:s23], $0x2800  }
0x138: {  	[sflag:s23] =	ssyncset.done $0x0  }
0x139: {  	s22 =	simm.s32 $0x1180;
	[sflag:s23] =	ssyncadd.s32 $0xFFFFD800  }
0x13a: {  	[tilespmem:s17], [sflag:$0x2] =	stream.indirect.gather [hbm4b:s6+s14], $0x80, s22, s14, $0xb8;
	[tilespmem:$0x1D000] =	vst v63  }
0x13b: {  	_ =	swait.ge [sflag:s18], $0x2800  }
0x13c: {  	[sflag:s18] =	ssyncset.done $0x0  }
0x13d: {  	s22 =	simm.s32 $0x3100;
	[sflag:s18] =	ssyncadd.s32 $0xFFFFD800  }
0x13e: {  	[spmem:s4] =	stream.indirect.scatter.add.f32 [tilespmem:s15], [sflag:$0x3], $0x80, s22, s14, $0xb8;
	[tilespmem:$0x1D000] =	vst v63  }
0x13f: {  	_ =	swait.ge [sflag:s19], $0x2800  }
0x140: {  	[sflag:s19] =	ssyncset.done $0x0  }
0x141: {  	s22 =	simm.s32 $0x1200;
	[sflag:s19] =	ssyncadd.s32 $0xFFFFD800  }
0x142: {  	[tilespmem:s15], [sflag:$0x1] =	stream.indirect.gather [hbm4b:s6+s14], $0x80, s22, s14, $0xb8;
	[tilespmem:$0x1D000] =	vst v63  }
0x143: {  	_ =	swait.ge [sflag:s21], $0x2800  }
0x144: {  	[sflag:s21] =	ssyncset.done $0x0  }
0x145: {  	s22 =	simm.s32 $0x3180;
	[sflag:s21] =	ssyncadd.s32 $0xFFFFD800  }
0x146: {  	[spmem:s4] =	stream.indirect.scatter.add.f32 [tilespmem:s17], [sflag:$0x4], $0x80, s22, s14, $0xb8;
	[tilespmem:$0x1D000] =	vst v63  }
0x147: {  	_ =	swait.ge [sflag:s23], $0x2800  }
0x148: {  	[sflag:s23] =	ssyncset.done $0x0  }
0x149: {  	s22 =	simm.s32 $0x1280;
	[sflag:s23] =	ssyncadd.s32 $0xFFFFD800  }
0x14a: {  	[tilespmem:s17], [sflag:$0x2] =	stream.indirect.gather [hbm4b:s6+s14], $0x80, s22, s14, $0xb8;
	[tilespmem:$0x1D000] =	vst v63  }
0x14b: {  	_ =	swait.ge [sflag:s18], $0x2800  }
0x14c: {  	[sflag:s18] =	ssyncset.done $0x0  }
0x14d: {  	s22 =	simm.s32 $0x3200;
	[sflag:s18] =	ssyncadd.s32 $0xFFFFD800  }
0x14e: {  	[spmem:s4] =	stream.indirect.scatter.add.f32 [tilespmem:s15], [sflag:$0x3], $0x80, s22, s14, $0xb8;
	[tilespmem:$0x1D000] =	vst v63  }
0x14f: {  	_ =	swait.ge [sflag:s19], $0x2800  }
0x150: {  	[sflag:s19] =	ssyncset.done $0x0  }
0x151: {  	s22 =	simm.s32 $0x1300;
	[sflag:s19] =	ssyncadd.s32 $0xFFFFD800  }
0x152: {  	[tilespmem:s15], [sflag:$0x1] =	stream.indirect.gather [hbm4b:s6+s14], $0x80, s22, s14, $0xb8;
	[tilespmem:$0x1D000] =	vst v63  }
0x153: {  	_ =	swait.ge [sflag:s21], $0x2800  }
0x154: {  	[sflag:s21] =	ssyncset.done $0x0  }
0x155: {  	s22 =	simm.s32 $0x3280;
	[sflag:s21] =	ssyncadd.s32 $0xFFFFD800  }
0x156: {  	[spmem:s4] =	stream.indirect.scatter.add.f32 [tilespmem:s17], [sflag:$0x4], $0x80, s22, s14, $0xb8;
	[tilespmem:$0x1D000] =	vst v63  }
0x157: {  	_ =	swait.ge [sflag:s23], $0x2800  }
0x158: {  	[sflag:s23] =	ssyncset.done $0x0  }
0x159: {  	s22 =	simm.s32 $0x1380;
	[sflag:s23] =	ssyncadd.s32 $0xFFFFD800  }
0x15a: {  	[tilespmem:s17], [sflag:$0x2] =	stream.indirect.gather [hbm4b:s6+s14], $0x80, s22, s14, $0xb8;
	[tilespmem:$0x1D000] =	vst v63  }
0x15b: {  	_ =	swait.ge [sflag:s18], $0x2800  }
0x15c: {  	[sflag:s18] =	ssyncset.done $0x0  }
0x15d: {  	s22 =	simm.s32 $0x3300;
	[sflag:s18] =	ssyncadd.s32 $0xFFFFD800  }
0x15e: {  	[spmem:s4] =	stream.indirect.scatter.add.f32 [tilespmem:s15], [sflag:$0x3], $0x80, s22, s14, $0xb8;
	[tilespmem:$0x1D000] =	vst v63  }
0x15f: {  	_ =	swait.ge [sflag:s19], $0x2800  }
0x160: {  	[sflag:s19] =	ssyncset.done $0x0  }
0x161: {  	s22 =	simm.s32 $0x1400;
	[sflag:s19] =	ssyncadd.s32 $0xFFFFD800  }
0x162: {  	[tilespmem:s15], [sflag:$0x1] =	stream.indirect.gather [hbm4b:s6+s14], $0x80, s22, s14, $0xb8;
	[tilespmem:$0x1D000] =	vst v63  }
0x163: {  	_ =	swait.ge [sflag:s21], $0x2800  }
0x164: {  	[sflag:s21] =	ssyncset.done $0x0  }
0x165: {  	s22 =	simm.s32 $0x3380;
	[sflag:s21] =	ssyncadd.s32 $0xFFFFD800  }
0x166: {  	[spmem:s4] =	stream.indirect.scatter.add.f32 [tilespmem:s17], [sflag:$0x4], $0x80, s22, s14, $0xb8;
	[tilespmem:$0x1D000] =	vst v63  }
0x167: {  	_ =	swait.ge [sflag:s23], $0x2800  }
0x168: {  	[sflag:s23] =	ssyncset.done $0x0  }
0x169: {  	s22 =	simm.s32 $0x1480;
	[sflag:s23] =	ssyncadd.s32 $0xFFFFD800  }
0x16a: {  	[tilespmem:s17], [sflag:$0x2] =	stream.indirect.gather [hbm4b:s6+s14], $0x80, s22, s14, $0xb8;
	[tilespmem:$0x1D000] =	vst v63  }
0x16b: {  	_ =	swait.ge [sflag:s18], $0x2800  }
0x16c: {  	[sflag:s18] =	ssyncset.done $0x0  }
0x16d: {  	s22 =	simm.s32 $0x3400;
	[sflag:s18] =	ssyncadd.s32 $0xFFFFD800  }
0x16e: {  	[spmem:s4] =	stream.indirect.scatter.add.f32 [tilespmem:s15], [sflag:$0x3], $0x80, s22, s14, $0xb8;
	[tilespmem:$0x1D000] =	vst v63  }
0x16f: {  	_ =	swait.ge [sflag:s19], $0x2800  }
0x170: {  	[sflag:s19] =	ssyncset.done $0x0  }
0x171: {  	s22 =	simm.s32 $0x1500;
	[sflag:s19] =	ssyncadd.s32 $0xFFFFD800  }
0x172: {  	[tilespmem:s15], [sflag:$0x1] =	stream.indirect.gather [hbm4b:s6+s14], $0x80, s22, s14, $0xb8;
	[tilespmem:$0x1D000] =	vst v63  }
0x173: {  	_ =	swait.ge [sflag:s21], $0x2800  }
0x174: {  	[sflag:s21] =	ssyncset.done $0x0  }
0x175: {  	s22 =	simm.s32 $0x3480;
	[sflag:s21] =	ssyncadd.s32 $0xFFFFD800  }
0x176: {  	[spmem:s4] =	stream.indirect.scatter.add.f32 [tilespmem:s17], [sflag:$0x4], $0x80, s22, s14, $0xb8;
	[tilespmem:$0x1D000] =	vst v63  }
0x177: {  	_ =	swait.ge [sflag:s23], $0x2800  }
0x178: {  	[sflag:s23] =	ssyncset.done $0x0  }
0x179: {  	s22 =	simm.s32 $0x1580;
	[sflag:s23] =	ssyncadd.s32 $0xFFFFD800  }
0x17a: {  	[tilespmem:s17], [sflag:$0x2] =	stream.indirect.gather [hbm4b:s6+s14], $0x80, s22, s14, $0xb8;
	[tilespmem:$0x1D000] =	vst v63  }
0x17b: {  	_ =	swait.ge [sflag:s18], $0x2800  }
0x17c: {  	[sflag:s18] =	ssyncset.done $0x0  }
0x17d: {  	s22 =	simm.s32 $0x3500;
	[sflag:s18] =	ssyncadd.s32 $0xFFFFD800  }
0x17e: {  	[spmem:s4] =	stream.indirect.scatter.add.f32 [tilespmem:s15], [sflag:$0x3], $0x80, s22, s14, $0xb8;
	[tilespmem:$0x1D000] =	vst v63  }
0x17f: {  	_ =	swait.ge [sflag:s19], $0x2800  }
0x180: {  	[sflag:s19] =	ssyncset.done $0x0  }
0x181: {  	s22 =	simm.s32 $0x1600;
	[sflag:s19] =	ssyncadd.s32 $0xFFFFD800  }
0x182: {  	[tilespmem:s15], [sflag:$0x1] =	stream.indirect.gather [hbm4b:s6+s14], $0x80, s22, s14, $0xb8;
	[tilespmem:$0x1D000] =	vst v63  }
0x183: {  	_ =	swait.ge [sflag:s21], $0x2800  }
0x184: {  	[sflag:s21] =	ssyncset.done $0x0  }
0x185: {  	s22 =	simm.s32 $0x3580;
	[sflag:s21] =	ssyncadd.s32 $0xFFFFD800  }
0x186: {  	[spmem:s4] =	stream.indirect.scatter.add.f32 [tilespmem:s17], [sflag:$0x4], $0x80, s22, s14, $0xb8;
	[tilespmem:$0x1D000] =	vst v63  }
0x187: {  	_ =	swait.ge [sflag:s23], $0x2800  }
0x188: {  	[sflag:s23] =	ssyncset.done $0x0  }
0x189: {  	s22 =	simm.s32 $0x1680;
	[sflag:s23] =	ssyncadd.s32 $0xFFFFD800  }
0x18a: {  	[tilespmem:s17], [sflag:$0x2] =	stream.indirect.gather [hbm4b:s6+s14], $0x80, s22, s14, $0xb8;
	[tilespmem:$0x1D000] =	vst v63  }
0x18b: {  	_ =	swait.ge [sflag:s18], $0x2800  }
0x18c: {  	[sflag:s18] =	ssyncset.done $0x0  }
0x18d: {  	s22 =	simm.s32 $0x3600;
	[sflag:s18] =	ssyncadd.s32 $0xFFFFD800  }
0x18e: {  	[spmem:s4] =	stream.indirect.scatter.add.f32 [tilespmem:s15], [sflag:$0x3], $0x80, s22, s14, $0xb8;
	[tilespmem:$0x1D000] =	vst v63  }
0x18f: {  	_ =	swait.ge [sflag:s19], $0x2800  }
0x190: {  	[sflag:s19] =	ssyncset.done $0x0  }
0x191: {  	s22 =	simm.s32 $0x1700;
	[sflag:s19] =	ssyncadd.s32 $0xFFFFD800  }
0x192: {  	[tilespmem:s15], [sflag:$0x1] =	stream.indirect.gather [hbm4b:s6+s14], $0x80, s22, s14, $0xb8;
	[tilespmem:$0x1D000] =	vst v63  }
0x193: {  	_ =	swait.ge [sflag:s21], $0x2800  }
0x194: {  	[sflag:s21] =	ssyncset.done $0x0  }
0x195: {  	s22 =	simm.s32 $0x3680;
	[sflag:s21] =	ssyncadd.s32 $0xFFFFD800  }
0x196: {  	[spmem:s4] =	stream.indirect.scatter.add.f32 [tilespmem:s17], [sflag:$0x4], $0x80, s22, s14, $0xb8;
	[tilespmem:$0x1D000] =	vst v63  }
0x197: {  	_ =	swait.ge [sflag:s23], $0x2800  }
0x198: {  	[sflag:s23] =	ssyncset.done $0x0  }
0x199: {  	s22 =	simm.s32 $0x1780;
	[sflag:s23] =	ssyncadd.s32 $0xFFFFD800  }
0x19a: {  	[tilespmem:s17], [sflag:$0x2] =	stream.indirect.gather [hbm4b:s6+s14], $0x80, s22, s14, $0xb8;
	[tilespmem:$0x1D000] =	vst v63  }
0x19b: {  	_ =	swait.ge [sflag:s18], $0x2800  }
0x19c: {  	[sflag:s18] =	ssyncset.done $0x0  }
0x19d: {  	s22 =	simm.s32 $0x3700;
	[sflag:s18] =	ssyncadd.s32 $0xFFFFD800  }
0x19e: {  	[spmem:s4] =	stream.indirect.scatter.add.f32 [tilespmem:s15], [sflag:$0x3], $0x80, s22, s14, $0xb8;
	[tilespmem:$0x1D000] =	vst v63  }
0x19f: {  	_ =	swait.ge [sflag:s19], $0x2800  }
0x1a0: {  	[sflag:s19] =	ssyncset.done $0x0  }
0x1a1: {  	s22 =	simm.s32 $0x1800;
	[sflag:s19] =	ssyncadd.s32 $0xFFFFD800  }
0x1a2: {  	[tilespmem:s15], [sflag:$0x1] =	stream.indirect.gather [hbm4b:s6+s14], $0x80, s22, s14, $0xb8;
	[tilespmem:$0x1D000] =	vst v63  }
0x1a3: {  	_ =	swait.ge [sflag:s21], $0x2800  }
0x1a4: {  	[sflag:s21] =	ssyncset.done $0x0  }
0x1a5: {  	s22 =	simm.s32 $0x3780;
	[sflag:s21] =	ssyncadd.s32 $0xFFFFD800  }
0x1a6: {  	[spmem:s4] =	stream.indirect.scatter.add.f32 [tilespmem:s17], [sflag:$0x4], $0x80, s22, s14, $0xb8;
	[tilespmem:$0x1D000] =	vst v63  }
0x1a7: {  	_ =	swait.ge [sflag:s23], $0x2800  }
0x1a8: {  	[sflag:s23] =	ssyncset.done $0x0  }
0x1a9: {  	s22 =	simm.s32 $0x1880;
	[sflag:s23] =	ssyncadd.s32 $0xFFFFD800  }
0x1aa: {  	[tilespmem:s17], [sflag:$0x2] =	stream.indirect.gather [hbm4b:s6+s14], $0x80, s22, s14, $0xb8;
	[tilespmem:$0x1D000] =	vst v63  }
0x1ab: {  	_ =	swait.ge [sflag:s18], $0x2800  }
0x1ac: {  	[sflag:s18] =	ssyncset.done $0x0  }
0x1ad: {  	s22 =	simm.s32 $0x3800;
	[sflag:s18] =	ssyncadd.s32 $0xFFFFD800  }
0x1ae: {  	[spmem:s4] =	stream.indirect.scatter.add.f32 [tilespmem:s15], [sflag:$0x3], $0x80, s22, s14, $0xb8;
	[tilespmem:$0x1D000] =	vst v63  }
0x1af: {  	_ =	swait.ge [sflag:s19], $0x2800  }
0x1b0: {  	[sflag:s19] =	ssyncset.done $0x0  }
0x1b1: {  	s22 =	simm.s32 $0x1900;
	[sflag:s19] =	ssyncadd.s32 $0xFFFFD800  }
0x1b2: {  	[tilespmem:s15], [sflag:$0x1] =	stream.indirect.gather [hbm4b:s6+s14], $0x80, s22, s14, $0xb8;
	[tilespmem:$0x1D000] =	vst v63  }
0x1b3: {  	_ =	swait.ge [sflag:s21], $0x2800  }
0x1b4: {  	[sflag:s21] =	ssyncset.done $0x0  }
0x1b5: {  	s22 =	simm.s32 $0x3880;
	[sflag:s21] =	ssyncadd.s32 $0xFFFFD800  }
0x1b6: {  	[spmem:s4] =	stream.indirect.scatter.add.f32 [tilespmem:s17], [sflag:$0x4], $0x80, s22, s14, $0xb8;
	[tilespmem:$0x1D000] =	vst v63  }
0x1b7: {  	_ =	swait.ge [sflag:s23], $0x2800  }
0x1b8: {  	[sflag:s23] =	ssyncset.done $0x0  }
0x1b9: {  	s22 =	simm.s32 $0x1980;
	[sflag:s23] =	ssyncadd.s32 $0xFFFFD800  }
0x1ba: {  	[tilespmem:s17], [sflag:$0x2] =	stream.indirect.gather [hbm4b:s6+s14], $0x80, s22, s14, $0xb8;
	[tilespmem:$0x1D000] =	vst v63  }
0x1bb: {  	_ =	swait.ge [sflag:s18], $0x2800  }
0x1bc: {  	[sflag:s18] =	ssyncset.done $0x0  }
0x1bd: {  	s22 =	simm.s32 $0x3900;
	[sflag:s18] =	ssyncadd.s32 $0xFFFFD800  }
0x1be: {  	[spmem:s4] =	stream.indirect.scatter.add.f32 [tilespmem:s15], [sflag:$0x3], $0x80, s22, s14, $0xb8;
	[tilespmem:$0x1D000] =	vst v63  }
0x1bf: {  	_ =	swait.ge [sflag:s19], $0x2800  }
0x1c0: {  	[sflag:s19] =	ssyncset.done $0x0  }
0x1c1: {  	s22 =	simm.s32 $0x1A00;
	[sflag:s19] =	ssyncadd.s32 $0xFFFFD800  }
0x1c2: {  	[tilespmem:s15], [sflag:$0x1] =	stream.indirect.gather [hbm4b:s6+s14], $0x80, s22, s14, $0xb8;
	[tilespmem:$0x1D000] =	vst v63  }
0x1c3: {  	_ =	swait.ge [sflag:s21], $0x2800  }
0x1c4: {  	[sflag:s21] =	ssyncset.done $0x0  }
0x1c5: {  	s22 =	simm.s32 $0x3980;
	[sflag:s21] =	ssyncadd.s32 $0xFFFFD800  }
0x1c6: {  	[spmem:s4] =	stream.indirect.scatter.add.f32 [tilespmem:s17], [sflag:$0x4], $0x80, s22, s14, $0xb8;
	[tilespmem:$0x1D000] =	vst v63  }
0x1c7: {  	_ =	swait.ge [sflag:s23], $0x2800  }
0x1c8: {  	[sflag:s23] =	ssyncset.done $0x0  }
0x1c9: {  	s22 =	simm.s32 $0x1A80;
	[sflag:s23] =	ssyncadd.s32 $0xFFFFD800  }
0x1ca: {  	[tilespmem:s17], [sflag:$0x2] =	stream.indirect.gather [hbm4b:s6+s14], $0x80, s22, s14, $0xb8;
	[tilespmem:$0x1D000] =	vst v63  }
0x1cb: {  	_ =	swait.ge [sflag:s18], $0x2800  }
0x1cc: {  	[sflag:s18] =	ssyncset.done $0x0  }
0x1cd: {  	s22 =	simm.s32 $0x3A00;
	[sflag:s18] =	ssyncadd.s32 $0xFFFFD800  }
0x1ce: {  	[spmem:s4] =	stream.indirect.scatter.add.f32 [tilespmem:s15], [sflag:$0x3], $0x80, s22, s14, $0xb8;
	[tilespmem:$0x1D000] =	vst v63  }
0x1cf: {  	_ =	swait.ge [sflag:s19], $0x2800  }
0x1d0: {  	[sflag:s19] =	ssyncset.done $0x0  }
0x1d1: {  	s22 =	simm.s32 $0x1B00;
	[sflag:s19] =	ssyncadd.s32 $0xFFFFD800  }
0x1d2: {  	[tilespmem:s15], [sflag:$0x1] =	stream.indirect.gather [hbm4b:s6+s14], $0x80, s22, s14, $0xb8;
	[tilespmem:$0x1D000] =	vst v63  }
0x1d3: {  	_ =	swait.ge [sflag:s21], $0x2800  }
0x1d4: {  	[sflag:s21] =	ssyncset.done $0x0  }
0x1d5: {  	s22 =	simm.s32 $0x3A80;
	[sflag:s21] =	ssyncadd.s32 $0xFFFFD800  }
0x1d6: {  	[spmem:s4] =	stream.indirect.scatter.add.f32 [tilespmem:s17], [sflag:$0x4], $0x80, s22, s14, $0xb8;
	[tilespmem:$0x1D000] =	vst v63  }
0x1d7: {  	_ =	swait.ge [sflag:s23], $0x2800  }
0x1d8: {  	[sflag:s23] =	ssyncset.done $0x0  }
0x1d9: {  	s22 =	simm.s32 $0x1B80;
	[sflag:s23] =	ssyncadd.s32 $0xFFFFD800  }
0x1da: {  	[tilespmem:s17], [sflag:$0x2] =	stream.indirect.gather [hbm4b:s6+s14], $0x80, s22, s14, $0xb8;
	[tilespmem:$0x1D000] =	vst v63  }
0x1db: {  	_ =	swait.ge [sflag:s18], $0x2800  }
0x1dc: {  	[sflag:s18] =	ssyncset.done $0x0  }
0x1dd: {  	s22 =	simm.s32 $0x3B00;
	[sflag:s18] =	ssyncadd.s32 $0xFFFFD800  }
0x1de: {  	[spmem:s4] =	stream.indirect.scatter.add.f32 [tilespmem:s15], [sflag:$0x3], $0x80, s22, s14, $0xb8;
	[tilespmem:$0x1D000] =	vst v63  }
0x1df: {  	_ =	swait.ge [sflag:s19], $0x2800  }
0x1e0: {  	[sflag:s19] =	ssyncset.done $0x0  }
0x1e1: {  	s22 =	simm.s32 $0x1C00;
	[sflag:s19] =	ssyncadd.s32 $0xFFFFD800  }
0x1e2: {  	[tilespmem:s15], [sflag:$0x1] =	stream.indirect.gather [hbm4b:s6+s14], $0x80, s22, s14, $0xb8;
	[tilespmem:$0x1D000] =	vst v63  }
0x1e3: {  	_ =	swait.ge [sflag:s21], $0x2800  }
0x1e4: {  	[sflag:s21] =	ssyncset.done $0x0  }
0x1e5: {  	s22 =	simm.s32 $0x3B80;
	[sflag:s21] =	ssyncadd.s32 $0xFFFFD800  }
0x1e6: {  	[spmem:s4] =	stream.indirect.scatter.add.f32 [tilespmem:s17], [sflag:$0x4], $0x80, s22, s14, $0xb8;
	[tilespmem:$0x1D000] =	vst v63  }
0x1e7: {  	_ =	swait.ge [sflag:s23], $0x2800  }
0x1e8: {  	[sflag:s23] =	ssyncset.done $0x0  }
0x1e9: {  	s22 =	simm.s32 $0x1C80;
	[sflag:s23] =	ssyncadd.s32 $0xFFFFD800  }
0x1ea: {  	[tilespmem:s17], [sflag:$0x2] =	stream.indirect.gather [hbm4b:s6+s14], $0x80, s22, s14, $0xb8;
	[tilespmem:$0x1D000] =	vst v63  }
0x1eb: {  	_ =	swait.ge [sflag:s18], $0x2800  }
0x1ec: {  	[sflag:s18] =	ssyncset.done $0x0  }
0x1ed: {  	[sflag:s18] =	ssyncadd.s32 $0xFFFFD800  }
0x1ee: {  	[spmem:s4] =	stream.indirect.scatter.add.f32 [tilespmem:s15], [sflag:$0x3], $0x80, s2, s14, $0xb8;
	[tilespmem:$0x1D000] =	vst v63  }
0x1ef: {  	_ =	swait.ge [sflag:s19], $0x2800  }
0x1f0: {  	[sflag:s19] =	ssyncset.done $0x0  }
0x1f1: {  	[sflag:s19] =	ssyncadd.s32 $0xFFFFD800  }
0x1f2: {  	[tilespmem:s15], [sflag:$0x1] =	stream.indirect.gather [hbm4b:s6+s14], $0x80, s25, s14, $0xb8;
	[tilespmem:$0x1D000] =	vst v63  }
0x1f3: {  	_ =	swait.ge [sflag:s21], $0x2800  }
0x1f4: {  	[sflag:s21] =	ssyncset.done $0x0  }
0x1f5: {  	[sflag:s21] =	ssyncadd.s32 $0xFFFFD800  }
0x1f6: {  	[spmem:s4] =	stream.indirect.scatter.add.f32 [tilespmem:s17], [sflag:$0x4], $0x80, s26, s14, $0xb8;
	[tilespmem:$0x1D000] =	vst v63  }
0x1f7: {  	_ =	swait.ge [sflag:s23], $0x2800  }
0x1f8: {  	[sflag:s23] =	ssyncset.done $0x0  }
0x1f9: {  	[sflag:s23] =	ssyncadd.s32 $0xFFFFD800  }
0x1fa: {  	[tilespmem:s17], [sflag:$0x2] =	stream.indirect.gather [hbm4b:s6+s14], $0x80, s28, s14, $0xb8;
	[tilespmem:$0x1D000] =	vst v63  }
0x1fb: {  	_ =	swait.ge [sflag:s18], $0x2800  }
0x1fc: {  	[sflag:s18] =	ssyncset.done $0x0  }
0x1fd: {  	[sflag:s18] =	ssyncadd.s32 $0xFFFFD800  }
0x1fe: {  	[spmem:s4] =	stream.indirect.scatter.add.f32 [tilespmem:s15], [sflag:$0x3], $0x80, s29, s14, $0xb8;
	[tilespmem:$0x1D000] =	vst v63  }
0x1ff: {  	_ =	swait.ge [sflag:s19], $0x2800  }
0x200: {  	[sflag:s19] =	ssyncset.done $0x0  }
0x201: {  	[sflag:s19] =	ssyncadd.s32 $0xFFFFD800  }
0x202: {  	[tilespmem:s15], [sflag:$0x1] =	stream.indirect.gather [hbm4b:s6+s14], $0x80, s30, s14, $0xb8;
	[tilespmem:$0x1D000] =	vst v63  }
0x203: {  	_ =	swait.ge [sflag:s21], $0x2800  }
0x204: {  	[sflag:s21] =	ssyncset.done $0x0  }
0x205: {  	[sflag:s21] =	ssyncadd.s32 $0xFFFFD800  }
0x206: {  	[spmem:s4] =	stream.indirect.scatter.add.f32 [tilespmem:s17], [sflag:$0x4], $0x80, s31, s14, $0xb8;
	[tilespmem:$0x1D000] =	vst v63  }
0x207: {  	_ =	swait.ge [sflag:s23], $0x2800  }
0x208: {  	[sflag:s23] =	ssyncset.done $0x0  }
0x209: {  	[sflag:s23] =	ssyncadd.s32 $0xFFFFD800  }
0x20a: {  	[tilespmem:s17], [sflag:$0x2] =	stream.indirect.gather [hbm4b:s6+s14], $0x80, s0, s14, $0xb8;
	[tilespmem:$0x1D000] =	vst v63  }
0x20b: {  	_ =	swait.ge [sflag:s18], $0x2800  }
0x20c: {  	[sflag:s18] =	ssyncset.done $0x0  }
0x20d: {  	[sflag:s18] =	ssyncadd.s32 $0xFFFFD800  }
0x20e: {  	[spmem:s4] =	stream.indirect.scatter.add.f32 [tilespmem:s15], [sflag:$0x3], $0x80, s1, s14, $0xb8;
	[tilespmem:$0x1D000] =	vst v63  }
0x20f: {  	_ =	swait.ge [sflag:s19], $0x2800  }
0x210: {  	[sflag:s19] =	ssyncset.done $0x0  }
0x211: {  	[sflag:s19] =	ssyncadd.s32 $0xFFFFD800  }
0x212: {  	[tilespmem:s15], [sflag:$0x1] =	stream.indirect.gather [hbm4b:s6+s14], $0x80, s7, s14, $0xb8;
	[tilespmem:$0x1D000] =	vst v63  }
0x213: {  	_ =	swait.ge [sflag:s21], $0x2800  }
0x214: {  	[sflag:s21] =	ssyncset.done $0x0  }
0x215: {  	[sflag:s21] =	ssyncadd.s32 $0xFFFFD800  }
0x216: {  	[spmem:s4] =	stream.indirect.scatter.add.f32 [tilespmem:s17], [sflag:$0x4], $0x80, s10, s14, $0xb8;
	[tilespmem:$0x1D000] =	vst v63  }
0x217: {  	_ =	swait.ge [sflag:s23], $0x2800  }
0x218: {  	[sflag:s23] =	ssyncset.done $0x0  }
0x219: {  	[sflag:s23] =	ssyncadd.s32 $0xFFFFD800  }
0x21a: {  	[tilespmem:s17], [sflag:$0x2] =	stream.indirect.gather [hbm4b:s6+s14], $0x80, s24, s14, $0xb8;
	[tilespmem:$0x1D000] =	vst v63  }
0x21b: {  	_ =	swait.ge [sflag:s18], $0x2800  }
0x21c: {  	[sflag:s18] =	ssyncset.done $0x0  }
0x21d: {  	[sflag:s18] =	ssyncadd.s32 $0xFFFFD800  }
0x21e: {  	[spmem:s4] =	stream.indirect.scatter.add.f32 [tilespmem:s15], [sflag:$0x3], $0x80, s8, s14, $0xb8;
	[tilespmem:$0x1D000] =	vst v63  }
0x21f: {  	_ =	swait.ge [sflag:s21], $0x2800  }
0x220: {  	[sflag:s21] =	ssyncset.done $0x0  }
0x221: {  	[sflag:s21] =	ssyncadd.s32 $0xFFFFD800  }
0x222: {  	[spmem:s4] =	stream.indirect.scatter.add.f32 [tilespmem:s17], [sflag:$0x4], $0x80, s11, s14, $0xb8;
	[tilespmem:$0x1D000] =	vst v63  }
0x223: {  	p1 =	por p0, p0;
	_ =	swait.ge [sflag:s19], $0x2800  }
.Ltmp0:
0x224: {  	[sflag:s19] =	ssyncset.done $0x0;
	(pc) =	sbr.rel @p1 .LBB2_2-.Ltmp0, $4  }
0x225: {  	[sflag:s19] =	ssyncadd.s32 $0xFFFFD800  }
0x226: {  	_ =	swait.ge [sflag:s23], $0x2800  }
0x227: {  	[sflag:s23] =	ssyncset.done $0x0  }
0x228: {  	p0 =	por $0x0, $0x0;
	[sflag:s23] =	ssyncadd.s32 $0xFFFFD800  }
0x229: {  	[bflag:$0x0] =	sbarrier.arrive $0xFFFF  }
0x22a: {  	s22 =	rddreg [dreg:$0x6]  }
0x22b: {  	s25 =	rddreg [dreg:$0x8]  }
0x22c: {  	s3 =	rddreg [dreg:$0x9]  }
0x22d: {  	[hbm:s3], [sflag:s22] =	dma.local [spmem:s25], $0x2800  }
0x22e: {  	_ =	swait.ge [sflag:s12], $0x2800  }
0x22f: {  	s0 =	rddreg [dreg:$0xa]  }
0x230: {  	s3 =	rddreg [dreg:$0x7];
	s0 =	sadd.s32 $0x1, s0  }
0x231: {  	p0 =	sne.s32 s0, s3  }
.Ltmp1:
0x232: {  	_ = 	snop;
	(pc) =	sbr.rel @p0 .LBB2_1-.Ltmp1, $3  }
0x233: {  	_ =	sdelay $0x1  }
0x234: {  	[sflag:s12] =	ssyncset.done $0x0  }
0x235: {  	[sflag:s12] =	ssyncadd.s32 $0xFFFFD800  }
0x236: {  	_ =	sfence.sel $0x180000  }
0x237: {  	[bflag:$0x0] =	sbarrier.arrive $0xFFFF  }
0x238: {  	_ =	strace $0x9000004A  }
0x239: {  	s0 =	stileid.u32;
	[bflag:$0x2] =	sbarrier.arrive $0xFFFF  }
0x23a: {  	p0 =	sne.s32 s0, $0x0;
	s0 =	rddreg [dreg:$0x4]  }
0x23b: {  	s0 =	sadd.s32 @!p0 $0x100000, s0  }
0x23c: {  	[sflag:s0] =	ssyncadd.tile.s32 @!p0 $0x1;
	_ =	shalt  }
.Lfunc_end2:
_tile_overlayer_lowered:
.L_overlay_start_2:
0x23d: {  	(tag) =	ssettag $0x2  }
0x23e: {  	s0 =	rddreg [dreg:$0x0];
	s2 =	stileid.u32  }
0x23f: {  	s1 =	rddreg [dreg:$0x1];
	p0 =	sne.s32 s2, $0x0  }
0x240: {  	s3 =	rddreg [dreg:$0x2];
	[bflag:$0x3] =	sbarrier.arrive $0xFFFF;
	s2 =	simm.s32 @!p0 $0x1C05  }
0x241: {  	[timem:s3], [sflag:s2] =	dma.local @!p0 [hbm:s0], s1  }
0x242: {  	s0 =	simm.s32 @!p0 $0x5  }
0x243: {  	_ =	swait.ge @!p0 [sflag:s0], s1  }
0x244: {  	s1 =	ssub.s32 @!p0 $0x0, s1;
	[sflag:s0] =	ssyncset.done @!p0 $0x0  }
0x245: {  	[sflag:s0] =	ssyncadd.s32 @!p0 s1  }
0x246: {  	[bflag:$0x3] =	sbarrier.arrive $0xFFFF  }
0x247: {  	_ =	shalt  }

// kernel: kernel.6.cloned.1.call-start
scs
__scs_entry_jumppad:
0x0: {  	(pc) =	sbr.rel $0x88, $3  }
0x1: {  	(tag) =	ssettag $0x0;
	lr =	simm.s32 $0x1  }
0x2: {  	[smem:$0x3F99] =	sst lr;
	_ =	strace $0xD0000000  }
0x3: {  	_ = 	snop  }
0x4: {  	_ = 	snop  }
0x5: {  	_ = 	snop  }
0x6: {  	_ = 	snop  }
0x7: {  	_ = 	snop  }
__scs_overlays_trampoline_lowered:
0x8: {  	[smem:$0x3FA8] =	sst s0  }
0x9: {  	[smem:$0x3FA9] =	sst s1  }
0xa: {  	[smem:$0x3FAA] =	sst s2  }
0xb: {  	[smem:$0x3FAB] =	sst s3  }
0xc: {  	[smem:$0x3FAC] =	sst s4  }
0xd: {  	[smem:$0x3FAD] =	sst s5  }
0xe: {  	[smem:$0x3FAE] =	sst s6  }
0xf: {  	[smem:$0x3FAF] =	sst s7  }
0x10: {  	[smem:$0x3FB0] =	sst s8  }
0x11: {  	[smem:$0x3FB1] =	sst s9;
	s0 =	simm.s32 @!p0 $0x0  }
0x12: {  	s1 =	sld [smem:$0x3F97];
	s0 =	simm.s32 @p0 $0x1  }
0x13: {  	[smem:$0x3FB2] =	sst s0;
	s0 =	simm.s32 @!p1 $0x0  }
0x14: {  	s2 =	sld [smem:$0x3F96];
	s0 =	simm.s32 @p1 $0x1  }
0x15: {  	[smem:$0x3FB3] =	sst s0;
	s0 =	simm.s32 @!p2 $0x0  }
0x16: {  	s3 =	sld [smem:$0x3FDB];
	s0 =	simm.s32 @p2 $0x1  }
0x17: {  	s4 =	simm.s32 $0x1BF5;
	[smem:$0x3FB5] =	sst s0  }
0x18: {  	s0 =	sld [smem:$0x3F98];
	_ =	swait.ge [sflag:s4], $0x0  }
0x19: {  	s7 =	sld [smem:$0x3F99]  }
0x1a: {  	s8 =	sadd.s32 $0xFFFFE003, lr  }
0x1b: {  	s9 =	sadd.s32 $0xFFFFFEF7, lr;
	s5 =	simm.s32 $0xFFFFFFFF;
	p2 =	slt.u32 s8, $0xFFFFF086  }
0x1c: {  	p1 =	slt.u32 s9, $0xF7A;
	s5 =	simm.s32 @!p2 $0x0  }
0x1d: {  	s5 =	simm.s32 @p1 $0x1;
	p0 =	seq.s32 s7, s2  }
0x1e: {  	s7 =	smul.u32 @!p0 $0xF7A, s2;
	p2 =	seq.s32 @!p0 s5, $0x0  }
0x1f: {  	s9 =	smul.u32 $0xF7A, s1;
	s8 =	simm.s32 @!p0 $0x1BF5;
	p2 =	por !p2, p0  }
0x20: {  	[sflag:s8] =	ssyncset.s32 @!p0 $0xFFFFF086;
	s6 =	sadd.s32 @!p0 s3, s7;
	s7 =	simm.s32 @!p0 $0x108  }
0x21: {  	s3 =	sadd.s32 s3, s9;
	s6 =	sadd.s32 @!p0 $0x88, s6;
	s7 =	simm.s32 @p2 $0x1082  }
0x22: {  	[simem:s7], [sflag:s8] =	dma.local @!p0 [hbm:s6], $0xF7A  }
0x23: {  	s9 =	sor.u32 $0xD0000000, s2;
	s6 =	simm.s32 $0x108;
	_ =	swait.ge @!p0 [sflag:s8], $0x0  }
0x24: {  	s3 =	sadd.s32 $0x88, s3;
	s6 =	simm.s32 @!p1 $0x1082;
	[sflag:s4] =	ssyncset.s32 $0xFFFFF086  }
0x25: {  	[simem:s6], [sflag:s4] =	dma.local [hbm:s3], $0xF7A  }
0x26: {  	[smem:$0x3F99] =	sst s1;
	(tag) =	ssettag s2;
	_ =	strace s9  }
0x27: {  	s1 =	sld [smem:$0x3FA9]  }
0x28: {  	s2 =	sld [smem:$0x3FAA]  }
0x29: {  	s4 =	sld [smem:$0x3FAC]  }
0x2a: {  	p0 =	seq.s32 s5, $0x0;
	s5 =	sld [smem:$0x3FAD]  }
0x2b: {  	s6 =	sld [smem:$0x3FAE]  }
0x2c: {  	s7 =	sld [smem:$0x3FAF]  }
0x2d: {  	s3 =	simm.s32 $0x108;
	s8 =	sld [smem:$0x3FB0]  }
0x2e: {  	s3 =	simm.s32 @!p0 $0x1082;
	s9 =	sld [smem:$0x3FB1]  }
0x2f: {  	lr =	sadd.s32 s0, s3;
	s0 =	sld [smem:$0x3FA8]  }
0x30: {  	s3 =	sld [smem:$0x3FAB]  }
0x31: {  	[smem:$0x3FB4] =	sst s10  }
0x32: {  	s10 =	sld [smem:$0x3FB2];
	_ =	sdelay $0x3  }
0x33: {  	p0 =	seq.s32 s10, $0x1;
	s10 =	sld [smem:$0x3FB4];
	_ =	sdelay $0x3  }
0x34: {  	[smem:$0x3FB4] =	sst s10  }
0x35: {  	s10 =	sld [smem:$0x3FB3];
	_ =	sdelay $0x3  }
0x36: {  	p1 =	seq.s32 s10, $0x1;
	s10 =	sld [smem:$0x3FB4];
	_ =	sdelay $0x3  }
0x37: {  	[smem:$0x3FB4] =	sst s10  }
0x38: {  	s10 =	sld [smem:$0x3FB5]  }
0x39: {  	_ = 	snop;
	(pc) =	sbr.ind lr, $3  }
0x3a: {  	_ = 	snop  }
0x3b: {  	_ = 	snop  }
0x3c: {  	p2 =	seq.s32 s10, $0x1;
	s10 =	sld [smem:$0x3FB4]  }
0x3d: {  	_ =	shalt  }
0x3e: {  	_ =	shalt  }
0x3f: {  	_ =	shalt  }
0x40: {  	_ =	shalt  }
0x41: {  	_ =	shalt  }
0x42: {  	_ =	shalt  }
0x43: {  	_ =	shalt  }
0x44: {  	_ =	shalt  }
0x45: {  	_ =	shalt  }
0x46: {  	_ =	shalt  }
0x47: {  	_ =	shalt  }
0x48: {  	_ =	shalt  }
0x49: {  	_ =	shalt  }
0x4a: {  	_ =	shalt  }
0x4b: {  	_ =	shalt  }
0x4c: {  	_ =	shalt  }
0x4d: {  	_ =	shalt  }
0x4e: {  	_ =	shalt  }
0x4f: {  	_ =	shalt  }
0x50: {  	_ =	shalt  }
0x51: {  	_ =	shalt  }
0x52: {  	_ =	shalt  }
0x53: {  	_ =	shalt  }
0x54: {  	_ =	shalt  }
0x55: {  	_ =	shalt  }
0x56: {  	_ =	shalt  }
0x57: {  	_ =	shalt  }
0x58: {  	_ =	shalt  }
0x59: {  	_ =	shalt  }
0x5a: {  	_ =	shalt  }
0x5b: {  	_ =	shalt  }
0x5c: {  	_ =	shalt  }
0x5d: {  	_ =	shalt  }
0x5e: {  	_ =	shalt  }
0x5f: {  	_ =	shalt  }
0x60: {  	_ =	shalt  }
0x61: {  	_ =	shalt  }
0x62: {  	_ =	shalt  }
0x63: {  	_ =	shalt  }
0x64: {  	_ =	shalt  }
0x65: {  	_ =	shalt  }
0x66: {  	_ =	shalt  }
0x67: {  	_ =	shalt  }
0x68: {  	_ =	shalt  }
0x69: {  	_ =	shalt  }
0x6a: {  	_ =	shalt  }
0x6b: {  	_ =	shalt  }
0x6c: {  	_ =	shalt  }
0x6d: {  	_ =	shalt  }
0x6e: {  	_ =	shalt  }
0x6f: {  	_ =	shalt  }
0x70: {  	_ =	shalt  }
0x71: {  	_ =	shalt  }
0x72: {  	_ =	shalt  }
0x73: {  	_ =	shalt  }
0x74: {  	_ =	shalt  }
0x75: {  	_ =	shalt  }
0x76: {  	_ =	shalt  }
0x77: {  	_ =	shalt  }
0x78: {  	_ =	shalt  }
0x79: {  	_ =	shalt  }
0x7a: {  	_ =	shalt  }
0x7b: {  	_ =	shalt  }
0x7c: {  	_ =	shalt  }
0x7d: {  	_ =	shalt  }
0x7e: {  	_ =	shalt  }
0x7f: {  	_ =	shalt  }
0x80: {  	_ =	shalt  }
0x81: {  	_ =	shalt  }
0x82: {  	_ =	shalt  }
0x83: {  	_ =	shalt  }
0x84: {  	_ =	shalt  }
0x85: {  	_ =	shalt  }
0x86: {  	_ =	shalt  }
0x87: {  	_ =	shalt  }
.Lfunc_end0:
.L_simem_size_0:
called_computation.1_lowered:
.L_overlay_start_0:
0x88: {  	s2 =	sld [smem:$0x3FD9]  }
0x89: {  	s3 =	sld [smem:$0x3FFE];
	_ =	sdelay $0x1  }
0x8a: {  	s1 =	srdreg.scid  }
0x8b: {  	s0 =	sand.u32 $0x1, s1  }
0x8c: {  	s15 =	sshll.u32 s0, $0xA;
	s2 =	sadd.s32 s3, s2  }
0x8d: {  	s2 =	sadd.s32 s2, s15  }
0x8e: {  	[smem:$0x3FC0] =	sst s2  }
0x8f: {  	_ = 	snop  }
0x90: {  	s2 =	sld [smem:$0x3FD0];
	_ =	sdelay $0x2  }
0x91: {  	s16 =	simm.s32 $0xA;
	s4 =	simm.s32 $0x10  }
0x92: {  	[smem:s4], [sflag:s16] =	dma.local [hbm:s2], $0x1  }
0x93: {  	_ =	swait.eq [sflag:s16], $0x1  }
0x94: {  	[sflag:s16] =	ssyncset.done $0x0  }
0x95: {  	s17 =	sld [smem:$0x10];
	[sflag:s16] =	ssyncadd.s32 $0xFFFFFFFF  }
0x96: {  	s18 =	sld [smem:$0x11];
	(tm) =	ssettm $0x1  }
0x97: {  	s19 =	sld [smem:$0x3FFB];
	_ =	sdelay $0x3  }
0x98: {  	_ =	strace s19  }
0x99: {  	s4 =	sld [smem:$0x3FFC];
	_ =	sdelay $0x3  }
0x9a: {  	_ =	strace s4  }
0x9b: {  	s4 =	sld [smem:$0x3FFD];
	_ =	sdelay $0x3  }
0x9c: {  	_ =	strace s4  }
0x9d: {  	_ =	strace $0x8FFFFFFF  }
0x9e: {  	s20 =	sld [smem:$0x3FDB];
	_ =	sdelay $0x1  }
0x9f: {  	s5 =	simm.s32 $_scs_section_size  }
0xa0: {  	s6 =	simm.s32 $_size__tile_overlayer_lowered;
	s7 =	simm.s32 $_tile_overlayer_lowered  }
0xa1: {  	s23 =	simm.s32 $0x1BFF;
	s22 =	sshll.u32 s7, $0x1;
	s4 =	sadd.s32 s5, s20  }
0xa2: {  	s8 =	simm.s32 $0x0;
	s21 =	sshll.u32 s6, $0x1;
	s6 =	sadd.s32 s22, s4  }
0xa3: {  	[timem:s8], [sflag:s23] =	dma.local [hbm:s6], s21  }
0xa4: {  	_ =	swait.ge [sflag:s23], s21  }
0xa5: {  	s5 =	ssub.s32 $0x0, s21;
	[sflag:s23] =	ssyncset.done $0x0  }
0xa6: {  	[sflag:s23] =	ssyncadd.s32 s5;
	_ =	sdelay $0x1  }
0xa7: {  	s24 =	simm.s32 $0x1B8B  }
0xa8: {  	_ =	swait.ge [sflag:s24], $0x1  }
0xa9: {  	[sflag:s24] =	ssyncset.done $0x0  }
0xaa: {  	s25 =	simm.s32 $0x1B8E;
	[sflag:s24] =	ssyncadd.s32 $0xFFFFFFFF  }
0xab: {  	s26 =	simm.s32 $execute0_lowered;
	[smem:$0x3FD2] =	sst s25  }
0xac: {  	s5 =	sshll.u32 s26, $0x1;
	_ =	strace $0x80000046;
	[dreg:$0x1] =	wrdreg $0xFFFFFFFF  }
0xad: {  	s28 =	simm.s32 $_size_execute0_lowered;
	s4 =	sadd.s32 s4, s5;
	[dreg:$0x0] =	wrdreg $0x0  }
0xae: {  	s5 =	sshll.u32 s28, $0x1;
	[dreg:$0x2] =	wrdreg s4  }
0xaf: {  	[dreg:$0x3] =	wrdreg s5  }
0xb0: {  	[dreg:$0x4] =	wrdreg $0xC0  }
0xb1: {  	_ =	task [dreg:s8], $0x5FFFF  }
0xb2: {  	[dreg:$0x1] =	wrdreg $0xFFFFFFFF  }
0xb3: {  	[dreg:$0x0] =	wrdreg $0x60  }
0xb4: {  	[dreg:$0x2] =	wrdreg s18  }
0xb5: {  	[dreg:$0x3] =	wrdreg s17  }
0xb6: {  	[dreg:$0x4] =	wrdreg $0x0  }
0xb7: {  	[dreg:$0x5] =	wrdreg $0x9  }
0xb8: {  	_ =	task.clear_ibuf [dreg:s8], $0x6FFFF;
	_ =	strace $0x90000046  }
0xb9: {  	s29 =	simm.s32 $0x9;
	_ =	strace $0x80000048  }
0xba: {  	_ =	swait.ge [sflag:s29], $0x1  }
0xbb: {  	[sflag:s29] =	ssyncadd.s32 $0xFFFFFFFF  }
0xbc: {  	_ =	strace $0x90000048  }
0xbd: {  	_ =	sfence  }
0xbe: {  	s30 =	sld [smem:$0x0];
	_ =	sdelay $0x2  }
0xbf: {  	s31 =	sshll.u32 s1, $0xD;
	s1 =	sshrl.u32 s1, $0x2  }
0xc0: {  	s3 =	sand.u32 $0x4000, s31;
	s1 =	sadd.s32 s1, s30  }
0xc1: {  	s0 =	sor.u32 s3, s0;
	s1 =	sshll.u32 s1, $0x11  }
0xc2: {  	s0 =	sor.u32 s1, s0  }
0xc3: {  	s0 =	sadd.s32 $0x8F2B, s0  }
0xc4: {  	[sflag:s0] =	ssyncadd.remote.s32 $0x1  }
0xc5: {  	_ =	sfence.sel $0xFFFF  }
0xc6: {  	[dreg:$0x0] =	wrdreg $0xFFFFFFFF;
	(pc) =	sbr.abs _section_cstart, $3  }
0xc7: {  	[dreg:$0x1] =	wrdreg $0xFFFFFFFF  }
0xc8: {  	_ =	task.clear_ibuf [dreg:s8], $0x2FFFF;
	_ =	strace $0x9FFFFFFF  }
0xc9: {  	(tm) =	ssettm $0x7FFFFFFF  }
tec
execute0_lowered:
.L_overlay_start_1:
0x0: {  	(tag) =	ssettag $0x1  }
0x1: {  	s4 =	rddreg [dreg:$0x0]  }
0x2: {  	s6 =	rddreg [dreg:$0x1]  }
0x3: {  	s2 =	rddreg [dreg:$0x2]  }
0x4: {  	s0 =	rddreg [dreg:$0x3]  }
0x5: {  	s5 =	srdreg.scid;
	s3 =	simm.s32 $0x0;
	s1 =	stileid.u32  }
0x6: {  	s12 =	simm.s32 $0x1;
	s16 =	simm.s32 $0x20;
	s17 =	simm.s32 $0x10  }
0x7: {  	s18 =	simm.s32 $0x0;
	s5 =	sand.u32 $0x1, s5;
	s8 =	smul.u32 $0xA00, s1  }
0x8: {  	[smem:$0x7FF] =	sst s3;
	s10 =	sshll.u32 s1, $0xC;
	s14 =	smul.u32 $0xA0, s1  }
0x9: {  	s15 =	sshll.u32 s1, $0x6;
	s7 =	ssub.s32 $0x2, s5;
	_ =	strace $0x80000047  }
0xa: {  	s31 =	sshll.u32 s5, $0xB;
	s11 =	sshll.u32 s5, $0x4;
	s9 =	sshrl.u32 s7, $0x1  }
0xb: {  	s8 =	sshrl.u32 s8, $0x2;
	s13 =	sadd.s32 s6, s11;
	s11 =	simm.s32 $0x500  }
0xc: {  	s7 =	ssub.s32 s7, s9;
	s9 =	sadd.s32 s4, s31;
	s4 =	sadd.s32 s8, s2  }
0xd: {  	s8 =	simm.s32 $0x2;
	s13 =	sadd.s32 s14, s13;
	s14 =	sor.u32 $0x1C02, s15  }
0xe: {  	s5 =	sadd.s32 s10, s9;
	s6 =	smax.u32 s7, $0x1;
	s7 =	simm.s32 $0x280  }
0xf: {  	v0 =	vimm.f32 $0.0e+00;
	v1 =	vimm.f32 $1.000000000e+00;
	s9 =	simm.s32 $0x580;
	s10 =	simm.s32 $0x50;
	s15 =	sshrl.u32 s4, $0x3  }
.LBB2_1:
0x10: {  	[tilespmem:$0x280] =	vst v0  }
0x11: {  	[tilespmem:$0x290] =	vst v0  }
0x12: {  	[tilespmem:$0x2A0] =	vst v0  }
0x13: {  	[tilespmem:$0x2B0] =	vst v0  }
0x14: {  	[tilespmem:$0x2C0] =	vst v0  }
0x15: {  	[tilespmem:$0x2D0] =	vst v0  }
0x16: {  	[tilespmem:$0x2E0] =	vst v0  }
0x17: {  	[tilespmem:$0x2F0] =	vst v0  }
0x18: {  	[tilespmem:$0x300] =	vst v0  }
0x19: {  	[tilespmem:$0x310] =	vst v0  }
0x1a: {  	[tilespmem:$0x320] =	vst v0  }
0x1b: {  	[tilespmem:$0x330] =	vst v0  }
0x1c: {  	[tilespmem:$0x340] =	vst v0  }
0x1d: {  	[tilespmem:$0x350] =	vst v0  }
0x1e: {  	[tilespmem:$0x360] =	vst v0  }
0x1f: {  	[tilespmem:$0x370] =	vst v0  }
0x20: {  	[tilespmem:$0x380] =	vst v0  }
0x21: {  	[tilespmem:$0x390] =	vst v0  }
0x22: {  	[tilespmem:$0x3A0] =	vst v0  }
0x23: {  	[tilespmem:$0x3B0] =	vst v0  }
0x24: {  	[tilespmem:$0x3C0] =	vst v0  }
0x25: {  	[tilespmem:$0x3D0] =	vst v0  }
0x26: {  	[tilespmem:$0x3E0] =	vst v0  }
0x27: {  	[tilespmem:$0x3F0] =	vst v0  }
0x28: {  	[tilespmem:$0x400] =	vst v0  }
0x29: {  	[tilespmem:$0x410] =	vst v0  }
0x2a: {  	[tilespmem:$0x420] =	vst v0  }
0x2b: {  	[tilespmem:$0x430] =	vst v0  }
0x2c: {  	[tilespmem:$0x440] =	vst v0  }
0x2d: {  	[tilespmem:$0x450] =	vst v0  }
0x2e: {  	[tilespmem:$0x460] =	vst v0  }
0x2f: {  	[tilespmem:$0x470] =	vst v0  }
0x30: {  	[tilespmem:$0x480] =	vst v0  }
0x31: {  	[tilespmem:$0x490] =	vst v0  }
0x32: {  	[tilespmem:$0x4A0] =	vst v0  }
0x33: {  	[tilespmem:$0x4B0] =	vst v0  }
0x34: {  	[tilespmem:$0x4C0] =	vst v0  }
0x35: {  	[tilespmem:$0x4D0] =	vst v0  }
0x36: {  	[tilespmem:$0x4E0] =	vst v0  }
0x37: {  	[tilespmem:$0x4F0] =	vst v0  }
0x38: {  	[tilespmem:$0x500] =	vst v1  }
0x39: {  	[tilespmem:$0x510] =	vst v1  }
0x3a: {  	[tilespmem:$0x520] =	vst v1  }
0x3b: {  	[tilespmem:$0x530] =	vst v1  }
0x3c: {  	[tilespmem:$0x540] =	vst v1  }
0x3d: {  	[spmem:s4] =	stream.linear.scatter [tilespmem:s7], [sflag:$0x2], $0x280, $0x38;
	[tilespmem:$0x4580] =	vst v63  }
0x3e: {  	_ =	swait.ge [sflag:s8], $0x280  }
0x3f: {  	[sflag:s8] =	ssyncset.done $0x0  }
0x40: {  	[sflag:s8] =	ssyncadd.s32 $0xFFFFFD80  }
0x41: {  	[tilespmem:s9], [sflag:$0x2] =	stream.linear.gather [hbm4b:s5+s3], $0x4000, $0x38;
	[tilespmem:$0x4580] =	vst v63  }
0x42: {  	_ =	swait.ge [sflag:s8], $0x4000  }
0x43: {  	[sflag:s8] =	ssyncset.done $0x0  }
0x44: {  	[sflag:s8] =	ssyncadd.s32 $0xFFFFC000  }
0x45: {  	s19 =	simm.s32 $0x580;
	[bflag:$0x0] =	sbarrier.arrive $0xFFFF  }
0x46: {  	[spmem:s2] =	stream.indirect.scatter.add.f32 [tilespmem:s11], [sflag:$0x1], $0x1, s19, s10, $0xb8;
	[tilespmem:$0x4580] =	vst v63  }
0x47: {  	s24 =	simm.s32 $0x600  }
0x48: {  	[spmem:s2] =	stream.indirect.scatter.add.f32 [tilespmem:s11], [sflag:$0x1], $0x1, s24, s10, $0xb8;
	[tilespmem:$0x4580] =	vst v63  }
0x49: {  	s25 =	simm.s32 $0x680  }
0x4a: {  	[spmem:s2] =	stream.indirect.scatter.add.f32 [tilespmem:s11], [sflag:$0x1], $0x1, s25, s10, $0xb8;
	[tilespmem:$0x4580] =	vst v63  }
0x4b: {  	s26 =	simm.s32 $0x700  }
0x4c: {  	[spmem:s2] =	stream.indirect.scatter.add.f32 [tilespmem:s11], [sflag:$0x1], $0x1, s26, s10, $0xb8;
	[tilespmem:$0x4580] =	vst v63  }
0x4d: {  	s28 =	simm.s32 $0x780  }
0x4e: {  	[spmem:s2] =	stream.indirect.scatter.add.f32 [tilespmem:s11], [sflag:$0x1], $0x1, s28, s10, $0xb8;
	[tilespmem:$0x4580] =	vst v63  }
0x4f: {  	s29 =	simm.s32 $0x800  }
0x50: {  	[spmem:s2] =	stream.indirect.scatter.add.f32 [tilespmem:s11], [sflag:$0x1], $0x1, s29, s10, $0xb8;
	[tilespmem:$0x4580] =	vst v63  }
0x51: {  	s30 =	simm.s32 $0x880  }
0x52: {  	[spmem:s2] =	stream.indirect.scatter.add.f32 [tilespmem:s11], [sflag:$0x1], $0x1, s30, s10, $0xb8;
	[tilespmem:$0x4580] =	vst v63  }
0x53: {  	s31 =	simm.s32 $0x900  }
0x54: {  	[spmem:s2] =	stream.indirect.scatter.add.f32 [tilespmem:s11], [sflag:$0x1], $0x1, s31, s10, $0xb8;
	[tilespmem:$0x4580] =	vst v63  }
0x55: {  	_ =	swait.ge [sflag:s12], $0x50  }
0x56: {  	[sflag:s12] =	ssyncset.done $0x0  }
0x57: {  	[sflag:s12] =	ssyncadd.s32 $0xFFFFFFB0  }
0x58: {  	_ =	swait.ge [sflag:s12], $0x50  }
0x59: {  	[sflag:s12] =	ssyncset.done $0x0  }
0x5a: {  	[sflag:s12] =	ssyncadd.s32 $0xFFFFFFB0  }
0x5b: {  	_ =	swait.ge [sflag:s12], $0x50  }
0x5c: {  	[sflag:s12] =	ssyncset.done $0x0  }
0x5d: {  	[sflag:s12] =	ssyncadd.s32 $0xFFFFFFB0  }
0x5e: {  	_ =	swait.ge [sflag:s12], $0x50  }
0x5f: {  	[sflag:s12] =	ssyncset.done $0x0  }
0x60: {  	[sflag:s12] =	ssyncadd.s32 $0xFFFFFFB0  }
0x61: {  	_ =	swait.ge [sflag:s12], $0x50  }
0x62: {  	[sflag:s12] =	ssyncset.done $0x0  }
0x63: {  	[sflag:s12] =	ssyncadd.s32 $0xFFFFFFB0  }
0x64: {  	_ =	swait.ge [sflag:s12], $0x50  }
0x65: {  	[sflag:s12] =	ssyncset.done $0x0  }
0x66: {  	[sflag:s12] =	ssyncadd.s32 $0xFFFFFFB0  }
0x67: {  	_ =	swait.ge [sflag:s12], $0x50  }
0x68: {  	[sflag:s12] =	ssyncset.done $0x0  }
0x69: {  	[sflag:s12] =	ssyncadd.s32 $0xFFFFFFB0  }
0x6a: {  	_ =	swait.ge [sflag:s12], $0x50  }
0x6b: {  	s22 =	simm.s32 $0x2000;
	s21 =	simm.s32 $0x400;
	[sflag:s12] =	ssyncset.done $0x0  }
.LBB2_2:
0x6c: {  	s23 =	sadd.s32 $0x580, s21  }
0x6d: {  	[sflag:s12] =	ssyncadd.s32 $0xFFFFFFB0;
	s20 =	smov.u32 s22;
	s19 =	sadd.s32 $0x1000, s22  }
0x6e: {  	[spmem:s2] =	stream.indirect.scatter.add.f32 [tilespmem:s11], [sflag:$0x1], $0x1, s23, s10, $0xb8;
	[tilespmem:$0x4580] =	vst v63  }
0x6f: {  	p0 =	sne.s32 s22, $0xF000;
	s22 =	sadd.s32 $0x600, s21  }
0x70: {  	[spmem:s2] =	stream.indirect.scatter.add.f32 [tilespmem:s11], [sflag:$0x1], $0x1, s22, s10, $0xb8;
	[tilespmem:$0x4580] =	vst v63  }
0x71: {  	s22 =	sadd.s32 $0x680, s21  }
0x72: {  	[spmem:s2] =	stream.indirect.scatter.add.f32 [tilespmem:s11], [sflag:$0x1], $0x1, s22, s10, $0xb8;
	[tilespmem:$0x4580] =	vst v63  }
0x73: {  	s22 =	sadd.s32 $0x700, s21  }
0x74: {  	[spmem:s2] =	stream.indirect.scatter.add.f32 [tilespmem:s11], [sflag:$0x1], $0x1, s22, s10, $0xb8;
	[tilespmem:$0x4580] =	vst v63  }
0x75: {  	s22 =	sadd.s32 $0x780, s21  }
0x76: {  	[spmem:s2] =	stream.indirect.scatter.add.f32 [tilespmem:s11], [sflag:$0x1], $0x1, s22, s10, $0xb8;
	[tilespmem:$0x4580] =	vst v63  }
0x77: {  	s22 =	sadd.s32 $0x800, s21  }
0x78: {  	[spmem:s2] =	stream.indirect.scatter.add.f32 [tilespmem:s11], [sflag:$0x1], $0x1, s22, s10, $0xb8;
	[tilespmem:$0x4580] =	vst v63  }
0x79: {  	s22 =	sadd.s32 $0x880, s21  }
0x7a: {  	[spmem:s2] =	stream.indirect.scatter.add.f32 [tilespmem:s11], [sflag:$0x1], $0x1, s22, s10, $0xb8;
	[tilespmem:$0x4580] =	vst v63  }
0x7b: {  	s21 =	sadd.s32 $0x900, s21  }
0x7c: {  	[spmem:s2] =	stream.indirect.scatter.add.f32 [tilespmem:s11], [sflag:$0x1], $0x1, s21, s10, $0xb8;
	[tilespmem:$0x4580] =	vst v63  }
0x7d: {  	_ =	swait.ge [sflag:s12], $0x50  }
0x7e: {  	[sflag:s12] =	ssyncset.done $0x0  }
0x7f: {  	[sflag:s12] =	ssyncadd.s32 $0xFFFFFFB0  }
0x80: {  	_ =	swait.ge [sflag:s12], $0x50  }
0x81: {  	[sflag:s12] =	ssyncset.done $0x0  }
0x82: {  	[sflag:s12] =	ssyncadd.s32 $0xFFFFFFB0  }
0x83: {  	_ =	swait.ge [sflag:s12], $0x50  }
0x84: {  	[sflag:s12] =	ssyncset.done $0x0  }
0x85: {  	[sflag:s12] =	ssyncadd.s32 $0xFFFFFFB0  }
0x86: {  	_ =	swait.ge [sflag:s12], $0x50  }
0x87: {  	[sflag:s12] =	ssyncset.done $0x0  }
0x88: {  	[sflag:s12] =	ssyncadd.s32 $0xFFFFFFB0  }
0x89: {  	_ =	swait.ge [sflag:s12], $0x50  }
0x8a: {  	[sflag:s12] =	ssyncset.done $0x0  }
0x8b: {  	[sflag:s12] =	ssyncadd.s32 $0xFFFFFFB0  }
0x8c: {  	_ =	swait.ge [sflag:s12], $0x50  }
0x8d: {  	[sflag:s12] =	ssyncset.done $0x0  }
0x8e: {  	[sflag:s12] =	ssyncadd.s32 $0xFFFFFFB0  }
.Ltmp0:
0x8f: {  	_ =	swait.ge [sflag:s12], $0x50;
	(pc) =	sbr.rel @p0 .LBB2_2-.Ltmp0, $4  }
0x90: {  	[sflag:s12] =	ssyncset.done $0x0  }
0x91: {  	[sflag:s12] =	ssyncadd.s32 $0xFFFFFFB0  }
0x92: {  	_ =	swait.ge [sflag:s12], $0x50  }
0x93: {  	s22 =	smov.u32 s19;
	s21 =	sshra.s32 s20, $0x2;
	[sflag:s12] =	ssyncset.done $0x0  }
0x94: {  	s19 =	sadd.s32 $0x580, s21;
	[sflag:s12] =	ssyncadd.s32 $0xFFFFFFB0  }
0x95: {  	[spmem:s2] =	stream.indirect.scatter.add.f32 [tilespmem:s11], [sflag:$0x1], $0x1, s19, s10, $0xb8;
	[tilespmem:$0x4580] =	vst v63  }
0x96: {  	s24 =	sadd.s32 $0x600, s21  }
0x97: {  	[spmem:s2] =	stream.indirect.scatter.add.f32 [tilespmem:s11], [sflag:$0x1], $0x1, s24, s10, $0xb8;
	[tilespmem:$0x4580] =	vst v63  }
0x98: {  	s25 =	sadd.s32 $0x680, s21  }
0x99: {  	[spmem:s2] =	stream.indirect.scatter.add.f32 [tilespmem:s11], [sflag:$0x1], $0x1, s25, s10, $0xb8;
	[tilespmem:$0x4580] =	vst v63  }
0x9a: {  	s26 =	sadd.s32 $0x700, s21  }
0x9b: {  	[spmem:s2] =	stream.indirect.scatter.add.f32 [tilespmem:s11], [sflag:$0x1], $0x1, s26, s10, $0xb8;
	[tilespmem:$0x4580] =	vst v63  }
0x9c: {  	s28 =	sadd.s32 $0x780, s21  }
0x9d: {  	[spmem:s2] =	stream.indirect.scatter.add.f32 [tilespmem:s11], [sflag:$0x1], $0x1, s28, s10, $0xb8;
	[tilespmem:$0x4580] =	vst v63  }
0x9e: {  	s29 =	sadd.s32 $0x800, s21  }
0x9f: {  	[spmem:s2] =	stream.indirect.scatter.add.f32 [tilespmem:s11], [sflag:$0x1], $0x1, s29, s10, $0xb8;
	[tilespmem:$0x4580] =	vst v63  }
0xa0: {  	s30 =	sadd.s32 $0x880, s21  }
0xa1: {  	[spmem:s2] =	stream.indirect.scatter.add.f32 [tilespmem:s11], [sflag:$0x1], $0x1, s30, s10, $0xb8;
	[tilespmem:$0x4580] =	vst v63  }
0xa2: {  	s31 =	sadd.s32 $0x900, s21  }
0xa3: {  	[spmem:s2] =	stream.indirect.scatter.add.f32 [tilespmem:s11], [sflag:$0x1], $0x1, s31, s10, $0xb8;
	[tilespmem:$0x4580] =	vst v63  }
0xa4: {  	_ =	swait.ge [sflag:s12], $0x50  }
0xa5: {  	[sflag:s12] =	ssyncset.done $0x0  }
0xa6: {  	[sflag:s12] =	ssyncadd.s32 $0xFFFFFFB0  }
0xa7: {  	_ =	swait.ge [sflag:s12], $0x50  }
0xa8: {  	[sflag:s12] =	ssyncset.done $0x0  }
0xa9: {  	[sflag:s12] =	ssyncadd.s32 $0xFFFFFFB0  }
0xaa: {  	_ =	swait.ge [sflag:s12], $0x50  }
0xab: {  	[sflag:s12] =	ssyncset.done $0x0  }
0xac: {  	[sflag:s12] =	ssyncadd.s32 $0xFFFFFFB0  }
0xad: {  	_ =	swait.ge [sflag:s12], $0x50  }
0xae: {  	[sflag:s12] =	ssyncset.done $0x0  }
0xaf: {  	[sflag:s12] =	ssyncadd.s32 $0xFFFFFFB0  }
0xb0: {  	_ =	swait.ge [sflag:s12], $0x50  }
0xb1: {  	[sflag:s12] =	ssyncset.done $0x0  }
0xb2: {  	[sflag:s12] =	ssyncadd.s32 $0xFFFFFFB0  }
0xb3: {  	_ =	swait.ge [sflag:s12], $0x50  }
0xb4: {  	[sflag:s12] =	ssyncset.done $0x0  }
0xb5: {  	[sflag:s12] =	ssyncadd.s32 $0xFFFFFFB0  }
0xb6: {  	_ =	swait.ge [sflag:s12], $0x50  }
0xb7: {  	[sflag:s12] =	ssyncset.done $0x0  }
0xb8: {  	[sflag:s12] =	ssyncadd.s32 $0xFFFFFFB0  }
0xb9: {  	_ =	swait.ge [sflag:s12], $0x50  }
0xba: {  	s18 =	sadd.s32 $0x1, s18;
	[sflag:s12] =	ssyncset.done $0x0  }
0xbb: {  	p0 =	sne.s32 s18, s6;
	[sflag:s12] =	ssyncadd.s32 $0xFFFFFFB0  }
.Ltmp1:
0xbc: {  	[bflag:$0x0] =	sbarrier.arrive $0xFFFF;
	(pc) =	sbr.rel @p0 .LBB2_1-.Ltmp1, $4  }
0xbd: {  	[hbm:s13@s16], [sflag:s14] =	dma.strided [spmem:s15@s17], $0x50, s12, $0x10   }
0xbe: {  	_ =	swait.ge [sflag:s8], $0x50  }
0xbf: {  	[sflag:s8] =	ssyncset.done $0x0  }
0xc0: {  	[sflag:s8] =	ssyncadd.s32 $0xFFFFFFB0  }
0xc1: {  	_ =	sfence.sel $0x180000  }
0xc2: {  	[bflag:$0x0] =	sbarrier.arrive $0xFFFF  }
0xc3: {  	p0 =	sne.s32 s1, $0x0;
	_ =	strace $0x90000047  }
0xc4: {  	s0 =	sadd.s32 @!p0 $0x100000, s0;
	[bflag:$0x2] =	sbarrier.arrive $0xFFFF  }
0xc5: {  	[sflag:s0] =	ssyncadd.tile.s32 @!p0 $0x1;
	_ =	shalt  }
.Lfunc_end2:
_tile_overlayer_lowered:
.L_overlay_start_2:
0xc6: {  	(tag) =	ssettag $0x2  }
0xc7: {  	s0 =	rddreg [dreg:$0x0];
	s2 =	stileid.u32  }
0xc8: {  	s1 =	rddreg [dreg:$0x1];
	p0 =	sne.s32 s2, $0x0  }
0xc9: {  	s3 =	rddreg [dreg:$0x2];
	[bflag:$0x3] =	sbarrier.arrive $0xFFFF;
	s2 =	simm.s32 @!p0 $0x1C02  }
0xca: {  	[timem:s3], [sflag:s2] =	dma.local @!p0 [hbm:s0], s1  }
0xcb: {  	s0 =	simm.s32 @!p0 $0x2  }
0xcc: {  	_ =	swait.ge @!p0 [sflag:s0], s1  }
0xcd: {  	s1 =	ssub.s32 @!p0 $0x0, s1;
	[sflag:s0] =	ssyncset.done @!p0 $0x0  }
0xce: {  	[sflag:s0] =	ssyncadd.s32 @!p0 s1  }
0xcf: {  	[bflag:$0x3] =	sbarrier.arrive $0xFFFF  }
0xd0: {  	_ =	shalt  }

</sc_bundles>
